<compile_context>
chip_gen: v7x
topology: tpu7x:2x2x1
jax: 0.10.2.dev20260603
libtpu: 0.0.44.dev20260713+nightly
codegen_flags: <defaults>
</compile_context>

<pallas_src>
import functools

import jax
import jax.numpy as jnp
from jax import lax
from jax.experimental import pallas as pl
from jax.experimental.pallas import tpu as pltpu
from jax.experimental.pallas import tpu_sc as plsc

_MASK_RATIO = 0.15
_B, _L, _D = 16, 2048, 1024
_LEN_KEEP = int(_L * (1 - _MASK_RATIO))
_R = _B * _LEN_KEEP

_NC, _NS = 2, 16
_NW = _NC * _NS
_W = 40
_GCH = _R // _W
_SLOTS = -(-_GCH // _NW)
_PW = _SLOTS * _W


def _index_arrays():
    noise = jax.random.uniform(
        jax.random.fold_in(jax.random.key(0), 1), (_B, _L),
        dtype=jnp.float32)
    shuf = jnp.argsort(noise, axis=1).astype(jnp.int32)
    keep = shuf[:, :_LEN_KEEP]
    gidx = keep + (jnp.arange(_B, dtype=jnp.int32) * _L)[:, None]
    flat = gidx.T.reshape(-1)
    flat = jnp.pad(flat, (0, _SLOTS * _NW * _W - _R))
    chunks = flat.reshape(_SLOTS * _NW, _W)
    order = (jnp.arange(_NW)[:, None] + jnp.arange(_SLOTS)[None, :] * _NW)
    per_w = chunks[order.reshape(-1)]
    return per_w.reshape(-1), shuf.reshape(-1)


def _body(x_hbm, gidx_hbm, shuf_hbm, out_hbm, restore_hbm,
          idx_v, rows_v, shuf_v, rest_v,
          gsem0, gsem1, gsem2, wsem0, wsem1, wsem2):
    cid = lax.axis_index("c")
    sid = lax.axis_index("s")
    wid = sid * _NC + cid
    gsem = (gsem0, gsem1, gsem2)
    wsem = (wsem0, wsem1, wsem2)

    pltpu.sync_copy(gidx_hbm.at[pl.ds(wid * _PW, _PW)], idx_v)

    def gcopy(s):
        b = s % 3
        return pltpu.make_async_copy(
            x_hbm.at[idx_v.at[pl.ds(s * _W, _W)]], rows_v.at[b], gsem[b])

    def wcopy(s):
        b = s % 3
        g = s * _NW + wid
        return pltpu.make_async_copy(rows_v.at[b], out_hbm.at[g], wsem[b])

    _REM = _GCH - (_SLOTS - 1) * _NW

    for s in range(3):
        gcopy(s).start()
    for s in range(_SLOTS):

        def step(s=s):
            gcopy(s).wait()
            wcopy(s).start()
            n = s + 3
            if n < _SLOTS - 1:
                wcopy(n - 3).wait()
                gcopy(n).start()
            elif n == _SLOTS - 1:
                @pl.when(wid < _REM)
                def _(n=n):
                    wcopy(n - 3).wait()
                    gcopy(n).start()

        if s == _SLOTS - 1:
            pl.when(wid < _REM)(step)
        else:
            step()

    for s in (_SLOTS - 3, _SLOTS - 2):
        wcopy(s).wait()
    pl.when(wid < _REM)(lambda: wcopy(_SLOTS - 1).wait())
    pl.when(wid >= _REM)(lambda: wcopy(_SLOTS - 4).wait())

    @pl.when(wid < _B)
    def _():
        pltpu.sync_copy(shuf_hbm.at[pl.ds(wid * _L, _L)], shuf_v)

        def it(i, carry):
            tgt = shuf_v[pl.ds(i * 16, 16)]
            vals = lax.iota(jnp.int32, 16) + i * 16
            plsc.store_scatter(rest_v, [tgt], vals)
            return carry

        lax.fori_loop(0, _L // 16, it, 0)
        pltpu.sync_copy(rest_v, restore_hbm.at[pl.ds(wid * _L, _L)])


@functools.cache
def _sc_gather():
    return pl.kernel(
        _body,
        out_type=(
            jax.ShapeDtypeStruct((_GCH, _W, _D), jnp.float32),
            jax.ShapeDtypeStruct((_B * _L,), jnp.int32),
        ),
        mesh=plsc.VectorSubcoreMesh(core_axis_name="c", subcore_axis_name="s"),
        compiler_params=pltpu.CompilerParams(
            needs_layout_passes=False, use_tc_tiling_on_sc=True),
        scratch_types=(
            pltpu.VMEM((_PW,), jnp.int32),
            pltpu.VMEM((3, _W, _D), jnp.float32),
            pltpu.VMEM((_L,), jnp.int32),
            pltpu.VMEM((_L,), jnp.int32),
            pltpu.SemaphoreType.DMA,
            pltpu.SemaphoreType.DMA,
            pltpu.SemaphoreType.DMA,
            pltpu.SemaphoreType.DMA,
            pltpu.SemaphoreType.DMA,
            pltpu.SemaphoreType.DMA,
        ),
    )


def _tc_copy_body(x_ref, o_ref):
    o_ref[...] = x_ref[...]


_XBLK = 512


@functools.cache
def _tc_copy():
    return pl.pallas_call(
        _tc_copy_body,
        out_shape=jax.ShapeDtypeStruct((_B * _L, _D), jnp.float32),
        grid=(_B * _L // _XBLK,),
        in_specs=[pl.BlockSpec((_XBLK, _D), lambda i: (i, 0))],
        out_specs=pl.BlockSpec((_XBLK, _D), lambda i: (i, 0)),
    )


def kernel(x):
    gidx, shuf = _index_arrays()
    x_flat = x.reshape(_B * _L, _D)
    out_flat, restore = _sc_gather()(x_flat, gidx, shuf)
    x_out = _tc_copy()(x_flat)
    x_masked = out_flat.reshape(_LEN_KEEP, _B, _D).transpose(1, 0, 2)
    return x_masked, x_out.reshape(_B, _L, _D), restore.reshape(_B, _L)

# --- scband reference (transcript-rebuilt; emitter-appended) ---
"""Pipeline reference for scband-reconstruction-task-83803401880514 (READ-ONLY COPY).

The authoritative reference and input builder live on the scoring server;
editing this copy changes nothing except your own understanding.
"""

import jax, jax.numpy as jnp
import numpy as np

MASK_RATIO = 0.15

def setup_inputs(seed: int = 0) -> dict:
    key = jax.random.key(seed)
    x = jax.random.normal(key, (16, 2048, 1024), dtype=jnp.float32)
    return {"x": x}

def reference(x):
    # generate_targets path of ReconstructionTask
    B, L, D = x.shape
    len_keep = int(L * (1 - MASK_RATIO))
    # deterministic noise via jax PRNG (mirrors torch.rand(B, L))
    noise = jax.random.uniform(jax.random.fold_in(jax.random.key(0), 1), (B, L), dtype=jnp.float32)
    ids_shuffle = jnp.argsort(noise, axis=1)
    ids_restore = jnp.argsort(ids_shuffle, axis=1)
    ids_keep = ids_shuffle[:, :len_keep]
    # gather along dim=1 with index expanded over D
    idx = jnp.broadcast_to(ids_keep[:, :, None], (B, len_keep, D))
    x_masked = jnp.take_along_axis(x, idx, axis=1)
    return (x_masked, x, ids_restore)

if __name__ == "__main__":
    import jax
    _d = setup_inputs()
    print(jax.jit(kernel)(*tuple(_d.values())))

</pallas_src>

<mosaic_0001>
#map = affine_map<(d0, d1) -> (0, 0)>
#map1 = affine_map<(d0, d1) -> (0)>
#map2 = affine_map<(d0, d1) -> (0, 0, 0)>
module attributes {stable_mosaic.version = 14 : i64} {
  func.func @_body(%arg0: i32, %arg1: i32, %arg2: memref<32768x1024xf32, #tpu.memory_space<hbm>>, %arg3: memref<28160xi32, #tpu.memory_space<hbm>>, %arg4: memref<32768xi32, #tpu.memory_space<hbm>>, %arg5: memref<696x40x1024xf32, #tpu.memory_space<hbm>>, %arg6: memref<32768xi32, #tpu.memory_space<hbm>>, %arg7: memref<880xi32, #tpu.memory_space<vmem>>, %arg8: memref<3x40x1024xf32, #tpu.memory_space<vmem>>, %arg9: memref<2048xi32, #tpu.memory_space<vmem>>, %arg10: memref<2048xi32, #tpu.memory_space<vmem>>, %arg11: memref<!tpu.dma_semaphore, #tpu.memory_space<semaphore_mem>>, %arg12: memref<!tpu.dma_semaphore, #tpu.memory_space<semaphore_mem>>, %arg13: memref<!tpu.dma_semaphore, #tpu.memory_space<semaphore_mem>>, %arg14: memref<!tpu.dma_semaphore, #tpu.memory_space<semaphore_mem>>, %arg15: memref<!tpu.dma_semaphore, #tpu.memory_space<semaphore_mem>>, %arg16: memref<!tpu.dma_semaphore, #tpu.memory_space<semaphore_mem>>) attributes {dimension_semantics = [#tpu.dimension_semantics<core_parallel>, #tpu.dimension_semantics<subcore_parallel>], iteration_bounds = array<i64: 2, 16>, scalar_prefetch = 0 : i64, scratch_operands = 10 : i64, tpu.core_type = #tpu.core_type<sc_vector_subcore>, window_params = [{transform_indices = #map}, {transform_indices = #map1}, {transform_indices = #map1}, {transform_indices = #map2}, {transform_indices = #map1}]} {
    %mul3A = arith.constant 2 : i32
    %mul3A_0 = arith.muli %arg1, %mul3A : i32
    %add3A = arith.addi %mul3A_0, %arg0 : i32
    %mul3A_1 = arith.constant 880 : i32
    %mul3A_2 = arith.muli %add3A, %mul3A_1 : i32
    "tpu.region"() ({
      %run_scoped3A = tpu.sem_alloc : memref<!tpu.dma_semaphore, #tpu.memory_space<semaphore_mem>>
      %dma_start3A_1221 = tpu.memref_slice %arg3[%mul3A_2] : memref<28160xi32, #tpu.memory_space<hbm>> -> memref<880xi32, #tpu.memory_space<hbm>>
      %dma_start3A_1222 = tpu.memref_slice %arg3[%mul3A_2] : memref<28160xi32, #tpu.memory_space<hbm>> -> memref<880xi32, #tpu.memory_space<hbm>>
      tpu.enqueue_dma source(%dma_start3A_1222 : memref<880xi32, #tpu.memory_space<hbm>>) target(%arg7 : memref<880xi32, #tpu.memory_space<vmem>>) target_semaphore(%run_scoped3A : memref<!tpu.dma_semaphore, #tpu.memory_space<semaphore_mem>>)
      %dma_wait3A_1223 = tpu.memref_slice %arg3[%mul3A_2] : memref<28160xi32, #tpu.memory_space<hbm>> -> memref<880xi32, #tpu.memory_space<hbm>>
      %dma_wait3A_1224 = tpu.memref_slice %arg3[%mul3A_2] : memref<28160xi32, #tpu.memory_space<hbm>> -> memref<880xi32, #tpu.memory_space<hbm>>
      tpu.wait_dma2 semaphore(%run_scoped3A : memref<!tpu.dma_semaphore, #tpu.memory_space<semaphore_mem>>) src(%dma_wait3A_1224 : memref<880xi32, #tpu.memory_space<hbm>>) dst(%arg7 : memref<880xi32, #tpu.memory_space<vmem>>)
      tpu.yield
    }) : () -> ()
    %dma_start3A = arith.constant 0 : i32
    %dma_start3A_3 = arith.constant 0 : i32
    %dma_start3A_4 = arith.constant 0 : i32
    %dma_start3A_5 = tpu.memref_slice %arg8[%dma_start3A, %dma_start3A_3, %dma_start3A_4] : memref<3x40x1024xf32, #tpu.memory_space<vmem>> -> memref<1x40x1024xf32, #tpu.memory_space<vmem>>
    %dma_start3A_6 = tpu.memref_squeeze %dma_start3A_5 : memref<1x40x1024xf32, #tpu.memory_space<vmem>> -> memref<40x1024xf32, #tpu.memory_space<vmem>>
    %dma_start3A_7 = arith.constant 0 : i32
    %dma_start3A_8 = tpu.memref_slice %arg7[%dma_start3A_7] : memref<880xi32, #tpu.memory_space<vmem>> -> memref<40xi32, #tpu.memory_space<vmem>>
    %dma_start3A_9 = arith.constant 0 : i32
    %dma_start3A_10 = arith.constant 0 : i32
    %dma_start3A_11 = tpu.memref_slice %arg2[%dma_start3A_9, %dma_start3A_10] : memref<32768x1024xf32, #tpu.memory_space<hbm>> -> memref<32768x1024xf32, #tpu.memory_space<hbm>>
    tpu.enqueue_indirect_dma source(%dma_start3A_11 : memref<32768x1024xf32, #tpu.memory_space<hbm>>) target(%dma_start3A_6 : memref<40x1024xf32, #tpu.memory_space<vmem>>) offsets(%dma_start3A_8 : memref<40xi32, #tpu.memory_space<vmem>>) semaphore(%arg11 : memref<!tpu.dma_semaphore, #tpu.memory_space<semaphore_mem>>)
    %dma_start3A_12 = arith.constant 1 : i32
    %dma_start3A_13 = arith.constant 0 : i32
    %dma_start3A_14 = arith.constant 0 : i32
    %dma_start3A_15 = tpu.memref_slice %arg8[%dma_start3A_12, %dma_start3A_13, %dma_start3A_14] : memref<3x40x1024xf32, #tpu.memory_space<vmem>> -> memref<1x40x1024xf32, #tpu.memory_space<vmem>>
    %dma_start3A_16 = tpu.memref_squeeze %dma_start3A_15 : memref<1x40x1024xf32, #tpu.memory_space<vmem>> -> memref<40x1024xf32, #tpu.memory_space<vmem>>
    %dma_start3A_17 = arith.constant 40 : i32
    %dma_start3A_18 = tpu.memref_slice %arg7[%dma_start3A_17] : memref<880xi32, #tpu.memory_space<vmem>> -> memref<40xi32, #tpu.memory_space<vmem>>
    %dma_start3A_19 = arith.constant 0 : i32
    %dma_start3A_20 = arith.constant 0 : i32
    %dma_start3A_21 = tpu.memref_slice %arg2[%dma_start3A_19, %dma_start3A_20] : memref<32768x1024xf32, #tpu.memory_space<hbm>> -> memref<32768x1024xf32, #tpu.memory_space<hbm>>
    tpu.enqueue_indirect_dma source(%dma_start3A_21 : memref<32768x1024xf32, #tpu.memory_space<hbm>>) target(%dma_start3A_16 : memref<40x1024xf32, #tpu.memory_space<vmem>>) offsets(%dma_start3A_18 : memref<40xi32, #tpu.memory_space<vmem>>) semaphore(%arg12 : memref<!tpu.dma_semaphore, #tpu.memory_space<semaphore_mem>>)
    %dma_start3A_22 = arith.constant 2 : i32
    %dma_start3A_23 = arith.constant 0 : i32
    %dma_start3A_24 = arith.constant 0 : i32
    %dma_start3A_25 = tpu.memref_slice %arg8[%dma_start3A_22, %dma_start3A_23, %dma_start3A_24] : memref<3x40x1024xf32, #tpu.memory_space<vmem>> -> memref<1x40x1024xf32, #tpu.memory_space<vmem>>
    %dma_start3A_26 = tpu.memref_squeeze %dma_start3A_25 : memref<1x40x1024xf32, #tpu.memory_space<vmem>> -> memref<40x1024xf32, #tpu.memory_space<vmem>>
    %dma_start3A_27 = arith.constant 80 : i32
    %dma_start3A_28 = tpu.memref_slice %arg7[%dma_start3A_27] : memref<880xi32, #tpu.memory_space<vmem>> -> memref<40xi32, #tpu.memory_space<vmem>>
    %dma_start3A_29 = arith.constant 0 : i32
    %dma_start3A_30 = arith.constant 0 : i32
    %dma_start3A_31 = tpu.memref_slice %arg2[%dma_start3A_29, %dma_start3A_30] : memref<32768x1024xf32, #tpu.memory_space<hbm>> -> memref<32768x1024xf32, #tpu.memory_space<hbm>>
    tpu.enqueue_indirect_dma source(%dma_start3A_31 : memref<32768x1024xf32, #tpu.memory_space<hbm>>) target(%dma_start3A_26 : memref<40x1024xf32, #tpu.memory_space<vmem>>) offsets(%dma_start3A_28 : memref<40xi32, #tpu.memory_space<vmem>>) semaphore(%arg13 : memref<!tpu.dma_semaphore, #tpu.memory_space<semaphore_mem>>)
    %dma_wait3A = arith.constant 0 : i32
    %dma_wait3A_32 = arith.constant 0 : i32
    %dma_wait3A_33 = arith.constant 0 : i32
    %dma_wait3A_34 = tpu.memref_slice %arg8[%dma_wait3A, %dma_wait3A_32, %dma_wait3A_33] : memref<3x40x1024xf32, #tpu.memory_space<vmem>> -> memref<1x40x1024xf32, #tpu.memory_space<vmem>>
    %dma_wait3A_35 = tpu.memref_squeeze %dma_wait3A_34 : memref<1x40x1024xf32, #tpu.memory_space<vmem>> -> memref<40x1024xf32, #tpu.memory_space<vmem>>
    %dma_wait3A_36 = arith.constant 0 : i32
    %dma_wait3A_37 = tpu.memref_slice %arg7[%dma_wait3A_36] : memref<880xi32, #tpu.memory_space<vmem>> -> memref<40xi32, #tpu.memory_space<vmem>>
    %dma_wait3A_38 = arith.constant 0 : i32
    %dma_wait3A_39 = arith.constant 0 : i32
    %dma_wait3A_40 = tpu.memref_slice %arg2[%dma_wait3A_38, %dma_wait3A_39] : memref<32768x1024xf32, #tpu.memory_space<hbm>> -> memref<32768x1024xf32, #tpu.memory_space<hbm>>
    tpu.wait_indirect_dma semaphore(%arg11 : memref<!tpu.dma_semaphore, #tpu.memory_space<semaphore_mem>>) src(%dma_wait3A_40 : memref<32768x1024xf32, #tpu.memory_space<hbm>>) dst(%dma_wait3A_35 : memref<40x1024xf32, #tpu.memory_space<vmem>>)
    %add3A_41 = arith.constant 0 : i32
    %add3A_42 = arith.addi %add3A_41, %add3A : i32
    %dma_start3A_43 = arith.constant 0 : i32
    %dma_start3A_44 = arith.constant 0 : i32
    %dma_start3A_45 = arith.constant 0 : i32
    %dma_start3A_46 = tpu.memref_slice %arg8[%dma_start3A_43, %dma_start3A_44, %dma_start3A_45] : memref<3x40x1024xf32, #tpu.memory_space<vmem>> -> memref<1x40x1024xf32, #tpu.memory_space<vmem>>
    %dma_start3A_47 = tpu.memref_squeeze %dma_start3A_46 : memref<1x40x1024xf32, #tpu.memory_space<vmem>> -> memref<40x1024xf32, #tpu.memory_space<vmem>>
    %dma_start3A_48 = arith.constant 0 : i32
    %dma_start3A_49 = arith.constant 0 : i32
    %dma_start3A_50 = tpu.memref_slice %arg5[%add3A_42, %dma_start3A_48, %dma_start3A_49] : memref<696x40x1024xf32, #tpu.memory_space<hbm>> -> memref<1x40x1024xf32, #tpu.memory_space<hbm>>
    %dma_start3A_51 = tpu.memref_squeeze %dma_start3A_50 : memref<1x40x1024xf32, #tpu.memory_space<hbm>> -> memref<40x1024xf32, #tpu.memory_space<hbm>>
    %dma_start3A_52 = arith.constant 0 : i32
    %dma_start3A_53 = arith.constant 0 : i32
    %dma_start3A_54 = tpu.memref_slice %arg5[%add3A_42, %dma_start3A_52, %dma_start3A_53] : memref<696x40x1024xf32, #tpu.memory_space<hbm>> -> memref<1x40x1024xf32, #tpu.memory_space<hbm>>
    %dma_start3A_55 = tpu.memref_squeeze %dma_start3A_54 : memref<1x40x1024xf32, #tpu.memory_space<hbm>> -> memref<40x1024xf32, #tpu.memory_space<hbm>>
    %dma_start3A_56 = arith.constant 0 : i32
    %dma_start3A_57 = arith.constant 0 : i32
    %dma_start3A_58 = tpu.memref_slice %arg8[%dma_start3A_43, %dma_start3A_56, %dma_start3A_57] : memref<3x40x1024xf32, #tpu.memory_space<vmem>> -> memref<1x40x1024xf32, #tpu.memory_space<vmem>>
    %dma_start3A_59 = tpu.memref_squeeze %dma_start3A_58 : memref<1x40x1024xf32, #tpu.memory_space<vmem>> -> memref<40x1024xf32, #tpu.memory_space<vmem>>
    tpu.enqueue_dma source(%dma_start3A_59 : memref<40x1024xf32, #tpu.memory_space<vmem>>) target(%dma_start3A_55 : memref<40x1024xf32, #tpu.memory_space<hbm>>) target_semaphore(%arg14 : memref<!tpu.dma_semaphore, #tpu.memory_space<semaphore_mem>>)
    %add3A_60 = arith.constant 0 : i32
    %add3A_61 = arith.addi %add3A_60, %add3A : i32
    %dma_wait3A_62 = arith.constant 0 : i32
    %dma_wait3A_63 = arith.constant 0 : i32
    %dma_wait3A_64 = arith.constant 0 : i32
    %dma_wait3A_65 = tpu.memref_slice %arg8[%dma_wait3A_62, %dma_wait3A_63, %dma_wait3A_64] : memref<3x40x1024xf32, #tpu.memory_space<vmem>> -> memref<1x40x1024xf32, #tpu.memory_space<vmem>>
    %dma_wait3A_66 = tpu.memref_squeeze %dma_wait3A_65 : memref<1x40x1024xf32, #tpu.memory_space<vmem>> -> memref<40x1024xf32, #tpu.memory_space<vmem>>
    %dma_wait3A_67 = arith.constant 0 : i32
    %dma_wait3A_68 = arith.constant 0 : i32
    %dma_wait3A_69 = tpu.memref_slice %arg5[%add3A_61, %dma_wait3A_67, %dma_wait3A_68] : memref<696x40x1024xf32, #tpu.memory_space<hbm>> -> memref<1x40x1024xf32, #tpu.memory_space<hbm>>
    %dma_wait3A_70 = tpu.memref_squeeze %dma_wait3A_69 : memref<1x40x1024xf32, #tpu.memory_space<hbm>> -> memref<40x1024xf32, #tpu.memory_space<hbm>>
    %dma_wait3A_71 = arith.constant 0 : i32
    %dma_wait3A_72 = arith.constant 0 : i32
    %dma_wait3A_73 = tpu.memref_slice %arg5[%add3A_61, %dma_wait3A_71, %dma_wait3A_72] : memref<696x40x1024xf32, #tpu.memory_space<hbm>> -> memref<1x40x1024xf32, #tpu.memory_space<hbm>>
    %dma_wait3A_74 = tpu.memref_squeeze %dma_wait3A_73 : memref<1x40x1024xf32, #tpu.memory_space<hbm>> -> memref<40x1024xf32, #tpu.memory_space<hbm>>
    %dma_wait3A_75 = arith.constant 0 : i32
    %dma_wait3A_76 = arith.constant 0 : i32
    %dma_wait3A_77 = tpu.memref_slice %arg8[%dma_wait3A_62, %dma_wait3A_75, %dma_wait3A_76] : memref<3x40x1024xf32, #tpu.memory_space<vmem>> -> memref<1x40x1024xf32, #tpu.memory_space<vmem>>
    %dma_wait3A_78 = tpu.memref_squeeze %dma_wait3A_77 : memref<1x40x1024xf32, #tpu.memory_space<vmem>> -> memref<40x1024xf32, #tpu.memory_space<vmem>>
    tpu.wait_dma2 semaphore(%arg14 : memref<!tpu.dma_semaphore, #tpu.memory_space<semaphore_mem>>) src(%dma_wait3A_78 : memref<40x1024xf32, #tpu.memory_space<vmem>>) dst(%dma_wait3A_74 : memref<40x1024xf32, #tpu.memory_space<hbm>>)
    %dma_start3A_79 = arith.constant 0 : i32
    %dma_start3A_80 = arith.constant 0 : i32
    %dma_start3A_81 = arith.constant 0 : i32
    %dma_start3A_82 = tpu.memref_slice %arg8[%dma_start3A_79, %dma_start3A_80, %dma_start3A_81] : memref<3x40x1024xf32, #tpu.memory_space<vmem>> -> memref<1x40x1024xf32, #tpu.memory_space<vmem>>
    %dma_start3A_83 = tpu.memref_squeeze %dma_start3A_82 : memref<1x40x1024xf32, #tpu.memory_space<vmem>> -> memref<40x1024xf32, #tpu.memory_space<vmem>>
    %dma_start3A_84 = arith.constant 120 : i32
    %dma_start3A_85 = tpu.memref_slice %arg7[%dma_start3A_84] : memref<880xi32, #tpu.memory_space<vmem>> -> memref<40xi32, #tpu.memory_space<vmem>>
    %dma_start3A_86 = arith.constant 0 : i32
    %dma_start3A_87 = arith.constant 0 : i32
    %dma_start3A_88 = tpu.memref_slice %arg2[%dma_start3A_86, %dma_start3A_87] : memref<32768x1024xf32, #tpu.memory_space<hbm>> -> memref<32768x1024xf32, #tpu.memory_space<hbm>>
    tpu.enqueue_indirect_dma source(%dma_start3A_88 : memref<32768x1024xf32, #tpu.memory_space<hbm>>) target(%dma_start3A_83 : memref<40x1024xf32, #tpu.memory_space<vmem>>) offsets(%dma_start3A_85 : memref<40xi32, #tpu.memory_space<vmem>>) semaphore(%arg11 : memref<!tpu.dma_semaphore, #tpu.memory_space<semaphore_mem>>)
    %dma_wait3A_89 = arith.constant 1 : i32
    %dma_wait3A_90 = arith.constant 0 : i32
    %dma_wait3A_91 = arith.constant 0 : i32
    %dma_wait3A_92 = tpu.memref_slice %arg8[%dma_wait3A_89, %dma_wait3A_90, %dma_wait3A_91] : memref<3x40x1024xf32, #tpu.memory_space<vmem>> -> memref<1x40x1024xf32, #tpu.memory_space<vmem>>
    %dma_wait3A_93 = tpu.memref_squeeze %dma_wait3A_92 : memref<1x40x1024xf32, #tpu.memory_space<vmem>> -> memref<40x1024xf32, #tpu.memory_space<vmem>>
    %dma_wait3A_94 = arith.constant 40 : i32
    %dma_wait3A_95 = tpu.memref_slice %arg7[%dma_wait3A_94] : memref<880xi32, #tpu.memory_space<vmem>> -> memref<40xi32, #tpu.memory_space<vmem>>
    %dma_wait3A_96 = arith.constant 0 : i32
    %dma_wait3A_97 = arith.constant 0 : i32
    %dma_wait3A_98 = tpu.memref_slice %arg2[%dma_wait3A_96, %dma_wait3A_97] : memref<32768x1024xf32, #tpu.memory_space<hbm>> -> memref<32768x1024xf32, #tpu.memory_space<hbm>>
    tpu.wait_indirect_dma semaphore(%arg12 : memref<!tpu.dma_semaphore, #tpu.memory_space<semaphore_mem>>) src(%dma_wait3A_98 : memref<32768x1024xf32, #tpu.memory_space<hbm>>) dst(%dma_wait3A_93 : memref<40x1024xf32, #tpu.memory_space<vmem>>)
    %add3A_99 = arith.constant 32 : i32
    %add3A_100 = arith.addi %add3A_99, %add3A : i32
    %dma_start3A_101 = arith.constant 1 : i32
    %dma_start3A_102 = arith.constant 0 : i32
    %dma_start3A_103 = arith.constant 0 : i32
    %dma_start3A_104 = tpu.memref_slice %arg8[%dma_start3A_101, %dma_start3A_102, %dma_start3A_103] : memref<3x40x1024xf32, #tpu.memory_space<vmem>> -> memref<1x40x1024xf32, #tpu.memory_space<vmem>>
    %dma_start3A_105 = tpu.memref_squeeze %dma_start3A_104 : memref<1x40x1024xf32, #tpu.memory_space<vmem>> -> memref<40x1024xf32, #tpu.memory_space<vmem>>
    %dma_start3A_106 = arith.constant 0 : i32
    %dma_start3A_107 = arith.constant 0 : i32
    %dma_start3A_108 = tpu.memref_slice %arg5[%add3A_100, %dma_start3A_106, %dma_start3A_107] : memref<696x40x1024xf32, #tpu.memory_space<hbm>> -> memref<1x40x1024xf32, #tpu.memory_space<hbm>>
    %dma_start3A_109 = tpu.memref_squeeze %dma_start3A_108 : memref<1x40x1024xf32, #tpu.memory_space<hbm>> -> memref<40x1024xf32, #tpu.memory_space<hbm>>
    %dma_start3A_110 = arith.constant 0 : i32
    %dma_start3A_111 = arith.constant 0 : i32
    %dma_start3A_112 = tpu.memref_slice %arg5[%add3A_100, %dma_start3A_110, %dma_start3A_111] : memref<696x40x1024xf32, #tpu.memory_space<hbm>> -> memref<1x40x1024xf32, #tpu.memory_space<hbm>>
    %dma_start3A_113 = tpu.memref_squeeze %dma_start3A_112 : memref<1x40x1024xf32, #tpu.memory_space<hbm>> -> memref<40x1024xf32, #tpu.memory_space<hbm>>
    %dma_start3A_114 = arith.constant 0 : i32
    %dma_start3A_115 = arith.constant 0 : i32
    %dma_start3A_116 = tpu.memref_slice %arg8[%dma_start3A_101, %dma_start3A_114, %dma_start3A_115] : memref<3x40x1024xf32, #tpu.memory_space<vmem>> -> memref<1x40x1024xf32, #tpu.memory_space<vmem>>
    %dma_start3A_117 = tpu.memref_squeeze %dma_start3A_116 : memref<1x40x1024xf32, #tpu.memory_space<vmem>> -> memref<40x1024xf32, #tpu.memory_space<vmem>>
    tpu.enqueue_dma source(%dma_start3A_117 : memref<40x1024xf32, #tpu.memory_space<vmem>>) target(%dma_start3A_113 : memref<40x1024xf32, #tpu.memory_space<hbm>>) target_semaphore(%arg15 : memref<!tpu.dma_semaphore, #tpu.memory_space<semaphore_mem>>)
    %add3A_118 = arith.constant 32 : i32
    %add3A_119 = arith.addi %add3A_118, %add3A : i32
    %dma_wait3A_120 = arith.constant 1 : i32
    %dma_wait3A_121 = arith.constant 0 : i32
    %dma_wait3A_122 = arith.constant 0 : i32
    %dma_wait3A_123 = tpu.memref_slice %arg8[%dma_wait3A_120, %dma_wait3A_121, %dma_wait3A_122] : memref<3x40x1024xf32, #tpu.memory_space<vmem>> -> memref<1x40x1024xf32, #tpu.memory_space<vmem>>
    %dma_wait3A_124 = tpu.memref_squeeze %dma_wait3A_123 : memref<1x40x1024xf32, #tpu.memory_space<vmem>> -> memref<40x1024xf32, #tpu.memory_space<vmem>>
    %dma_wait3A_125 = arith.constant 0 : i32
    %dma_wait3A_126 = arith.constant 0 : i32
    %dma_wait3A_127 = tpu.memref_slice %arg5[%add3A_119, %dma_wait3A_125, %dma_wait3A_126] : memref<696x40x1024xf32, #tpu.memory_space<hbm>> -> memref<1x40x1024xf32, #tpu.memory_space<hbm>>
    %dma_wait3A_128 = tpu.memref_squeeze %dma_wait3A_127 : memref<1x40x1024xf32, #tpu.memory_space<hbm>> -> memref<40x1024xf32, #tpu.memory_space<hbm>>
    %dma_wait3A_129 = arith.constant 0 : i32
    %dma_wait3A_130 = arith.constant 0 : i32
    %dma_wait3A_131 = tpu.memref_slice %arg5[%add3A_119, %dma_wait3A_129, %dma_wait3A_130] : memref<696x40x1024xf32, #tpu.memory_space<hbm>> -> memref<1x40x1024xf32, #tpu.memory_space<hbm>>
    %dma_wait3A_132 = tpu.memref_squeeze %dma_wait3A_131 : memref<1x40x1024xf32, #tpu.memory_space<hbm>> -> memref<40x1024xf32, #tpu.memory_space<hbm>>
    %dma_wait3A_133 = arith.constant 0 : i32
    %dma_wait3A_134 = arith.constant 0 : i32
    %dma_wait3A_135 = tpu.memref_slice %arg8[%dma_wait3A_120, %dma_wait3A_133, %dma_wait3A_134] : memref<3x40x1024xf32, #tpu.memory_space<vmem>> -> memref<1x40x1024xf32, #tpu.memory_space<vmem>>
    %dma_wait3A_136 = tpu.memref_squeeze %dma_wait3A_135 : memref<1x40x1024xf32, #tpu.memory_space<vmem>> -> memref<40x1024xf32, #tpu.memory_space<vmem>>
    tpu.wait_dma2 semaphore(%arg15 : memref<!tpu.dma_semaphore, #tpu.memory_space<semaphore_mem>>) src(%dma_wait3A_136 : memref<40x1024xf32, #tpu.memory_space<vmem>>) dst(%dma_wait3A_132 : memref<40x1024xf32, #tpu.memory_space<hbm>>)
    %dma_start3A_137 = arith.constant 1 : i32
    %dma_start3A_138 = arith.constant 0 : i32
    %dma_start3A_139 = arith.constant 0 : i32
    %dma_start3A_140 = tpu.memref_slice %arg8[%dma_start3A_137, %dma_start3A_138, %dma_start3A_139] : memref<3x40x1024xf32, #tpu.memory_space<vmem>> -> memref<1x40x1024xf32, #tpu.memory_space<vmem>>
    %dma_start3A_141 = tpu.memref_squeeze %dma_start3A_140 : memref<1x40x1024xf32, #tpu.memory_space<vmem>> -> memref<40x1024xf32, #tpu.memory_space<vmem>>
    %dma_start3A_142 = arith.constant 160 : i32
    %dma_start3A_143 = tpu.memref_slice %arg7[%dma_start3A_142] : memref<880xi32, #tpu.memory_space<vmem>> -> memref<40xi32, #tpu.memory_space<vmem>>
    %dma_start3A_144 = arith.constant 0 : i32
    %dma_start3A_145 = arith.constant 0 : i32
    %dma_start3A_146 = tpu.memref_slice %arg2[%dma_start3A_144, %dma_start3A_145] : memref<32768x1024xf32, #tpu.memory_space<hbm>> -> memref<32768x1024xf32, #tpu.memory_space<hbm>>
    tpu.enqueue_indirect_dma source(%dma_start3A_146 : memref<32768x1024xf32, #tpu.memory_space<hbm>>) target(%dma_start3A_141 : memref<40x1024xf32, #tpu.memory_space<vmem>>) offsets(%dma_start3A_143 : memref<40xi32, #tpu.memory_space<vmem>>) semaphore(%arg12 : memref<!tpu.dma_semaphore, #tpu.memory_space<semaphore_mem>>)
    %dma_wait3A_147 = arith.constant 2 : i32
    %dma_wait3A_148 = arith.constant 0 : i32
    %dma_wait3A_149 = arith.constant 0 : i32
    %dma_wait3A_150 = tpu.memref_slice %arg8[%dma_wait3A_147, %dma_wait3A_148, %dma_wait3A_149] : memref<3x40x1024xf32, #tpu.memory_space<vmem>> -> memref<1x40x1024xf32, #tpu.memory_space<vmem>>
    %dma_wait3A_151 = tpu.memref_squeeze %dma_wait3A_150 : memref<1x40x1024xf32, #tpu.memory_space<vmem>> -> memref<40x1024xf32, #tpu.memory_space<vmem>>
    %dma_wait3A_152 = arith.constant 80 : i32
    %dma_wait3A_153 = tpu.memref_slice %arg7[%dma_wait3A_152] : memref<880xi32, #tpu.memory_space<vmem>> -> memref<40xi32, #tpu.memory_space<vmem>>
    %dma_wait3A_154 = arith.constant 0 : i32
    %dma_wait3A_155 = arith.constant 0 : i32
    %dma_wait3A_156 = tpu.memref_slice %arg2[%dma_wait3A_154, %dma_wait3A_155] : memref<32768x1024xf32, #tpu.memory_space<hbm>> -> memref<32768x1024xf32, #tpu.memory_space<hbm>>
    tpu.wait_indirect_dma semaphore(%arg13 : memref<!tpu.dma_semaphore, #tpu.memory_space<semaphore_mem>>) src(%dma_wait3A_156 : memref<32768x1024xf32, #tpu.memory_space<hbm>>) dst(%dma_wait3A_151 : memref<40x1024xf32, #tpu.memory_space<vmem>>)
    %add3A_157 = arith.constant 64 : i32
    %add3A_158 = arith.addi %add3A_157, %add3A : i32
    %dma_start3A_159 = arith.constant 2 : i32
    %dma_start3A_160 = arith.constant 0 : i32
    %dma_start3A_161 = arith.constant 0 : i32
    %dma_start3A_162 = tpu.memref_slice %arg8[%dma_start3A_159, %dma_start3A_160, %dma_start3A_161] : memref<3x40x1024xf32, #tpu.memory_space<vmem>> -> memref<1x40x1024xf32, #tpu.memory_space<vmem>>
    %dma_start3A_163 = tpu.memref_squeeze %dma_start3A_162 : memref<1x40x1024xf32, #tpu.memory_space<vmem>> -> memref<40x1024xf32, #tpu.memory_space<vmem>>
    %dma_start3A_164 = arith.constant 0 : i32
    %dma_start3A_165 = arith.constant 0 : i32
    %dma_start3A_166 = tpu.memref_slice %arg5[%add3A_158, %dma_start3A_164, %dma_start3A_165] : memref<696x40x1024xf32, #tpu.memory_space<hbm>> -> memref<1x40x1024xf32, #tpu.memory_space<hbm>>
    %dma_start3A_167 = tpu.memref_squeeze %dma_start3A_166 : memref<1x40x1024xf32, #tpu.memory_space<hbm>> -> memref<40x1024xf32, #tpu.memory_space<hbm>>
    %dma_start3A_168 = arith.constant 0 : i32
    %dma_start3A_169 = arith.constant 0 : i32
    %dma_start3A_170 = tpu.memref_slice %arg5[%add3A_158, %dma_start3A_168, %dma_start3A_169] : memref<696x40x1024xf32, #tpu.memory_space<hbm>> -> memref<1x40x1024xf32, #tpu.memory_space<hbm>>
    %dma_start3A_171 = tpu.memref_squeeze %dma_start3A_170 : memref<1x40x1024xf32, #tpu.memory_space<hbm>> -> memref<40x1024xf32, #tpu.memory_space<hbm>>
    %dma_start3A_172 = arith.constant 0 : i32
    %dma_start3A_173 = arith.constant 0 : i32
    %dma_start3A_174 = tpu.memref_slice %arg8[%dma_start3A_159, %dma_start3A_172, %dma_start3A_173] : memref<3x40x1024xf32, #tpu.memory_space<vmem>> -> memref<1x40x1024xf32, #tpu.memory_space<vmem>>
    %dma_start3A_175 = tpu.memref_squeeze %dma_start3A_174 : memref<1x40x1024xf32, #tpu.memory_space<vmem>> -> memref<40x1024xf32, #tpu.memory_space<vmem>>
    tpu.enqueue_dma source(%dma_start3A_175 : memref<40x1024xf32, #tpu.memory_space<vmem>>) target(%dma_start3A_171 : memref<40x1024xf32, #tpu.memory_space<hbm>>) target_semaphore(%arg16 : memref<!tpu.dma_semaphore, #tpu.memory_space<semaphore_mem>>)
    %add3A_176 = arith.constant 64 : i32
    %add3A_177 = arith.addi %add3A_176, %add3A : i32
    %dma_wait3A_178 = arith.constant 2 : i32
    %dma_wait3A_179 = arith.constant 0 : i32
    %dma_wait3A_180 = arith.constant 0 : i32
    %dma_wait3A_181 = tpu.memref_slice %arg8[%dma_wait3A_178, %dma_wait3A_179, %dma_wait3A_180] : memref<3x40x1024xf32, #tpu.memory_space<vmem>> -> memref<1x40x1024xf32, #tpu.memory_space<vmem>>
    %dma_wait3A_182 = tpu.memref_squeeze %dma_wait3A_181 : memref<1x40x1024xf32, #tpu.memory_space<vmem>> -> memref<40x1024xf32, #tpu.memory_space<vmem>>
    %dma_wait3A_183 = arith.constant 0 : i32
    %dma_wait3A_184 = arith.constant 0 : i32
    %dma_wait3A_185 = tpu.memref_slice %arg5[%add3A_177, %dma_wait3A_183, %dma_wait3A_184] : memref<696x40x1024xf32, #tpu.memory_space<hbm>> -> memref<1x40x1024xf32, #tpu.memory_space<hbm>>
    %dma_wait3A_186 = tpu.memref_squeeze %dma_wait3A_185 : memref<1x40x1024xf32, #tpu.memory_space<hbm>> -> memref<40x1024xf32, #tpu.memory_space<hbm>>
    %dma_wait3A_187 = arith.constant 0 : i32
    %dma_wait3A_188 = arith.constant 0 : i32
    %dma_wait3A_189 = tpu.memref_slice %arg5[%add3A_177, %dma_wait3A_187, %dma_wait3A_188] : memref<696x40x1024xf32, #tpu.memory_space<hbm>> -> memref<1x40x1024xf32, #tpu.memory_space<hbm>>
    %dma_wait3A_190 = tpu.memref_squeeze %dma_wait3A_189 : memref<1x40x1024xf32, #tpu.memory_space<hbm>> -> memref<40x1024xf32, #tpu.memory_space<hbm>>
    %dma_wait3A_191 = arith.constant 0 : i32
    %dma_wait3A_192 = arith.constant 0 : i32
    %dma_wait3A_193 = tpu.memref_slice %arg8[%dma_wait3A_178, %dma_wait3A_191, %dma_wait3A_192] : memref<3x40x1024xf32, #tpu.memory_space<vmem>> -> memref<1x40x1024xf32, #tpu.memory_space<vmem>>
    %dma_wait3A_194 = tpu.memref_squeeze %dma_wait3A_193 : memref<1x40x1024xf32, #tpu.memory_space<vmem>> -> memref<40x1024xf32, #tpu.memory_space<vmem>>
    tpu.wait_dma2 semaphore(%arg16 : memref<!tpu.dma_semaphore, #tpu.memory_space<semaphore_mem>>) src(%dma_wait3A_194 : memref<40x1024xf32, #tpu.memory_space<vmem>>) dst(%dma_wait3A_190 : memref<40x1024xf32, #tpu.memory_space<hbm>>)
    %dma_start3A_195 = arith.constant 2 : i32
    %dma_start3A_196 = arith.constant 0 : i32
    %dma_start3A_197 = arith.constant 0 : i32
    %dma_start3A_198 = tpu.memref_slice %arg8[%dma_start3A_195, %dma_start3A_196, %dma_start3A_197] : memref<3x40x1024xf32, #tpu.memory_space<vmem>> -> memref<1x40x1024xf32, #tpu.memory_space<vmem>>
    %dma_start3A_199 = tpu.memref_squeeze %dma_start3A_198 : memref<1x40x1024xf32, #tpu.memory_space<vmem>> -> memref<40x1024xf32, #tpu.memory_space<vmem>>
    %dma_start3A_200 = arith.constant 200 : i32
    %dma_start3A_201 = tpu.memref_slice %arg7[%dma_start3A_200] : memref<880xi32, #tpu.memory_space<vmem>> -> memref<40xi32, #tpu.memory_space<vmem>>
    %dma_start3A_202 = arith.constant 0 : i32
    %dma_start3A_203 = arith.constant 0 : i32
    %dma_start3A_204 = tpu.memref_slice %arg2[%dma_start3A_202, %dma_start3A_203] : memref<32768x1024xf32, #tpu.memory_space<hbm>> -> memref<32768x1024xf32, #tpu.memory_space<hbm>>
    tpu.enqueue_indirect_dma source(%dma_start3A_204 : memref<32768x1024xf32, #tpu.memory_space<hbm>>) target(%dma_start3A_199 : memref<40x1024xf32, #tpu.memory_space<vmem>>) offsets(%dma_start3A_201 : memref<40xi32, #tpu.memory_space<vmem>>) semaphore(%arg13 : memref<!tpu.dma_semaphore, #tpu.memory_space<semaphore_mem>>)
    %dma_wait3A_205 = arith.constant 0 : i32
    %dma_wait3A_206 = arith.constant 0 : i32
    %dma_wait3A_207 = arith.constant 0 : i32
    %dma_wait3A_208 = tpu.memref_slice %arg8[%dma_wait3A_205, %dma_wait3A_206, %dma_wait3A_207] : memref<3x40x1024xf32, #tpu.memory_space<vmem>> -> memref<1x40x1024xf32, #tpu.memory_space<vmem>>
    %dma_wait3A_209 = tpu.memref_squeeze %dma_wait3A_208 : memref<1x40x1024xf32, #tpu.memory_space<vmem>> -> memref<40x1024xf32, #tpu.memory_space<vmem>>
    %dma_wait3A_210 = arith.constant 120 : i32
    %dma_wait3A_211 = tpu.memref_slice %arg7[%dma_wait3A_210] : memref<880xi32, #tpu.memory_space<vmem>> -> memref<40xi32, #tpu.memory_space<vmem>>
    %dma_wait3A_212 = arith.constant 0 : i32
    %dma_wait3A_213 = arith.constant 0 : i32
    %dma_wait3A_214 = tpu.memref_slice %arg2[%dma_wait3A_212, %dma_wait3A_213] : memref<32768x1024xf32, #tpu.memory_space<hbm>> -> memref<32768x1024xf32, #tpu.memory_space<hbm>>
    tpu.wait_indirect_dma semaphore(%arg11 : memref<!tpu.dma_semaphore, #tpu.memory_space<semaphore_mem>>) src(%dma_wait3A_214 : memref<32768x1024xf32, #tpu.memory_space<hbm>>) dst(%dma_wait3A_209 : memref<40x1024xf32, #tpu.memory_space<vmem>>)
    %add3A_215 = arith.constant 96 : i32
    %add3A_216 = arith.addi %add3A_215, %add3A : i32
    %dma_start3A_217 = arith.constant 0 : i32
    %dma_start3A_218 = arith.constant 0 : i32
    %dma_start3A_219 = arith.constant 0 : i32
    %dma_start3A_220 = tpu.memref_slice %arg8[%dma_start3A_217, %dma_start3A_218, %dma_start3A_219] : memref<3x40x1024xf32, #tpu.memory_space<vmem>> -> memref<1x40x1024xf32, #tpu.memory_space<vmem>>
    %dma_start3A_221 = tpu.memref_squeeze %dma_start3A_220 : memref<1x40x1024xf32, #tpu.memory_space<vmem>> -> memref<40x1024xf32, #tpu.memory_space<vmem>>
    %dma_start3A_222 = arith.constant 0 : i32
    %dma_start3A_223 = arith.constant 0 : i32
    %dma_start3A_224 = tpu.memref_slice %arg5[%add3A_216, %dma_start3A_222, %dma_start3A_223] : memref<696x40x1024xf32, #tpu.memory_space<hbm>> -> memref<1x40x1024xf32, #tpu.memory_space<hbm>>
    %dma_start3A_225 = tpu.memref_squeeze %dma_start3A_224 : memref<1x40x1024xf32, #tpu.memory_space<hbm>> -> memref<40x1024xf32, #tpu.memory_space<hbm>>
    %dma_start3A_226 = arith.constant 0 : i32
    %dma_start3A_227 = arith.constant 0 : i32
    %dma_start3A_228 = tpu.memref_slice %arg5[%add3A_216, %dma_start3A_226, %dma_start3A_227] : memref<696x40x1024xf32, #tpu.memory_space<hbm>> -> memref<1x40x1024xf32, #tpu.memory_space<hbm>>
    %dma_start3A_229 = tpu.memref_squeeze %dma_start3A_228 : memref<1x40x1024xf32, #tpu.memory_space<hbm>> -> memref<40x1024xf32, #tpu.memory_space<hbm>>
    %dma_start3A_230 = arith.constant 0 : i32
    %dma_start3A_231 = arith.constant 0 : i32
    %dma_start3A_232 = tpu.memref_slice %arg8[%dma_start3A_217, %dma_start3A_230, %dma_start3A_231] : memref<3x40x1024xf32, #tpu.memory_space<vmem>> -> memref<1x40x1024xf32, #tpu.memory_space<vmem>>
    %dma_start3A_233 = tpu.memref_squeeze %dma_start3A_232 : memref<1x40x1024xf32, #tpu.memory_space<vmem>> -> memref<40x1024xf32, #tpu.memory_space<vmem>>
    tpu.enqueue_dma source(%dma_start3A_233 : memref<40x1024xf32, #tpu.memory_space<vmem>>) target(%dma_start3A_229 : memref<40x1024xf32, #tpu.memory_space<hbm>>) target_semaphore(%arg14 : memref<!tpu.dma_semaphore, #tpu.memory_space<semaphore_mem>>)
    %add3A_234 = arith.constant 96 : i32
    %add3A_235 = arith.addi %add3A_234, %add3A : i32
    %dma_wait3A_236 = arith.constant 0 : i32
    %dma_wait3A_237 = arith.constant 0 : i32
    %dma_wait3A_238 = arith.constant 0 : i32
    %dma_wait3A_239 = tpu.memref_slice %arg8[%dma_wait3A_236, %dma_wait3A_237, %dma_wait3A_238] : memref<3x40x1024xf32, #tpu.memory_space<vmem>> -> memref<1x40x1024xf32, #tpu.memory_space<vmem>>
    %dma_wait3A_240 = tpu.memref_squeeze %dma_wait3A_239 : memref<1x40x1024xf32, #tpu.memory_space<vmem>> -> memref<40x1024xf32, #tpu.memory_space<vmem>>
    %dma_wait3A_241 = arith.constant 0 : i32
    %dma_wait3A_242 = arith.constant 0 : i32
    %dma_wait3A_243 = tpu.memref_slice %arg5[%add3A_235, %dma_wait3A_241, %dma_wait3A_242] : memref<696x40x1024xf32, #tpu.memory_space<hbm>> -> memref<1x40x1024xf32, #tpu.memory_space<hbm>>
    %dma_wait3A_244 = tpu.memref_squeeze %dma_wait3A_243 : memref<1x40x1024xf32, #tpu.memory_space<hbm>> -> memref<40x1024xf32, #tpu.memory_space<hbm>>
    %dma_wait3A_245 = arith.constant 0 : i32
    %dma_wait3A_246 = arith.constant 0 : i32
    %dma_wait3A_247 = tpu.memref_slice %arg5[%add3A_235, %dma_wait3A_245, %dma_wait3A_246] : memref<696x40x1024xf32, #tpu.memory_space<hbm>> -> memref<1x40x1024xf32, #tpu.memory_space<hbm>>
    %dma_wait3A_248 = tpu.memref_squeeze %dma_wait3A_247 : memref<1x40x1024xf32, #tpu.memory_space<hbm>> -> memref<40x1024xf32, #tpu.memory_space<hbm>>
    %dma_wait3A_249 = arith.constant 0 : i32
    %dma_wait3A_250 = arith.constant 0 : i32
    %dma_wait3A_251 = tpu.memref_slice %arg8[%dma_wait3A_236, %dma_wait3A_249, %dma_wait3A_250] : memref<3x40x1024xf32, #tpu.memory_space<vmem>> -> memref<1x40x1024xf32, #tpu.memory_space<vmem>>
    %dma_wait3A_252 = tpu.memref_squeeze %dma_wait3A_251 : memref<1x40x1024xf32, #tpu.memory_space<vmem>> -> memref<40x1024xf32, #tpu.memory_space<vmem>>
    tpu.wait_dma2 semaphore(%arg14 : memref<!tpu.dma_semaphore, #tpu.memory_space<semaphore_mem>>) src(%dma_wait3A_252 : memref<40x1024xf32, #tpu.memory_space<vmem>>) dst(%dma_wait3A_248 : memref<40x1024xf32, #tpu.memory_space<hbm>>)
    %dma_start3A_253 = arith.constant 0 : i32
    %dma_start3A_254 = arith.constant 0 : i32
    %dma_start3A_255 = arith.constant 0 : i32
    %dma_start3A_256 = tpu.memref_slice %arg8[%dma_start3A_253, %dma_start3A_254, %dma_start3A_255] : memref<3x40x1024xf32, #tpu.memory_space<vmem>> -> memref<1x40x1024xf32, #tpu.memory_space<vmem>>
    %dma_start3A_257 = tpu.memref_squeeze %dma_start3A_256 : memref<1x40x1024xf32, #tpu.memory_space<vmem>> -> memref<40x1024xf32, #tpu.memory_space<vmem>>
    %dma_start3A_258 = arith.constant 240 : i32
    %dma_start3A_259 = tpu.memref_slice %arg7[%dma_start3A_258] : memref<880xi32, #tpu.memory_space<vmem>> -> memref<40xi32, #tpu.memory_space<vmem>>
    %dma_start3A_260 = arith.constant 0 : i32
    %dma_start3A_261 = arith.constant 0 : i32
    %dma_start3A_262 = tpu.memref_slice %arg2[%dma_start3A_260, %dma_start3A_261] : memref<32768x1024xf32, #tpu.memory_space<hbm>> -> memref<32768x1024xf32, #tpu.memory_space<hbm>>
    tpu.enqueue_indirect_dma source(%dma_start3A_262 : memref<32768x1024xf32, #tpu.memory_space<hbm>>) target(%dma_start3A_257 : memref<40x1024xf32, #tpu.memory_space<vmem>>) offsets(%dma_start3A_259 : memref<40xi32, #tpu.memory_space<vmem>>) semaphore(%arg11 : memref<!tpu.dma_semaphore, #tpu.memory_space<semaphore_mem>>)
    %dma_wait3A_263 = arith.constant 1 : i32
    %dma_wait3A_264 = arith.constant 0 : i32
    %dma_wait3A_265 = arith.constant 0 : i32
    %dma_wait3A_266 = tpu.memref_slice %arg8[%dma_wait3A_263, %dma_wait3A_264, %dma_wait3A_265] : memref<3x40x1024xf32, #tpu.memory_space<vmem>> -> memref<1x40x1024xf32, #tpu.memory_space<vmem>>
    %dma_wait3A_267 = tpu.memref_squeeze %dma_wait3A_266 : memref<1x40x1024xf32, #tpu.memory_space<vmem>> -> memref<40x1024xf32, #tpu.memory_space<vmem>>
    %dma_wait3A_268 = arith.constant 160 : i32
    %dma_wait3A_269 = tpu.memref_slice %arg7[%dma_wait3A_268] : memref<880xi32, #tpu.memory_space<vmem>> -> memref<40xi32, #tpu.memory_space<vmem>>
    %dma_wait3A_270 = arith.constant 0 : i32
    %dma_wait3A_271 = arith.constant 0 : i32
    %dma_wait3A_272 = tpu.memref_slice %arg2[%dma_wait3A_270, %dma_wait3A_271] : memref<32768x1024xf32, #tpu.memory_space<hbm>> -> memref<32768x1024xf32, #tpu.memory_space<hbm>>
    tpu.wait_indirect_dma semaphore(%arg12 : memref<!tpu.dma_semaphore, #tpu.memory_space<semaphore_mem>>) src(%dma_wait3A_272 : memref<32768x1024xf32, #tpu.memory_space<hbm>>) dst(%dma_wait3A_267 : memref<40x1024xf32, #tpu.memory_space<vmem>>)
    %add3A_273 = arith.constant 128 : i32
    %add3A_274 = arith.addi %add3A_273, %add3A : i32
    %dma_start3A_275 = arith.constant 1 : i32
    %dma_start3A_276 = arith.constant 0 : i32
    %dma_start3A_277 = arith.constant 0 : i32
    %dma_start3A_278 = tpu.memref_slice %arg8[%dma_start3A_275, %dma_start3A_276, %dma_start3A_277] : memref<3x40x1024xf32, #tpu.memory_space<vmem>> -> memref<1x40x1024xf32, #tpu.memory_space<vmem>>
    %dma_start3A_279 = tpu.memref_squeeze %dma_start3A_278 : memref<1x40x1024xf32, #tpu.memory_space<vmem>> -> memref<40x1024xf32, #tpu.memory_space<vmem>>
    %dma_start3A_280 = arith.constant 0 : i32
    %dma_start3A_281 = arith.constant 0 : i32
    %dma_start3A_282 = tpu.memref_slice %arg5[%add3A_274, %dma_start3A_280, %dma_start3A_281] : memref<696x40x1024xf32, #tpu.memory_space<hbm>> -> memref<1x40x1024xf32, #tpu.memory_space<hbm>>
    %dma_start3A_283 = tpu.memref_squeeze %dma_start3A_282 : memref<1x40x1024xf32, #tpu.memory_space<hbm>> -> memref<40x1024xf32, #tpu.memory_space<hbm>>
    %dma_start3A_284 = arith.constant 0 : i32
    %dma_start3A_285 = arith.constant 0 : i32
    %dma_start3A_286 = tpu.memref_slice %arg5[%add3A_274, %dma_start3A_284, %dma_start3A_285] : memref<696x40x1024xf32, #tpu.memory_space<hbm>> -> memref<1x40x1024xf32, #tpu.memory_space<hbm>>
    %dma_start3A_287 = tpu.memref_squeeze %dma_start3A_286 : memref<1x40x1024xf32, #tpu.memory_space<hbm>> -> memref<40x1024xf32, #tpu.memory_space<hbm>>
    %dma_start3A_288 = arith.constant 0 : i32
    %dma_start3A_289 = arith.constant 0 : i32
    %dma_start3A_290 = tpu.memref_slice %arg8[%dma_start3A_275, %dma_start3A_288, %dma_start3A_289] : memref<3x40x1024xf32, #tpu.memory_space<vmem>> -> memref<1x40x1024xf32, #tpu.memory_space<vmem>>
    %dma_start3A_291 = tpu.memref_squeeze %dma_start3A_290 : memref<1x40x1024xf32, #tpu.memory_space<vmem>> -> memref<40x1024xf32, #tpu.memory_space<vmem>>
    tpu.enqueue_dma source(%dma_start3A_291 : memref<40x1024xf32, #tpu.memory_space<vmem>>) target(%dma_start3A_287 : memref<40x1024xf32, #tpu.memory_space<hbm>>) target_semaphore(%arg15 : memref<!tpu.dma_semaphore, #tpu.memory_space<semaphore_mem>>)
    %add3A_292 = arith.constant 128 : i32
    %add3A_293 = arith.addi %add3A_292, %add3A : i32
    %dma_wait3A_294 = arith.constant 1 : i32
    %dma_wait3A_295 = arith.constant 0 : i32
    %dma_wait3A_296 = arith.constant 0 : i32
    %dma_wait3A_297 = tpu.memref_slice %arg8[%dma_wait3A_294, %dma_wait3A_295, %dma_wait3A_296] : memref<3x40x1024xf32, #tpu.memory_space<vmem>> -> memref<1x40x1024xf32, #tpu.memory_space<vmem>>
    %dma_wait3A_298 = tpu.memref_squeeze %dma_wait3A_297 : memref<1x40x1024xf32, #tpu.memory_space<vmem>> -> memref<40x1024xf32, #tpu.memory_space<vmem>>
    %dma_wait3A_299 = arith.constant 0 : i32
    %dma_wait3A_300 = arith.constant 0 : i32
    %dma_wait3A_301 = tpu.memref_slice %arg5[%add3A_293, %dma_wait3A_299, %dma_wait3A_300] : memref<696x40x1024xf32, #tpu.memory_space<hbm>> -> memref<1x40x1024xf32, #tpu.memory_space<hbm>>
    %dma_wait3A_302 = tpu.memref_squeeze %dma_wait3A_301 : memref<1x40x1024xf32, #tpu.memory_space<hbm>> -> memref<40x1024xf32, #tpu.memory_space<hbm>>
    %dma_wait3A_303 = arith.constant 0 : i32
    %dma_wait3A_304 = arith.constant 0 : i32
    %dma_wait3A_305 = tpu.memref_slice %arg5[%add3A_293, %dma_wait3A_303, %dma_wait3A_304] : memref<696x40x1024xf32, #tpu.memory_space<hbm>> -> memref<1x40x1024xf32, #tpu.memory_space<hbm>>
    %dma_wait3A_306 = tpu.memref_squeeze %dma_wait3A_305 : memref<1x40x1024xf32, #tpu.memory_space<hbm>> -> memref<40x1024xf32, #tpu.memory_space<hbm>>
    %dma_wait3A_307 = arith.constant 0 : i32
    %dma_wait3A_308 = arith.constant 0 : i32
    %dma_wait3A_309 = tpu.memref_slice %arg8[%dma_wait3A_294, %dma_wait3A_307, %dma_wait3A_308] : memref<3x40x1024xf32, #tpu.memory_space<vmem>> -> memref<1x40x1024xf32, #tpu.memory_space<vmem>>
    %dma_wait3A_310 = tpu.memref_squeeze %dma_wait3A_309 : memref<1x40x1024xf32, #tpu.memory_space<vmem>> -> memref<40x1024xf32, #tpu.memory_space<vmem>>
    tpu.wait_dma2 semaphore(%arg15 : memref<!tpu.dma_semaphore, #tpu.memory_space<semaphore_mem>>) src(%dma_wait3A_310 : memref<40x1024xf32, #tpu.memory_space<vmem>>) dst(%dma_wait3A_306 : memref<40x1024xf32, #tpu.memory_space<hbm>>)
    %dma_start3A_311 = arith.constant 1 : i32
    %dma_start3A_312 = arith.constant 0 : i32
    %dma_start3A_313 = arith.constant 0 : i32
    %dma_start3A_314 = tpu.memref_slice %arg8[%dma_start3A_311, %dma_start3A_312, %dma_start3A_313] : memref<3x40x1024xf32, #tpu.memory_space<vmem>> -> memref<1x40x1024xf32, #tpu.memory_space<vmem>>
    %dma_start3A_315 = tpu.memref_squeeze %dma_start3A_314 : memref<1x40x1024xf32, #tpu.memory_space<vmem>> -> memref<40x1024xf32, #tpu.memory_space<vmem>>
    %dma_start3A_316 = arith.constant 280 : i32
    %dma_start3A_317 = tpu.memref_slice %arg7[%dma_start3A_316] : memref<880xi32, #tpu.memory_space<vmem>> -> memref<40xi32, #tpu.memory_space<vmem>>
    %dma_start3A_318 = arith.constant 0 : i32
    %dma_start3A_319 = arith.constant 0 : i32
    %dma_start3A_320 = tpu.memref_slice %arg2[%dma_start3A_318, %dma_start3A_319] : memref<32768x1024xf32, #tpu.memory_space<hbm>> -> memref<32768x1024xf32, #tpu.memory_space<hbm>>
    tpu.enqueue_indirect_dma source(%dma_start3A_320 : memref<32768x1024xf32, #tpu.memory_space<hbm>>) target(%dma_start3A_315 : memref<40x1024xf32, #tpu.memory_space<vmem>>) offsets(%dma_start3A_317 : memref<40xi32, #tpu.memory_space<vmem>>) semaphore(%arg12 : memref<!tpu.dma_semaphore, #tpu.memory_space<semaphore_mem>>)
    %dma_wait3A_321 = arith.constant 2 : i32
    %dma_wait3A_322 = arith.constant 0 : i32
    %dma_wait3A_323 = arith.constant 0 : i32
    %dma_wait3A_324 = tpu.memref_slice %arg8[%dma_wait3A_321, %dma_wait3A_322, %dma_wait3A_323] : memref<3x40x1024xf32, #tpu.memory_space<vmem>> -> memref<1x40x1024xf32, #tpu.memory_space<vmem>>
    %dma_wait3A_325 = tpu.memref_squeeze %dma_wait3A_324 : memref<1x40x1024xf32, #tpu.memory_space<vmem>> -> memref<40x1024xf32, #tpu.memory_space<vmem>>
    %dma_wait3A_326 = arith.constant 200 : i32
    %dma_wait3A_327 = tpu.memref_slice %arg7[%dma_wait3A_326] : memref<880xi32, #tpu.memory_space<vmem>> -> memref<40xi32, #tpu.memory_space<vmem>>
    %dma_wait3A_328 = arith.constant 0 : i32
    %dma_wait3A_329 = arith.constant 0 : i32
    %dma_wait3A_330 = tpu.memref_slice %arg2[%dma_wait3A_328, %dma_wait3A_329] : memref<32768x1024xf32, #tpu.memory_space<hbm>> -> memref<32768x1024xf32, #tpu.memory_space<hbm>>
    tpu.wait_indirect_dma semaphore(%arg13 : memref<!tpu.dma_semaphore, #tpu.memory_space<semaphore_mem>>) src(%dma_wait3A_330 : memref<32768x1024xf32, #tpu.memory_space<hbm>>) dst(%dma_wait3A_325 : memref<40x1024xf32, #tpu.memory_space<vmem>>)
    %add3A_331 = arith.constant 160 : i32
    %add3A_332 = arith.addi %add3A_331, %add3A : i32
    %dma_start3A_333 = arith.constant 2 : i32
    %dma_start3A_334 = arith.constant 0 : i32
    %dma_start3A_335 = arith.constant 0 : i32
    %dma_start3A_336 = tpu.memref_slice %arg8[%dma_start3A_333, %dma_start3A_334, %dma_start3A_335] : memref<3x40x1024xf32, #tpu.memory_space<vmem>> -> memref<1x40x1024xf32, #tpu.memory_space<vmem>>
    %dma_start3A_337 = tpu.memref_squeeze %dma_start3A_336 : memref<1x40x1024xf32, #tpu.memory_space<vmem>> -> memref<40x1024xf32, #tpu.memory_space<vmem>>
    %dma_start3A_338 = arith.constant 0 : i32
    %dma_start3A_339 = arith.constant 0 : i32
    %dma_start3A_340 = tpu.memref_slice %arg5[%add3A_332, %dma_start3A_338, %dma_start3A_339] : memref<696x40x1024xf32, #tpu.memory_space<hbm>> -> memref<1x40x1024xf32, #tpu.memory_space<hbm>>
    %dma_start3A_341 = tpu.memref_squeeze %dma_start3A_340 : memref<1x40x1024xf32, #tpu.memory_space<hbm>> -> memref<40x1024xf32, #tpu.memory_space<hbm>>
    %dma_start3A_342 = arith.constant 0 : i32
    %dma_start3A_343 = arith.constant 0 : i32
    %dma_start3A_344 = tpu.memref_slice %arg5[%add3A_332, %dma_start3A_342, %dma_start3A_343] : memref<696x40x1024xf32, #tpu.memory_space<hbm>> -> memref<1x40x1024xf32, #tpu.memory_space<hbm>>
    %dma_start3A_345 = tpu.memref_squeeze %dma_start3A_344 : memref<1x40x1024xf32, #tpu.memory_space<hbm>> -> memref<40x1024xf32, #tpu.memory_space<hbm>>
    %dma_start3A_346 = arith.constant 0 : i32
    %dma_start3A_347 = arith.constant 0 : i32
    %dma_start3A_348 = tpu.memref_slice %arg8[%dma_start3A_333, %dma_start3A_346, %dma_start3A_347] : memref<3x40x1024xf32, #tpu.memory_space<vmem>> -> memref<1x40x1024xf32, #tpu.memory_space<vmem>>
    %dma_start3A_349 = tpu.memref_squeeze %dma_start3A_348 : memref<1x40x1024xf32, #tpu.memory_space<vmem>> -> memref<40x1024xf32, #tpu.memory_space<vmem>>
    tpu.enqueue_dma source(%dma_start3A_349 : memref<40x1024xf32, #tpu.memory_space<vmem>>) target(%dma_start3A_345 : memref<40x1024xf32, #tpu.memory_space<hbm>>) target_semaphore(%arg16 : memref<!tpu.dma_semaphore, #tpu.memory_space<semaphore_mem>>)
    %add3A_350 = arith.constant 160 : i32
    %add3A_351 = arith.addi %add3A_350, %add3A : i32
    %dma_wait3A_352 = arith.constant 2 : i32
    %dma_wait3A_353 = arith.constant 0 : i32
    %dma_wait3A_354 = arith.constant 0 : i32
    %dma_wait3A_355 = tpu.memref_slice %arg8[%dma_wait3A_352, %dma_wait3A_353, %dma_wait3A_354] : memref<3x40x1024xf32, #tpu.memory_space<vmem>> -> memref<1x40x1024xf32, #tpu.memory_space<vmem>>
    %dma_wait3A_356 = tpu.memref_squeeze %dma_wait3A_355 : memref<1x40x1024xf32, #tpu.memory_space<vmem>> -> memref<40x1024xf32, #tpu.memory_space<vmem>>
    %dma_wait3A_357 = arith.constant 0 : i32
    %dma_wait3A_358 = arith.constant 0 : i32
    %dma_wait3A_359 = tpu.memref_slice %arg5[%add3A_351, %dma_wait3A_357, %dma_wait3A_358] : memref<696x40x1024xf32, #tpu.memory_space<hbm>> -> memref<1x40x1024xf32, #tpu.memory_space<hbm>>
    %dma_wait3A_360 = tpu.memref_squeeze %dma_wait3A_359 : memref<1x40x1024xf32, #tpu.memory_space<hbm>> -> memref<40x1024xf32, #tpu.memory_space<hbm>>
    %dma_wait3A_361 = arith.constant 0 : i32
    %dma_wait3A_362 = arith.constant 0 : i32
    %dma_wait3A_363 = tpu.memref_slice %arg5[%add3A_351, %dma_wait3A_361, %dma_wait3A_362] : memref<696x40x1024xf32, #tpu.memory_space<hbm>> -> memref<1x40x1024xf32, #tpu.memory_space<hbm>>
    %dma_wait3A_364 = tpu.memref_squeeze %dma_wait3A_363 : memref<1x40x1024xf32, #tpu.memory_space<hbm>> -> memref<40x1024xf32, #tpu.memory_space<hbm>>
    %dma_wait3A_365 = arith.constant 0 : i32
    %dma_wait3A_366 = arith.constant 0 : i32
    %dma_wait3A_367 = tpu.memref_slice %arg8[%dma_wait3A_352, %dma_wait3A_365, %dma_wait3A_366] : memref<3x40x1024xf32, #tpu.memory_space<vmem>> -> memref<1x40x1024xf32, #tpu.memory_space<vmem>>
    %dma_wait3A_368 = tpu.memref_squeeze %dma_wait3A_367 : memref<1x40x1024xf32, #tpu.memory_space<vmem>> -> memref<40x1024xf32, #tpu.memory_space<vmem>>
    tpu.wait_dma2 semaphore(%arg16 : memref<!tpu.dma_semaphore, #tpu.memory_space<semaphore_mem>>) src(%dma_wait3A_368 : memref<40x1024xf32, #tpu.memory_space<vmem>>) dst(%dma_wait3A_364 : memref<40x1024xf32, #tpu.memory_space<hbm>>)
    %dma_start3A_369 = arith.constant 2 : i32
    %dma_start3A_370 = arith.constant 0 : i32
    %dma_start3A_371 = arith.constant 0 : i32
    %dma_start3A_372 = tpu.memref_slice %arg8[%dma_start3A_369, %dma_start3A_370, %dma_start3A_371] : memref<3x40x1024xf32, #tpu.memory_space<vmem>> -> memref<1x40x1024xf32, #tpu.memory_space<vmem>>
    %dma_start3A_373 = tpu.memref_squeeze %dma_start3A_372 : memref<1x40x1024xf32, #tpu.memory_space<vmem>> -> memref<40x1024xf32, #tpu.memory_space<vmem>>
    %dma_start3A_374 = arith.constant 320 : i32
    %dma_start3A_375 = tpu.memref_slice %arg7[%dma_start3A_374] : memref<880xi32, #tpu.memory_space<vmem>> -> memref<40xi32, #tpu.memory_space<vmem>>
    %dma_start3A_376 = arith.constant 0 : i32
    %dma_start3A_377 = arith.constant 0 : i32
    %dma_start3A_378 = tpu.memref_slice %arg2[%dma_start3A_376, %dma_start3A_377] : memref<32768x1024xf32, #tpu.memory_space<hbm>> -> memref<32768x1024xf32, #tpu.memory_space<hbm>>
    tpu.enqueue_indirect_dma source(%dma_start3A_378 : memref<32768x1024xf32, #tpu.memory_space<hbm>>) target(%dma_start3A_373 : memref<40x1024xf32, #tpu.memory_space<vmem>>) offsets(%dma_start3A_375 : memref<40xi32, #tpu.memory_space<vmem>>) semaphore(%arg13 : memref<!tpu.dma_semaphore, #tpu.memory_space<semaphore_mem>>)
    %dma_wait3A_379 = arith.constant 0 : i32
    %dma_wait3A_380 = arith.constant 0 : i32
    %dma_wait3A_381 = arith.constant 0 : i32
    %dma_wait3A_382 = tpu.memref_slice %arg8[%dma_wait3A_379, %dma_wait3A_380, %dma_wait3A_381] : memref<3x40x1024xf32, #tpu.memory_space<vmem>> -> memref<1x40x1024xf32, #tpu.memory_space<vmem>>
    %dma_wait3A_383 = tpu.memref_squeeze %dma_wait3A_382 : memref<1x40x1024xf32, #tpu.memory_space<vmem>> -> memref<40x1024xf32, #tpu.memory_space<vmem>>
    %dma_wait3A_384 = arith.constant 240 : i32
    %dma_wait3A_385 = tpu.memref_slice %arg7[%dma_wait3A_384] : memref<880xi32, #tpu.memory_space<vmem>> -> memref<40xi32, #tpu.memory_space<vmem>>
    %dma_wait3A_386 = arith.constant 0 : i32
    %dma_wait3A_387 = arith.constant 0 : i32
    %dma_wait3A_388 = tpu.memref_slice %arg2[%dma_wait3A_386, %dma_wait3A_387] : memref<32768x1024xf32, #tpu.memory_space<hbm>> -> memref<32768x1024xf32, #tpu.memory_space<hbm>>
    tpu.wait_indirect_dma semaphore(%arg11 : memref<!tpu.dma_semaphore, #tpu.memory_space<semaphore_mem>>) src(%dma_wait3A_388 : memref<32768x1024xf32, #tpu.memory_space<hbm>>) dst(%dma_wait3A_383 : memref<40x1024xf32, #tpu.memory_space<vmem>>)
    %add3A_389 = arith.constant 192 : i32
    %add3A_390 = arith.addi %add3A_389, %add3A : i32
    %dma_start3A_391 = arith.constant 0 : i32
    %dma_start3A_392 = arith.constant 0 : i32
    %dma_start3A_393 = arith.constant 0 : i32
    %dma_start3A_394 = tpu.memref_slice %arg8[%dma_start3A_391, %dma_start3A_392, %dma_start3A_393] : memref<3x40x1024xf32, #tpu.memory_space<vmem>> -> memref<1x40x1024xf32, #tpu.memory_space<vmem>>
    %dma_start3A_395 = tpu.memref_squeeze %dma_start3A_394 : memref<1x40x1024xf32, #tpu.memory_space<vmem>> -> memref<40x1024xf32, #tpu.memory_space<vmem>>
    %dma_start3A_396 = arith.constant 0 : i32
    %dma_start3A_397 = arith.constant 0 : i32
    %dma_start3A_398 = tpu.memref_slice %arg5[%add3A_390, %dma_start3A_396, %dma_start3A_397] : memref<696x40x1024xf32, #tpu.memory_space<hbm>> -> memref<1x40x1024xf32, #tpu.memory_space<hbm>>
    %dma_start3A_399 = tpu.memref_squeeze %dma_start3A_398 : memref<1x40x1024xf32, #tpu.memory_space<hbm>> -> memref<40x1024xf32, #tpu.memory_space<hbm>>
    %dma_start3A_400 = arith.constant 0 : i32
    %dma_start3A_401 = arith.constant 0 : i32
    %dma_start3A_402 = tpu.memref_slice %arg5[%add3A_390, %dma_start3A_400, %dma_start3A_401] : memref<696x40x1024xf32, #tpu.memory_space<hbm>> -> memref<1x40x1024xf32, #tpu.memory_space<hbm>>
    %dma_start3A_403 = tpu.memref_squeeze %dma_start3A_402 : memref<1x40x1024xf32, #tpu.memory_space<hbm>> -> memref<40x1024xf32, #tpu.memory_space<hbm>>
    %dma_start3A_404 = arith.constant 0 : i32
    %dma_start3A_405 = arith.constant 0 : i32
    %dma_start3A_406 = tpu.memref_slice %arg8[%dma_start3A_391, %dma_start3A_404, %dma_start3A_405] : memref<3x40x1024xf32, #tpu.memory_space<vmem>> -> memref<1x40x1024xf32, #tpu.memory_space<vmem>>
    %dma_start3A_407 = tpu.memref_squeeze %dma_start3A_406 : memref<1x40x1024xf32, #tpu.memory_space<vmem>> -> memref<40x1024xf32, #tpu.memory_space<vmem>>
    tpu.enqueue_dma source(%dma_start3A_407 : memref<40x1024xf32, #tpu.memory_space<vmem>>) target(%dma_start3A_403 : memref<40x1024xf32, #tpu.memory_space<hbm>>) target_semaphore(%arg14 : memref<!tpu.dma_semaphore, #tpu.memory_space<semaphore_mem>>)
    %add3A_408 = arith.constant 192 : i32
    %add3A_409 = arith.addi %add3A_408, %add3A : i32
    %dma_wait3A_410 = arith.constant 0 : i32
    %dma_wait3A_411 = arith.constant 0 : i32
    %dma_wait3A_412 = arith.constant 0 : i32
    %dma_wait3A_413 = tpu.memref_slice %arg8[%dma_wait3A_410, %dma_wait3A_411, %dma_wait3A_412] : memref<3x40x1024xf32, #tpu.memory_space<vmem>> -> memref<1x40x1024xf32, #tpu.memory_space<vmem>>
    %dma_wait3A_414 = tpu.memref_squeeze %dma_wait3A_413 : memref<1x40x1024xf32, #tpu.memory_space<vmem>> -> memref<40x1024xf32, #tpu.memory_space<vmem>>
    %dma_wait3A_415 = arith.constant 0 : i32
    %dma_wait3A_416 = arith.constant 0 : i32
    %dma_wait3A_417 = tpu.memref_slice %arg5[%add3A_409, %dma_wait3A_415, %dma_wait3A_416] : memref<696x40x1024xf32, #tpu.memory_space<hbm>> -> memref<1x40x1024xf32, #tpu.memory_space<hbm>>
    %dma_wait3A_418 = tpu.memref_squeeze %dma_wait3A_417 : memref<1x40x1024xf32, #tpu.memory_space<hbm>> -> memref<40x1024xf32, #tpu.memory_space<hbm>>
    %dma_wait3A_419 = arith.constant 0 : i32
    %dma_wait3A_420 = arith.constant 0 : i32
    %dma_wait3A_421 = tpu.memref_slice %arg5[%add3A_409, %dma_wait3A_419, %dma_wait3A_420] : memref<696x40x1024xf32, #tpu.memory_space<hbm>> -> memref<1x40x1024xf32, #tpu.memory_space<hbm>>
    %dma_wait3A_422 = tpu.memref_squeeze %dma_wait3A_421 : memref<1x40x1024xf32, #tpu.memory_space<hbm>> -> memref<40x1024xf32, #tpu.memory_space<hbm>>
    %dma_wait3A_423 = arith.constant 0 : i32
    %dma_wait3A_424 = arith.constant 0 : i32
    %dma_wait3A_425 = tpu.memref_slice %arg8[%dma_wait3A_410, %dma_wait3A_423, %dma_wait3A_424] : memref<3x40x1024xf32, #tpu.memory_space<vmem>> -> memref<1x40x1024xf32, #tpu.memory_space<vmem>>
    %dma_wait3A_426 = tpu.memref_squeeze %dma_wait3A_425 : memref<1x40x1024xf32, #tpu.memory_space<vmem>> -> memref<40x1024xf32, #tpu.memory_space<vmem>>
    tpu.wait_dma2 semaphore(%arg14 : memref<!tpu.dma_semaphore, #tpu.memory_space<semaphore_mem>>) src(%dma_wait3A_426 : memref<40x1024xf32, #tpu.memory_space<vmem>>) dst(%dma_wait3A_422 : memref<40x1024xf32, #tpu.memory_space<hbm>>)
    %dma_start3A_427 = arith.constant 0 : i32
    %dma_start3A_428 = arith.constant 0 : i32
    %dma_start3A_429 = arith.constant 0 : i32
    %dma_start3A_430 = tpu.memref_slice %arg8[%dma_start3A_427, %dma_start3A_428, %dma_start3A_429] : memref<3x40x1024xf32, #tpu.memory_space<vmem>> -> memref<1x40x1024xf32, #tpu.memory_space<vmem>>
    %dma_start3A_431 = tpu.memref_squeeze %dma_start3A_430 : memref<1x40x1024xf32, #tpu.memory_space<vmem>> -> memref<40x1024xf32, #tpu.memory_space<vmem>>
    %dma_start3A_432 = arith.constant 360 : i32
    %dma_start3A_433 = tpu.memref_slice %arg7[%dma_start3A_432] : memref<880xi32, #tpu.memory_space<vmem>> -> memref<40xi32, #tpu.memory_space<vmem>>
    %dma_start3A_434 = arith.constant 0 : i32
    %dma_start3A_435 = arith.constant 0 : i32
    %dma_start3A_436 = tpu.memref_slice %arg2[%dma_start3A_434, %dma_start3A_435] : memref<32768x1024xf32, #tpu.memory_space<hbm>> -> memref<32768x1024xf32, #tpu.memory_space<hbm>>
    tpu.enqueue_indirect_dma source(%dma_start3A_436 : memref<32768x1024xf32, #tpu.memory_space<hbm>>) target(%dma_start3A_431 : memref<40x1024xf32, #tpu.memory_space<vmem>>) offsets(%dma_start3A_433 : memref<40xi32, #tpu.memory_space<vmem>>) semaphore(%arg11 : memref<!tpu.dma_semaphore, #tpu.memory_space<semaphore_mem>>)
    %dma_wait3A_437 = arith.constant 1 : i32
    %dma_wait3A_438 = arith.constant 0 : i32
    %dma_wait3A_439 = arith.constant 0 : i32
    %dma_wait3A_440 = tpu.memref_slice %arg8[%dma_wait3A_437, %dma_wait3A_438, %dma_wait3A_439] : memref<3x40x1024xf32, #tpu.memory_space<vmem>> -> memref<1x40x1024xf32, #tpu.memory_space<vmem>>
    %dma_wait3A_441 = tpu.memref_squeeze %dma_wait3A_440 : memref<1x40x1024xf32, #tpu.memory_space<vmem>> -> memref<40x1024xf32, #tpu.memory_space<vmem>>
    %dma_wait3A_442 = arith.constant 280 : i32
    %dma_wait3A_443 = tpu.memref_slice %arg7[%dma_wait3A_442] : memref<880xi32, #tpu.memory_space<vmem>> -> memref<40xi32, #tpu.memory_space<vmem>>
    %dma_wait3A_444 = arith.constant 0 : i32
    %dma_wait3A_445 = arith.constant 0 : i32
    %dma_wait3A_446 = tpu.memref_slice %arg2[%dma_wait3A_444, %dma_wait3A_445] : memref<32768x1024xf32, #tpu.memory_space<hbm>> -> memref<32768x1024xf32, #tpu.memory_space<hbm>>
    tpu.wait_indirect_dma semaphore(%arg12 : memref<!tpu.dma_semaphore, #tpu.memory_space<semaphore_mem>>) src(%dma_wait3A_446 : memref<32768x1024xf32, #tpu.memory_space<hbm>>) dst(%dma_wait3A_441 : memref<40x1024xf32, #tpu.memory_space<vmem>>)
    %add3A_447 = arith.constant 224 : i32
    %add3A_448 = arith.addi %add3A_447, %add3A : i32
    %dma_start3A_449 = arith.constant 1 : i32
    %dma_start3A_450 = arith.constant 0 : i32
    %dma_start3A_451 = arith.constant 0 : i32
    %dma_start3A_452 = tpu.memref_slice %arg8[%dma_start3A_449, %dma_start3A_450, %dma_start3A_451] : memref<3x40x1024xf32, #tpu.memory_space<vmem>> -> memref<1x40x1024xf32, #tpu.memory_space<vmem>>
    %dma_start3A_453 = tpu.memref_squeeze %dma_start3A_452 : memref<1x40x1024xf32, #tpu.memory_space<vmem>> -> memref<40x1024xf32, #tpu.memory_space<vmem>>
    %dma_start3A_454 = arith.constant 0 : i32
    %dma_start3A_455 = arith.constant 0 : i32
    %dma_start3A_456 = tpu.memref_slice %arg5[%add3A_448, %dma_start3A_454, %dma_start3A_455] : memref<696x40x1024xf32, #tpu.memory_space<hbm>> -> memref<1x40x1024xf32, #tpu.memory_space<hbm>>
    %dma_start3A_457 = tpu.memref_squeeze %dma_start3A_456 : memref<1x40x1024xf32, #tpu.memory_space<hbm>> -> memref<40x1024xf32, #tpu.memory_space<hbm>>
    %dma_start3A_458 = arith.constant 0 : i32
    %dma_start3A_459 = arith.constant 0 : i32
    %dma_start3A_460 = tpu.memref_slice %arg5[%add3A_448, %dma_start3A_458, %dma_start3A_459] : memref<696x40x1024xf32, #tpu.memory_space<hbm>> -> memref<1x40x1024xf32, #tpu.memory_space<hbm>>
    %dma_start3A_461 = tpu.memref_squeeze %dma_start3A_460 : memref<1x40x1024xf32, #tpu.memory_space<hbm>> -> memref<40x1024xf32, #tpu.memory_space<hbm>>
    %dma_start3A_462 = arith.constant 0 : i32
    %dma_start3A_463 = arith.constant 0 : i32
    %dma_start3A_464 = tpu.memref_slice %arg8[%dma_start3A_449, %dma_start3A_462, %dma_start3A_463] : memref<3x40x1024xf32, #tpu.memory_space<vmem>> -> memref<1x40x1024xf32, #tpu.memory_space<vmem>>
    %dma_start3A_465 = tpu.memref_squeeze %dma_start3A_464 : memref<1x40x1024xf32, #tpu.memory_space<vmem>> -> memref<40x1024xf32, #tpu.memory_space<vmem>>
    tpu.enqueue_dma source(%dma_start3A_465 : memref<40x1024xf32, #tpu.memory_space<vmem>>) target(%dma_start3A_461 : memref<40x1024xf32, #tpu.memory_space<hbm>>) target_semaphore(%arg15 : memref<!tpu.dma_semaphore, #tpu.memory_space<semaphore_mem>>)
    %add3A_466 = arith.constant 224 : i32
    %add3A_467 = arith.addi %add3A_466, %add3A : i32
    %dma_wait3A_468 = arith.constant 1 : i32
    %dma_wait3A_469 = arith.constant 0 : i32
    %dma_wait3A_470 = arith.constant 0 : i32
    %dma_wait3A_471 = tpu.memref_slice %arg8[%dma_wait3A_468, %dma_wait3A_469, %dma_wait3A_470] : memref<3x40x1024xf32, #tpu.memory_space<vmem>> -> memref<1x40x1024xf32, #tpu.memory_space<vmem>>
    %dma_wait3A_472 = tpu.memref_squeeze %dma_wait3A_471 : memref<1x40x1024xf32, #tpu.memory_space<vmem>> -> memref<40x1024xf32, #tpu.memory_space<vmem>>
    %dma_wait3A_473 = arith.constant 0 : i32
    %dma_wait3A_474 = arith.constant 0 : i32
    %dma_wait3A_475 = tpu.memref_slice %arg5[%add3A_467, %dma_wait3A_473, %dma_wait3A_474] : memref<696x40x1024xf32, #tpu.memory_space<hbm>> -> memref<1x40x1024xf32, #tpu.memory_space<hbm>>
    %dma_wait3A_476 = tpu.memref_squeeze %dma_wait3A_475 : memref<1x40x1024xf32, #tpu.memory_space<hbm>> -> memref<40x1024xf32, #tpu.memory_space<hbm>>
    %dma_wait3A_477 = arith.constant 0 : i32
    %dma_wait3A_478 = arith.constant 0 : i32
    %dma_wait3A_479 = tpu.memref_slice %arg5[%add3A_467, %dma_wait3A_477, %dma_wait3A_478] : memref<696x40x1024xf32, #tpu.memory_space<hbm>> -> memref<1x40x1024xf32, #tpu.memory_space<hbm>>
    %dma_wait3A_480 = tpu.memref_squeeze %dma_wait3A_479 : memref<1x40x1024xf32, #tpu.memory_space<hbm>> -> memref<40x1024xf32, #tpu.memory_space<hbm>>
    %dma_wait3A_481 = arith.constant 0 : i32
    %dma_wait3A_482 = arith.constant 0 : i32
    %dma_wait3A_483 = tpu.memref_slice %arg8[%dma_wait3A_468, %dma_wait3A_481, %dma_wait3A_482] : memref<3x40x1024xf32, #tpu.memory_space<vmem>> -> memref<1x40x1024xf32, #tpu.memory_space<vmem>>
    %dma_wait3A_484 = tpu.memref_squeeze %dma_wait3A_483 : memref<1x40x1024xf32, #tpu.memory_space<vmem>> -> memref<40x1024xf32, #tpu.memory_space<vmem>>
    tpu.wait_dma2 semaphore(%arg15 : memref<!tpu.dma_semaphore, #tpu.memory_space<semaphore_mem>>) src(%dma_wait3A_484 : memref<40x1024xf32, #tpu.memory_space<vmem>>) dst(%dma_wait3A_480 : memref<40x1024xf32, #tpu.memory_space<hbm>>)
    %dma_start3A_485 = arith.constant 1 : i32
    %dma_start3A_486 = arith.constant 0 : i32
    %dma_start3A_487 = arith.constant 0 : i32
    %dma_start3A_488 = tpu.memref_slice %arg8[%dma_start3A_485, %dma_start3A_486, %dma_start3A_487] : memref<3x40x1024xf32, #tpu.memory_space<vmem>> -> memref<1x40x1024xf32, #tpu.memory_space<vmem>>
    %dma_start3A_489 = tpu.memref_squeeze %dma_start3A_488 : memref<1x40x1024xf32, #tpu.memory_space<vmem>> -> memref<40x1024xf32, #tpu.memory_space<vmem>>
    %dma_start3A_490 = arith.constant 400 : i32
    %dma_start3A_491 = tpu.memref_slice %arg7[%dma_start3A_490] : memref<880xi32, #tpu.memory_space<vmem>> -> memref<40xi32, #tpu.memory_space<vmem>>
    %dma_start3A_492 = arith.constant 0 : i32
    %dma_start3A_493 = arith.constant 0 : i32
    %dma_start3A_494 = tpu.memref_slice %arg2[%dma_start3A_492, %dma_start3A_493] : memref<32768x1024xf32, #tpu.memory_space<hbm>> -> memref<32768x1024xf32, #tpu.memory_space<hbm>>
    tpu.enqueue_indirect_dma source(%dma_start3A_494 : memref<32768x1024xf32, #tpu.memory_space<hbm>>) target(%dma_start3A_489 : memref<40x1024xf32, #tpu.memory_space<vmem>>) offsets(%dma_start3A_491 : memref<40xi32, #tpu.memory_space<vmem>>) semaphore(%arg12 : memref<!tpu.dma_semaphore, #tpu.memory_space<semaphore_mem>>)
    %dma_wait3A_495 = arith.constant 2 : i32
    %dma_wait3A_496 = arith.constant 0 : i32
    %dma_wait3A_497 = arith.constant 0 : i32
    %dma_wait3A_498 = tpu.memref_slice %arg8[%dma_wait3A_495, %dma_wait3A_496, %dma_wait3A_497] : memref<3x40x1024xf32, #tpu.memory_space<vmem>> -> memref<1x40x1024xf32, #tpu.memory_space<vmem>>
    %dma_wait3A_499 = tpu.memref_squeeze %dma_wait3A_498 : memref<1x40x1024xf32, #tpu.memory_space<vmem>> -> memref<40x1024xf32, #tpu.memory_space<vmem>>
    %dma_wait3A_500 = arith.constant 320 : i32
    %dma_wait3A_501 = tpu.memref_slice %arg7[%dma_wait3A_500] : memref<880xi32, #tpu.memory_space<vmem>> -> memref<40xi32, #tpu.memory_space<vmem>>
    %dma_wait3A_502 = arith.constant 0 : i32
    %dma_wait3A_503 = arith.constant 0 : i32
    %dma_wait3A_504 = tpu.memref_slice %arg2[%dma_wait3A_502, %dma_wait3A_503] : memref<32768x1024xf32, #tpu.memory_space<hbm>> -> memref<32768x1024xf32, #tpu.memory_space<hbm>>
    tpu.wait_indirect_dma semaphore(%arg13 : memref<!tpu.dma_semaphore, #tpu.memory_space<semaphore_mem>>) src(%dma_wait3A_504 : memref<32768x1024xf32, #tpu.memory_space<hbm>>) dst(%dma_wait3A_499 : memref<40x1024xf32, #tpu.memory_space<vmem>>)
    %add3A_505 = arith.constant 256 : i32
    %add3A_506 = arith.addi %add3A_505, %add3A : i32
    %dma_start3A_507 = arith.constant 2 : i32
    %dma_start3A_508 = arith.constant 0 : i32
    %dma_start3A_509 = arith.constant 0 : i32
    %dma_start3A_510 = tpu.memref_slice %arg8[%dma_start3A_507, %dma_start3A_508, %dma_start3A_509] : memref<3x40x1024xf32, #tpu.memory_space<vmem>> -> memref<1x40x1024xf32, #tpu.memory_space<vmem>>
    %dma_start3A_511 = tpu.memref_squeeze %dma_start3A_510 : memref<1x40x1024xf32, #tpu.memory_space<vmem>> -> memref<40x1024xf32, #tpu.memory_space<vmem>>
    %dma_start3A_512 = arith.constant 0 : i32
    %dma_start3A_513 = arith.constant 0 : i32
    %dma_start3A_514 = tpu.memref_slice %arg5[%add3A_506, %dma_start3A_512, %dma_start3A_513] : memref<696x40x1024xf32, #tpu.memory_space<hbm>> -> memref<1x40x1024xf32, #tpu.memory_space<hbm>>
    %dma_start3A_515 = tpu.memref_squeeze %dma_start3A_514 : memref<1x40x1024xf32, #tpu.memory_space<hbm>> -> memref<40x1024xf32, #tpu.memory_space<hbm>>
    %dma_start3A_516 = arith.constant 0 : i32
    %dma_start3A_517 = arith.constant 0 : i32
    %dma_start3A_518 = tpu.memref_slice %arg5[%add3A_506, %dma_start3A_516, %dma_start3A_517] : memref<696x40x1024xf32, #tpu.memory_space<hbm>> -> memref<1x40x1024xf32, #tpu.memory_space<hbm>>
    %dma_start3A_519 = tpu.memref_squeeze %dma_start3A_518 : memref<1x40x1024xf32, #tpu.memory_space<hbm>> -> memref<40x1024xf32, #tpu.memory_space<hbm>>
    %dma_start3A_520 = arith.constant 0 : i32
    %dma_start3A_521 = arith.constant 0 : i32
    %dma_start3A_522 = tpu.memref_slice %arg8[%dma_start3A_507, %dma_start3A_520, %dma_start3A_521] : memref<3x40x1024xf32, #tpu.memory_space<vmem>> -> memref<1x40x1024xf32, #tpu.memory_space<vmem>>
    %dma_start3A_523 = tpu.memref_squeeze %dma_start3A_522 : memref<1x40x1024xf32, #tpu.memory_space<vmem>> -> memref<40x1024xf32, #tpu.memory_space<vmem>>
    tpu.enqueue_dma source(%dma_start3A_523 : memref<40x1024xf32, #tpu.memory_space<vmem>>) target(%dma_start3A_519 : memref<40x1024xf32, #tpu.memory_space<hbm>>) target_semaphore(%arg16 : memref<!tpu.dma_semaphore, #tpu.memory_space<semaphore_mem>>)
    %add3A_524 = arith.constant 256 : i32
    %add3A_525 = arith.addi %add3A_524, %add3A : i32
    %dma_wait3A_526 = arith.constant 2 : i32
    %dma_wait3A_527 = arith.constant 0 : i32
    %dma_wait3A_528 = arith.constant 0 : i32
    %dma_wait3A_529 = tpu.memref_slice %arg8[%dma_wait3A_526, %dma_wait3A_527, %dma_wait3A_528] : memref<3x40x1024xf32, #tpu.memory_space<vmem>> -> memref<1x40x1024xf32, #tpu.memory_space<vmem>>
    %dma_wait3A_530 = tpu.memref_squeeze %dma_wait3A_529 : memref<1x40x1024xf32, #tpu.memory_space<vmem>> -> memref<40x1024xf32, #tpu.memory_space<vmem>>
    %dma_wait3A_531 = arith.constant 0 : i32
    %dma_wait3A_532 = arith.constant 0 : i32
    %dma_wait3A_533 = tpu.memref_slice %arg5[%add3A_525, %dma_wait3A_531, %dma_wait3A_532] : memref<696x40x1024xf32, #tpu.memory_space<hbm>> -> memref<1x40x1024xf32, #tpu.memory_space<hbm>>
    %dma_wait3A_534 = tpu.memref_squeeze %dma_wait3A_533 : memref<1x40x1024xf32, #tpu.memory_space<hbm>> -> memref<40x1024xf32, #tpu.memory_space<hbm>>
    %dma_wait3A_535 = arith.constant 0 : i32
    %dma_wait3A_536 = arith.constant 0 : i32
    %dma_wait3A_537 = tpu.memref_slice %arg5[%add3A_525, %dma_wait3A_535, %dma_wait3A_536] : memref<696x40x1024xf32, #tpu.memory_space<hbm>> -> memref<1x40x1024xf32, #tpu.memory_space<hbm>>
    %dma_wait3A_538 = tpu.memref_squeeze %dma_wait3A_537 : memref<1x40x1024xf32, #tpu.memory_space<hbm>> -> memref<40x1024xf32, #tpu.memory_space<hbm>>
    %dma_wait3A_539 = arith.constant 0 : i32
    %dma_wait3A_540 = arith.constant 0 : i32
    %dma_wait3A_541 = tpu.memref_slice %arg8[%dma_wait3A_526, %dma_wait3A_539, %dma_wait3A_540] : memref<3x40x1024xf32, #tpu.memory_space<vmem>> -> memref<1x40x1024xf32, #tpu.memory_space<vmem>>
    %dma_wait3A_542 = tpu.memref_squeeze %dma_wait3A_541 : memref<1x40x1024xf32, #tpu.memory_space<vmem>> -> memref<40x1024xf32, #tpu.memory_space<vmem>>
    tpu.wait_dma2 semaphore(%arg16 : memref<!tpu.dma_semaphore, #tpu.memory_space<semaphore_mem>>) src(%dma_wait3A_542 : memref<40x1024xf32, #tpu.memory_space<vmem>>) dst(%dma_wait3A_538 : memref<40x1024xf32, #tpu.memory_space<hbm>>)
    %dma_start3A_543 = arith.constant 2 : i32
    %dma_start3A_544 = arith.constant 0 : i32
    %dma_start3A_545 = arith.constant 0 : i32
    %dma_start3A_546 = tpu.memref_slice %arg8[%dma_start3A_543, %dma_start3A_544, %dma_start3A_545] : memref<3x40x1024xf32, #tpu.memory_space<vmem>> -> memref<1x40x1024xf32, #tpu.memory_space<vmem>>
    %dma_start3A_547 = tpu.memref_squeeze %dma_start3A_546 : memref<1x40x1024xf32, #tpu.memory_space<vmem>> -> memref<40x1024xf32, #tpu.memory_space<vmem>>
    %dma_start3A_548 = arith.constant 440 : i32
    %dma_start3A_549 = tpu.memref_slice %arg7[%dma_start3A_548] : memref<880xi32, #tpu.memory_space<vmem>> -> memref<40xi32, #tpu.memory_space<vmem>>
    %dma_start3A_550 = arith.constant 0 : i32
    %dma_start3A_551 = arith.constant 0 : i32
    %dma_start3A_552 = tpu.memref_slice %arg2[%dma_start3A_550, %dma_start3A_551] : memref<32768x1024xf32, #tpu.memory_space<hbm>> -> memref<32768x1024xf32, #tpu.memory_space<hbm>>
    tpu.enqueue_indirect_dma source(%dma_start3A_552 : memref<32768x1024xf32, #tpu.memory_space<hbm>>) target(%dma_start3A_547 : memref<40x1024xf32, #tpu.memory_space<vmem>>) offsets(%dma_start3A_549 : memref<40xi32, #tpu.memory_space<vmem>>) semaphore(%arg13 : memref<!tpu.dma_semaphore, #tpu.memory_space<semaphore_mem>>)
    %dma_wait3A_553 = arith.constant 0 : i32
    %dma_wait3A_554 = arith.constant 0 : i32
    %dma_wait3A_555 = arith.constant 0 : i32
    %dma_wait3A_556 = tpu.memref_slice %arg8[%dma_wait3A_553, %dma_wait3A_554, %dma_wait3A_555] : memref<3x40x1024xf32, #tpu.memory_space<vmem>> -> memref<1x40x1024xf32, #tpu.memory_space<vmem>>
    %dma_wait3A_557 = tpu.memref_squeeze %dma_wait3A_556 : memref<1x40x1024xf32, #tpu.memory_space<vmem>> -> memref<40x1024xf32, #tpu.memory_space<vmem>>
    %dma_wait3A_558 = arith.constant 360 : i32
    %dma_wait3A_559 = tpu.memref_slice %arg7[%dma_wait3A_558] : memref<880xi32, #tpu.memory_space<vmem>> -> memref<40xi32, #tpu.memory_space<vmem>>
    %dma_wait3A_560 = arith.constant 0 : i32
    %dma_wait3A_561 = arith.constant 0 : i32
    %dma_wait3A_562 = tpu.memref_slice %arg2[%dma_wait3A_560, %dma_wait3A_561] : memref<32768x1024xf32, #tpu.memory_space<hbm>> -> memref<32768x1024xf32, #tpu.memory_space<hbm>>
    tpu.wait_indirect_dma semaphore(%arg11 : memref<!tpu.dma_semaphore, #tpu.memory_space<semaphore_mem>>) src(%dma_wait3A_562 : memref<32768x1024xf32, #tpu.memory_space<hbm>>) dst(%dma_wait3A_557 : memref<40x1024xf32, #tpu.memory_space<vmem>>)
    %add3A_563 = arith.constant 288 : i32
    %add3A_564 = arith.addi %add3A_563, %add3A : i32
    %dma_start3A_565 = arith.constant 0 : i32
    %dma_start3A_566 = arith.constant 0 : i32
    %dma_start3A_567 = arith.constant 0 : i32
    %dma_start3A_568 = tpu.memref_slice %arg8[%dma_start3A_565, %dma_start3A_566, %dma_start3A_567] : memref<3x40x1024xf32, #tpu.memory_space<vmem>> -> memref<1x40x1024xf32, #tpu.memory_space<vmem>>
    %dma_start3A_569 = tpu.memref_squeeze %dma_start3A_568 : memref<1x40x1024xf32, #tpu.memory_space<vmem>> -> memref<40x1024xf32, #tpu.memory_space<vmem>>
    %dma_start3A_570 = arith.constant 0 : i32
    %dma_start3A_571 = arith.constant 0 : i32
    %dma_start3A_572 = tpu.memref_slice %arg5[%add3A_564, %dma_start3A_570, %dma_start3A_571] : memref<696x40x1024xf32, #tpu.memory_space<hbm>> -> memref<1x40x1024xf32, #tpu.memory_space<hbm>>
    %dma_start3A_573 = tpu.memref_squeeze %dma_start3A_572 : memref<1x40x1024xf32, #tpu.memory_space<hbm>> -> memref<40x1024xf32, #tpu.memory_space<hbm>>
    %dma_start3A_574 = arith.constant 0 : i32
    %dma_start3A_575 = arith.constant 0 : i32
    %dma_start3A_576 = tpu.memref_slice %arg5[%add3A_564, %dma_start3A_574, %dma_start3A_575] : memref<696x40x1024xf32, #tpu.memory_space<hbm>> -> memref<1x40x1024xf32, #tpu.memory_space<hbm>>
    %dma_start3A_577 = tpu.memref_squeeze %dma_start3A_576 : memref<1x40x1024xf32, #tpu.memory_space<hbm>> -> memref<40x1024xf32, #tpu.memory_space<hbm>>
    %dma_start3A_578 = arith.constant 0 : i32
    %dma_start3A_579 = arith.constant 0 : i32
    %dma_start3A_580 = tpu.memref_slice %arg8[%dma_start3A_565, %dma_start3A_578, %dma_start3A_579] : memref<3x40x1024xf32, #tpu.memory_space<vmem>> -> memref<1x40x1024xf32, #tpu.memory_space<vmem>>
    %dma_start3A_581 = tpu.memref_squeeze %dma_start3A_580 : memref<1x40x1024xf32, #tpu.memory_space<vmem>> -> memref<40x1024xf32, #tpu.memory_space<vmem>>
    tpu.enqueue_dma source(%dma_start3A_581 : memref<40x1024xf32, #tpu.memory_space<vmem>>) target(%dma_start3A_577 : memref<40x1024xf32, #tpu.memory_space<hbm>>) target_semaphore(%arg14 : memref<!tpu.dma_semaphore, #tpu.memory_space<semaphore_mem>>)
    %add3A_582 = arith.constant 288 : i32
    %add3A_583 = arith.addi %add3A_582, %add3A : i32
    %dma_wait3A_584 = arith.constant 0 : i32
    %dma_wait3A_585 = arith.constant 0 : i32
    %dma_wait3A_586 = arith.constant 0 : i32
    %dma_wait3A_587 = tpu.memref_slice %arg8[%dma_wait3A_584, %dma_wait3A_585, %dma_wait3A_586] : memref<3x40x1024xf32, #tpu.memory_space<vmem>> -> memref<1x40x1024xf32, #tpu.memory_space<vmem>>
    %dma_wait3A_588 = tpu.memref_squeeze %dma_wait3A_587 : memref<1x40x1024xf32, #tpu.memory_space<vmem>> -> memref<40x1024xf32, #tpu.memory_space<vmem>>
    %dma_wait3A_589 = arith.constant 0 : i32
    %dma_wait3A_590 = arith.constant 0 : i32
    %dma_wait3A_591 = tpu.memref_slice %arg5[%add3A_583, %dma_wait3A_589, %dma_wait3A_590] : memref<696x40x1024xf32, #tpu.memory_space<hbm>> -> memref<1x40x1024xf32, #tpu.memory_space<hbm>>
    %dma_wait3A_592 = tpu.memref_squeeze %dma_wait3A_591 : memref<1x40x1024xf32, #tpu.memory_space<hbm>> -> memref<40x1024xf32, #tpu.memory_space<hbm>>
    %dma_wait3A_593 = arith.constant 0 : i32
    %dma_wait3A_594 = arith.constant 0 : i32
    %dma_wait3A_595 = tpu.memref_slice %arg5[%add3A_583, %dma_wait3A_593, %dma_wait3A_594] : memref<696x40x1024xf32, #tpu.memory_space<hbm>> -> memref<1x40x1024xf32, #tpu.memory_space<hbm>>
    %dma_wait3A_596 = tpu.memref_squeeze %dma_wait3A_595 : memref<1x40x1024xf32, #tpu.memory_space<hbm>> -> memref<40x1024xf32, #tpu.memory_space<hbm>>
    %dma_wait3A_597 = arith.constant 0 : i32
    %dma_wait3A_598 = arith.constant 0 : i32
    %dma_wait3A_599 = tpu.memref_slice %arg8[%dma_wait3A_584, %dma_wait3A_597, %dma_wait3A_598] : memref<3x40x1024xf32, #tpu.memory_space<vmem>> -> memref<1x40x1024xf32, #tpu.memory_space<vmem>>
    %dma_wait3A_600 = tpu.memref_squeeze %dma_wait3A_599 : memref<1x40x1024xf32, #tpu.memory_space<vmem>> -> memref<40x1024xf32, #tpu.memory_space<vmem>>
    tpu.wait_dma2 semaphore(%arg14 : memref<!tpu.dma_semaphore, #tpu.memory_space<semaphore_mem>>) src(%dma_wait3A_600 : memref<40x1024xf32, #tpu.memory_space<vmem>>) dst(%dma_wait3A_596 : memref<40x1024xf32, #tpu.memory_space<hbm>>)
    %dma_start3A_601 = arith.constant 0 : i32
    %dma_start3A_602 = arith.constant 0 : i32
    %dma_start3A_603 = arith.constant 0 : i32
    %dma_start3A_604 = tpu.memref_slice %arg8[%dma_start3A_601, %dma_start3A_602, %dma_start3A_603] : memref<3x40x1024xf32, #tpu.memory_space<vmem>> -> memref<1x40x1024xf32, #tpu.memory_space<vmem>>
    %dma_start3A_605 = tpu.memref_squeeze %dma_start3A_604 : memref<1x40x1024xf32, #tpu.memory_space<vmem>> -> memref<40x1024xf32, #tpu.memory_space<vmem>>
    %dma_start3A_606 = arith.constant 480 : i32
    %dma_start3A_607 = tpu.memref_slice %arg7[%dma_start3A_606] : memref<880xi32, #tpu.memory_space<vmem>> -> memref<40xi32, #tpu.memory_space<vmem>>
    %dma_start3A_608 = arith.constant 0 : i32
    %dma_start3A_609 = arith.constant 0 : i32
    %dma_start3A_610 = tpu.memref_slice %arg2[%dma_start3A_608, %dma_start3A_609] : memref<32768x1024xf32, #tpu.memory_space<hbm>> -> memref<32768x1024xf32, #tpu.memory_space<hbm>>
    tpu.enqueue_indirect_dma source(%dma_start3A_610 : memref<32768x1024xf32, #tpu.memory_space<hbm>>) target(%dma_start3A_605 : memref<40x1024xf32, #tpu.memory_space<vmem>>) offsets(%dma_start3A_607 : memref<40xi32, #tpu.memory_space<vmem>>) semaphore(%arg11 : memref<!tpu.dma_semaphore, #tpu.memory_space<semaphore_mem>>)
    %dma_wait3A_611 = arith.constant 1 : i32
    %dma_wait3A_612 = arith.constant 0 : i32
    %dma_wait3A_613 = arith.constant 0 : i32
    %dma_wait3A_614 = tpu.memref_slice %arg8[%dma_wait3A_611, %dma_wait3A_612, %dma_wait3A_613] : memref<3x40x1024xf32, #tpu.memory_space<vmem>> -> memref<1x40x1024xf32, #tpu.memory_space<vmem>>
    %dma_wait3A_615 = tpu.memref_squeeze %dma_wait3A_614 : memref<1x40x1024xf32, #tpu.memory_space<vmem>> -> memref<40x1024xf32, #tpu.memory_space<vmem>>
    %dma_wait3A_616 = arith.constant 400 : i32
    %dma_wait3A_617 = tpu.memref_slice %arg7[%dma_wait3A_616] : memref<880xi32, #tpu.memory_space<vmem>> -> memref<40xi32, #tpu.memory_space<vmem>>
    %dma_wait3A_618 = arith.constant 0 : i32
    %dma_wait3A_619 = arith.constant 0 : i32
    %dma_wait3A_620 = tpu.memref_slice %arg2[%dma_wait3A_618, %dma_wait3A_619] : memref<32768x1024xf32, #tpu.memory_space<hbm>> -> memref<32768x1024xf32, #tpu.memory_space<hbm>>
    tpu.wait_indirect_dma semaphore(%arg12 : memref<!tpu.dma_semaphore, #tpu.memory_space<semaphore_mem>>) src(%dma_wait3A_620 : memref<32768x1024xf32, #tpu.memory_space<hbm>>) dst(%dma_wait3A_615 : memref<40x1024xf32, #tpu.memory_space<vmem>>)
    %add3A_621 = arith.constant 320 : i32
    %add3A_622 = arith.addi %add3A_621, %add3A : i32
    %dma_start3A_623 = arith.constant 1 : i32
    %dma_start3A_624 = arith.constant 0 : i32
    %dma_start3A_625 = arith.constant 0 : i32
    %dma_start3A_626 = tpu.memref_slice %arg8[%dma_start3A_623, %dma_start3A_624, %dma_start3A_625] : memref<3x40x1024xf32, #tpu.memory_space<vmem>> -> memref<1x40x1024xf32, #tpu.memory_space<vmem>>
    %dma_start3A_627 = tpu.memref_squeeze %dma_start3A_626 : memref<1x40x1024xf32, #tpu.memory_space<vmem>> -> memref<40x1024xf32, #tpu.memory_space<vmem>>
    %dma_start3A_628 = arith.constant 0 : i32
    %dma_start3A_629 = arith.constant 0 : i32
    %dma_start3A_630 = tpu.memref_slice %arg5[%add3A_622, %dma_start3A_628, %dma_start3A_629] : memref<696x40x1024xf32, #tpu.memory_space<hbm>> -> memref<1x40x1024xf32, #tpu.memory_space<hbm>>
    %dma_start3A_631 = tpu.memref_squeeze %dma_start3A_630 : memref<1x40x1024xf32, #tpu.memory_space<hbm>> -> memref<40x1024xf32, #tpu.memory_space<hbm>>
    %dma_start3A_632 = arith.constant 0 : i32
    %dma_start3A_633 = arith.constant 0 : i32
    %dma_start3A_634 = tpu.memref_slice %arg5[%add3A_622, %dma_start3A_632, %dma_start3A_633] : memref<696x40x1024xf32, #tpu.memory_space<hbm>> -> memref<1x40x1024xf32, #tpu.memory_space<hbm>>
    %dma_start3A_635 = tpu.memref_squeeze %dma_start3A_634 : memref<1x40x1024xf32, #tpu.memory_space<hbm>> -> memref<40x1024xf32, #tpu.memory_space<hbm>>
    %dma_start3A_636 = arith.constant 0 : i32
    %dma_start3A_637 = arith.constant 0 : i32
    %dma_start3A_638 = tpu.memref_slice %arg8[%dma_start3A_623, %dma_start3A_636, %dma_start3A_637] : memref<3x40x1024xf32, #tpu.memory_space<vmem>> -> memref<1x40x1024xf32, #tpu.memory_space<vmem>>
    %dma_start3A_639 = tpu.memref_squeeze %dma_start3A_638 : memref<1x40x1024xf32, #tpu.memory_space<vmem>> -> memref<40x1024xf32, #tpu.memory_space<vmem>>
    tpu.enqueue_dma source(%dma_start3A_639 : memref<40x1024xf32, #tpu.memory_space<vmem>>) target(%dma_start3A_635 : memref<40x1024xf32, #tpu.memory_space<hbm>>) target_semaphore(%arg15 : memref<!tpu.dma_semaphore, #tpu.memory_space<semaphore_mem>>)
    %add3A_640 = arith.constant 320 : i32
    %add3A_641 = arith.addi %add3A_640, %add3A : i32
    %dma_wait3A_642 = arith.constant 1 : i32
    %dma_wait3A_643 = arith.constant 0 : i32
    %dma_wait3A_644 = arith.constant 0 : i32
    %dma_wait3A_645 = tpu.memref_slice %arg8[%dma_wait3A_642, %dma_wait3A_643, %dma_wait3A_644] : memref<3x40x1024xf32, #tpu.memory_space<vmem>> -> memref<1x40x1024xf32, #tpu.memory_space<vmem>>
    %dma_wait3A_646 = tpu.memref_squeeze %dma_wait3A_645 : memref<1x40x1024xf32, #tpu.memory_space<vmem>> -> memref<40x1024xf32, #tpu.memory_space<vmem>>
    %dma_wait3A_647 = arith.constant 0 : i32
    %dma_wait3A_648 = arith.constant 0 : i32
    %dma_wait3A_649 = tpu.memref_slice %arg5[%add3A_641, %dma_wait3A_647, %dma_wait3A_648] : memref<696x40x1024xf32, #tpu.memory_space<hbm>> -> memref<1x40x1024xf32, #tpu.memory_space<hbm>>
    %dma_wait3A_650 = tpu.memref_squeeze %dma_wait3A_649 : memref<1x40x1024xf32, #tpu.memory_space<hbm>> -> memref<40x1024xf32, #tpu.memory_space<hbm>>
    %dma_wait3A_651 = arith.constant 0 : i32
    %dma_wait3A_652 = arith.constant 0 : i32
    %dma_wait3A_653 = tpu.memref_slice %arg5[%add3A_641, %dma_wait3A_651, %dma_wait3A_652] : memref<696x40x1024xf32, #tpu.memory_space<hbm>> -> memref<1x40x1024xf32, #tpu.memory_space<hbm>>
    %dma_wait3A_654 = tpu.memref_squeeze %dma_wait3A_653 : memref<1x40x1024xf32, #tpu.memory_space<hbm>> -> memref<40x1024xf32, #tpu.memory_space<hbm>>
    %dma_wait3A_655 = arith.constant 0 : i32
    %dma_wait3A_656 = arith.constant 0 : i32
    %dma_wait3A_657 = tpu.memref_slice %arg8[%dma_wait3A_642, %dma_wait3A_655, %dma_wait3A_656] : memref<3x40x1024xf32, #tpu.memory_space<vmem>> -> memref<1x40x1024xf32, #tpu.memory_space<vmem>>
    %dma_wait3A_658 = tpu.memref_squeeze %dma_wait3A_657 : memref<1x40x1024xf32, #tpu.memory_space<vmem>> -> memref<40x1024xf32, #tpu.memory_space<vmem>>
    tpu.wait_dma2 semaphore(%arg15 : memref<!tpu.dma_semaphore, #tpu.memory_space<semaphore_mem>>) src(%dma_wait3A_658 : memref<40x1024xf32, #tpu.memory_space<vmem>>) dst(%dma_wait3A_654 : memref<40x1024xf32, #tpu.memory_space<hbm>>)
    %dma_start3A_659 = arith.constant 1 : i32
    %dma_start3A_660 = arith.constant 0 : i32
    %dma_start3A_661 = arith.constant 0 : i32
    %dma_start3A_662 = tpu.memref_slice %arg8[%dma_start3A_659, %dma_start3A_660, %dma_start3A_661] : memref<3x40x1024xf32, #tpu.memory_space<vmem>> -> memref<1x40x1024xf32, #tpu.memory_space<vmem>>
    %dma_start3A_663 = tpu.memref_squeeze %dma_start3A_662 : memref<1x40x1024xf32, #tpu.memory_space<vmem>> -> memref<40x1024xf32, #tpu.memory_space<vmem>>
    %dma_start3A_664 = arith.constant 520 : i32
    %dma_start3A_665 = tpu.memref_slice %arg7[%dma_start3A_664] : memref<880xi32, #tpu.memory_space<vmem>> -> memref<40xi32, #tpu.memory_space<vmem>>
    %dma_start3A_666 = arith.constant 0 : i32
    %dma_start3A_667 = arith.constant 0 : i32
    %dma_start3A_668 = tpu.memref_slice %arg2[%dma_start3A_666, %dma_start3A_667] : memref<32768x1024xf32, #tpu.memory_space<hbm>> -> memref<32768x1024xf32, #tpu.memory_space<hbm>>
    tpu.enqueue_indirect_dma source(%dma_start3A_668 : memref<32768x1024xf32, #tpu.memory_space<hbm>>) target(%dma_start3A_663 : memref<40x1024xf32, #tpu.memory_space<vmem>>) offsets(%dma_start3A_665 : memref<40xi32, #tpu.memory_space<vmem>>) semaphore(%arg12 : memref<!tpu.dma_semaphore, #tpu.memory_space<semaphore_mem>>)
    %dma_wait3A_669 = arith.constant 2 : i32
    %dma_wait3A_670 = arith.constant 0 : i32
    %dma_wait3A_671 = arith.constant 0 : i32
    %dma_wait3A_672 = tpu.memref_slice %arg8[%dma_wait3A_669, %dma_wait3A_670, %dma_wait3A_671] : memref<3x40x1024xf32, #tpu.memory_space<vmem>> -> memref<1x40x1024xf32, #tpu.memory_space<vmem>>
    %dma_wait3A_673 = tpu.memref_squeeze %dma_wait3A_672 : memref<1x40x1024xf32, #tpu.memory_space<vmem>> -> memref<40x1024xf32, #tpu.memory_space<vmem>>
    %dma_wait3A_674 = arith.constant 440 : i32
    %dma_wait3A_675 = tpu.memref_slice %arg7[%dma_wait3A_674] : memref<880xi32, #tpu.memory_space<vmem>> -> memref<40xi32, #tpu.memory_space<vmem>>
    %dma_wait3A_676 = arith.constant 0 : i32
    %dma_wait3A_677 = arith.constant 0 : i32
    %dma_wait3A_678 = tpu.memref_slice %arg2[%dma_wait3A_676, %dma_wait3A_677] : memref<32768x1024xf32, #tpu.memory_space<hbm>> -> memref<32768x1024xf32, #tpu.memory_space<hbm>>
    tpu.wait_indirect_dma semaphore(%arg13 : memref<!tpu.dma_semaphore, #tpu.memory_space<semaphore_mem>>) src(%dma_wait3A_678 : memref<32768x1024xf32, #tpu.memory_space<hbm>>) dst(%dma_wait3A_673 : memref<40x1024xf32, #tpu.memory_space<vmem>>)
    %add3A_679 = arith.constant 352 : i32
    %add3A_680 = arith.addi %add3A_679, %add3A : i32
    %dma_start3A_681 = arith.constant 2 : i32
    %dma_start3A_682 = arith.constant 0 : i32
    %dma_start3A_683 = arith.constant 0 : i32
    %dma_start3A_684 = tpu.memref_slice %arg8[%dma_start3A_681, %dma_start3A_682, %dma_start3A_683] : memref<3x40x1024xf32, #tpu.memory_space<vmem>> -> memref<1x40x1024xf32, #tpu.memory_space<vmem>>
    %dma_start3A_685 = tpu.memref_squeeze %dma_start3A_684 : memref<1x40x1024xf32, #tpu.memory_space<vmem>> -> memref<40x1024xf32, #tpu.memory_space<vmem>>
    %dma_start3A_686 = arith.constant 0 : i32
    %dma_start3A_687 = arith.constant 0 : i32
    %dma_start3A_688 = tpu.memref_slice %arg5[%add3A_680, %dma_start3A_686, %dma_start3A_687] : memref<696x40x1024xf32, #tpu.memory_space<hbm>> -> memref<1x40x1024xf32, #tpu.memory_space<hbm>>
    %dma_start3A_689 = tpu.memref_squeeze %dma_start3A_688 : memref<1x40x1024xf32, #tpu.memory_space<hbm>> -> memref<40x1024xf32, #tpu.memory_space<hbm>>
    %dma_start3A_690 = arith.constant 0 : i32
    %dma_start3A_691 = arith.constant 0 : i32
    %dma_start3A_692 = tpu.memref_slice %arg5[%add3A_680, %dma_start3A_690, %dma_start3A_691] : memref<696x40x1024xf32, #tpu.memory_space<hbm>> -> memref<1x40x1024xf32, #tpu.memory_space<hbm>>
    %dma_start3A_693 = tpu.memref_squeeze %dma_start3A_692 : memref<1x40x1024xf32, #tpu.memory_space<hbm>> -> memref<40x1024xf32, #tpu.memory_space<hbm>>
    %dma_start3A_694 = arith.constant 0 : i32
    %dma_start3A_695 = arith.constant 0 : i32
    %dma_start3A_696 = tpu.memref_slice %arg8[%dma_start3A_681, %dma_start3A_694, %dma_start3A_695] : memref<3x40x1024xf32, #tpu.memory_space<vmem>> -> memref<1x40x1024xf32, #tpu.memory_space<vmem>>
    %dma_start3A_697 = tpu.memref_squeeze %dma_start3A_696 : memref<1x40x1024xf32, #tpu.memory_space<vmem>> -> memref<40x1024xf32, #tpu.memory_space<vmem>>
    tpu.enqueue_dma source(%dma_start3A_697 : memref<40x1024xf32, #tpu.memory_space<vmem>>) target(%dma_start3A_693 : memref<40x1024xf32, #tpu.memory_space<hbm>>) target_semaphore(%arg16 : memref<!tpu.dma_semaphore, #tpu.memory_space<semaphore_mem>>)
    %add3A_698 = arith.constant 352 : i32
    %add3A_699 = arith.addi %add3A_698, %add3A : i32
    %dma_wait3A_700 = arith.constant 2 : i32
    %dma_wait3A_701 = arith.constant 0 : i32
    %dma_wait3A_702 = arith.constant 0 : i32
    %dma_wait3A_703 = tpu.memref_slice %arg8[%dma_wait3A_700, %dma_wait3A_701, %dma_wait3A_702] : memref<3x40x1024xf32, #tpu.memory_space<vmem>> -> memref<1x40x1024xf32, #tpu.memory_space<vmem>>
    %dma_wait3A_704 = tpu.memref_squeeze %dma_wait3A_703 : memref<1x40x1024xf32, #tpu.memory_space<vmem>> -> memref<40x1024xf32, #tpu.memory_space<vmem>>
    %dma_wait3A_705 = arith.constant 0 : i32
    %dma_wait3A_706 = arith.constant 0 : i32
    %dma_wait3A_707 = tpu.memref_slice %arg5[%add3A_699, %dma_wait3A_705, %dma_wait3A_706] : memref<696x40x1024xf32, #tpu.memory_space<hbm>> -> memref<1x40x1024xf32, #tpu.memory_space<hbm>>
    %dma_wait3A_708 = tpu.memref_squeeze %dma_wait3A_707 : memref<1x40x1024xf32, #tpu.memory_space<hbm>> -> memref<40x1024xf32, #tpu.memory_space<hbm>>
    %dma_wait3A_709 = arith.constant 0 : i32
    %dma_wait3A_710 = arith.constant 0 : i32
    %dma_wait3A_711 = tpu.memref_slice %arg5[%add3A_699, %dma_wait3A_709, %dma_wait3A_710] : memref<696x40x1024xf32, #tpu.memory_space<hbm>> -> memref<1x40x1024xf32, #tpu.memory_space<hbm>>
    %dma_wait3A_712 = tpu.memref_squeeze %dma_wait3A_711 : memref<1x40x1024xf32, #tpu.memory_space<hbm>> -> memref<40x1024xf32, #tpu.memory_space<hbm>>
    %dma_wait3A_713 = arith.constant 0 : i32
    %dma_wait3A_714 = arith.constant 0 : i32
    %dma_wait3A_715 = tpu.memref_slice %arg8[%dma_wait3A_700, %dma_wait3A_713, %dma_wait3A_714] : memref<3x40x1024xf32, #tpu.memory_space<vmem>> -> memref<1x40x1024xf32, #tpu.memory_space<vmem>>
    %dma_wait3A_716 = tpu.memref_squeeze %dma_wait3A_715 : memref<1x40x1024xf32, #tpu.memory_space<vmem>> -> memref<40x1024xf32, #tpu.memory_space<vmem>>
    tpu.wait_dma2 semaphore(%arg16 : memref<!tpu.dma_semaphore, #tpu.memory_space<semaphore_mem>>) src(%dma_wait3A_716 : memref<40x1024xf32, #tpu.memory_space<vmem>>) dst(%dma_wait3A_712 : memref<40x1024xf32, #tpu.memory_space<hbm>>)
    %dma_start3A_717 = arith.constant 2 : i32
    %dma_start3A_718 = arith.constant 0 : i32
    %dma_start3A_719 = arith.constant 0 : i32
    %dma_start3A_720 = tpu.memref_slice %arg8[%dma_start3A_717, %dma_start3A_718, %dma_start3A_719] : memref<3x40x1024xf32, #tpu.memory_space<vmem>> -> memref<1x40x1024xf32, #tpu.memory_space<vmem>>
    %dma_start3A_721 = tpu.memref_squeeze %dma_start3A_720 : memref<1x40x1024xf32, #tpu.memory_space<vmem>> -> memref<40x1024xf32, #tpu.memory_space<vmem>>
    %dma_start3A_722 = arith.constant 560 : i32
    %dma_start3A_723 = tpu.memref_slice %arg7[%dma_start3A_722] : memref<880xi32, #tpu.memory_space<vmem>> -> memref<40xi32, #tpu.memory_space<vmem>>
    %dma_start3A_724 = arith.constant 0 : i32
    %dma_start3A_725 = arith.constant 0 : i32
    %dma_start3A_726 = tpu.memref_slice %arg2[%dma_start3A_724, %dma_start3A_725] : memref<32768x1024xf32, #tpu.memory_space<hbm>> -> memref<32768x1024xf32, #tpu.memory_space<hbm>>
    tpu.enqueue_indirect_dma source(%dma_start3A_726 : memref<32768x1024xf32, #tpu.memory_space<hbm>>) target(%dma_start3A_721 : memref<40x1024xf32, #tpu.memory_space<vmem>>) offsets(%dma_start3A_723 : memref<40xi32, #tpu.memory_space<vmem>>) semaphore(%arg13 : memref<!tpu.dma_semaphore, #tpu.memory_space<semaphore_mem>>)
    %dma_wait3A_727 = arith.constant 0 : i32
    %dma_wait3A_728 = arith.constant 0 : i32
    %dma_wait3A_729 = arith.constant 0 : i32
    %dma_wait3A_730 = tpu.memref_slice %arg8[%dma_wait3A_727, %dma_wait3A_728, %dma_wait3A_729] : memref<3x40x1024xf32, #tpu.memory_space<vmem>> -> memref<1x40x1024xf32, #tpu.memory_space<vmem>>
    %dma_wait3A_731 = tpu.memref_squeeze %dma_wait3A_730 : memref<1x40x1024xf32, #tpu.memory_space<vmem>> -> memref<40x1024xf32, #tpu.memory_space<vmem>>
    %dma_wait3A_732 = arith.constant 480 : i32
    %dma_wait3A_733 = tpu.memref_slice %arg7[%dma_wait3A_732] : memref<880xi32, #tpu.memory_space<vmem>> -> memref<40xi32, #tpu.memory_space<vmem>>
    %dma_wait3A_734 = arith.constant 0 : i32
    %dma_wait3A_735 = arith.constant 0 : i32
    %dma_wait3A_736 = tpu.memref_slice %arg2[%dma_wait3A_734, %dma_wait3A_735] : memref<32768x1024xf32, #tpu.memory_space<hbm>> -> memref<32768x1024xf32, #tpu.memory_space<hbm>>
    tpu.wait_indirect_dma semaphore(%arg11 : memref<!tpu.dma_semaphore, #tpu.memory_space<semaphore_mem>>) src(%dma_wait3A_736 : memref<32768x1024xf32, #tpu.memory_space<hbm>>) dst(%dma_wait3A_731 : memref<40x1024xf32, #tpu.memory_space<vmem>>)
    %add3A_737 = arith.constant 384 : i32
    %add3A_738 = arith.addi %add3A_737, %add3A : i32
    %dma_start3A_739 = arith.constant 0 : i32
    %dma_start3A_740 = arith.constant 0 : i32
    %dma_start3A_741 = arith.constant 0 : i32
    %dma_start3A_742 = tpu.memref_slice %arg8[%dma_start3A_739, %dma_start3A_740, %dma_start3A_741] : memref<3x40x1024xf32, #tpu.memory_space<vmem>> -> memref<1x40x1024xf32, #tpu.memory_space<vmem>>
    %dma_start3A_743 = tpu.memref_squeeze %dma_start3A_742 : memref<1x40x1024xf32, #tpu.memory_space<vmem>> -> memref<40x1024xf32, #tpu.memory_space<vmem>>
    %dma_start3A_744 = arith.constant 0 : i32
    %dma_start3A_745 = arith.constant 0 : i32
    %dma_start3A_746 = tpu.memref_slice %arg5[%add3A_738, %dma_start3A_744, %dma_start3A_745] : memref<696x40x1024xf32, #tpu.memory_space<hbm>> -> memref<1x40x1024xf32, #tpu.memory_space<hbm>>
    %dma_start3A_747 = tpu.memref_squeeze %dma_start3A_746 : memref<1x40x1024xf32, #tpu.memory_space<hbm>> -> memref<40x1024xf32, #tpu.memory_space<hbm>>
    %dma_start3A_748 = arith.constant 0 : i32
    %dma_start3A_749 = arith.constant 0 : i32
    %dma_start3A_750 = tpu.memref_slice %arg5[%add3A_738, %dma_start3A_748, %dma_start3A_749] : memref<696x40x1024xf32, #tpu.memory_space<hbm>> -> memref<1x40x1024xf32, #tpu.memory_space<hbm>>
    %dma_start3A_751 = tpu.memref_squeeze %dma_start3A_750 : memref<1x40x1024xf32, #tpu.memory_space<hbm>> -> memref<40x1024xf32, #tpu.memory_space<hbm>>
    %dma_start3A_752 = arith.constant 0 : i32
    %dma_start3A_753 = arith.constant 0 : i32
    %dma_start3A_754 = tpu.memref_slice %arg8[%dma_start3A_739, %dma_start3A_752, %dma_start3A_753] : memref<3x40x1024xf32, #tpu.memory_space<vmem>> -> memref<1x40x1024xf32, #tpu.memory_space<vmem>>
    %dma_start3A_755 = tpu.memref_squeeze %dma_start3A_754 : memref<1x40x1024xf32, #tpu.memory_space<vmem>> -> memref<40x1024xf32, #tpu.memory_space<vmem>>
    tpu.enqueue_dma source(%dma_start3A_755 : memref<40x1024xf32, #tpu.memory_space<vmem>>) target(%dma_start3A_751 : memref<40x1024xf32, #tpu.memory_space<hbm>>) target_semaphore(%arg14 : memref<!tpu.dma_semaphore, #tpu.memory_space<semaphore_mem>>)
    %add3A_756 = arith.constant 384 : i32
    %add3A_757 = arith.addi %add3A_756, %add3A : i32
    %dma_wait3A_758 = arith.constant 0 : i32
    %dma_wait3A_759 = arith.constant 0 : i32
    %dma_wait3A_760 = arith.constant 0 : i32
    %dma_wait3A_761 = tpu.memref_slice %arg8[%dma_wait3A_758, %dma_wait3A_759, %dma_wait3A_760] : memref<3x40x1024xf32, #tpu.memory_space<vmem>> -> memref<1x40x1024xf32, #tpu.memory_space<vmem>>
    %dma_wait3A_762 = tpu.memref_squeeze %dma_wait3A_761 : memref<1x40x1024xf32, #tpu.memory_space<vmem>> -> memref<40x1024xf32, #tpu.memory_space<vmem>>
    %dma_wait3A_763 = arith.constant 0 : i32
    %dma_wait3A_764 = arith.constant 0 : i32
    %dma_wait3A_765 = tpu.memref_slice %arg5[%add3A_757, %dma_wait3A_763, %dma_wait3A_764] : memref<696x40x1024xf32, #tpu.memory_space<hbm>> -> memref<1x40x1024xf32, #tpu.memory_space<hbm>>
    %dma_wait3A_766 = tpu.memref_squeeze %dma_wait3A_765 : memref<1x40x1024xf32, #tpu.memory_space<hbm>> -> memref<40x1024xf32, #tpu.memory_space<hbm>>
    %dma_wait3A_767 = arith.constant 0 : i32
    %dma_wait3A_768 = arith.constant 0 : i32
    %dma_wait3A_769 = tpu.memref_slice %arg5[%add3A_757, %dma_wait3A_767, %dma_wait3A_768] : memref<696x40x1024xf32, #tpu.memory_space<hbm>> -> memref<1x40x1024xf32, #tpu.memory_space<hbm>>
    %dma_wait3A_770 = tpu.memref_squeeze %dma_wait3A_769 : memref<1x40x1024xf32, #tpu.memory_space<hbm>> -> memref<40x1024xf32, #tpu.memory_space<hbm>>
    %dma_wait3A_771 = arith.constant 0 : i32
    %dma_wait3A_772 = arith.constant 0 : i32
    %dma_wait3A_773 = tpu.memref_slice %arg8[%dma_wait3A_758, %dma_wait3A_771, %dma_wait3A_772] : memref<3x40x1024xf32, #tpu.memory_space<vmem>> -> memref<1x40x1024xf32, #tpu.memory_space<vmem>>
    %dma_wait3A_774 = tpu.memref_squeeze %dma_wait3A_773 : memref<1x40x1024xf32, #tpu.memory_space<vmem>> -> memref<40x1024xf32, #tpu.memory_space<vmem>>
    tpu.wait_dma2 semaphore(%arg14 : memref<!tpu.dma_semaphore, #tpu.memory_space<semaphore_mem>>) src(%dma_wait3A_774 : memref<40x1024xf32, #tpu.memory_space<vmem>>) dst(%dma_wait3A_770 : memref<40x1024xf32, #tpu.memory_space<hbm>>)
    %dma_start3A_775 = arith.constant 0 : i32
    %dma_start3A_776 = arith.constant 0 : i32
    %dma_start3A_777 = arith.constant 0 : i32
    %dma_start3A_778 = tpu.memref_slice %arg8[%dma_start3A_775, %dma_start3A_776, %dma_start3A_777] : memref<3x40x1024xf32, #tpu.memory_space<vmem>> -> memref<1x40x1024xf32, #tpu.memory_space<vmem>>
    %dma_start3A_779 = tpu.memref_squeeze %dma_start3A_778 : memref<1x40x1024xf32, #tpu.memory_space<vmem>> -> memref<40x1024xf32, #tpu.memory_space<vmem>>
    %dma_start3A_780 = arith.constant 600 : i32
    %dma_start3A_781 = tpu.memref_slice %arg7[%dma_start3A_780] : memref<880xi32, #tpu.memory_space<vmem>> -> memref<40xi32, #tpu.memory_space<vmem>>
    %dma_start3A_782 = arith.constant 0 : i32
    %dma_start3A_783 = arith.constant 0 : i32
    %dma_start3A_784 = tpu.memref_slice %arg2[%dma_start3A_782, %dma_start3A_783] : memref<32768x1024xf32, #tpu.memory_space<hbm>> -> memref<32768x1024xf32, #tpu.memory_space<hbm>>
    tpu.enqueue_indirect_dma source(%dma_start3A_784 : memref<32768x1024xf32, #tpu.memory_space<hbm>>) target(%dma_start3A_779 : memref<40x1024xf32, #tpu.memory_space<vmem>>) offsets(%dma_start3A_781 : memref<40xi32, #tpu.memory_space<vmem>>) semaphore(%arg11 : memref<!tpu.dma_semaphore, #tpu.memory_space<semaphore_mem>>)
    %dma_wait3A_785 = arith.constant 1 : i32
    %dma_wait3A_786 = arith.constant 0 : i32
    %dma_wait3A_787 = arith.constant 0 : i32
    %dma_wait3A_788 = tpu.memref_slice %arg8[%dma_wait3A_785, %dma_wait3A_786, %dma_wait3A_787] : memref<3x40x1024xf32, #tpu.memory_space<vmem>> -> memref<1x40x1024xf32, #tpu.memory_space<vmem>>
    %dma_wait3A_789 = tpu.memref_squeeze %dma_wait3A_788 : memref<1x40x1024xf32, #tpu.memory_space<vmem>> -> memref<40x1024xf32, #tpu.memory_space<vmem>>
    %dma_wait3A_790 = arith.constant 520 : i32
    %dma_wait3A_791 = tpu.memref_slice %arg7[%dma_wait3A_790] : memref<880xi32, #tpu.memory_space<vmem>> -> memref<40xi32, #tpu.memory_space<vmem>>
    %dma_wait3A_792 = arith.constant 0 : i32
    %dma_wait3A_793 = arith.constant 0 : i32
    %dma_wait3A_794 = tpu.memref_slice %arg2[%dma_wait3A_792, %dma_wait3A_793] : memref<32768x1024xf32, #tpu.memory_space<hbm>> -> memref<32768x1024xf32, #tpu.memory_space<hbm>>
    tpu.wait_indirect_dma semaphore(%arg12 : memref<!tpu.dma_semaphore, #tpu.memory_space<semaphore_mem>>) src(%dma_wait3A_794 : memref<32768x1024xf32, #tpu.memory_space<hbm>>) dst(%dma_wait3A_789 : memref<40x1024xf32, #tpu.memory_space<vmem>>)
    %add3A_795 = arith.constant 416 : i32
    %add3A_796 = arith.addi %add3A_795, %add3A : i32
    %dma_start3A_797 = arith.constant 1 : i32
    %dma_start3A_798 = arith.constant 0 : i32
    %dma_start3A_799 = arith.constant 0 : i32
    %dma_start3A_800 = tpu.memref_slice %arg8[%dma_start3A_797, %dma_start3A_798, %dma_start3A_799] : memref<3x40x1024xf32, #tpu.memory_space<vmem>> -> memref<1x40x1024xf32, #tpu.memory_space<vmem>>
    %dma_start3A_801 = tpu.memref_squeeze %dma_start3A_800 : memref<1x40x1024xf32, #tpu.memory_space<vmem>> -> memref<40x1024xf32, #tpu.memory_space<vmem>>
    %dma_start3A_802 = arith.constant 0 : i32
    %dma_start3A_803 = arith.constant 0 : i32
    %dma_start3A_804 = tpu.memref_slice %arg5[%add3A_796, %dma_start3A_802, %dma_start3A_803] : memref<696x40x1024xf32, #tpu.memory_space<hbm>> -> memref<1x40x1024xf32, #tpu.memory_space<hbm>>
    %dma_start3A_805 = tpu.memref_squeeze %dma_start3A_804 : memref<1x40x1024xf32, #tpu.memory_space<hbm>> -> memref<40x1024xf32, #tpu.memory_space<hbm>>
    %dma_start3A_806 = arith.constant 0 : i32
    %dma_start3A_807 = arith.constant 0 : i32
    %dma_start3A_808 = tpu.memref_slice %arg5[%add3A_796, %dma_start3A_806, %dma_start3A_807] : memref<696x40x1024xf32, #tpu.memory_space<hbm>> -> memref<1x40x1024xf32, #tpu.memory_space<hbm>>
    %dma_start3A_809 = tpu.memref_squeeze %dma_start3A_808 : memref<1x40x1024xf32, #tpu.memory_space<hbm>> -> memref<40x1024xf32, #tpu.memory_space<hbm>>
    %dma_start3A_810 = arith.constant 0 : i32
    %dma_start3A_811 = arith.constant 0 : i32
    %dma_start3A_812 = tpu.memref_slice %arg8[%dma_start3A_797, %dma_start3A_810, %dma_start3A_811] : memref<3x40x1024xf32, #tpu.memory_space<vmem>> -> memref<1x40x1024xf32, #tpu.memory_space<vmem>>
    %dma_start3A_813 = tpu.memref_squeeze %dma_start3A_812 : memref<1x40x1024xf32, #tpu.memory_space<vmem>> -> memref<40x1024xf32, #tpu.memory_space<vmem>>
    tpu.enqueue_dma source(%dma_start3A_813 : memref<40x1024xf32, #tpu.memory_space<vmem>>) target(%dma_start3A_809 : memref<40x1024xf32, #tpu.memory_space<hbm>>) target_semaphore(%arg15 : memref<!tpu.dma_semaphore, #tpu.memory_space<semaphore_mem>>)
    %add3A_814 = arith.constant 416 : i32
    %add3A_815 = arith.addi %add3A_814, %add3A : i32
    %dma_wait3A_816 = arith.constant 1 : i32
    %dma_wait3A_817 = arith.constant 0 : i32
    %dma_wait3A_818 = arith.constant 0 : i32
    %dma_wait3A_819 = tpu.memref_slice %arg8[%dma_wait3A_816, %dma_wait3A_817, %dma_wait3A_818] : memref<3x40x1024xf32, #tpu.memory_space<vmem>> -> memref<1x40x1024xf32, #tpu.memory_space<vmem>>
    %dma_wait3A_820 = tpu.memref_squeeze %dma_wait3A_819 : memref<1x40x1024xf32, #tpu.memory_space<vmem>> -> memref<40x1024xf32, #tpu.memory_space<vmem>>
    %dma_wait3A_821 = arith.constant 0 : i32
    %dma_wait3A_822 = arith.constant 0 : i32
    %dma_wait3A_823 = tpu.memref_slice %arg5[%add3A_815, %dma_wait3A_821, %dma_wait3A_822] : memref<696x40x1024xf32, #tpu.memory_space<hbm>> -> memref<1x40x1024xf32, #tpu.memory_space<hbm>>
    %dma_wait3A_824 = tpu.memref_squeeze %dma_wait3A_823 : memref<1x40x1024xf32, #tpu.memory_space<hbm>> -> memref<40x1024xf32, #tpu.memory_space<hbm>>
    %dma_wait3A_825 = arith.constant 0 : i32
    %dma_wait3A_826 = arith.constant 0 : i32
    %dma_wait3A_827 = tpu.memref_slice %arg5[%add3A_815, %dma_wait3A_825, %dma_wait3A_826] : memref<696x40x1024xf32, #tpu.memory_space<hbm>> -> memref<1x40x1024xf32, #tpu.memory_space<hbm>>
    %dma_wait3A_828 = tpu.memref_squeeze %dma_wait3A_827 : memref<1x40x1024xf32, #tpu.memory_space<hbm>> -> memref<40x1024xf32, #tpu.memory_space<hbm>>
    %dma_wait3A_829 = arith.constant 0 : i32
    %dma_wait3A_830 = arith.constant 0 : i32
    %dma_wait3A_831 = tpu.memref_slice %arg8[%dma_wait3A_816, %dma_wait3A_829, %dma_wait3A_830] : memref<3x40x1024xf32, #tpu.memory_space<vmem>> -> memref<1x40x1024xf32, #tpu.memory_space<vmem>>
    %dma_wait3A_832 = tpu.memref_squeeze %dma_wait3A_831 : memref<1x40x1024xf32, #tpu.memory_space<vmem>> -> memref<40x1024xf32, #tpu.memory_space<vmem>>
    tpu.wait_dma2 semaphore(%arg15 : memref<!tpu.dma_semaphore, #tpu.memory_space<semaphore_mem>>) src(%dma_wait3A_832 : memref<40x1024xf32, #tpu.memory_space<vmem>>) dst(%dma_wait3A_828 : memref<40x1024xf32, #tpu.memory_space<hbm>>)
    %dma_start3A_833 = arith.constant 1 : i32
    %dma_start3A_834 = arith.constant 0 : i32
    %dma_start3A_835 = arith.constant 0 : i32
    %dma_start3A_836 = tpu.memref_slice %arg8[%dma_start3A_833, %dma_start3A_834, %dma_start3A_835] : memref<3x40x1024xf32, #tpu.memory_space<vmem>> -> memref<1x40x1024xf32, #tpu.memory_space<vmem>>
    %dma_start3A_837 = tpu.memref_squeeze %dma_start3A_836 : memref<1x40x1024xf32, #tpu.memory_space<vmem>> -> memref<40x1024xf32, #tpu.memory_space<vmem>>
    %dma_start3A_838 = arith.constant 640 : i32
    %dma_start3A_839 = tpu.memref_slice %arg7[%dma_start3A_838] : memref<880xi32, #tpu.memory_space<vmem>> -> memref<40xi32, #tpu.memory_space<vmem>>
    %dma_start3A_840 = arith.constant 0 : i32
    %dma_start3A_841 = arith.constant 0 : i32
    %dma_start3A_842 = tpu.memref_slice %arg2[%dma_start3A_840, %dma_start3A_841] : memref<32768x1024xf32, #tpu.memory_space<hbm>> -> memref<32768x1024xf32, #tpu.memory_space<hbm>>
    tpu.enqueue_indirect_dma source(%dma_start3A_842 : memref<32768x1024xf32, #tpu.memory_space<hbm>>) target(%dma_start3A_837 : memref<40x1024xf32, #tpu.memory_space<vmem>>) offsets(%dma_start3A_839 : memref<40xi32, #tpu.memory_space<vmem>>) semaphore(%arg12 : memref<!tpu.dma_semaphore, #tpu.memory_space<semaphore_mem>>)
    %dma_wait3A_843 = arith.constant 2 : i32
    %dma_wait3A_844 = arith.constant 0 : i32
    %dma_wait3A_845 = arith.constant 0 : i32
    %dma_wait3A_846 = tpu.memref_slice %arg8[%dma_wait3A_843, %dma_wait3A_844, %dma_wait3A_845] : memref<3x40x1024xf32, #tpu.memory_space<vmem>> -> memref<1x40x1024xf32, #tpu.memory_space<vmem>>
    %dma_wait3A_847 = tpu.memref_squeeze %dma_wait3A_846 : memref<1x40x1024xf32, #tpu.memory_space<vmem>> -> memref<40x1024xf32, #tpu.memory_space<vmem>>
    %dma_wait3A_848 = arith.constant 560 : i32
    %dma_wait3A_849 = tpu.memref_slice %arg7[%dma_wait3A_848] : memref<880xi32, #tpu.memory_space<vmem>> -> memref<40xi32, #tpu.memory_space<vmem>>
    %dma_wait3A_850 = arith.constant 0 : i32
    %dma_wait3A_851 = arith.constant 0 : i32
    %dma_wait3A_852 = tpu.memref_slice %arg2[%dma_wait3A_850, %dma_wait3A_851] : memref<32768x1024xf32, #tpu.memory_space<hbm>> -> memref<32768x1024xf32, #tpu.memory_space<hbm>>
    tpu.wait_indirect_dma semaphore(%arg13 : memref<!tpu.dma_semaphore, #tpu.memory_space<semaphore_mem>>) src(%dma_wait3A_852 : memref<32768x1024xf32, #tpu.memory_space<hbm>>) dst(%dma_wait3A_847 : memref<40x1024xf32, #tpu.memory_space<vmem>>)
    %add3A_853 = arith.constant 448 : i32
    %add3A_854 = arith.addi %add3A_853, %add3A : i32
    %dma_start3A_855 = arith.constant 2 : i32
    %dma_start3A_856 = arith.constant 0 : i32
    %dma_start3A_857 = arith.constant 0 : i32
    %dma_start3A_858 = tpu.memref_slice %arg8[%dma_start3A_855, %dma_start3A_856, %dma_start3A_857] : memref<3x40x1024xf32, #tpu.memory_space<vmem>> -> memref<1x40x1024xf32, #tpu.memory_space<vmem>>
    %dma_start3A_859 = tpu.memref_squeeze %dma_start3A_858 : memref<1x40x1024xf32, #tpu.memory_space<vmem>> -> memref<40x1024xf32, #tpu.memory_space<vmem>>
    %dma_start3A_860 = arith.constant 0 : i32
    %dma_start3A_861 = arith.constant 0 : i32
    %dma_start3A_862 = tpu.memref_slice %arg5[%add3A_854, %dma_start3A_860, %dma_start3A_861] : memref<696x40x1024xf32, #tpu.memory_space<hbm>> -> memref<1x40x1024xf32, #tpu.memory_space<hbm>>
    %dma_start3A_863 = tpu.memref_squeeze %dma_start3A_862 : memref<1x40x1024xf32, #tpu.memory_space<hbm>> -> memref<40x1024xf32, #tpu.memory_space<hbm>>
    %dma_start3A_864 = arith.constant 0 : i32
    %dma_start3A_865 = arith.constant 0 : i32
    %dma_start3A_866 = tpu.memref_slice %arg5[%add3A_854, %dma_start3A_864, %dma_start3A_865] : memref<696x40x1024xf32, #tpu.memory_space<hbm>> -> memref<1x40x1024xf32, #tpu.memory_space<hbm>>
    %dma_start3A_867 = tpu.memref_squeeze %dma_start3A_866 : memref<1x40x1024xf32, #tpu.memory_space<hbm>> -> memref<40x1024xf32, #tpu.memory_space<hbm>>
    %dma_start3A_868 = arith.constant 0 : i32
    %dma_start3A_869 = arith.constant 0 : i32
    %dma_start3A_870 = tpu.memref_slice %arg8[%dma_start3A_855, %dma_start3A_868, %dma_start3A_869] : memref<3x40x1024xf32, #tpu.memory_space<vmem>> -> memref<1x40x1024xf32, #tpu.memory_space<vmem>>
    %dma_start3A_871 = tpu.memref_squeeze %dma_start3A_870 : memref<1x40x1024xf32, #tpu.memory_space<vmem>> -> memref<40x1024xf32, #tpu.memory_space<vmem>>
    tpu.enqueue_dma source(%dma_start3A_871 : memref<40x1024xf32, #tpu.memory_space<vmem>>) target(%dma_start3A_867 : memref<40x1024xf32, #tpu.memory_space<hbm>>) target_semaphore(%arg16 : memref<!tpu.dma_semaphore, #tpu.memory_space<semaphore_mem>>)
    %add3A_872 = arith.constant 448 : i32
    %add3A_873 = arith.addi %add3A_872, %add3A : i32
    %dma_wait3A_874 = arith.constant 2 : i32
    %dma_wait3A_875 = arith.constant 0 : i32
    %dma_wait3A_876 = arith.constant 0 : i32
    %dma_wait3A_877 = tpu.memref_slice %arg8[%dma_wait3A_874, %dma_wait3A_875, %dma_wait3A_876] : memref<3x40x1024xf32, #tpu.memory_space<vmem>> -> memref<1x40x1024xf32, #tpu.memory_space<vmem>>
    %dma_wait3A_878 = tpu.memref_squeeze %dma_wait3A_877 : memref<1x40x1024xf32, #tpu.memory_space<vmem>> -> memref<40x1024xf32, #tpu.memory_space<vmem>>
    %dma_wait3A_879 = arith.constant 0 : i32
    %dma_wait3A_880 = arith.constant 0 : i32
    %dma_wait3A_881 = tpu.memref_slice %arg5[%add3A_873, %dma_wait3A_879, %dma_wait3A_880] : memref<696x40x1024xf32, #tpu.memory_space<hbm>> -> memref<1x40x1024xf32, #tpu.memory_space<hbm>>
    %dma_wait3A_882 = tpu.memref_squeeze %dma_wait3A_881 : memref<1x40x1024xf32, #tpu.memory_space<hbm>> -> memref<40x1024xf32, #tpu.memory_space<hbm>>
    %dma_wait3A_883 = arith.constant 0 : i32
    %dma_wait3A_884 = arith.constant 0 : i32
    %dma_wait3A_885 = tpu.memref_slice %arg5[%add3A_873, %dma_wait3A_883, %dma_wait3A_884] : memref<696x40x1024xf32, #tpu.memory_space<hbm>> -> memref<1x40x1024xf32, #tpu.memory_space<hbm>>
    %dma_wait3A_886 = tpu.memref_squeeze %dma_wait3A_885 : memref<1x40x1024xf32, #tpu.memory_space<hbm>> -> memref<40x1024xf32, #tpu.memory_space<hbm>>
    %dma_wait3A_887 = arith.constant 0 : i32
    %dma_wait3A_888 = arith.constant 0 : i32
    %dma_wait3A_889 = tpu.memref_slice %arg8[%dma_wait3A_874, %dma_wait3A_887, %dma_wait3A_888] : memref<3x40x1024xf32, #tpu.memory_space<vmem>> -> memref<1x40x1024xf32, #tpu.memory_space<vmem>>
    %dma_wait3A_890 = tpu.memref_squeeze %dma_wait3A_889 : memref<1x40x1024xf32, #tpu.memory_space<vmem>> -> memref<40x1024xf32, #tpu.memory_space<vmem>>
    tpu.wait_dma2 semaphore(%arg16 : memref<!tpu.dma_semaphore, #tpu.memory_space<semaphore_mem>>) src(%dma_wait3A_890 : memref<40x1024xf32, #tpu.memory_space<vmem>>) dst(%dma_wait3A_886 : memref<40x1024xf32, #tpu.memory_space<hbm>>)
    %dma_start3A_891 = arith.constant 2 : i32
    %dma_start3A_892 = arith.constant 0 : i32
    %dma_start3A_893 = arith.constant 0 : i32
    %dma_start3A_894 = tpu.memref_slice %arg8[%dma_start3A_891, %dma_start3A_892, %dma_start3A_893] : memref<3x40x1024xf32, #tpu.memory_space<vmem>> -> memref<1x40x1024xf32, #tpu.memory_space<vmem>>
    %dma_start3A_895 = tpu.memref_squeeze %dma_start3A_894 : memref<1x40x1024xf32, #tpu.memory_space<vmem>> -> memref<40x1024xf32, #tpu.memory_space<vmem>>
    %dma_start3A_896 = arith.constant 680 : i32
    %dma_start3A_897 = tpu.memref_slice %arg7[%dma_start3A_896] : memref<880xi32, #tpu.memory_space<vmem>> -> memref<40xi32, #tpu.memory_space<vmem>>
    %dma_start3A_898 = arith.constant 0 : i32
    %dma_start3A_899 = arith.constant 0 : i32
    %dma_start3A_900 = tpu.memref_slice %arg2[%dma_start3A_898, %dma_start3A_899] : memref<32768x1024xf32, #tpu.memory_space<hbm>> -> memref<32768x1024xf32, #tpu.memory_space<hbm>>
    tpu.enqueue_indirect_dma source(%dma_start3A_900 : memref<32768x1024xf32, #tpu.memory_space<hbm>>) target(%dma_start3A_895 : memref<40x1024xf32, #tpu.memory_space<vmem>>) offsets(%dma_start3A_897 : memref<40xi32, #tpu.memory_space<vmem>>) semaphore(%arg13 : memref<!tpu.dma_semaphore, #tpu.memory_space<semaphore_mem>>)
    %dma_wait3A_901 = arith.constant 0 : i32
    %dma_wait3A_902 = arith.constant 0 : i32
    %dma_wait3A_903 = arith.constant 0 : i32
    %dma_wait3A_904 = tpu.memref_slice %arg8[%dma_wait3A_901, %dma_wait3A_902, %dma_wait3A_903] : memref<3x40x1024xf32, #tpu.memory_space<vmem>> -> memref<1x40x1024xf32, #tpu.memory_space<vmem>>
    %dma_wait3A_905 = tpu.memref_squeeze %dma_wait3A_904 : memref<1x40x1024xf32, #tpu.memory_space<vmem>> -> memref<40x1024xf32, #tpu.memory_space<vmem>>
    %dma_wait3A_906 = arith.constant 600 : i32
    %dma_wait3A_907 = tpu.memref_slice %arg7[%dma_wait3A_906] : memref<880xi32, #tpu.memory_space<vmem>> -> memref<40xi32, #tpu.memory_space<vmem>>
    %dma_wait3A_908 = arith.constant 0 : i32
    %dma_wait3A_909 = arith.constant 0 : i32
    %dma_wait3A_910 = tpu.memref_slice %arg2[%dma_wait3A_908, %dma_wait3A_909] : memref<32768x1024xf32, #tpu.memory_space<hbm>> -> memref<32768x1024xf32, #tpu.memory_space<hbm>>
    tpu.wait_indirect_dma semaphore(%arg11 : memref<!tpu.dma_semaphore, #tpu.memory_space<semaphore_mem>>) src(%dma_wait3A_910 : memref<32768x1024xf32, #tpu.memory_space<hbm>>) dst(%dma_wait3A_905 : memref<40x1024xf32, #tpu.memory_space<vmem>>)
    %add3A_911 = arith.constant 480 : i32
    %add3A_912 = arith.addi %add3A_911, %add3A : i32
    %dma_start3A_913 = arith.constant 0 : i32
    %dma_start3A_914 = arith.constant 0 : i32
    %dma_start3A_915 = arith.constant 0 : i32
    %dma_start3A_916 = tpu.memref_slice %arg8[%dma_start3A_913, %dma_start3A_914, %dma_start3A_915] : memref<3x40x1024xf32, #tpu.memory_space<vmem>> -> memref<1x40x1024xf32, #tpu.memory_space<vmem>>
    %dma_start3A_917 = tpu.memref_squeeze %dma_start3A_916 : memref<1x40x1024xf32, #tpu.memory_space<vmem>> -> memref<40x1024xf32, #tpu.memory_space<vmem>>
    %dma_start3A_918 = arith.constant 0 : i32
    %dma_start3A_919 = arith.constant 0 : i32
    %dma_start3A_920 = tpu.memref_slice %arg5[%add3A_912, %dma_start3A_918, %dma_start3A_919] : memref<696x40x1024xf32, #tpu.memory_space<hbm>> -> memref<1x40x1024xf32, #tpu.memory_space<hbm>>
    %dma_start3A_921 = tpu.memref_squeeze %dma_start3A_920 : memref<1x40x1024xf32, #tpu.memory_space<hbm>> -> memref<40x1024xf32, #tpu.memory_space<hbm>>
    %dma_start3A_922 = arith.constant 0 : i32
    %dma_start3A_923 = arith.constant 0 : i32
    %dma_start3A_924 = tpu.memref_slice %arg5[%add3A_912, %dma_start3A_922, %dma_start3A_923] : memref<696x40x1024xf32, #tpu.memory_space<hbm>> -> memref<1x40x1024xf32, #tpu.memory_space<hbm>>
    %dma_start3A_925 = tpu.memref_squeeze %dma_start3A_924 : memref<1x40x1024xf32, #tpu.memory_space<hbm>> -> memref<40x1024xf32, #tpu.memory_space<hbm>>
    %dma_start3A_926 = arith.constant 0 : i32
    %dma_start3A_927 = arith.constant 0 : i32
    %dma_start3A_928 = tpu.memref_slice %arg8[%dma_start3A_913, %dma_start3A_926, %dma_start3A_927] : memref<3x40x1024xf32, #tpu.memory_space<vmem>> -> memref<1x40x1024xf32, #tpu.memory_space<vmem>>
    %dma_start3A_929 = tpu.memref_squeeze %dma_start3A_928 : memref<1x40x1024xf32, #tpu.memory_space<vmem>> -> memref<40x1024xf32, #tpu.memory_space<vmem>>
    tpu.enqueue_dma source(%dma_start3A_929 : memref<40x1024xf32, #tpu.memory_space<vmem>>) target(%dma_start3A_925 : memref<40x1024xf32, #tpu.memory_space<hbm>>) target_semaphore(%arg14 : memref<!tpu.dma_semaphore, #tpu.memory_space<semaphore_mem>>)
    %add3A_930 = arith.constant 480 : i32
    %add3A_931 = arith.addi %add3A_930, %add3A : i32
    %dma_wait3A_932 = arith.constant 0 : i32
    %dma_wait3A_933 = arith.constant 0 : i32
    %dma_wait3A_934 = arith.constant 0 : i32
    %dma_wait3A_935 = tpu.memref_slice %arg8[%dma_wait3A_932, %dma_wait3A_933, %dma_wait3A_934] : memref<3x40x1024xf32, #tpu.memory_space<vmem>> -> memref<1x40x1024xf32, #tpu.memory_space<vmem>>
    %dma_wait3A_936 = tpu.memref_squeeze %dma_wait3A_935 : memref<1x40x1024xf32, #tpu.memory_space<vmem>> -> memref<40x1024xf32, #tpu.memory_space<vmem>>
    %dma_wait3A_937 = arith.constant 0 : i32
    %dma_wait3A_938 = arith.constant 0 : i32
    %dma_wait3A_939 = tpu.memref_slice %arg5[%add3A_931, %dma_wait3A_937, %dma_wait3A_938] : memref<696x40x1024xf32, #tpu.memory_space<hbm>> -> memref<1x40x1024xf32, #tpu.memory_space<hbm>>
    %dma_wait3A_940 = tpu.memref_squeeze %dma_wait3A_939 : memref<1x40x1024xf32, #tpu.memory_space<hbm>> -> memref<40x1024xf32, #tpu.memory_space<hbm>>
    %dma_wait3A_941 = arith.constant 0 : i32
    %dma_wait3A_942 = arith.constant 0 : i32
    %dma_wait3A_943 = tpu.memref_slice %arg5[%add3A_931, %dma_wait3A_941, %dma_wait3A_942] : memref<696x40x1024xf32, #tpu.memory_space<hbm>> -> memref<1x40x1024xf32, #tpu.memory_space<hbm>>
    %dma_wait3A_944 = tpu.memref_squeeze %dma_wait3A_943 : memref<1x40x1024xf32, #tpu.memory_space<hbm>> -> memref<40x1024xf32, #tpu.memory_space<hbm>>
    %dma_wait3A_945 = arith.constant 0 : i32
    %dma_wait3A_946 = arith.constant 0 : i32
    %dma_wait3A_947 = tpu.memref_slice %arg8[%dma_wait3A_932, %dma_wait3A_945, %dma_wait3A_946] : memref<3x40x1024xf32, #tpu.memory_space<vmem>> -> memref<1x40x1024xf32, #tpu.memory_space<vmem>>
    %dma_wait3A_948 = tpu.memref_squeeze %dma_wait3A_947 : memref<1x40x1024xf32, #tpu.memory_space<vmem>> -> memref<40x1024xf32, #tpu.memory_space<vmem>>
    tpu.wait_dma2 semaphore(%arg14 : memref<!tpu.dma_semaphore, #tpu.memory_space<semaphore_mem>>) src(%dma_wait3A_948 : memref<40x1024xf32, #tpu.memory_space<vmem>>) dst(%dma_wait3A_944 : memref<40x1024xf32, #tpu.memory_space<hbm>>)
    %dma_start3A_949 = arith.constant 0 : i32
    %dma_start3A_950 = arith.constant 0 : i32
    %dma_start3A_951 = arith.constant 0 : i32
    %dma_start3A_952 = tpu.memref_slice %arg8[%dma_start3A_949, %dma_start3A_950, %dma_start3A_951] : memref<3x40x1024xf32, #tpu.memory_space<vmem>> -> memref<1x40x1024xf32, #tpu.memory_space<vmem>>
    %dma_start3A_953 = tpu.memref_squeeze %dma_start3A_952 : memref<1x40x1024xf32, #tpu.memory_space<vmem>> -> memref<40x1024xf32, #tpu.memory_space<vmem>>
    %dma_start3A_954 = arith.constant 720 : i32
    %dma_start3A_955 = tpu.memref_slice %arg7[%dma_start3A_954] : memref<880xi32, #tpu.memory_space<vmem>> -> memref<40xi32, #tpu.memory_space<vmem>>
    %dma_start3A_956 = arith.constant 0 : i32
    %dma_start3A_957 = arith.constant 0 : i32
    %dma_start3A_958 = tpu.memref_slice %arg2[%dma_start3A_956, %dma_start3A_957] : memref<32768x1024xf32, #tpu.memory_space<hbm>> -> memref<32768x1024xf32, #tpu.memory_space<hbm>>
    tpu.enqueue_indirect_dma source(%dma_start3A_958 : memref<32768x1024xf32, #tpu.memory_space<hbm>>) target(%dma_start3A_953 : memref<40x1024xf32, #tpu.memory_space<vmem>>) offsets(%dma_start3A_955 : memref<40xi32, #tpu.memory_space<vmem>>) semaphore(%arg11 : memref<!tpu.dma_semaphore, #tpu.memory_space<semaphore_mem>>)
    %dma_wait3A_959 = arith.constant 1 : i32
    %dma_wait3A_960 = arith.constant 0 : i32
    %dma_wait3A_961 = arith.constant 0 : i32
    %dma_wait3A_962 = tpu.memref_slice %arg8[%dma_wait3A_959, %dma_wait3A_960, %dma_wait3A_961] : memref<3x40x1024xf32, #tpu.memory_space<vmem>> -> memref<1x40x1024xf32, #tpu.memory_space<vmem>>
    %dma_wait3A_963 = tpu.memref_squeeze %dma_wait3A_962 : memref<1x40x1024xf32, #tpu.memory_space<vmem>> -> memref<40x1024xf32, #tpu.memory_space<vmem>>
    %dma_wait3A_964 = arith.constant 640 : i32
    %dma_wait3A_965 = tpu.memref_slice %arg7[%dma_wait3A_964] : memref<880xi32, #tpu.memory_space<vmem>> -> memref<40xi32, #tpu.memory_space<vmem>>
    %dma_wait3A_966 = arith.constant 0 : i32
    %dma_wait3A_967 = arith.constant 0 : i32
    %dma_wait3A_968 = tpu.memref_slice %arg2[%dma_wait3A_966, %dma_wait3A_967] : memref<32768x1024xf32, #tpu.memory_space<hbm>> -> memref<32768x1024xf32, #tpu.memory_space<hbm>>
    tpu.wait_indirect_dma semaphore(%arg12 : memref<!tpu.dma_semaphore, #tpu.memory_space<semaphore_mem>>) src(%dma_wait3A_968 : memref<32768x1024xf32, #tpu.memory_space<hbm>>) dst(%dma_wait3A_963 : memref<40x1024xf32, #tpu.memory_space<vmem>>)
    %add3A_969 = arith.constant 512 : i32
    %add3A_970 = arith.addi %add3A_969, %add3A : i32
    %dma_start3A_971 = arith.constant 1 : i32
    %dma_start3A_972 = arith.constant 0 : i32
    %dma_start3A_973 = arith.constant 0 : i32
    %dma_start3A_974 = tpu.memref_slice %arg8[%dma_start3A_971, %dma_start3A_972, %dma_start3A_973] : memref<3x40x1024xf32, #tpu.memory_space<vmem>> -> memref<1x40x1024xf32, #tpu.memory_space<vmem>>
    %dma_start3A_975 = tpu.memref_squeeze %dma_start3A_974 : memref<1x40x1024xf32, #tpu.memory_space<vmem>> -> memref<40x1024xf32, #tpu.memory_space<vmem>>
    %dma_start3A_976 = arith.constant 0 : i32
    %dma_start3A_977 = arith.constant 0 : i32
    %dma_start3A_978 = tpu.memref_slice %arg5[%add3A_970, %dma_start3A_976, %dma_start3A_977] : memref<696x40x1024xf32, #tpu.memory_space<hbm>> -> memref<1x40x1024xf32, #tpu.memory_space<hbm>>
    %dma_start3A_979 = tpu.memref_squeeze %dma_start3A_978 : memref<1x40x1024xf32, #tpu.memory_space<hbm>> -> memref<40x1024xf32, #tpu.memory_space<hbm>>
    %dma_start3A_980 = arith.constant 0 : i32
    %dma_start3A_981 = arith.constant 0 : i32
    %dma_start3A_982 = tpu.memref_slice %arg5[%add3A_970, %dma_start3A_980, %dma_start3A_981] : memref<696x40x1024xf32, #tpu.memory_space<hbm>> -> memref<1x40x1024xf32, #tpu.memory_space<hbm>>
    %dma_start3A_983 = tpu.memref_squeeze %dma_start3A_982 : memref<1x40x1024xf32, #tpu.memory_space<hbm>> -> memref<40x1024xf32, #tpu.memory_space<hbm>>
    %dma_start3A_984 = arith.constant 0 : i32
    %dma_start3A_985 = arith.constant 0 : i32
    %dma_start3A_986 = tpu.memref_slice %arg8[%dma_start3A_971, %dma_start3A_984, %dma_start3A_985] : memref<3x40x1024xf32, #tpu.memory_space<vmem>> -> memref<1x40x1024xf32, #tpu.memory_space<vmem>>
    %dma_start3A_987 = tpu.memref_squeeze %dma_start3A_986 : memref<1x40x1024xf32, #tpu.memory_space<vmem>> -> memref<40x1024xf32, #tpu.memory_space<vmem>>
    tpu.enqueue_dma source(%dma_start3A_987 : memref<40x1024xf32, #tpu.memory_space<vmem>>) target(%dma_start3A_983 : memref<40x1024xf32, #tpu.memory_space<hbm>>) target_semaphore(%arg15 : memref<!tpu.dma_semaphore, #tpu.memory_space<semaphore_mem>>)
    %add3A_988 = arith.constant 512 : i32
    %add3A_989 = arith.addi %add3A_988, %add3A : i32
    %dma_wait3A_990 = arith.constant 1 : i32
    %dma_wait3A_991 = arith.constant 0 : i32
    %dma_wait3A_992 = arith.constant 0 : i32
    %dma_wait3A_993 = tpu.memref_slice %arg8[%dma_wait3A_990, %dma_wait3A_991, %dma_wait3A_992] : memref<3x40x1024xf32, #tpu.memory_space<vmem>> -> memref<1x40x1024xf32, #tpu.memory_space<vmem>>
    %dma_wait3A_994 = tpu.memref_squeeze %dma_wait3A_993 : memref<1x40x1024xf32, #tpu.memory_space<vmem>> -> memref<40x1024xf32, #tpu.memory_space<vmem>>
    %dma_wait3A_995 = arith.constant 0 : i32
    %dma_wait3A_996 = arith.constant 0 : i32
    %dma_wait3A_997 = tpu.memref_slice %arg5[%add3A_989, %dma_wait3A_995, %dma_wait3A_996] : memref<696x40x1024xf32, #tpu.memory_space<hbm>> -> memref<1x40x1024xf32, #tpu.memory_space<hbm>>
    %dma_wait3A_998 = tpu.memref_squeeze %dma_wait3A_997 : memref<1x40x1024xf32, #tpu.memory_space<hbm>> -> memref<40x1024xf32, #tpu.memory_space<hbm>>
    %dma_wait3A_999 = arith.constant 0 : i32
    %dma_wait3A_1000 = arith.constant 0 : i32
    %dma_wait3A_1001 = tpu.memref_slice %arg5[%add3A_989, %dma_wait3A_999, %dma_wait3A_1000] : memref<696x40x1024xf32, #tpu.memory_space<hbm>> -> memref<1x40x1024xf32, #tpu.memory_space<hbm>>
    %dma_wait3A_1002 = tpu.memref_squeeze %dma_wait3A_1001 : memref<1x40x1024xf32, #tpu.memory_space<hbm>> -> memref<40x1024xf32, #tpu.memory_space<hbm>>
    %dma_wait3A_1003 = arith.constant 0 : i32
    %dma_wait3A_1004 = arith.constant 0 : i32
    %dma_wait3A_1005 = tpu.memref_slice %arg8[%dma_wait3A_990, %dma_wait3A_1003, %dma_wait3A_1004] : memref<3x40x1024xf32, #tpu.memory_space<vmem>> -> memref<1x40x1024xf32, #tpu.memory_space<vmem>>
    %dma_wait3A_1006 = tpu.memref_squeeze %dma_wait3A_1005 : memref<1x40x1024xf32, #tpu.memory_space<vmem>> -> memref<40x1024xf32, #tpu.memory_space<vmem>>
    tpu.wait_dma2 semaphore(%arg15 : memref<!tpu.dma_semaphore, #tpu.memory_space<semaphore_mem>>) src(%dma_wait3A_1006 : memref<40x1024xf32, #tpu.memory_space<vmem>>) dst(%dma_wait3A_1002 : memref<40x1024xf32, #tpu.memory_space<hbm>>)
    %dma_start3A_1007 = arith.constant 1 : i32
    %dma_start3A_1008 = arith.constant 0 : i32
    %dma_start3A_1009 = arith.constant 0 : i32
    %dma_start3A_1010 = tpu.memref_slice %arg8[%dma_start3A_1007, %dma_start3A_1008, %dma_start3A_1009] : memref<3x40x1024xf32, #tpu.memory_space<vmem>> -> memref<1x40x1024xf32, #tpu.memory_space<vmem>>
    %dma_start3A_1011 = tpu.memref_squeeze %dma_start3A_1010 : memref<1x40x1024xf32, #tpu.memory_space<vmem>> -> memref<40x1024xf32, #tpu.memory_space<vmem>>
    %dma_start3A_1012 = arith.constant 760 : i32
    %dma_start3A_1013 = tpu.memref_slice %arg7[%dma_start3A_1012] : memref<880xi32, #tpu.memory_space<vmem>> -> memref<40xi32, #tpu.memory_space<vmem>>
    %dma_start3A_1014 = arith.constant 0 : i32
    %dma_start3A_1015 = arith.constant 0 : i32
    %dma_start3A_1016 = tpu.memref_slice %arg2[%dma_start3A_1014, %dma_start3A_1015] : memref<32768x1024xf32, #tpu.memory_space<hbm>> -> memref<32768x1024xf32, #tpu.memory_space<hbm>>
    tpu.enqueue_indirect_dma source(%dma_start3A_1016 : memref<32768x1024xf32, #tpu.memory_space<hbm>>) target(%dma_start3A_1011 : memref<40x1024xf32, #tpu.memory_space<vmem>>) offsets(%dma_start3A_1013 : memref<40xi32, #tpu.memory_space<vmem>>) semaphore(%arg12 : memref<!tpu.dma_semaphore, #tpu.memory_space<semaphore_mem>>)
    %dma_wait3A_1017 = arith.constant 2 : i32
    %dma_wait3A_1018 = arith.constant 0 : i32
    %dma_wait3A_1019 = arith.constant 0 : i32
    %dma_wait3A_1020 = tpu.memref_slice %arg8[%dma_wait3A_1017, %dma_wait3A_1018, %dma_wait3A_1019] : memref<3x40x1024xf32, #tpu.memory_space<vmem>> -> memref<1x40x1024xf32, #tpu.memory_space<vmem>>
    %dma_wait3A_1021 = tpu.memref_squeeze %dma_wait3A_1020 : memref<1x40x1024xf32, #tpu.memory_space<vmem>> -> memref<40x1024xf32, #tpu.memory_space<vmem>>
    %dma_wait3A_1022 = arith.constant 680 : i32
    %dma_wait3A_1023 = tpu.memref_slice %arg7[%dma_wait3A_1022] : memref<880xi32, #tpu.memory_space<vmem>> -> memref<40xi32, #tpu.memory_space<vmem>>
    %dma_wait3A_1024 = arith.constant 0 : i32
    %dma_wait3A_1025 = arith.constant 0 : i32
    %dma_wait3A_1026 = tpu.memref_slice %arg2[%dma_wait3A_1024, %dma_wait3A_1025] : memref<32768x1024xf32, #tpu.memory_space<hbm>> -> memref<32768x1024xf32, #tpu.memory_space<hbm>>
    tpu.wait_indirect_dma semaphore(%arg13 : memref<!tpu.dma_semaphore, #tpu.memory_space<semaphore_mem>>) src(%dma_wait3A_1026 : memref<32768x1024xf32, #tpu.memory_space<hbm>>) dst(%dma_wait3A_1021 : memref<40x1024xf32, #tpu.memory_space<vmem>>)
    %add3A_1027 = arith.constant 544 : i32
    %add3A_1028 = arith.addi %add3A_1027, %add3A : i32
    %dma_start3A_1029 = arith.constant 2 : i32
    %dma_start3A_1030 = arith.constant 0 : i32
    %dma_start3A_1031 = arith.constant 0 : i32
    %dma_start3A_1032 = tpu.memref_slice %arg8[%dma_start3A_1029, %dma_start3A_1030, %dma_start3A_1031] : memref<3x40x1024xf32, #tpu.memory_space<vmem>> -> memref<1x40x1024xf32, #tpu.memory_space<vmem>>
    %dma_start3A_1033 = tpu.memref_squeeze %dma_start3A_1032 : memref<1x40x1024xf32, #tpu.memory_space<vmem>> -> memref<40x1024xf32, #tpu.memory_space<vmem>>
    %dma_start3A_1034 = arith.constant 0 : i32
    %dma_start3A_1035 = arith.constant 0 : i32
    %dma_start3A_1036 = tpu.memref_slice %arg5[%add3A_1028, %dma_start3A_1034, %dma_start3A_1035] : memref<696x40x1024xf32, #tpu.memory_space<hbm>> -> memref<1x40x1024xf32, #tpu.memory_space<hbm>>
    %dma_start3A_1037 = tpu.memref_squeeze %dma_start3A_1036 : memref<1x40x1024xf32, #tpu.memory_space<hbm>> -> memref<40x1024xf32, #tpu.memory_space<hbm>>
    %dma_start3A_1038 = arith.constant 0 : i32
    %dma_start3A_1039 = arith.constant 0 : i32
    %dma_start3A_1040 = tpu.memref_slice %arg5[%add3A_1028, %dma_start3A_1038, %dma_start3A_1039] : memref<696x40x1024xf32, #tpu.memory_space<hbm>> -> memref<1x40x1024xf32, #tpu.memory_space<hbm>>
    %dma_start3A_1041 = tpu.memref_squeeze %dma_start3A_1040 : memref<1x40x1024xf32, #tpu.memory_space<hbm>> -> memref<40x1024xf32, #tpu.memory_space<hbm>>
    %dma_start3A_1042 = arith.constant 0 : i32
    %dma_start3A_1043 = arith.constant 0 : i32
    %dma_start3A_1044 = tpu.memref_slice %arg8[%dma_start3A_1029, %dma_start3A_1042, %dma_start3A_1043] : memref<3x40x1024xf32, #tpu.memory_space<vmem>> -> memref<1x40x1024xf32, #tpu.memory_space<vmem>>
    %dma_start3A_1045 = tpu.memref_squeeze %dma_start3A_1044 : memref<1x40x1024xf32, #tpu.memory_space<vmem>> -> memref<40x1024xf32, #tpu.memory_space<vmem>>
    tpu.enqueue_dma source(%dma_start3A_1045 : memref<40x1024xf32, #tpu.memory_space<vmem>>) target(%dma_start3A_1041 : memref<40x1024xf32, #tpu.memory_space<hbm>>) target_semaphore(%arg16 : memref<!tpu.dma_semaphore, #tpu.memory_space<semaphore_mem>>)
    %add3A_1046 = arith.constant 544 : i32
    %add3A_1047 = arith.addi %add3A_1046, %add3A : i32
    %dma_wait3A_1048 = arith.constant 2 : i32
    %dma_wait3A_1049 = arith.constant 0 : i32
    %dma_wait3A_1050 = arith.constant 0 : i32
    %dma_wait3A_1051 = tpu.memref_slice %arg8[%dma_wait3A_1048, %dma_wait3A_1049, %dma_wait3A_1050] : memref<3x40x1024xf32, #tpu.memory_space<vmem>> -> memref<1x40x1024xf32, #tpu.memory_space<vmem>>
    %dma_wait3A_1052 = tpu.memref_squeeze %dma_wait3A_1051 : memref<1x40x1024xf32, #tpu.memory_space<vmem>> -> memref<40x1024xf32, #tpu.memory_space<vmem>>
    %dma_wait3A_1053 = arith.constant 0 : i32
    %dma_wait3A_1054 = arith.constant 0 : i32
    %dma_wait3A_1055 = tpu.memref_slice %arg5[%add3A_1047, %dma_wait3A_1053, %dma_wait3A_1054] : memref<696x40x1024xf32, #tpu.memory_space<hbm>> -> memref<1x40x1024xf32, #tpu.memory_space<hbm>>
    %dma_wait3A_1056 = tpu.memref_squeeze %dma_wait3A_1055 : memref<1x40x1024xf32, #tpu.memory_space<hbm>> -> memref<40x1024xf32, #tpu.memory_space<hbm>>
    %dma_wait3A_1057 = arith.constant 0 : i32
    %dma_wait3A_1058 = arith.constant 0 : i32
    %dma_wait3A_1059 = tpu.memref_slice %arg5[%add3A_1047, %dma_wait3A_1057, %dma_wait3A_1058] : memref<696x40x1024xf32, #tpu.memory_space<hbm>> -> memref<1x40x1024xf32, #tpu.memory_space<hbm>>
    %dma_wait3A_1060 = tpu.memref_squeeze %dma_wait3A_1059 : memref<1x40x1024xf32, #tpu.memory_space<hbm>> -> memref<40x1024xf32, #tpu.memory_space<hbm>>
    %dma_wait3A_1061 = arith.constant 0 : i32
    %dma_wait3A_1062 = arith.constant 0 : i32
    %dma_wait3A_1063 = tpu.memref_slice %arg8[%dma_wait3A_1048, %dma_wait3A_1061, %dma_wait3A_1062] : memref<3x40x1024xf32, #tpu.memory_space<vmem>> -> memref<1x40x1024xf32, #tpu.memory_space<vmem>>
    %dma_wait3A_1064 = tpu.memref_squeeze %dma_wait3A_1063 : memref<1x40x1024xf32, #tpu.memory_space<vmem>> -> memref<40x1024xf32, #tpu.memory_space<vmem>>
    tpu.wait_dma2 semaphore(%arg16 : memref<!tpu.dma_semaphore, #tpu.memory_space<semaphore_mem>>) src(%dma_wait3A_1064 : memref<40x1024xf32, #tpu.memory_space<vmem>>) dst(%dma_wait3A_1060 : memref<40x1024xf32, #tpu.memory_space<hbm>>)
    %dma_start3A_1065 = arith.constant 2 : i32
    %dma_start3A_1066 = arith.constant 0 : i32
    %dma_start3A_1067 = arith.constant 0 : i32
    %dma_start3A_1068 = tpu.memref_slice %arg8[%dma_start3A_1065, %dma_start3A_1066, %dma_start3A_1067] : memref<3x40x1024xf32, #tpu.memory_space<vmem>> -> memref<1x40x1024xf32, #tpu.memory_space<vmem>>
    %dma_start3A_1069 = tpu.memref_squeeze %dma_start3A_1068 : memref<1x40x1024xf32, #tpu.memory_space<vmem>> -> memref<40x1024xf32, #tpu.memory_space<vmem>>
    %dma_start3A_1070 = arith.constant 800 : i32
    %dma_start3A_1071 = tpu.memref_slice %arg7[%dma_start3A_1070] : memref<880xi32, #tpu.memory_space<vmem>> -> memref<40xi32, #tpu.memory_space<vmem>>
    %dma_start3A_1072 = arith.constant 0 : i32
    %dma_start3A_1073 = arith.constant 0 : i32
    %dma_start3A_1074 = tpu.memref_slice %arg2[%dma_start3A_1072, %dma_start3A_1073] : memref<32768x1024xf32, #tpu.memory_space<hbm>> -> memref<32768x1024xf32, #tpu.memory_space<hbm>>
    tpu.enqueue_indirect_dma source(%dma_start3A_1074 : memref<32768x1024xf32, #tpu.memory_space<hbm>>) target(%dma_start3A_1069 : memref<40x1024xf32, #tpu.memory_space<vmem>>) offsets(%dma_start3A_1071 : memref<40xi32, #tpu.memory_space<vmem>>) semaphore(%arg13 : memref<!tpu.dma_semaphore, #tpu.memory_space<semaphore_mem>>)
    %dma_wait3A_1075 = arith.constant 0 : i32
    %dma_wait3A_1076 = arith.constant 0 : i32
    %dma_wait3A_1077 = arith.constant 0 : i32
    %dma_wait3A_1078 = tpu.memref_slice %arg8[%dma_wait3A_1075, %dma_wait3A_1076, %dma_wait3A_1077] : memref<3x40x1024xf32, #tpu.memory_space<vmem>> -> memref<1x40x1024xf32, #tpu.memory_space<vmem>>
    %dma_wait3A_1079 = tpu.memref_squeeze %dma_wait3A_1078 : memref<1x40x1024xf32, #tpu.memory_space<vmem>> -> memref<40x1024xf32, #tpu.memory_space<vmem>>
    %dma_wait3A_1080 = arith.constant 720 : i32
    %dma_wait3A_1081 = tpu.memref_slice %arg7[%dma_wait3A_1080] : memref<880xi32, #tpu.memory_space<vmem>> -> memref<40xi32, #tpu.memory_space<vmem>>
    %dma_wait3A_1082 = arith.constant 0 : i32
    %dma_wait3A_1083 = arith.constant 0 : i32
    %dma_wait3A_1084 = tpu.memref_slice %arg2[%dma_wait3A_1082, %dma_wait3A_1083] : memref<32768x1024xf32, #tpu.memory_space<hbm>> -> memref<32768x1024xf32, #tpu.memory_space<hbm>>
    tpu.wait_indirect_dma semaphore(%arg11 : memref<!tpu.dma_semaphore, #tpu.memory_space<semaphore_mem>>) src(%dma_wait3A_1084 : memref<32768x1024xf32, #tpu.memory_space<hbm>>) dst(%dma_wait3A_1079 : memref<40x1024xf32, #tpu.memory_space<vmem>>)
    %add3A_1085 = arith.constant 576 : i32
    %add3A_1086 = arith.addi %add3A_1085, %add3A : i32
    %dma_start3A_1087 = arith.constant 0 : i32
    %dma_start3A_1088 = arith.constant 0 : i32
    %dma_start3A_1089 = arith.constant 0 : i32
    %dma_start3A_1090 = tpu.memref_slice %arg8[%dma_start3A_1087, %dma_start3A_1088, %dma_start3A_1089] : memref<3x40x1024xf32, #tpu.memory_space<vmem>> -> memref<1x40x1024xf32, #tpu.memory_space<vmem>>
    %dma_start3A_1091 = tpu.memref_squeeze %dma_start3A_1090 : memref<1x40x1024xf32, #tpu.memory_space<vmem>> -> memref<40x1024xf32, #tpu.memory_space<vmem>>
    %dma_start3A_1092 = arith.constant 0 : i32
    %dma_start3A_1093 = arith.constant 0 : i32
    %dma_start3A_1094 = tpu.memref_slice %arg5[%add3A_1086, %dma_start3A_1092, %dma_start3A_1093] : memref<696x40x1024xf32, #tpu.memory_space<hbm>> -> memref<1x40x1024xf32, #tpu.memory_space<hbm>>
    %dma_start3A_1095 = tpu.memref_squeeze %dma_start3A_1094 : memref<1x40x1024xf32, #tpu.memory_space<hbm>> -> memref<40x1024xf32, #tpu.memory_space<hbm>>
    %dma_start3A_1096 = arith.constant 0 : i32
    %dma_start3A_1097 = arith.constant 0 : i32
    %dma_start3A_1098 = tpu.memref_slice %arg5[%add3A_1086, %dma_start3A_1096, %dma_start3A_1097] : memref<696x40x1024xf32, #tpu.memory_space<hbm>> -> memref<1x40x1024xf32, #tpu.memory_space<hbm>>
    %dma_start3A_1099 = tpu.memref_squeeze %dma_start3A_1098 : memref<1x40x1024xf32, #tpu.memory_space<hbm>> -> memref<40x1024xf32, #tpu.memory_space<hbm>>
    %dma_start3A_1100 = arith.constant 0 : i32
    %dma_start3A_1101 = arith.constant 0 : i32
    %dma_start3A_1102 = tpu.memref_slice %arg8[%dma_start3A_1087, %dma_start3A_1100, %dma_start3A_1101] : memref<3x40x1024xf32, #tpu.memory_space<vmem>> -> memref<1x40x1024xf32, #tpu.memory_space<vmem>>
    %dma_start3A_1103 = tpu.memref_squeeze %dma_start3A_1102 : memref<1x40x1024xf32, #tpu.memory_space<vmem>> -> memref<40x1024xf32, #tpu.memory_space<vmem>>
    tpu.enqueue_dma source(%dma_start3A_1103 : memref<40x1024xf32, #tpu.memory_space<vmem>>) target(%dma_start3A_1099 : memref<40x1024xf32, #tpu.memory_space<hbm>>) target_semaphore(%arg14 : memref<!tpu.dma_semaphore, #tpu.memory_space<semaphore_mem>>)
    %lt3A = arith.constant 24 : i32
    %lt3A_1104 = arith.cmpi slt, %add3A, %lt3A : i32
    %convert_element_type3A = arith.extui %lt3A_1104 : i1 to i32
    %cond3A = arith.constant 0 : i32
    %cond3A_1105 = arith.cmpi ne, %convert_element_type3A, %cond3A : i32
    scf.if %cond3A_1105 {
      %add3A_1221 = arith.constant 576 : i32
      %add3A_1222 = arith.addi %add3A_1221, %add3A : i32
      %dma_wait3A_1223 = arith.constant 0 : i32
      %dma_wait3A_1224 = arith.constant 0 : i32
      %dma_wait3A_1225 = arith.constant 0 : i32
      %dma_wait3A_1226 = tpu.memref_slice %arg8[%dma_wait3A_1223, %dma_wait3A_1224, %dma_wait3A_1225] : memref<3x40x1024xf32, #tpu.memory_space<vmem>> -> memref<1x40x1024xf32, #tpu.memory_space<vmem>>
      %dma_wait3A_1227 = tpu.memref_squeeze %dma_wait3A_1226 : memref<1x40x1024xf32, #tpu.memory_space<vmem>> -> memref<40x1024xf32, #tpu.memory_space<vmem>>
      %dma_wait3A_1228 = arith.constant 0 : i32
      %dma_wait3A_1229 = arith.constant 0 : i32
      %dma_wait3A_1230 = tpu.memref_slice %arg5[%add3A_1222, %dma_wait3A_1228, %dma_wait3A_1229] : memref<696x40x1024xf32, #tpu.memory_space<hbm>> -> memref<1x40x1024xf32, #tpu.memory_space<hbm>>
      %dma_wait3A_1231 = tpu.memref_squeeze %dma_wait3A_1230 : memref<1x40x1024xf32, #tpu.memory_space<hbm>> -> memref<40x1024xf32, #tpu.memory_space<hbm>>
      %dma_wait3A_1232 = arith.constant 0 : i32
      %dma_wait3A_1233 = arith.constant 0 : i32
      %dma_wait3A_1234 = tpu.memref_slice %arg5[%add3A_1222, %dma_wait3A_1232, %dma_wait3A_1233] : memref<696x40x1024xf32, #tpu.memory_space<hbm>> -> memref<1x40x1024xf32, #tpu.memory_space<hbm>>
      %dma_wait3A_1235 = tpu.memref_squeeze %dma_wait3A_1234 : memref<1x40x1024xf32, #tpu.memory_space<hbm>> -> memref<40x1024xf32, #tpu.memory_space<hbm>>
      %dma_wait3A_1236 = arith.constant 0 : i32
      %dma_wait3A_1237 = arith.constant 0 : i32
      %dma_wait3A_1238 = tpu.memref_slice %arg8[%dma_wait3A_1223, %dma_wait3A_1236, %dma_wait3A_1237] : memref<3x40x1024xf32, #tpu.memory_space<vmem>> -> memref<1x40x1024xf32, #tpu.memory_space<vmem>>
      %dma_wait3A_1239 = tpu.memref_squeeze %dma_wait3A_1238 : memref<1x40x1024xf32, #tpu.memory_space<vmem>> -> memref<40x1024xf32, #tpu.memory_space<vmem>>
      tpu.wait_dma2 semaphore(%arg14 : memref<!tpu.dma_semaphore, #tpu.memory_space<semaphore_mem>>) src(%dma_wait3A_1239 : memref<40x1024xf32, #tpu.memory_space<vmem>>) dst(%dma_wait3A_1235 : memref<40x1024xf32, #tpu.memory_space<hbm>>)
      %dma_start3A_1240 = arith.constant 0 : i32
      %dma_start3A_1241 = arith.constant 0 : i32
      %dma_start3A_1242 = arith.constant 0 : i32
      %dma_start3A_1243 = tpu.memref_slice %arg8[%dma_start3A_1240, %dma_start3A_1241, %dma_start3A_1242] : memref<3x40x1024xf32, #tpu.memory_space<vmem>> -> memref<1x40x1024xf32, #tpu.memory_space<vmem>>
      %dma_start3A_1244 = tpu.memref_squeeze %dma_start3A_1243 : memref<1x40x1024xf32, #tpu.memory_space<vmem>> -> memref<40x1024xf32, #tpu.memory_space<vmem>>
      %dma_start3A_1245 = arith.constant 840 : i32
      %dma_start3A_1246 = tpu.memref_slice %arg7[%dma_start3A_1245] : memref<880xi32, #tpu.memory_space<vmem>> -> memref<40xi32, #tpu.memory_space<vmem>>
      %dma_start3A_1247 = arith.constant 0 : i32
      %dma_start3A_1248 = arith.constant 0 : i32
      %dma_start3A_1249 = tpu.memref_slice %arg2[%dma_start3A_1247, %dma_start3A_1248] : memref<32768x1024xf32, #tpu.memory_space<hbm>> -> memref<32768x1024xf32, #tpu.memory_space<hbm>>
      tpu.enqueue_indirect_dma source(%dma_start3A_1249 : memref<32768x1024xf32, #tpu.memory_space<hbm>>) target(%dma_start3A_1244 : memref<40x1024xf32, #tpu.memory_space<vmem>>) offsets(%dma_start3A_1246 : memref<40xi32, #tpu.memory_space<vmem>>) semaphore(%arg11 : memref<!tpu.dma_semaphore, #tpu.memory_space<semaphore_mem>>)
    } else {
    }
    %dma_wait3A_1106 = arith.constant 1 : i32
    %dma_wait3A_1107 = arith.constant 0 : i32
    %dma_wait3A_1108 = arith.constant 0 : i32
    %dma_wait3A_1109 = tpu.memref_slice %arg8[%dma_wait3A_1106, %dma_wait3A_1107, %dma_wait3A_1108] : memref<3x40x1024xf32, #tpu.memory_space<vmem>> -> memref<1x40x1024xf32, #tpu.memory_space<vmem>>
    %dma_wait3A_1110 = tpu.memref_squeeze %dma_wait3A_1109 : memref<1x40x1024xf32, #tpu.memory_space<vmem>> -> memref<40x1024xf32, #tpu.memory_space<vmem>>
    %dma_wait3A_1111 = arith.constant 760 : i32
    %dma_wait3A_1112 = tpu.memref_slice %arg7[%dma_wait3A_1111] : memref<880xi32, #tpu.memory_space<vmem>> -> memref<40xi32, #tpu.memory_space<vmem>>
    %dma_wait3A_1113 = arith.constant 0 : i32
    %dma_wait3A_1114 = arith.constant 0 : i32
    %dma_wait3A_1115 = tpu.memref_slice %arg2[%dma_wait3A_1113, %dma_wait3A_1114] : memref<32768x1024xf32, #tpu.memory_space<hbm>> -> memref<32768x1024xf32, #tpu.memory_space<hbm>>
    tpu.wait_indirect_dma semaphore(%arg12 : memref<!tpu.dma_semaphore, #tpu.memory_space<semaphore_mem>>) src(%dma_wait3A_1115 : memref<32768x1024xf32, #tpu.memory_space<hbm>>) dst(%dma_wait3A_1110 : memref<40x1024xf32, #tpu.memory_space<vmem>>)
    %add3A_1116 = arith.constant 608 : i32
    %add3A_1117 = arith.addi %add3A_1116, %add3A : i32
    %dma_start3A_1118 = arith.constant 1 : i32
    %dma_start3A_1119 = arith.constant 0 : i32
    %dma_start3A_1120 = arith.constant 0 : i32
    %dma_start3A_1121 = tpu.memref_slice %arg8[%dma_start3A_1118, %dma_start3A_1119, %dma_start3A_1120] : memref<3x40x1024xf32, #tpu.memory_space<vmem>> -> memref<1x40x1024xf32, #tpu.memory_space<vmem>>
    %dma_start3A_1122 = tpu.memref_squeeze %dma_start3A_1121 : memref<1x40x1024xf32, #tpu.memory_space<vmem>> -> memref<40x1024xf32, #tpu.memory_space<vmem>>
    %dma_start3A_1123 = arith.constant 0 : i32
    %dma_start3A_1124 = arith.constant 0 : i32
    %dma_start3A_1125 = tpu.memref_slice %arg5[%add3A_1117, %dma_start3A_1123, %dma_start3A_1124] : memref<696x40x1024xf32, #tpu.memory_space<hbm>> -> memref<1x40x1024xf32, #tpu.memory_space<hbm>>
    %dma_start3A_1126 = tpu.memref_squeeze %dma_start3A_1125 : memref<1x40x1024xf32, #tpu.memory_space<hbm>> -> memref<40x1024xf32, #tpu.memory_space<hbm>>
    %dma_start3A_1127 = arith.constant 0 : i32
    %dma_start3A_1128 = arith.constant 0 : i32
    %dma_start3A_1129 = tpu.memref_slice %arg5[%add3A_1117, %dma_start3A_1127, %dma_start3A_1128] : memref<696x40x1024xf32, #tpu.memory_space<hbm>> -> memref<1x40x1024xf32, #tpu.memory_space<hbm>>
    %dma_start3A_1130 = tpu.memref_squeeze %dma_start3A_1129 : memref<1x40x1024xf32, #tpu.memory_space<hbm>> -> memref<40x1024xf32, #tpu.memory_space<hbm>>
    %dma_start3A_1131 = arith.constant 0 : i32
    %dma_start3A_1132 = arith.constant 0 : i32
    %dma_start3A_1133 = tpu.memref_slice %arg8[%dma_start3A_1118, %dma_start3A_1131, %dma_start3A_1132] : memref<3x40x1024xf32, #tpu.memory_space<vmem>> -> memref<1x40x1024xf32, #tpu.memory_space<vmem>>
    %dma_start3A_1134 = tpu.memref_squeeze %dma_start3A_1133 : memref<1x40x1024xf32, #tpu.memory_space<vmem>> -> memref<40x1024xf32, #tpu.memory_space<vmem>>
    tpu.enqueue_dma source(%dma_start3A_1134 : memref<40x1024xf32, #tpu.memory_space<vmem>>) target(%dma_start3A_1130 : memref<40x1024xf32, #tpu.memory_space<hbm>>) target_semaphore(%arg15 : memref<!tpu.dma_semaphore, #tpu.memory_space<semaphore_mem>>)
    %dma_wait3A_1135 = arith.constant 2 : i32
    %dma_wait3A_1136 = arith.constant 0 : i32
    %dma_wait3A_1137 = arith.constant 0 : i32
    %dma_wait3A_1138 = tpu.memref_slice %arg8[%dma_wait3A_1135, %dma_wait3A_1136, %dma_wait3A_1137] : memref<3x40x1024xf32, #tpu.memory_space<vmem>> -> memref<1x40x1024xf32, #tpu.memory_space<vmem>>
    %dma_wait3A_1139 = tpu.memref_squeeze %dma_wait3A_1138 : memref<1x40x1024xf32, #tpu.memory_space<vmem>> -> memref<40x1024xf32, #tpu.memory_space<vmem>>
    %dma_wait3A_1140 = arith.constant 800 : i32
    %dma_wait3A_1141 = tpu.memref_slice %arg7[%dma_wait3A_1140] : memref<880xi32, #tpu.memory_space<vmem>> -> memref<40xi32, #tpu.memory_space<vmem>>
    %dma_wait3A_1142 = arith.constant 0 : i32
    %dma_wait3A_1143 = arith.constant 0 : i32
    %dma_wait3A_1144 = tpu.memref_slice %arg2[%dma_wait3A_1142, %dma_wait3A_1143] : memref<32768x1024xf32, #tpu.memory_space<hbm>> -> memref<32768x1024xf32, #tpu.memory_space<hbm>>
    tpu.wait_indirect_dma semaphore(%arg13 : memref<!tpu.dma_semaphore, #tpu.memory_space<semaphore_mem>>) src(%dma_wait3A_1144 : memref<32768x1024xf32, #tpu.memory_space<hbm>>) dst(%dma_wait3A_1139 : memref<40x1024xf32, #tpu.memory_space<vmem>>)
    %add3A_1145 = arith.constant 640 : i32
    %add3A_1146 = arith.addi %add3A_1145, %add3A : i32
    %dma_start3A_1147 = arith.constant 2 : i32
    %dma_start3A_1148 = arith.constant 0 : i32
    %dma_start3A_1149 = arith.constant 0 : i32
    %dma_start3A_1150 = tpu.memref_slice %arg8[%dma_start3A_1147, %dma_start3A_1148, %dma_start3A_1149] : memref<3x40x1024xf32, #tpu.memory_space<vmem>> -> memref<1x40x1024xf32, #tpu.memory_space<vmem>>
    %dma_start3A_1151 = tpu.memref_squeeze %dma_start3A_1150 : memref<1x40x1024xf32, #tpu.memory_space<vmem>> -> memref<40x1024xf32, #tpu.memory_space<vmem>>
    %dma_start3A_1152 = arith.constant 0 : i32
    %dma_start3A_1153 = arith.constant 0 : i32
    %dma_start3A_1154 = tpu.memref_slice %arg5[%add3A_1146, %dma_start3A_1152, %dma_start3A_1153] : memref<696x40x1024xf32, #tpu.memory_space<hbm>> -> memref<1x40x1024xf32, #tpu.memory_space<hbm>>
    %dma_start3A_1155 = tpu.memref_squeeze %dma_start3A_1154 : memref<1x40x1024xf32, #tpu.memory_space<hbm>> -> memref<40x1024xf32, #tpu.memory_space<hbm>>
    %dma_start3A_1156 = arith.constant 0 : i32
    %dma_start3A_1157 = arith.constant 0 : i32
    %dma_start3A_1158 = tpu.memref_slice %arg5[%add3A_1146, %dma_start3A_1156, %dma_start3A_1157] : memref<696x40x1024xf32, #tpu.memory_space<hbm>> -> memref<1x40x1024xf32, #tpu.memory_space<hbm>>
    %dma_start3A_1159 = tpu.memref_squeeze %dma_start3A_1158 : memref<1x40x1024xf32, #tpu.memory_space<hbm>> -> memref<40x1024xf32, #tpu.memory_space<hbm>>
    %dma_start3A_1160 = arith.constant 0 : i32
    %dma_start3A_1161 = arith.constant 0 : i32
    %dma_start3A_1162 = tpu.memref_slice %arg8[%dma_start3A_1147, %dma_start3A_1160, %dma_start3A_1161] : memref<3x40x1024xf32, #tpu.memory_space<vmem>> -> memref<1x40x1024xf32, #tpu.memory_space<vmem>>
    %dma_start3A_1163 = tpu.memref_squeeze %dma_start3A_1162 : memref<1x40x1024xf32, #tpu.memory_space<vmem>> -> memref<40x1024xf32, #tpu.memory_space<vmem>>
    tpu.enqueue_dma source(%dma_start3A_1163 : memref<40x1024xf32, #tpu.memory_space<vmem>>) target(%dma_start3A_1159 : memref<40x1024xf32, #tpu.memory_space<hbm>>) target_semaphore(%arg16 : memref<!tpu.dma_semaphore, #tpu.memory_space<semaphore_mem>>)
    %lt3A_1164 = arith.constant 24 : i32
    %lt3A_1165 = arith.cmpi slt, %add3A, %lt3A_1164 : i32
    %convert_element_type3A_1166 = arith.extui %lt3A_1165 : i1 to i32
    %cond3A_1167 = arith.constant 0 : i32
    %cond3A_1168 = arith.cmpi ne, %convert_element_type3A_1166, %cond3A_1167 : i32
    scf.if %cond3A_1168 {
      %dma_wait3A_1221 = arith.constant 0 : i32
      %dma_wait3A_1222 = arith.constant 0 : i32
      %dma_wait3A_1223 = arith.constant 0 : i32
      %dma_wait3A_1224 = tpu.memref_slice %arg8[%dma_wait3A_1221, %dma_wait3A_1222, %dma_wait3A_1223] : memref<3x40x1024xf32, #tpu.memory_space<vmem>> -> memref<1x40x1024xf32, #tpu.memory_space<vmem>>
      %dma_wait3A_1225 = tpu.memref_squeeze %dma_wait3A_1224 : memref<1x40x1024xf32, #tpu.memory_space<vmem>> -> memref<40x1024xf32, #tpu.memory_space<vmem>>
      %dma_wait3A_1226 = arith.constant 840 : i32
      %dma_wait3A_1227 = tpu.memref_slice %arg7[%dma_wait3A_1226] : memref<880xi32, #tpu.memory_space<vmem>> -> memref<40xi32, #tpu.memory_space<vmem>>
      %dma_wait3A_1228 = arith.constant 0 : i32
      %dma_wait3A_1229 = arith.constant 0 : i32
      %dma_wait3A_1230 = tpu.memref_slice %arg2[%dma_wait3A_1228, %dma_wait3A_1229] : memref<32768x1024xf32, #tpu.memory_space<hbm>> -> memref<32768x1024xf32, #tpu.memory_space<hbm>>
      tpu.wait_indirect_dma semaphore(%arg11 : memref<!tpu.dma_semaphore, #tpu.memory_space<semaphore_mem>>) src(%dma_wait3A_1230 : memref<32768x1024xf32, #tpu.memory_space<hbm>>) dst(%dma_wait3A_1225 : memref<40x1024xf32, #tpu.memory_space<vmem>>)
      %add3A_1231 = arith.constant 672 : i32
      %add3A_1232 = arith.addi %add3A_1231, %add3A : i32
      %dma_start3A_1233 = arith.constant 0 : i32
      %dma_start3A_1234 = arith.constant 0 : i32
      %dma_start3A_1235 = arith.constant 0 : i32
      %dma_start3A_1236 = tpu.memref_slice %arg8[%dma_start3A_1233, %dma_start3A_1234, %dma_start3A_1235] : memref<3x40x1024xf32, #tpu.memory_space<vmem>> -> memref<1x40x1024xf32, #tpu.memory_space<vmem>>
      %dma_start3A_1237 = tpu.memref_squeeze %dma_start3A_1236 : memref<1x40x1024xf32, #tpu.memory_space<vmem>> -> memref<40x1024xf32, #tpu.memory_space<vmem>>
      %dma_start3A_1238 = arith.constant 0 : i32
      %dma_start3A_1239 = arith.constant 0 : i32
      %dma_start3A_1240 = tpu.memref_slice %arg5[%add3A_1232, %dma_start3A_1238, %dma_start3A_1239] : memref<696x40x1024xf32, #tpu.memory_space<hbm>> -> memref<1x40x1024xf32, #tpu.memory_space<hbm>>
      %dma_start3A_1241 = tpu.memref_squeeze %dma_start3A_1240 : memref<1x40x1024xf32, #tpu.memory_space<hbm>> -> memref<40x1024xf32, #tpu.memory_space<hbm>>
      %dma_start3A_1242 = arith.constant 0 : i32
      %dma_start3A_1243 = arith.constant 0 : i32
      %dma_start3A_1244 = tpu.memref_slice %arg5[%add3A_1232, %dma_start3A_1242, %dma_start3A_1243] : memref<696x40x1024xf32, #tpu.memory_space<hbm>> -> memref<1x40x1024xf32, #tpu.memory_space<hbm>>
      %dma_start3A_1245 = tpu.memref_squeeze %dma_start3A_1244 : memref<1x40x1024xf32, #tpu.memory_space<hbm>> -> memref<40x1024xf32, #tpu.memory_space<hbm>>
      %dma_start3A_1246 = arith.constant 0 : i32
      %dma_start3A_1247 = arith.constant 0 : i32
      %dma_start3A_1248 = tpu.memref_slice %arg8[%dma_start3A_1233, %dma_start3A_1246, %dma_start3A_1247] : memref<3x40x1024xf32, #tpu.memory_space<vmem>> -> memref<1x40x1024xf32, #tpu.memory_space<vmem>>
      %dma_start3A_1249 = tpu.memref_squeeze %dma_start3A_1248 : memref<1x40x1024xf32, #tpu.memory_space<vmem>> -> memref<40x1024xf32, #tpu.memory_space<vmem>>
      tpu.enqueue_dma source(%dma_start3A_1249 : memref<40x1024xf32, #tpu.memory_space<vmem>>) target(%dma_start3A_1245 : memref<40x1024xf32, #tpu.memory_space<hbm>>) target_semaphore(%arg14 : memref<!tpu.dma_semaphore, #tpu.memory_space<semaphore_mem>>)
    } else {
    }
    %add3A_1169 = arith.constant 608 : i32
    %add3A_1170 = arith.addi %add3A_1169, %add3A : i32
    %dma_wait3A_1171 = arith.constant 1 : i32
    %dma_wait3A_1172 = arith.constant 0 : i32
    %dma_wait3A_1173 = arith.constant 0 : i32
    %dma_wait3A_1174 = tpu.memref_slice %arg8[%dma_wait3A_1171, %dma_wait3A_1172, %dma_wait3A_1173] : memref<3x40x1024xf32, #tpu.memory_space<vmem>> -> memref<1x40x1024xf32, #tpu.memory_space<vmem>>
    %dma_wait3A_1175 = tpu.memref_squeeze %dma_wait3A_1174 : memref<1x40x1024xf32, #tpu.memory_space<vmem>> -> memref<40x1024xf32, #tpu.memory_space<vmem>>
    %dma_wait3A_1176 = arith.constant 0 : i32
    %dma_wait3A_1177 = arith.constant 0 : i32
    %dma_wait3A_1178 = tpu.memref_slice %arg5[%add3A_1170, %dma_wait3A_1176, %dma_wait3A_1177] : memref<696x40x1024xf32, #tpu.memory_space<hbm>> -> memref<1x40x1024xf32, #tpu.memory_space<hbm>>
    %dma_wait3A_1179 = tpu.memref_squeeze %dma_wait3A_1178 : memref<1x40x1024xf32, #tpu.memory_space<hbm>> -> memref<40x1024xf32, #tpu.memory_space<hbm>>
    %dma_wait3A_1180 = arith.constant 0 : i32
    %dma_wait3A_1181 = arith.constant 0 : i32
    %dma_wait3A_1182 = tpu.memref_slice %arg5[%add3A_1170, %dma_wait3A_1180, %dma_wait3A_1181] : memref<696x40x1024xf32, #tpu.memory_space<hbm>> -> memref<1x40x1024xf32, #tpu.memory_space<hbm>>
    %dma_wait3A_1183 = tpu.memref_squeeze %dma_wait3A_1182 : memref<1x40x1024xf32, #tpu.memory_space<hbm>> -> memref<40x1024xf32, #tpu.memory_space<hbm>>
    %dma_wait3A_1184 = arith.constant 0 : i32
    %dma_wait3A_1185 = arith.constant 0 : i32
    %dma_wait3A_1186 = tpu.memref_slice %arg8[%dma_wait3A_1171, %dma_wait3A_1184, %dma_wait3A_1185] : memref<3x40x1024xf32, #tpu.memory_space<vmem>> -> memref<1x40x1024xf32, #tpu.memory_space<vmem>>
    %dma_wait3A_1187 = tpu.memref_squeeze %dma_wait3A_1186 : memref<1x40x1024xf32, #tpu.memory_space<vmem>> -> memref<40x1024xf32, #tpu.memory_space<vmem>>
    tpu.wait_dma2 semaphore(%arg15 : memref<!tpu.dma_semaphore, #tpu.memory_space<semaphore_mem>>) src(%dma_wait3A_1187 : memref<40x1024xf32, #tpu.memory_space<vmem>>) dst(%dma_wait3A_1183 : memref<40x1024xf32, #tpu.memory_space<hbm>>)
    %add3A_1188 = arith.constant 640 : i32
    %add3A_1189 = arith.addi %add3A_1188, %add3A : i32
    %dma_wait3A_1190 = arith.constant 2 : i32
    %dma_wait3A_1191 = arith.constant 0 : i32
    %dma_wait3A_1192 = arith.constant 0 : i32
    %dma_wait3A_1193 = tpu.memref_slice %arg8[%dma_wait3A_1190, %dma_wait3A_1191, %dma_wait3A_1192] : memref<3x40x1024xf32, #tpu.memory_space<vmem>> -> memref<1x40x1024xf32, #tpu.memory_space<vmem>>
    %dma_wait3A_1194 = tpu.memref_squeeze %dma_wait3A_1193 : memref<1x40x1024xf32, #tpu.memory_space<vmem>> -> memref<40x1024xf32, #tpu.memory_space<vmem>>
    %dma_wait3A_1195 = arith.constant 0 : i32
    %dma_wait3A_1196 = arith.constant 0 : i32
    %dma_wait3A_1197 = tpu.memref_slice %arg5[%add3A_1189, %dma_wait3A_1195, %dma_wait3A_1196] : memref<696x40x1024xf32, #tpu.memory_space<hbm>> -> memref<1x40x1024xf32, #tpu.memory_space<hbm>>
    %dma_wait3A_1198 = tpu.memref_squeeze %dma_wait3A_1197 : memref<1x40x1024xf32, #tpu.memory_space<hbm>> -> memref<40x1024xf32, #tpu.memory_space<hbm>>
    %dma_wait3A_1199 = arith.constant 0 : i32
    %dma_wait3A_1200 = arith.constant 0 : i32
    %dma_wait3A_1201 = tpu.memref_slice %arg5[%add3A_1189, %dma_wait3A_1199, %dma_wait3A_1200] : memref<696x40x1024xf32, #tpu.memory_space<hbm>> -> memref<1x40x1024xf32, #tpu.memory_space<hbm>>
    %dma_wait3A_1202 = tpu.memref_squeeze %dma_wait3A_1201 : memref<1x40x1024xf32, #tpu.memory_space<hbm>> -> memref<40x1024xf32, #tpu.memory_space<hbm>>
    %dma_wait3A_1203 = arith.constant 0 : i32
    %dma_wait3A_1204 = arith.constant 0 : i32
    %dma_wait3A_1205 = tpu.memref_slice %arg8[%dma_wait3A_1190, %dma_wait3A_1203, %dma_wait3A_1204] : memref<3x40x1024xf32, #tpu.memory_space<vmem>> -> memref<1x40x1024xf32, #tpu.memory_space<vmem>>
    %dma_wait3A_1206 = tpu.memref_squeeze %dma_wait3A_1205 : memref<1x40x1024xf32, #tpu.memory_space<vmem>> -> memref<40x1024xf32, #tpu.memory_space<vmem>>
    tpu.wait_dma2 semaphore(%arg16 : memref<!tpu.dma_semaphore, #tpu.memory_space<semaphore_mem>>) src(%dma_wait3A_1206 : memref<40x1024xf32, #tpu.memory_space<vmem>>) dst(%dma_wait3A_1202 : memref<40x1024xf32, #tpu.memory_space<hbm>>)
    %lt3A_1207 = arith.constant 24 : i32
    %lt3A_1208 = arith.cmpi slt, %add3A, %lt3A_1207 : i32
    %convert_element_type3A_1209 = arith.extui %lt3A_1208 : i1 to i32
    %cond3A_1210 = arith.constant 0 : i32
    %cond3A_1211 = arith.cmpi ne, %convert_element_type3A_1209, %cond3A_1210 : i32
    scf.if %cond3A_1211 {
      %add3A_1221 = arith.constant 672 : i32
      %add3A_1222 = arith.addi %add3A_1221, %add3A : i32
      %dma_wait3A_1223 = arith.constant 0 : i32
      %dma_wait3A_1224 = arith.constant 0 : i32
      %dma_wait3A_1225 = arith.constant 0 : i32
      %dma_wait3A_1226 = tpu.memref_slice %arg8[%dma_wait3A_1223, %dma_wait3A_1224, %dma_wait3A_1225] : memref<3x40x1024xf32, #tpu.memory_space<vmem>> -> memref<1x40x1024xf32, #tpu.memory_space<vmem>>
      %dma_wait3A_1227 = tpu.memref_squeeze %dma_wait3A_1226 : memref<1x40x1024xf32, #tpu.memory_space<vmem>> -> memref<40x1024xf32, #tpu.memory_space<vmem>>
      %dma_wait3A_1228 = arith.constant 0 : i32
      %dma_wait3A_1229 = arith.constant 0 : i32
      %dma_wait3A_1230 = tpu.memref_slice %arg5[%add3A_1222, %dma_wait3A_1228, %dma_wait3A_1229] : memref<696x40x1024xf32, #tpu.memory_space<hbm>> -> memref<1x40x1024xf32, #tpu.memory_space<hbm>>
      %dma_wait3A_1231 = tpu.memref_squeeze %dma_wait3A_1230 : memref<1x40x1024xf32, #tpu.memory_space<hbm>> -> memref<40x1024xf32, #tpu.memory_space<hbm>>
      %dma_wait3A_1232 = arith.constant 0 : i32
      %dma_wait3A_1233 = arith.constant 0 : i32
      %dma_wait3A_1234 = tpu.memref_slice %arg5[%add3A_1222, %dma_wait3A_1232, %dma_wait3A_1233] : memref<696x40x1024xf32, #tpu.memory_space<hbm>> -> memref<1x40x1024xf32, #tpu.memory_space<hbm>>
      %dma_wait3A_1235 = tpu.memref_squeeze %dma_wait3A_1234 : memref<1x40x1024xf32, #tpu.memory_space<hbm>> -> memref<40x1024xf32, #tpu.memory_space<hbm>>
      %dma_wait3A_1236 = arith.constant 0 : i32
      %dma_wait3A_1237 = arith.constant 0 : i32
      %dma_wait3A_1238 = tpu.memref_slice %arg8[%dma_wait3A_1223, %dma_wait3A_1236, %dma_wait3A_1237] : memref<3x40x1024xf32, #tpu.memory_space<vmem>> -> memref<1x40x1024xf32, #tpu.memory_space<vmem>>
      %dma_wait3A_1239 = tpu.memref_squeeze %dma_wait3A_1238 : memref<1x40x1024xf32, #tpu.memory_space<vmem>> -> memref<40x1024xf32, #tpu.memory_space<vmem>>
      tpu.wait_dma2 semaphore(%arg14 : memref<!tpu.dma_semaphore, #tpu.memory_space<semaphore_mem>>) src(%dma_wait3A_1239 : memref<40x1024xf32, #tpu.memory_space<vmem>>) dst(%dma_wait3A_1235 : memref<40x1024xf32, #tpu.memory_space<hbm>>)
    } else {
    }
    %ge3A = arith.constant 24 : i32
    %ge3A_1212 = arith.cmpi sge, %add3A, %ge3A : i32
    %convert_element_type3A_1213 = arith.extui %ge3A_1212 : i1 to i32
    %cond3A_1214 = arith.constant 0 : i32
    %cond3A_1215 = arith.cmpi ne, %convert_element_type3A_1213, %cond3A_1214 : i32
    scf.if %cond3A_1215 {
      %add3A_1221 = arith.constant 576 : i32
      %add3A_1222 = arith.addi %add3A_1221, %add3A : i32
      %dma_wait3A_1223 = arith.constant 0 : i32
      %dma_wait3A_1224 = arith.constant 0 : i32
      %dma_wait3A_1225 = arith.constant 0 : i32
      %dma_wait3A_1226 = tpu.memref_slice %arg8[%dma_wait3A_1223, %dma_wait3A_1224, %dma_wait3A_1225] : memref<3x40x1024xf32, #tpu.memory_space<vmem>> -> memref<1x40x1024xf32, #tpu.memory_space<vmem>>
      %dma_wait3A_1227 = tpu.memref_squeeze %dma_wait3A_1226 : memref<1x40x1024xf32, #tpu.memory_space<vmem>> -> memref<40x1024xf32, #tpu.memory_space<vmem>>
      %dma_wait3A_1228 = arith.constant 0 : i32
      %dma_wait3A_1229 = arith.constant 0 : i32
      %dma_wait3A_1230 = tpu.memref_slice %arg5[%add3A_1222, %dma_wait3A_1228, %dma_wait3A_1229] : memref<696x40x1024xf32, #tpu.memory_space<hbm>> -> memref<1x40x1024xf32, #tpu.memory_space<hbm>>
      %dma_wait3A_1231 = tpu.memref_squeeze %dma_wait3A_1230 : memref<1x40x1024xf32, #tpu.memory_space<hbm>> -> memref<40x1024xf32, #tpu.memory_space<hbm>>
      %dma_wait3A_1232 = arith.constant 0 : i32
      %dma_wait3A_1233 = arith.constant 0 : i32
      %dma_wait3A_1234 = tpu.memref_slice %arg5[%add3A_1222, %dma_wait3A_1232, %dma_wait3A_1233] : memref<696x40x1024xf32, #tpu.memory_space<hbm>> -> memref<1x40x1024xf32, #tpu.memory_space<hbm>>
      %dma_wait3A_1235 = tpu.memref_squeeze %dma_wait3A_1234 : memref<1x40x1024xf32, #tpu.memory_space<hbm>> -> memref<40x1024xf32, #tpu.memory_space<hbm>>
      %dma_wait3A_1236 = arith.constant 0 : i32
      %dma_wait3A_1237 = arith.constant 0 : i32
      %dma_wait3A_1238 = tpu.memref_slice %arg8[%dma_wait3A_1223, %dma_wait3A_1236, %dma_wait3A_1237] : memref<3x40x1024xf32, #tpu.memory_space<vmem>> -> memref<1x40x1024xf32, #tpu.memory_space<vmem>>
      %dma_wait3A_1239 = tpu.memref_squeeze %dma_wait3A_1238 : memref<1x40x1024xf32, #tpu.memory_space<vmem>> -> memref<40x1024xf32, #tpu.memory_space<vmem>>
      tpu.wait_dma2 semaphore(%arg14 : memref<!tpu.dma_semaphore, #tpu.memory_space<semaphore_mem>>) src(%dma_wait3A_1239 : memref<40x1024xf32, #tpu.memory_space<vmem>>) dst(%dma_wait3A_1235 : memref<40x1024xf32, #tpu.memory_space<hbm>>)
    } else {
    }
    %lt3A_1216 = arith.constant 16 : i32
    %lt3A_1217 = arith.cmpi slt, %add3A, %lt3A_1216 : i32
    %convert_element_type3A_1218 = arith.extui %lt3A_1217 : i1 to i32
    %cond3A_1219 = arith.constant 0 : i32
    %cond3A_1220 = arith.cmpi ne, %convert_element_type3A_1218, %cond3A_1219 : i32
    scf.if %cond3A_1220 {
      %mul3A_1221 = arith.constant 2048 : i32
      %mul3A_1222 = arith.muli %add3A, %mul3A_1221 : i32
      "tpu.region"() ({
        %run_scoped3A = tpu.sem_alloc : memref<!tpu.dma_semaphore, #tpu.memory_space<semaphore_mem>>
        %dma_start3A_1230 = tpu.memref_slice %arg4[%mul3A_1222] : memref<32768xi32, #tpu.memory_space<hbm>> -> memref<2048xi32, #tpu.memory_space<hbm>>
        %dma_start3A_1231 = tpu.memref_slice %arg4[%mul3A_1222] : memref<32768xi32, #tpu.memory_space<hbm>> -> memref<2048xi32, #tpu.memory_space<hbm>>
        tpu.enqueue_dma source(%dma_start3A_1231 : memref<2048xi32, #tpu.memory_space<hbm>>) target(%arg9 : memref<2048xi32, #tpu.memory_space<vmem>>) target_semaphore(%run_scoped3A : memref<!tpu.dma_semaphore, #tpu.memory_space<semaphore_mem>>)
        %dma_wait3A_1232 = tpu.memref_slice %arg4[%mul3A_1222] : memref<32768xi32, #tpu.memory_space<hbm>> -> memref<2048xi32, #tpu.memory_space<hbm>>
        %dma_wait3A_1233 = tpu.memref_slice %arg4[%mul3A_1222] : memref<32768xi32, #tpu.memory_space<hbm>> -> memref<2048xi32, #tpu.memory_space<hbm>>
        tpu.wait_dma2 semaphore(%run_scoped3A : memref<!tpu.dma_semaphore, #tpu.memory_space<semaphore_mem>>) src(%dma_wait3A_1233 : memref<2048xi32, #tpu.memory_space<hbm>>) dst(%arg9 : memref<2048xi32, #tpu.memory_space<vmem>>)
        tpu.yield
      }) : () -> ()
      %scan3A = arith.constant 0 : i32
      %scan3A_1223 = arith.constant 0 : i32
      %scan3A_1224 = arith.constant 128 : i32
      %scan3A_1225 = arith.addi %scan3A_1223, %scan3A_1224 : i32
      %scan3A_1226 = arith.constant 1 : i32
      scf.for %scan3A_1230 = %scan3A_1223 to %scan3A_1225 step %scan3A_1226  : i32 {
        %mul3A_1231 = arith.constant 16 : i32
        %mul3A_1232 = arith.muli %scan3A_1230, %mul3A_1231 : i32
        %get3A = arith.index_cast %mul3A_1232 : i32 to index
        %get3A_1233 = tpu.vector_load %arg9[%get3A] {strides = array<i32>} : memref<2048xi32, #tpu.memory_space<vmem>>, vector<16xi32>,
        %iota3A = tpu.iota {dimensions = array<i32: 0>} : vector<16xi32>
        %mul3A_1234 = arith.constant 16 : i32
        %mul3A_1235 = arith.muli %scan3A_1230, %mul3A_1234 : i32
        %add3A_1236 = vector.broadcast %mul3A_1235 : i32 to vector<16xi32>
        %add3A_1237 = arith.addi %iota3A, %add3A_1236 : vector<16xi32>
        tpu.vector_store_idx %arg10[%get3A_1233], %add3A_1237 : memref<2048xi32, #tpu.memory_space<vmem>>[vector<16xi32>], vector<16xi32>,
      }
      %scan3A_1227 = arith.constant 128 : i32
      %mul3A_1228 = arith.constant 2048 : i32
      %mul3A_1229 = arith.muli %add3A, %mul3A_1228 : i32
      "tpu.region"() ({
        %run_scoped3A = tpu.sem_alloc : memref<!tpu.dma_semaphore, #tpu.memory_space<semaphore_mem>>
        %dma_start3A_1230 = tpu.memref_slice %arg6[%mul3A_1229] : memref<32768xi32, #tpu.memory_space<hbm>> -> memref<2048xi32, #tpu.memory_space<hbm>>
        %dma_start3A_1231 = tpu.memref_slice %arg6[%mul3A_1229] : memref<32768xi32, #tpu.memory_space<hbm>> -> memref<2048xi32, #tpu.memory_space<hbm>>
        tpu.enqueue_dma source(%arg10 : memref<2048xi32, #tpu.memory_space<vmem>>) target(%dma_start3A_1231 : memref<2048xi32, #tpu.memory_space<hbm>>) target_semaphore(%run_scoped3A : memref<!tpu.dma_semaphore, #tpu.memory_space<semaphore_mem>>)
        %dma_wait3A_1232 = tpu.memref_slice %arg6[%mul3A_1229] : memref<32768xi32, #tpu.memory_space<hbm>> -> memref<2048xi32, #tpu.memory_space<hbm>>
        %dma_wait3A_1233 = tpu.memref_slice %arg6[%mul3A_1229] : memref<32768xi32, #tpu.memory_space<hbm>> -> memref<2048xi32, #tpu.memory_space<hbm>>
        tpu.wait_dma2 semaphore(%run_scoped3A : memref<!tpu.dma_semaphore, #tpu.memory_space<semaphore_mem>>) src(%arg10 : memref<2048xi32, #tpu.memory_space<vmem>>) dst(%dma_wait3A_1233 : memref<2048xi32, #tpu.memory_space<hbm>>)
        tpu.yield
      }) : () -> ()
    } else {
    }
    return
  }
}

module attributes {stable_mosaic.version = 14 : i64} {
  func.func @_tc_copy_body(%arg0: i32, %arg1: memref<512x1024xf32, #tpu.memory_space<vmem>>, %arg2: memref<512x1024xf32, #tpu.memory_space<vmem>>) attributes {dimension_semantics = [#tpu.dimension_semantics<arbitrary>], iteration_bounds = array<i64: 64>, scalar_prefetch = 0 : i64, scratch_operands = 0 : i64, tpu.core_type = #tpu.core_type<tc>, window_params = [{transform_indices = @transform_0, window_bounds = array<i64: 512, 1024>}, {transform_indices = @transform_1, window_bounds = array<i64: 512, 1024>}]} {
    %get3A = arith.constant 0 : index
    %get3A_0 = arith.constant 0 : index
    %get3A_1 = vector.load %arg1[%get3A, %get3A_0] : memref<512x1024xf32, #tpu.memory_space<vmem>>, vector<512x1024xf32>
    %swap3A = arith.constant 0 : index
    %swap3A_2 = arith.constant 0 : index
    %swap3A_3 = vector.load %arg2[%swap3A, %swap3A_2] : memref<512x1024xf32, #tpu.memory_space<vmem>>, vector<512x1024xf32>
    tpu.vector_store %arg2[%swap3A, %swap3A_2], %get3A_1 {strides = array<i32>} : memref<512x1024xf32, #tpu.memory_space<vmem>>, vector<512x1024xf32>,
    return
  }
  func.func @transform_0(%arg0: i32) -> (i32, i32) {
    %c0_i32 = arith.constant 0 : i32
    %c0_i32_0 = arith.constant 0 : i32
    return %arg0, %c0_i32 : i32, i32
  }
  func.func @transform_1(%arg0: i32) -> (i32, i32) {
    %c0_i32 = arith.constant 0 : i32
    %c0_i32_0 = arith.constant 0 : i32
    return %arg0, %c0_i32 : i32, i32
  }
}

</mosaic_0001>

<sc_bundles>
// kernel: kernel.4.cloned.1.call-start
scs
__scs_entry_jumppad:
0x0: {  	(pc) =	sbr.rel $0x88, $3  }
0x1: {  	(tag) =	ssettag $0x0;
	lr =	simm.s32 $0x1  }
0x2: {  	[smem:$0x3FA0] =	sst lr;
	_ =	strace $0xD0000000  }
0x3: {  	_ = 	snop  }
0x4: {  	_ = 	snop  }
0x5: {  	_ = 	snop  }
0x6: {  	_ = 	snop  }
0x7: {  	_ = 	snop  }
__scs_overlays_trampoline_lowered:
0x8: {  	[smem:$0x3FAF] =	sst s0  }
0x9: {  	[smem:$0x3FB0] =	sst s1  }
0xa: {  	[smem:$0x3FB1] =	sst s2  }
0xb: {  	[smem:$0x3FB2] =	sst s3  }
0xc: {  	[smem:$0x3FB3] =	sst s4  }
0xd: {  	[smem:$0x3FB4] =	sst s5  }
0xe: {  	[smem:$0x3FB5] =	sst s6  }
0xf: {  	[smem:$0x3FB6] =	sst s7  }
0x10: {  	[smem:$0x3FB7] =	sst s8  }
0x11: {  	[smem:$0x3FB8] =	sst s9;
	s0 =	simm.s32 @!p0 $0x0  }
0x12: {  	s1 =	sld [smem:$0x3F9E];
	s0 =	simm.s32 @p0 $0x1  }
0x13: {  	[smem:$0x3FB9] =	sst s0;
	s0 =	simm.s32 @!p1 $0x0  }
0x14: {  	s2 =	sld [smem:$0x3F9D];
	s0 =	simm.s32 @p1 $0x1  }
0x15: {  	[smem:$0x3FBA] =	sst s0;
	s0 =	simm.s32 @!p2 $0x0  }
0x16: {  	s3 =	sld [smem:$0x3FDB];
	s0 =	simm.s32 @p2 $0x1  }
0x17: {  	s4 =	simm.s32 $0x1BF5;
	[smem:$0x3FBC] =	sst s0  }
0x18: {  	s0 =	sld [smem:$0x3F9F];
	_ =	swait.ge [sflag:s4], $0x0  }
0x19: {  	s7 =	sld [smem:$0x3FA0]  }
0x1a: {  	s8 =	sadd.s32 $0xFFFFE003, lr  }
0x1b: {  	s9 =	sadd.s32 $0xFFFFFEF7, lr;
	s5 =	simm.s32 $0xFFFFFFFF;
	p2 =	slt.u32 s8, $0xFFFFF086  }
0x1c: {  	p1 =	slt.u32 s9, $0xF7A;
	s5 =	simm.s32 @!p2 $0x0  }
0x1d: {  	s5 =	simm.s32 @p1 $0x1;
	p0 =	seq.s32 s7, s2  }
0x1e: {  	s7 =	smul.u32 @!p0 $0xF7A, s2;
	p2 =	seq.s32 @!p0 s5, $0x0  }
0x1f: {  	s9 =	smul.u32 $0xF7A, s1;
	s8 =	simm.s32 @!p0 $0x1BF5;
	p2 =	por !p2, p0  }
0x20: {  	[sflag:s8] =	ssyncset.s32 @!p0 $0xFFFFF086;
	s6 =	sadd.s32 @!p0 s3, s7;
	s7 =	simm.s32 @!p0 $0x108  }
0x21: {  	s3 =	sadd.s32 s3, s9;
	s6 =	sadd.s32 @!p0 $0x88, s6;
	s7 =	simm.s32 @p2 $0x1082  }
0x22: {  	[simem:s7], [sflag:s8] =	dma.local @!p0 [hbm:s6], $0xF7A  }
0x23: {  	s9 =	sor.u32 $0xD0000000, s2;
	s6 =	simm.s32 $0x108;
	_ =	swait.ge @!p0 [sflag:s8], $0x0  }
0x24: {  	s3 =	sadd.s32 $0x88, s3;
	s6 =	simm.s32 @!p1 $0x1082;
	[sflag:s4] =	ssyncset.s32 $0xFFFFF086  }
0x25: {  	[simem:s6], [sflag:s4] =	dma.local [hbm:s3], $0xF7A  }
0x26: {  	[smem:$0x3FA0] =	sst s1;
	(tag) =	ssettag s2;
	_ =	strace s9  }
0x27: {  	s1 =	sld [smem:$0x3FB0]  }
0x28: {  	s2 =	sld [smem:$0x3FB1]  }
0x29: {  	s4 =	sld [smem:$0x3FB3]  }
0x2a: {  	p0 =	seq.s32 s5, $0x0;
	s5 =	sld [smem:$0x3FB4]  }
0x2b: {  	s6 =	sld [smem:$0x3FB5]  }
0x2c: {  	s7 =	sld [smem:$0x3FB6]  }
0x2d: {  	s3 =	simm.s32 $0x108;
	s8 =	sld [smem:$0x3FB7]  }
0x2e: {  	s3 =	simm.s32 @!p0 $0x1082;
	s9 =	sld [smem:$0x3FB8]  }
0x2f: {  	lr =	sadd.s32 s0, s3;
	s0 =	sld [smem:$0x3FAF]  }
0x30: {  	s3 =	sld [smem:$0x3FB2]  }
0x31: {  	[smem:$0x3FBB] =	sst s10  }
0x32: {  	s10 =	sld [smem:$0x3FB9];
	_ =	sdelay $0x3  }
0x33: {  	p0 =	seq.s32 s10, $0x1;
	s10 =	sld [smem:$0x3FBB];
	_ =	sdelay $0x3  }
0x34: {  	[smem:$0x3FBB] =	sst s10  }
0x35: {  	s10 =	sld [smem:$0x3FBA];
	_ =	sdelay $0x3  }
0x36: {  	p1 =	seq.s32 s10, $0x1;
	s10 =	sld [smem:$0x3FBB];
	_ =	sdelay $0x3  }
0x37: {  	[smem:$0x3FBB] =	sst s10  }
0x38: {  	s10 =	sld [smem:$0x3FBC]  }
0x39: {  	_ = 	snop;
	(pc) =	sbr.ind lr, $3  }
0x3a: {  	_ = 	snop  }
0x3b: {  	_ = 	snop  }
0x3c: {  	p2 =	seq.s32 s10, $0x1;
	s10 =	sld [smem:$0x3FBB]  }
0x3d: {  	_ =	shalt  }
0x3e: {  	_ =	shalt  }
0x3f: {  	_ =	shalt  }
0x40: {  	_ =	shalt  }
0x41: {  	_ =	shalt  }
0x42: {  	_ =	shalt  }
0x43: {  	_ =	shalt  }
0x44: {  	_ =	shalt  }
0x45: {  	_ =	shalt  }
0x46: {  	_ =	shalt  }
0x47: {  	_ =	shalt  }
0x48: {  	_ =	shalt  }
0x49: {  	_ =	shalt  }
0x4a: {  	_ =	shalt  }
0x4b: {  	_ =	shalt  }
0x4c: {  	_ =	shalt  }
0x4d: {  	_ =	shalt  }
0x4e: {  	_ =	shalt  }
0x4f: {  	_ =	shalt  }
0x50: {  	_ =	shalt  }
0x51: {  	_ =	shalt  }
0x52: {  	_ =	shalt  }
0x53: {  	_ =	shalt  }
0x54: {  	_ =	shalt  }
0x55: {  	_ =	shalt  }
0x56: {  	_ =	shalt  }
0x57: {  	_ =	shalt  }
0x58: {  	_ =	shalt  }
0x59: {  	_ =	shalt  }
0x5a: {  	_ =	shalt  }
0x5b: {  	_ =	shalt  }
0x5c: {  	_ =	shalt  }
0x5d: {  	_ =	shalt  }
0x5e: {  	_ =	shalt  }
0x5f: {  	_ =	shalt  }
0x60: {  	_ =	shalt  }
0x61: {  	_ =	shalt  }
0x62: {  	_ =	shalt  }
0x63: {  	_ =	shalt  }
0x64: {  	_ =	shalt  }
0x65: {  	_ =	shalt  }
0x66: {  	_ =	shalt  }
0x67: {  	_ =	shalt  }
0x68: {  	_ =	shalt  }
0x69: {  	_ =	shalt  }
0x6a: {  	_ =	shalt  }
0x6b: {  	_ =	shalt  }
0x6c: {  	_ =	shalt  }
0x6d: {  	_ =	shalt  }
0x6e: {  	_ =	shalt  }
0x6f: {  	_ =	shalt  }
0x70: {  	_ =	shalt  }
0x71: {  	_ =	shalt  }
0x72: {  	_ =	shalt  }
0x73: {  	_ =	shalt  }
0x74: {  	_ =	shalt  }
0x75: {  	_ =	shalt  }
0x76: {  	_ =	shalt  }
0x77: {  	_ =	shalt  }
0x78: {  	_ =	shalt  }
0x79: {  	_ =	shalt  }
0x7a: {  	_ =	shalt  }
0x7b: {  	_ =	shalt  }
0x7c: {  	_ =	shalt  }
0x7d: {  	_ =	shalt  }
0x7e: {  	_ =	shalt  }
0x7f: {  	_ =	shalt  }
0x80: {  	_ =	shalt  }
0x81: {  	_ =	shalt  }
0x82: {  	_ =	shalt  }
0x83: {  	_ =	shalt  }
0x84: {  	_ =	shalt  }
0x85: {  	_ =	shalt  }
0x86: {  	_ =	shalt  }
0x87: {  	_ =	shalt  }
.Lfunc_end0:
.L_simem_size_0:
called_computation_lowered:
.L_overlay_start_0:
0x88: {  	s2 =	sld [smem:$0x3FD9]  }
0x89: {  	s3 =	sld [smem:$0x3FFE];
	_ =	sdelay $0x1  }
0x8a: {  	s1 =	srdreg.scid  }
0x8b: {  	s0 =	sand.u32 $0x1, s1  }
0x8c: {  	s14 =	sshll.u32 s0, $0xA;
	s2 =	sadd.s32 s3, s2  }
0x8d: {  	s2 =	sadd.s32 s2, s14  }
0x8e: {  	[smem:$0x3FC7] =	sst s2  }
0x8f: {  	_ = 	snop  }
0x90: {  	s2 =	sld [smem:$0x3FD0];
	_ =	sdelay $0x2  }
0x91: {  	s4 =	simm.s32 $0xA;
	s5 =	simm.s32 $0x10;
	s15 =	sld [smem:$0x3FC9]  }
0x92: {  	[smem:s5], [sflag:s4] =	dma.local [hbm:s2], $0x1  }
0x93: {  	_ =	swait.eq [sflag:s4], $0x1  }
0x94: {  	[sflag:s4] =	ssyncset.done $0x0  }
0x95: {  	s16 =	sld [smem:$0x10];
	[sflag:s4] =	ssyncadd.s32 $0xFFFFFFFF  }
0x96: {  	s17 =	sld [smem:$0x12];
	(tm) =	ssettm $0x1  }
0x97: {  	s18 =	sld [smem:$0x3FFB];
	_ =	sdelay $0x3  }
0x98: {  	_ =	strace s18  }
0x99: {  	s5 =	sld [smem:$0x3FFC];
	_ =	sdelay $0x3  }
0x9a: {  	_ =	strace s5  }
0x9b: {  	s5 =	sld [smem:$0x3FFD];
	_ =	sdelay $0x3  }
0x9c: {  	_ =	strace s5  }
0x9d: {  	_ =	strace $0x8FFFFFFF  }
0x9e: {  	s19 =	sld [smem:$0x3FDB];
	_ =	sdelay $0x1  }
0x9f: {  	s6 =	simm.s32 $_scs_section_size  }
0xa0: {  	s7 =	simm.s32 $_size__tile_overlayer_lowered;
	s8 =	simm.s32 $_tile_overlayer_lowered  }
0xa1: {  	s22 =	simm.s32 $0x1BFF;
	s21 =	sshll.u32 s8, $0x1;
	s5 =	sadd.s32 s6, s19  }
0xa2: {  	s9 =	simm.s32 $0x0;
	s20 =	sshll.u32 s7, $0x1;
	s7 =	sadd.s32 s21, s5  }
0xa3: {  	[timem:s9], [sflag:s22] =	dma.local [hbm:s7], s20  }
0xa4: {  	_ =	swait.ge [sflag:s22], s20  }
0xa5: {  	s6 =	ssub.s32 $0x0, s20;
	[sflag:s22] =	ssyncset.done $0x0  }
0xa6: {  	[sflag:s22] =	ssyncadd.s32 s6;
	_ =	sdelay $0x1  }
0xa7: {  	s23 =	simm.s32 $0x1B8B  }
0xa8: {  	_ =	swait.ge [sflag:s23], $0x1  }
0xa9: {  	[sflag:s23] =	ssyncset.done $0x0  }
0xaa: {  	s25 =	simm.s32 $0x1B8E;
	s24 =	sld [smem:$0x3FFE];
	[sflag:s23] =	ssyncadd.s32 $0xFFFFFFFF  }
0xab: {  	s26 =	simm.s32 $execute0_lowered;
	[smem:$0x3FD2] =	sst s25  }
0xac: {  	s7 =	sshll.u32 s26, $0x1;
	_ =	strace $0x80000046;
	[dreg:$0x1] =	wrdreg $0xFFFFFFFF  }
0xad: {  	s28 =	simm.s32 $_size_execute0_lowered;
	s5 =	sadd.s32 s5, s7;
	[dreg:$0x0] =	wrdreg $0x0  }
0xae: {  	s7 =	sshll.u32 s28, $0x1;
	[dreg:$0x2] =	wrdreg s5  }
0xaf: {  	[dreg:$0x3] =	wrdreg s7  }
0xb0: {  	[dreg:$0x4] =	wrdreg $0xC0  }
0xb1: {  	_ =	task [dreg:s9], $0x5FFFF  }
0xb2: {  	[dreg:$0x1] =	wrdreg $0xFFFFFFFF  }
0xb3: {  	[dreg:$0x0] =	wrdreg $0x60  }
0xb4: {  	[dreg:$0x2] =	wrdreg s15  }
0xb5: {  	[dreg:$0x3] =	wrdreg s24  }
0xb6: {  	[dreg:$0x4] =	wrdreg s17  }
0xb7: {  	[dreg:$0x5] =	wrdreg s16  }
0xb8: {  	[dreg:$0x6] =	wrdreg $0x9  }
0xb9: {  	_ =	task.clear_ibuf [dreg:s9], $0x7FFFF;
	_ =	strace $0x90000046  }
0xba: {  	s29 =	simm.s32 $0x9;
	_ =	strace $0x80000048  }
0xbb: {  	_ =	swait.ge [sflag:s29], $0x1  }
0xbc: {  	[sflag:s29] =	ssyncadd.s32 $0xFFFFFFFF  }
0xbd: {  	_ =	strace $0x90000048  }
0xbe: {  	_ =	sfence  }
0xbf: {  	s30 =	sld [smem:$0x0];
	_ =	sdelay $0x2  }
0xc0: {  	s31 =	sshll.u32 s1, $0xD;
	s1 =	sshrl.u32 s1, $0x2  }
0xc1: {  	s3 =	sand.u32 $0x4000, s31;
	s1 =	sadd.s32 s1, s30  }
0xc2: {  	s0 =	sor.u32 s3, s0;
	s1 =	sshll.u32 s1, $0x11  }
0xc3: {  	s0 =	sor.u32 s1, s0  }
0xc4: {  	s0 =	sadd.s32 $0x8F2B, s0  }
0xc5: {  	[sflag:s0] =	ssyncadd.remote.s32 $0x1  }
0xc6: {  	_ =	sfence.sel $0xFFFF  }
0xc7: {  	[dreg:$0x0] =	wrdreg $0xFFFFFFFF;
	(pc) =	sbr.abs _section_cstart, $3  }
0xc8: {  	[dreg:$0x1] =	wrdreg $0xFFFFFFFF  }
0xc9: {  	_ =	task.clear_ibuf [dreg:s9], $0x2FFFF;
	_ =	strace $0x9FFFFFFF  }
0xca: {  	(tm) =	ssettm $0x7FFFFFFF  }
0xcb: {  	_ =	shalt  }
tec
execute0_lowered:
.L_overlay_start_1:
0x0: {  	(tag) =	ssettag $0x1  }
0x1: {  	s1 =	rddreg [dreg:$0x0]  }
0x2: {  	s0 =	rddreg [dreg:$0x1]  }
0x3: {  	s3 =	srdreg.scid;
	s12 =	stileid.u32  }
0x4: {  	s2 =	rddreg [dreg:$0x2];
	s5 =	sand.u32 $0x1, s3;
	s6 =	sshll.u32 s12, $0x1  }
0x5: {  	s4 =	rddreg [dreg:$0x3];
	s3 =	simm.s32 $0x0;
	s6 =	sor.u32 s5, s6  }
0x6: {  	[smem:$0x7FF] =	sst s3;
	s7 =	smul.u32 $0x6E, s6  }
0x7: {  	_ =	strace $0x80000047;
	s8 =	smul.u32 $0xA000, s6;
	s9 =	sshll.u32 s6, $0x8  }
0x8: {  	s6 =	smul.u32 $0x1400, s6;
	s11 =	sadd.s32 s9, s0;
	s2 =	sadd.s32 s2, s9  }
0x9: {  	s8 =	sshrl.u32 s8, $0x3;
	s0 =	sadd.s32 s0, s7;
	[dreg:$0x6] =	wrdreg s2  }
0xa: {  	s25 =	sadd.s32 s4, s6;
	[dreg:$0xa] =	wrdreg s0;
	s26 =	sadd.s32 s4, s8  }
0xb: {  	[dreg:$0x10] =	wrdreg s25;
	s4 =	sadd.s32 $0x28000, s26  }
0xc: {  	s29 =	sadd.s32 $0x50000, s26;
	[dreg:$0x11] =	wrdreg s4  }
0xd: {  	s5 =	ssub.s32 $0x2, s5;
	s7 =	sadd.s32 $0xA0000, s26;
	[dreg:$0x1c] =	wrdreg s29  }
0xe: {  	s10 =	sshrl.u32 s5, $0x1;
	s8 =	sadd.s32 $0xC8000, s26;
	[dreg:$0x13] =	wrdreg s7  }
0xf: {  	s5 =	ssub.s32 s5, s10;
	s10 =	sadd.s32 $0xF0000, s26;
	[dreg:$0x14] =	wrdreg s8  }
0x10: {  	s13 =	sadd.s32 $0x118000, s26;
	[dreg:$0x15] =	wrdreg s10  }
0x11: {  	s14 =	sadd.s32 $0x140000, s26;
	[dreg:$0x16] =	wrdreg s13  }
0x12: {  	s15 =	sadd.s32 $0x168000, s26;
	[dreg:$0x17] =	wrdreg s14  }
0x13: {  	s16 =	sadd.s32 $0x190000, s26;
	[dreg:$0x18] =	wrdreg s15  }
0x14: {  	s17 =	sadd.s32 $0x1B8000, s26;
	[dreg:$0x19] =	wrdreg s16  }
0x15: {  	s30 =	simm.s32 $0x1;
	s18 =	sadd.s32 $0x1E0000, s26;
	[dreg:$0x1a] =	wrdreg s17  }
0x16: {  	s28 =	simm.s32 $0x3;
	s19 =	sadd.s32 $0x208000, s26;
	[dreg:$0x1b] =	wrdreg s18  }
0x17: {  	p0 =	sgt.u32 s12, $0xB;
	s20 =	sadd.s32 $0x230000, s26;
	[dreg:$0x1d] =	wrdreg s19  }
0x18: {  	p1 =	slt.u32 s12, $0xC;
	s21 =	sadd.s32 $0x258000, s26;
	[dreg:$0x1e] =	wrdreg s20  }
0x19: {  	p2 =	sgt.u32 s12, $0x7;
	s22 =	sadd.s32 $0x280000, s26;
	[dreg:$0x5] =	wrdreg s21  }
0x1a: {  	s31 =	sadd.s32 $0x100, s1;
	s23 =	sadd.s32 $0x2A8000, s26;
	[dreg:$0x7] =	wrdreg s22  }
0x1b: {  	s2 =	sadd.s32 $0x200, s1;
	s24 =	sadd.s32 $0x2D0000, s26;
	[dreg:$0x8] =	wrdreg s23  }
0x1c: {  	s6 =	simm.s32 $0x0;
	s25 =	sadd.s32 $0x320000, s26;
	[dreg:$0x9] =	wrdreg s24  }
0x1d: {  	s0 =	sadd.s32 $0x348000, s26;
	s4 =	sadd.s32 $0x78000, s26;
	[dreg:$0xc] =	wrdreg s25  }
0x1e: {  	s24 =	sadd.s32 $0x2F8000, s26;
	[dreg:$0xd] =	wrdreg s0;
	s26 =	sadd.s32 $0xE00, s11  }
.Ltmp0:
0x1f: {  	s29 =	smax.u32 s5, $0x1;
	[dreg:$0x12] =	wrdreg s4;
	(pc) =	sbr.rel .LBB2_1-.Ltmp0, $4  }
0x20: {  	s0 =	sadd.s32 $0x300, s1;
	s25 =	simm.s32 $0x2;
	[dreg:$0xb] =	wrdreg s24  }
0x21: {  	v0 =	vlaneseq.u32;
	s5 =	simm.s32 $0x1EB80;
	s22 =	simm.s32 $0x380;
	[dreg:$0xe] =	wrdreg s26  }
0x22: {  	vm0 =	vmmov $0xffff;
	v2 =	vshrl.u32 v0, $0x3;
	s20 =	simm.s32 $0xA380;
	s21 =	simm.s32 $0x14380;
	[dreg:$0xf] =	wrdreg s29  }
0x23: {  	v1 =	vand.u32 $0x7, v0;
	v3 =	vor.u32 $0x8, v0;
	v2 =	vmul.u32 $0x8, v2;
	s24 =	simm.s32 $0x4;
	s26 =	simm.s32 $0x5;
	s4 =	simm.s32 $0x6  }
.LBB2_4:
0x24: {  	_ =	swait.ge [sflag:s26], $0xA000  }
0x25: {  	[sflag:s26] =	ssyncset.done $0x0  }
0x26: {  	[sflag:s26] =	ssyncadd.s32 $0xFFFF6000  }
0x27: {  	_ =	swait.ge [sflag:s4], $0xA000  }
0x28: {  	[sflag:s4] =	ssyncset.done $0x0  }
0x29: {  	[sflag:s4] =	ssyncadd.s32 $0xFFFF6000  }
0x2a: {  	_ =	swait.ge [sflag:s24], $0xA000  }
0x2b: {  	[sflag:s24] =	ssyncset.done $0x0  }
0x2c: {  	s6 =	rddreg [dreg:$0x1f];
	[sflag:s24] =	ssyncadd.s32 $0xFFFF6000  }
.LBB2_9:
0x2d: {  	s6 =	sadd.s32 $0x1, s6;
	s7 =	rddreg [dreg:$0xf]  }
0x2e: {  	p3 =	sne.s32 s6, s7  }
.Ltmp1:
0x2f: {  	_ = 	snop;
	(pc) =	sbr.rel @!p3 .LBB2_10-.Ltmp1, $1  }
0x30: {  	_ =	sdelay $0x3  }
.LBB2_1:
0x31: {  	[dreg:$0x1f] =	wrdreg s6  }
0x32: {  	s7 =	rddreg [dreg:$0xa];
	s15 =	simm.s32 $0x7  }
0x33: {  	[tilespmem:s3], [sflag:$0x7] =	stream.linear.gather [hbm4b:s7+s3], $0x370, $0x38;
	[tilespmem:$0x1F380] =	vst v63  }
0x34: {  	_ =	swait.ge [sflag:s15], $0x370  }
0x35: {  	[sflag:s15] =	ssyncset.done $0x0  }
0x36: {  	[sflag:s15] =	ssyncadd.s32 $0xFFFFFC90  }
0x37: {  	v4 =	vld [tilespmem:$0x0];
	_ =	sdelay $0x4  }
0x38: {  	v5 =	vshll.u32 v4, $0x3  }
0x39: {  	v4 =	vand.u32 $0x7, v4;
	v5 =	vand.u32 $0xFFFFFFC0, v5  }
0x3a: {  	v4 =	vor.u32 v4, v5  }
0x3b: {  	v5 =	vperm.xlane v4, v1;
	_ =	sdelay $0x1  }
0x3c: {  	v5 =	vadd.s32 v2, v5;
	_ =	sdelay $0x4  }
0x3d: {  	[tilespmem:s22], [sflag:$0x1] =	stream.indirect_vreg.gather [hbm4b:s1+s3], $0x80, v5, vm0, $0xb8;
	[tilespmem:$0x1F380] =	vst v63  }
0x3e: {  	s16 =	simm.s32 $0xB80;
	v4 =	vperm.xlane v4, v3  }
0x3f: {  	[tilespmem:s16], [sflag:$0x1] =	stream.indirect_vreg.gather [hbm4b:s31+s3], $0x80, v5, vm0, $0xb8;
	[tilespmem:$0x1F380] =	vst v63  }
0x40: {  	s17 =	simm.s32 $0x1380;
	v4 =	vadd.s32 v2, v4  }
0x41: {  	[tilespmem:s17], [sflag:$0x1] =	stream.indirect_vreg.gather [hbm4b:s2+s3], $0x80, v5, vm0, $0xb8;
	[tilespmem:$0x1F380] =	vst v63  }
0x42: {  	s18 =	simm.s32 $0x1B80  }
0x43: {  	[tilespmem:s18], [sflag:$0x1] =	stream.indirect_vreg.gather [hbm4b:s0+s3], $0x80, v5, vm0, $0xb8;
	[tilespmem:$0x1F380] =	vst v63  }
0x44: {  	s19 =	simm.s32 $0x2380  }
0x45: {  	[tilespmem:s19], [sflag:$0x1] =	stream.indirect_vreg.gather [hbm4b:s1+s3], $0x80, v4, vm0, $0xb8;
	[tilespmem:$0x1F380] =	vst v63  }
0x46: {  	s23 =	simm.s32 $0x2B80  }
0x47: {  	[tilespmem:s23], [sflag:$0x1] =	stream.indirect_vreg.gather [hbm4b:s31+s3], $0x80, v4, vm0, $0xb8;
	[tilespmem:$0x1F380] =	vst v63  }
0x48: {  	s29 =	simm.s32 $0x3380  }
0x49: {  	[tilespmem:s29], [sflag:$0x1] =	stream.indirect_vreg.gather [hbm4b:s2+s3], $0x80, v4, vm0, $0xb8;
	[tilespmem:$0x1F380] =	vst v63  }
0x4a: {  	s7 =	simm.s32 $0x3B80  }
0x4b: {  	[tilespmem:s7], [sflag:$0x1] =	stream.indirect_vreg.gather [hbm4b:s0+s3], $0x80, v4, vm0, $0xb8;
	[tilespmem:$0x1F380] =	vst v63  }
0x4c: {  	v4 =	vld [tilespmem:$0x10];
	_ =	sdelay $0x4  }
0x4d: {  	v5 =	vshll.u32 v4, $0x3  }
0x4e: {  	v4 =	vand.u32 $0x7, v4;
	v5 =	vand.u32 $0xFFFFFFC0, v5  }
0x4f: {  	v4 =	vor.u32 v4, v5  }
0x50: {  	v5 =	vperm.xlane v4, v1;
	_ =	sdelay $0x1  }
0x51: {  	v5 =	vadd.s32 v2, v5;
	_ =	sdelay $0x3  }
0x52: {  	s9 =	simm.s32 $0x4380  }
0x53: {  	[tilespmem:s9], [sflag:$0x1] =	stream.indirect_vreg.gather [hbm4b:s1+s3], $0x80, v5, vm0, $0xb8;
	[tilespmem:$0x1F380] =	vst v63  }
0x54: {  	s10 =	simm.s32 $0x4B80;
	v4 =	vperm.xlane v4, v3  }
0x55: {  	[tilespmem:s10], [sflag:$0x1] =	stream.indirect_vreg.gather [hbm4b:s31+s3], $0x80, v5, vm0, $0xb8;
	[tilespmem:$0x1F380] =	vst v63  }
0x56: {  	s11 =	simm.s32 $0x5380;
	v4 =	vadd.s32 v2, v4  }
0x57: {  	[tilespmem:s11], [sflag:$0x1] =	stream.indirect_vreg.gather [hbm4b:s2+s3], $0x80, v5, vm0, $0xb8;
	[tilespmem:$0x1F380] =	vst v63  }
0x58: {  	s15 =	simm.s32 $0x5B80  }
0x59: {  	[tilespmem:s15], [sflag:$0x1] =	stream.indirect_vreg.gather [hbm4b:s0+s3], $0x80, v5, vm0, $0xb8;
	[tilespmem:$0x1F380] =	vst v63  }
0x5a: {  	s16 =	simm.s32 $0x6380  }
0x5b: {  	[tilespmem:s16], [sflag:$0x1] =	stream.indirect_vreg.gather [hbm4b:s1+s3], $0x80, v4, vm0, $0xb8;
	[tilespmem:$0x1F380] =	vst v63  }
0x5c: {  	s17 =	simm.s32 $0x6B80  }
0x5d: {  	[tilespmem:s17], [sflag:$0x1] =	stream.indirect_vreg.gather [hbm4b:s31+s3], $0x80, v4, vm0, $0xb8;
	[tilespmem:$0x1F380] =	vst v63  }
0x5e: {  	s18 =	simm.s32 $0x7380  }
0x5f: {  	[tilespmem:s18], [sflag:$0x1] =	stream.indirect_vreg.gather [hbm4b:s2+s3], $0x80, v4, vm0, $0xb8;
	[tilespmem:$0x1F380] =	vst v63  }
0x60: {  	s19 =	simm.s32 $0x7B80  }
0x61: {  	[tilespmem:s19], [sflag:$0x1] =	stream.indirect_vreg.gather [hbm4b:s0+s3], $0x80, v4, vm0, $0xb8;
	[tilespmem:$0x1F380] =	vst v63  }
0x62: {  	v4 =	vld.msk [tilespmem:$0x20], $0xff;
	_ =	sdelay $0x4  }
0x63: {  	v5 =	vshll.u32 v4, $0x3  }
0x64: {  	v4 =	vand.u32 $0x7, v4;
	v5 =	vand.u32 $0xFFFFFFC0, v5  }
0x65: {  	v4 =	vor.u32 v4, v5  }
0x66: {  	v4 =	vperm.xlane v4, v1;
	_ =	sdelay $0x1  }
0x67: {  	v4 =	vadd.s32 v2, v4;
	_ =	sdelay $0x3  }
0x68: {  	s23 =	simm.s32 $0x8380  }
0x69: {  	[tilespmem:s23], [sflag:$0x1] =	stream.indirect_vreg.gather [hbm4b:s1+s3], $0x80, v4, vm0, $0xb8;
	[tilespmem:$0x1F380] =	vst v63  }
0x6a: {  	s29 =	simm.s32 $0x8B80  }
0x6b: {  	[tilespmem:s29], [sflag:$0x1] =	stream.indirect_vreg.gather [hbm4b:s31+s3], $0x80, v4, vm0, $0xb8;
	[tilespmem:$0x1F380] =	vst v63  }
0x6c: {  	s7 =	simm.s32 $0x9380  }
0x6d: {  	[tilespmem:s7], [sflag:$0x1] =	stream.indirect_vreg.gather [hbm4b:s2+s3], $0x80, v4, vm0, $0xb8;
	[tilespmem:$0x1F380] =	vst v63  }
0x6e: {  	s9 =	simm.s32 $0x9B80  }
0x6f: {  	[tilespmem:s9], [sflag:$0x1] =	stream.indirect_vreg.gather [hbm4b:s0+s3], $0x80, v4, vm0, $0xb8;
	[tilespmem:$0x1F380] =	vst v63  }
0x70: {  	v4 =	vld [tilespmem:$0x28];
	_ =	sdelay $0x4  }
0x71: {  	v5 =	vshll.u32 v4, $0x3  }
0x72: {  	v4 =	vand.u32 $0x7, v4;
	v5 =	vand.u32 $0xFFFFFFC0, v5  }
0x73: {  	v4 =	vor.u32 v4, v5  }
0x74: {  	v5 =	vperm.xlane v4, v1;
	_ =	sdelay $0x1  }
0x75: {  	v5 =	vadd.s32 v2, v5;
	_ =	sdelay $0x4  }
0x76: {  	[tilespmem:s20], [sflag:$0x2] =	stream.indirect_vreg.gather [hbm4b:s1+s3], $0x80, v5, vm0, $0xb8;
	[tilespmem:$0x1F380] =	vst v63  }
0x77: {  	s10 =	simm.s32 $0xAB80;
	v4 =	vperm.xlane v4, v3  }
0x78: {  	[tilespmem:s10], [sflag:$0x2] =	stream.indirect_vreg.gather [hbm4b:s31+s3], $0x80, v5, vm0, $0xb8;
	[tilespmem:$0x1F380] =	vst v63  }
0x79: {  	s11 =	simm.s32 $0xB380;
	v4 =	vadd.s32 v2, v4  }
0x7a: {  	[tilespmem:s11], [sflag:$0x2] =	stream.indirect_vreg.gather [hbm4b:s2+s3], $0x80, v5, vm0, $0xb8;
	[tilespmem:$0x1F380] =	vst v63  }
0x7b: {  	s15 =	simm.s32 $0xBB80  }
0x7c: {  	[tilespmem:s15], [sflag:$0x2] =	stream.indirect_vreg.gather [hbm4b:s0+s3], $0x80, v5, vm0, $0xb8;
	[tilespmem:$0x1F380] =	vst v63  }
0x7d: {  	s16 =	simm.s32 $0xC380  }
0x7e: {  	[tilespmem:s16], [sflag:$0x2] =	stream.indirect_vreg.gather [hbm4b:s1+s3], $0x80, v4, vm0, $0xb8;
	[tilespmem:$0x1F380] =	vst v63  }
0x7f: {  	s18 =	simm.s32 $0xCB80  }
0x80: {  	[tilespmem:s18], [sflag:$0x2] =	stream.indirect_vreg.gather [hbm4b:s31+s3], $0x80, v4, vm0, $0xb8;
	[tilespmem:$0x1F380] =	vst v63  }
0x81: {  	s19 =	simm.s32 $0xD380  }
0x82: {  	[tilespmem:s19], [sflag:$0x2] =	stream.indirect_vreg.gather [hbm4b:s2+s3], $0x80, v4, vm0, $0xb8;
	[tilespmem:$0x1F380] =	vst v63  }
0x83: {  	s29 =	simm.s32 $0xDB80  }
0x84: {  	[tilespmem:s29], [sflag:$0x2] =	stream.indirect_vreg.gather [hbm4b:s0+s3], $0x80, v4, vm0, $0xb8;
	[tilespmem:$0x1F380] =	vst v63  }
0x85: {  	v4 =	vld [tilespmem:$0x38];
	_ =	sdelay $0x4  }
0x86: {  	v5 =	vshll.u32 v4, $0x3  }
0x87: {  	v4 =	vand.u32 $0x7, v4;
	v5 =	vand.u32 $0xFFFFFFC0, v5  }
0x88: {  	v4 =	vor.u32 v4, v5  }
0x89: {  	v5 =	vperm.xlane v4, v1;
	_ =	sdelay $0x1  }
0x8a: {  	v5 =	vadd.s32 v2, v5;
	_ =	sdelay $0x3  }
0x8b: {  	s6 =	simm.s32 $0xE380  }
0x8c: {  	[tilespmem:s6], [sflag:$0x2] =	stream.indirect_vreg.gather [hbm4b:s1+s3], $0x80, v5, vm0, $0xb8;
	[tilespmem:$0x1F380] =	vst v63  }
0x8d: {  	s9 =	simm.s32 $0xEB80;
	v4 =	vperm.xlane v4, v3  }
0x8e: {  	[tilespmem:s9], [sflag:$0x2] =	stream.indirect_vreg.gather [hbm4b:s31+s3], $0x80, v5, vm0, $0xb8;
	[tilespmem:$0x1F380] =	vst v63  }
0x8f: {  	s10 =	simm.s32 $0xF380;
	v4 =	vadd.s32 v2, v4  }
0x90: {  	[tilespmem:s10], [sflag:$0x2] =	stream.indirect_vreg.gather [hbm4b:s2+s3], $0x80, v5, vm0, $0xb8;
	[tilespmem:$0x1F380] =	vst v63  }
0x91: {  	s11 =	simm.s32 $0xFB80  }
0x92: {  	[tilespmem:s11], [sflag:$0x2] =	stream.indirect_vreg.gather [hbm4b:s0+s3], $0x80, v5, vm0, $0xb8;
	[tilespmem:$0x1F380] =	vst v63  }
0x93: {  	s15 =	simm.s32 $0x10380  }
0x94: {  	[tilespmem:s15], [sflag:$0x2] =	stream.indirect_vreg.gather [hbm4b:s1+s3], $0x80, v4, vm0, $0xb8;
	[tilespmem:$0x1F380] =	vst v63  }
0x95: {  	s16 =	simm.s32 $0x10B80  }
0x96: {  	[tilespmem:s16], [sflag:$0x2] =	stream.indirect_vreg.gather [hbm4b:s31+s3], $0x80, v4, vm0, $0xb8;
	[tilespmem:$0x1F380] =	vst v63  }
0x97: {  	s18 =	simm.s32 $0x11380  }
0x98: {  	[tilespmem:s18], [sflag:$0x2] =	stream.indirect_vreg.gather [hbm4b:s2+s3], $0x80, v4, vm0, $0xb8;
	[tilespmem:$0x1F380] =	vst v63  }
0x99: {  	s19 =	simm.s32 $0x11B80  }
0x9a: {  	[tilespmem:s19], [sflag:$0x2] =	stream.indirect_vreg.gather [hbm4b:s0+s3], $0x80, v4, vm0, $0xb8;
	[tilespmem:$0x1F380] =	vst v63  }
0x9b: {  	v4 =	vld.msk [tilespmem:$0x48], $0xff;
	_ =	sdelay $0x4  }
0x9c: {  	v5 =	vshll.u32 v4, $0x3  }
0x9d: {  	v4 =	vand.u32 $0x7, v4;
	v5 =	vand.u32 $0xFFFFFFC0, v5  }
0x9e: {  	v4 =	vor.u32 v4, v5  }
0x9f: {  	v4 =	vperm.xlane v4, v1;
	_ =	sdelay $0x1  }
0xa0: {  	v4 =	vadd.s32 v2, v4;
	_ =	sdelay $0x3  }
0xa1: {  	s6 =	simm.s32 $0x12380  }
0xa2: {  	[tilespmem:s6], [sflag:$0x2] =	stream.indirect_vreg.gather [hbm4b:s1+s3], $0x80, v4, vm0, $0xb8;
	[tilespmem:$0x1F380] =	vst v63  }
0xa3: {  	s9 =	simm.s32 $0x12B80  }
0xa4: {  	[tilespmem:s9], [sflag:$0x2] =	stream.indirect_vreg.gather [hbm4b:s31+s3], $0x80, v4, vm0, $0xb8;
	[tilespmem:$0x1F380] =	vst v63  }
0xa5: {  	s10 =	simm.s32 $0x13380  }
0xa6: {  	[tilespmem:s10], [sflag:$0x2] =	stream.indirect_vreg.gather [hbm4b:s2+s3], $0x80, v4, vm0, $0xb8;
	[tilespmem:$0x1F380] =	vst v63  }
0xa7: {  	s11 =	simm.s32 $0x13B80  }
0xa8: {  	[tilespmem:s11], [sflag:$0x2] =	stream.indirect_vreg.gather [hbm4b:s0+s3], $0x80, v4, vm0, $0xb8;
	[tilespmem:$0x1F380] =	vst v63  }
0xa9: {  	v4 =	vld [tilespmem:$0x50];
	_ =	sdelay $0x4  }
0xaa: {  	v5 =	vshll.u32 v4, $0x3  }
0xab: {  	v4 =	vand.u32 $0x7, v4;
	v5 =	vand.u32 $0xFFFFFFC0, v5  }
0xac: {  	v4 =	vor.u32 v4, v5  }
0xad: {  	v5 =	vperm.xlane v4, v1;
	_ =	sdelay $0x1  }
0xae: {  	v5 =	vadd.s32 v2, v5;
	_ =	sdelay $0x4  }
0xaf: {  	[tilespmem:s21], [sflag:$0x3] =	stream.indirect_vreg.gather [hbm4b:s1+s3], $0x80, v5, vm0, $0xb8;
	[tilespmem:$0x1F380] =	vst v63  }
0xb0: {  	s15 =	simm.s32 $0x14B80;
	v4 =	vperm.xlane v4, v3  }
0xb1: {  	[tilespmem:s15], [sflag:$0x3] =	stream.indirect_vreg.gather [hbm4b:s31+s3], $0x80, v5, vm0, $0xb8;
	[tilespmem:$0x1F380] =	vst v63  }
0xb2: {  	s16 =	simm.s32 $0x15380;
	v4 =	vadd.s32 v2, v4  }
0xb3: {  	[tilespmem:s16], [sflag:$0x3] =	stream.indirect_vreg.gather [hbm4b:s2+s3], $0x80, v5, vm0, $0xb8;
	[tilespmem:$0x1F380] =	vst v63  }
0xb4: {  	s18 =	simm.s32 $0x15B80  }
0xb5: {  	[tilespmem:s18], [sflag:$0x3] =	stream.indirect_vreg.gather [hbm4b:s0+s3], $0x80, v5, vm0, $0xb8;
	[tilespmem:$0x1F380] =	vst v63  }
0xb6: {  	s19 =	simm.s32 $0x16380  }
0xb7: {  	[tilespmem:s19], [sflag:$0x3] =	stream.indirect_vreg.gather [hbm4b:s1+s3], $0x80, v4, vm0, $0xb8;
	[tilespmem:$0x1F380] =	vst v63  }
0xb8: {  	s6 =	simm.s32 $0x16B80  }
0xb9: {  	[tilespmem:s6], [sflag:$0x3] =	stream.indirect_vreg.gather [hbm4b:s31+s3], $0x80, v4, vm0, $0xb8;
	[tilespmem:$0x1F380] =	vst v63  }
0xba: {  	s9 =	simm.s32 $0x17380  }
0xbb: {  	[tilespmem:s9], [sflag:$0x3] =	stream.indirect_vreg.gather [hbm4b:s2+s3], $0x80, v4, vm0, $0xb8;
	[tilespmem:$0x1F380] =	vst v63  }
0xbc: {  	s10 =	simm.s32 $0x17B80  }
0xbd: {  	[tilespmem:s10], [sflag:$0x3] =	stream.indirect_vreg.gather [hbm4b:s0+s3], $0x80, v4, vm0, $0xb8;
	[tilespmem:$0x1F380] =	vst v63  }
0xbe: {  	v4 =	vld [tilespmem:$0x60];
	_ =	sdelay $0x4  }
0xbf: {  	v5 =	vshll.u32 v4, $0x3  }
0xc0: {  	v4 =	vand.u32 $0x7, v4;
	v5 =	vand.u32 $0xFFFFFFC0, v5  }
0xc1: {  	v4 =	vor.u32 v4, v5  }
0xc2: {  	v5 =	vperm.xlane v4, v1;
	_ =	sdelay $0x1  }
0xc3: {  	v5 =	vadd.s32 v2, v5;
	_ =	sdelay $0x3  }
0xc4: {  	s11 =	simm.s32 $0x18380  }
0xc5: {  	[tilespmem:s11], [sflag:$0x3] =	stream.indirect_vreg.gather [hbm4b:s1+s3], $0x80, v5, vm0, $0xb8;
	[tilespmem:$0x1F380] =	vst v63  }
0xc6: {  	s15 =	simm.s32 $0x18B80;
	v4 =	vperm.xlane v4, v3  }
0xc7: {  	[tilespmem:s15], [sflag:$0x3] =	stream.indirect_vreg.gather [hbm4b:s31+s3], $0x80, v5, vm0, $0xb8;
	[tilespmem:$0x1F380] =	vst v63  }
0xc8: {  	s16 =	simm.s32 $0x19380;
	v4 =	vadd.s32 v2, v4  }
0xc9: {  	[tilespmem:s16], [sflag:$0x3] =	stream.indirect_vreg.gather [hbm4b:s2+s3], $0x80, v5, vm0, $0xb8;
	[tilespmem:$0x1F380] =	vst v63  }
0xca: {  	s18 =	simm.s32 $0x19B80  }
0xcb: {  	[tilespmem:s18], [sflag:$0x3] =	stream.indirect_vreg.gather [hbm4b:s0+s3], $0x80, v5, vm0, $0xb8;
	[tilespmem:$0x1F380] =	vst v63  }
0xcc: {  	s19 =	simm.s32 $0x1A380  }
0xcd: {  	[tilespmem:s19], [sflag:$0x3] =	stream.indirect_vreg.gather [hbm4b:s1+s3], $0x80, v4, vm0, $0xb8;
	[tilespmem:$0x1F380] =	vst v63  }
0xce: {  	s6 =	simm.s32 $0x1AB80  }
0xcf: {  	[tilespmem:s6], [sflag:$0x3] =	stream.indirect_vreg.gather [hbm4b:s31+s3], $0x80, v4, vm0, $0xb8;
	[tilespmem:$0x1F380] =	vst v63  }
0xd0: {  	s9 =	simm.s32 $0x1B380  }
0xd1: {  	[tilespmem:s9], [sflag:$0x3] =	stream.indirect_vreg.gather [hbm4b:s2+s3], $0x80, v4, vm0, $0xb8;
	[tilespmem:$0x1F380] =	vst v63  }
0xd2: {  	s10 =	simm.s32 $0x1BB80  }
0xd3: {  	[tilespmem:s10], [sflag:$0x3] =	stream.indirect_vreg.gather [hbm4b:s0+s3], $0x80, v4, vm0, $0xb8;
	[tilespmem:$0x1F380] =	vst v63  }
0xd4: {  	v4 =	vld.msk [tilespmem:$0x70], $0xff;
	_ =	sdelay $0x4  }
0xd5: {  	v5 =	vshll.u32 v4, $0x3  }
0xd6: {  	v4 =	vand.u32 $0x7, v4;
	v5 =	vand.u32 $0xFFFFFFC0, v5  }
0xd7: {  	v4 =	vor.u32 v4, v5  }
0xd8: {  	v4 =	vperm.xlane v4, v1;
	_ =	sdelay $0x1  }
0xd9: {  	v4 =	vadd.s32 v2, v4;
	_ =	sdelay $0x3  }
0xda: {  	s11 =	simm.s32 $0x1C380  }
0xdb: {  	[tilespmem:s11], [sflag:$0x3] =	stream.indirect_vreg.gather [hbm4b:s1+s3], $0x80, v4, vm0, $0xb8;
	[tilespmem:$0x1F380] =	vst v63  }
0xdc: {  	s15 =	simm.s32 $0x1CB80  }
0xdd: {  	[tilespmem:s15], [sflag:$0x3] =	stream.indirect_vreg.gather [hbm4b:s31+s3], $0x80, v4, vm0, $0xb8;
	[tilespmem:$0x1F380] =	vst v63  }
0xde: {  	s16 =	simm.s32 $0x1D380  }
0xdf: {  	[tilespmem:s16], [sflag:$0x3] =	stream.indirect_vreg.gather [hbm4b:s2+s3], $0x80, v4, vm0, $0xb8;
	[tilespmem:$0x1F380] =	vst v63  }
0xe0: {  	s18 =	simm.s32 $0x1DB80  }
0xe1: {  	[tilespmem:s18], [sflag:$0x3] =	stream.indirect_vreg.gather [hbm4b:s0+s3], $0x80, v4, vm0, $0xb8;
	[tilespmem:$0x1F380] =	vst v63  }
0xe2: {  	_ =	swait.ge [sflag:s30], $0xA000  }
0xe3: {  	[sflag:s30] =	ssyncset.done $0x0  }
0xe4: {  	s19 =	rddreg [dreg:$0x10];
	[sflag:s30] =	ssyncadd.s32 $0xFFFF6000  }
0xe5: {  	[hbm4b:s19+s3] =	stream.linear.scatter [tilespmem:s22], [sflag:$0x4], $0xA000, $0x38;
	[tilespmem:$0x1F380] =	vst v63  }
0xe6: {  	_ =	swait.ge [sflag:s24], $0xA000  }
0xe7: {  	[sflag:s24] =	ssyncset.done $0x0  }
0xe8: {  	[sflag:s24] =	ssyncadd.s32 $0xFFFF6000  }
0xe9: {  	v4 =	vld [tilespmem:$0x78];
	_ =	sdelay $0x4  }
0xea: {  	v5 =	vshll.u32 v4, $0x3  }
0xeb: {  	v4 =	vand.u32 $0x7, v4;
	v5 =	vand.u32 $0xFFFFFFC0, v5  }
0xec: {  	v4 =	vor.u32 v4, v5  }
0xed: {  	v5 =	vperm.xlane v4, v1;
	_ =	sdelay $0x1  }
0xee: {  	v5 =	vadd.s32 v2, v5;
	_ =	sdelay $0x4  }
0xef: {  	[tilespmem:s22], [sflag:$0x1] =	stream.indirect_vreg.gather [hbm4b:s1+s3], $0x80, v5, vm0, $0xb8;
	[tilespmem:$0x1F380] =	vst v63  }
0xf0: {  	s8 =	simm.s32 $0xB80;
	v4 =	vperm.xlane v4, v3  }
0xf1: {  	[tilespmem:s8], [sflag:$0x1] =	stream.indirect_vreg.gather [hbm4b:s31+s3], $0x80, v5, vm0, $0xb8;
	[tilespmem:$0x1F380] =	vst v63  }
0xf2: {  	s6 =	simm.s32 $0x1380;
	v4 =	vadd.s32 v2, v4  }
0xf3: {  	[tilespmem:s6], [sflag:$0x1] =	stream.indirect_vreg.gather [hbm4b:s2+s3], $0x80, v5, vm0, $0xb8;
	[tilespmem:$0x1F380] =	vst v63  }
0xf4: {  	s8 =	simm.s32 $0x1B80  }
0xf5: {  	[tilespmem:s8], [sflag:$0x1] =	stream.indirect_vreg.gather [hbm4b:s0+s3], $0x80, v5, vm0, $0xb8;
	[tilespmem:$0x1F380] =	vst v63  }
0xf6: {  	s9 =	simm.s32 $0x2380  }
0xf7: {  	[tilespmem:s9], [sflag:$0x1] =	stream.indirect_vreg.gather [hbm4b:s1+s3], $0x80, v4, vm0, $0xb8;
	[tilespmem:$0x1F380] =	vst v63  }
0xf8: {  	s10 =	simm.s32 $0x2B80  }
0xf9: {  	[tilespmem:s10], [sflag:$0x1] =	stream.indirect_vreg.gather [hbm4b:s31+s3], $0x80, v4, vm0, $0xb8;
	[tilespmem:$0x1F380] =	vst v63  }
0xfa: {  	s11 =	simm.s32 $0x3380  }
0xfb: {  	[tilespmem:s11], [sflag:$0x1] =	stream.indirect_vreg.gather [hbm4b:s2+s3], $0x80, v4, vm0, $0xb8;
	[tilespmem:$0x1F380] =	vst v63  }
0xfc: {  	s12 =	simm.s32 $0x3B80  }
0xfd: {  	[tilespmem:s12], [sflag:$0x1] =	stream.indirect_vreg.gather [hbm4b:s0+s3], $0x80, v4, vm0, $0xb8;
	[tilespmem:$0x1F380] =	vst v63  }
0xfe: {  	v4 =	vld [tilespmem:$0x88];
	_ =	sdelay $0x4  }
0xff: {  	v5 =	vshll.u32 v4, $0x3  }
0x100: {  	v4 =	vand.u32 $0x7, v4;
	v5 =	vand.u32 $0xFFFFFFC0, v5  }
0x101: {  	v4 =	vor.u32 v4, v5  }
0x102: {  	v5 =	vperm.xlane v4, v1;
	_ =	sdelay $0x1  }
0x103: {  	v5 =	vadd.s32 v2, v5;
	_ =	sdelay $0x3  }
0x104: {  	s13 =	simm.s32 $0x4380  }
0x105: {  	[tilespmem:s13], [sflag:$0x1] =	stream.indirect_vreg.gather [hbm4b:s1+s3], $0x80, v5, vm0, $0xb8;
	[tilespmem:$0x1F380] =	vst v63  }
0x106: {  	s14 =	simm.s32 $0x4B80;
	v4 =	vperm.xlane v4, v3  }
0x107: {  	[tilespmem:s14], [sflag:$0x1] =	stream.indirect_vreg.gather [hbm4b:s31+s3], $0x80, v5, vm0, $0xb8;
	[tilespmem:$0x1F380] =	vst v63  }
0x108: {  	s12 =	simm.s32 $0x5380;
	v4 =	vadd.s32 v2, v4  }
0x109: {  	[tilespmem:s12], [sflag:$0x1] =	stream.indirect_vreg.gather [hbm4b:s2+s3], $0x80, v5, vm0, $0xb8;
	[tilespmem:$0x1F380] =	vst v63  }
0x10a: {  	s13 =	simm.s32 $0x5B80  }
0x10b: {  	[tilespmem:s13], [sflag:$0x1] =	stream.indirect_vreg.gather [hbm4b:s0+s3], $0x80, v5, vm0, $0xb8;
	[tilespmem:$0x1F380] =	vst v63  }
0x10c: {  	s14 =	simm.s32 $0x6380  }
0x10d: {  	[tilespmem:s14], [sflag:$0x1] =	stream.indirect_vreg.gather [hbm4b:s1+s3], $0x80, v4, vm0, $0xb8;
	[tilespmem:$0x1F380] =	vst v63  }
0x10e: {  	s15 =	simm.s32 $0x6B80  }
0x10f: {  	[tilespmem:s15], [sflag:$0x1] =	stream.indirect_vreg.gather [hbm4b:s31+s3], $0x80, v4, vm0, $0xb8;
	[tilespmem:$0x1F380] =	vst v63  }
0x110: {  	s16 =	simm.s32 $0x7380  }
0x111: {  	[tilespmem:s16], [sflag:$0x1] =	stream.indirect_vreg.gather [hbm4b:s2+s3], $0x80, v4, vm0, $0xb8;
	[tilespmem:$0x1F380] =	vst v63  }
0x112: {  	s17 =	simm.s32 $0x7B80  }
0x113: {  	[tilespmem:s17], [sflag:$0x1] =	stream.indirect_vreg.gather [hbm4b:s0+s3], $0x80, v4, vm0, $0xb8;
	[tilespmem:$0x1F380] =	vst v63  }
0x114: {  	v4 =	vld.msk [tilespmem:$0x98], $0xff;
	_ =	sdelay $0x4  }
0x115: {  	v5 =	vshll.u32 v4, $0x3  }
0x116: {  	v4 =	vand.u32 $0x7, v4;
	v5 =	vand.u32 $0xFFFFFFC0, v5  }
0x117: {  	v4 =	vor.u32 v4, v5  }
0x118: {  	v4 =	vperm.xlane v4, v1;
	_ =	sdelay $0x1  }
0x119: {  	v4 =	vadd.s32 v2, v4;
	_ =	sdelay $0x3  }
0x11a: {  	s17 =	simm.s32 $0x8380  }
0x11b: {  	[tilespmem:s17], [sflag:$0x1] =	stream.indirect_vreg.gather [hbm4b:s1+s3], $0x80, v4, vm0, $0xb8;
	[tilespmem:$0x1F380] =	vst v63  }
0x11c: {  	s18 =	simm.s32 $0x8B80  }
0x11d: {  	[tilespmem:s18], [sflag:$0x1] =	stream.indirect_vreg.gather [hbm4b:s31+s3], $0x80, v4, vm0, $0xb8;
	[tilespmem:$0x1F380] =	vst v63  }
0x11e: {  	s19 =	simm.s32 $0x9380  }
0x11f: {  	[tilespmem:s19], [sflag:$0x1] =	stream.indirect_vreg.gather [hbm4b:s2+s3], $0x80, v4, vm0, $0xb8;
	[tilespmem:$0x1F380] =	vst v63  }
0x120: {  	s23 =	simm.s32 $0x9B80  }
0x121: {  	[tilespmem:s23], [sflag:$0x1] =	stream.indirect_vreg.gather [hbm4b:s0+s3], $0x80, v4, vm0, $0xb8;
	[tilespmem:$0x1F380] =	vst v63  }
0x122: {  	_ =	swait.ge [sflag:s25], $0xA000  }
0x123: {  	[sflag:s25] =	ssyncset.done $0x0  }
0x124: {  	s23 =	rddreg [dreg:$0x11];
	[sflag:s25] =	ssyncadd.s32 $0xFFFF6000  }
0x125: {  	[hbm4b:s23+s3] =	stream.linear.scatter [tilespmem:s20], [sflag:$0x5], $0xA000, $0x38;
	[tilespmem:$0x1F380] =	vst v63  }
0x126: {  	_ =	swait.ge [sflag:s26], $0xA000  }
0x127: {  	[sflag:s26] =	ssyncset.done $0x0  }
0x128: {  	[sflag:s26] =	ssyncadd.s32 $0xFFFF6000  }
0x129: {  	v4 =	vld [tilespmem:$0xA0];
	_ =	sdelay $0x4  }
0x12a: {  	v5 =	vshll.u32 v4, $0x3  }
0x12b: {  	v4 =	vand.u32 $0x7, v4;
	v5 =	vand.u32 $0xFFFFFFC0, v5  }
0x12c: {  	v4 =	vor.u32 v4, v5  }
0x12d: {  	v5 =	vperm.xlane v4, v1;
	_ =	sdelay $0x1  }
0x12e: {  	v5 =	vadd.s32 v2, v5;
	_ =	sdelay $0x4  }
0x12f: {  	[tilespmem:s20], [sflag:$0x2] =	stream.indirect_vreg.gather [hbm4b:s1+s3], $0x80, v5, vm0, $0xb8;
	[tilespmem:$0x1F380] =	vst v63  }
0x130: {  	s23 =	simm.s32 $0xAB80;
	v4 =	vperm.xlane v4, v3  }
0x131: {  	[tilespmem:s23], [sflag:$0x2] =	stream.indirect_vreg.gather [hbm4b:s31+s3], $0x80, v5, vm0, $0xb8;
	[tilespmem:$0x1F380] =	vst v63  }
0x132: {  	v4 =	vadd.s32 v2, v4;
	s23 =	simm.s32 $0xB380  }
0x133: {  	[tilespmem:s23], [sflag:$0x2] =	stream.indirect_vreg.gather [hbm4b:s2+s3], $0x80, v5, vm0, $0xb8;
	[tilespmem:$0x1F380] =	vst v63  }
0x134: {  	s23 =	simm.s32 $0xBB80  }
0x135: {  	[tilespmem:s23], [sflag:$0x2] =	stream.indirect_vreg.gather [hbm4b:s0+s3], $0x80, v5, vm0, $0xb8;
	[tilespmem:$0x1F380] =	vst v63  }
0x136: {  	s23 =	simm.s32 $0xC380  }
0x137: {  	[tilespmem:s23], [sflag:$0x2] =	stream.indirect_vreg.gather [hbm4b:s1+s3], $0x80, v4, vm0, $0xb8;
	[tilespmem:$0x1F380] =	vst v63  }
0x138: {  	s23 =	simm.s32 $0xCB80  }
0x139: {  	[tilespmem:s23], [sflag:$0x2] =	stream.indirect_vreg.gather [hbm4b:s31+s3], $0x80, v4, vm0, $0xb8;
	[tilespmem:$0x1F380] =	vst v63  }
0x13a: {  	s23 =	simm.s32 $0xD380  }
0x13b: {  	[tilespmem:s23], [sflag:$0x2] =	stream.indirect_vreg.gather [hbm4b:s2+s3], $0x80, v4, vm0, $0xb8;
	[tilespmem:$0x1F380] =	vst v63  }
0x13c: {  	s23 =	simm.s32 $0xDB80  }
0x13d: {  	[tilespmem:s23], [sflag:$0x2] =	stream.indirect_vreg.gather [hbm4b:s0+s3], $0x80, v4, vm0, $0xb8;
	[tilespmem:$0x1F380] =	vst v63  }
0x13e: {  	v4 =	vld [tilespmem:$0xB0];
	_ =	sdelay $0x4  }
0x13f: {  	v5 =	vshll.u32 v4, $0x3  }
0x140: {  	v4 =	vand.u32 $0x7, v4;
	v5 =	vand.u32 $0xFFFFFFC0, v5  }
0x141: {  	v4 =	vor.u32 v4, v5  }
0x142: {  	v5 =	vperm.xlane v4, v1;
	_ =	sdelay $0x1  }
0x143: {  	v5 =	vadd.s32 v2, v5;
	_ =	sdelay $0x3  }
0x144: {  	s23 =	simm.s32 $0xE380  }
0x145: {  	[tilespmem:s23], [sflag:$0x2] =	stream.indirect_vreg.gather [hbm4b:s1+s3], $0x80, v5, vm0, $0xb8;
	[tilespmem:$0x1F380] =	vst v63  }
0x146: {  	s29 =	simm.s32 $0xEB80;
	v4 =	vperm.xlane v4, v3  }
0x147: {  	[tilespmem:s29], [sflag:$0x2] =	stream.indirect_vreg.gather [hbm4b:s31+s3], $0x80, v5, vm0, $0xb8;
	[tilespmem:$0x1F380] =	vst v63  }
0x148: {  	v4 =	vadd.s32 v2, v4;
	s23 =	simm.s32 $0xF380  }
0x149: {  	[tilespmem:s23], [sflag:$0x2] =	stream.indirect_vreg.gather [hbm4b:s2+s3], $0x80, v5, vm0, $0xb8;
	[tilespmem:$0x1F380] =	vst v63  }
0x14a: {  	s29 =	simm.s32 $0xFB80  }
0x14b: {  	[tilespmem:s29], [sflag:$0x2] =	stream.indirect_vreg.gather [hbm4b:s0+s3], $0x80, v5, vm0, $0xb8;
	[tilespmem:$0x1F380] =	vst v63  }
0x14c: {  	s23 =	simm.s32 $0x10380  }
0x14d: {  	[tilespmem:s23], [sflag:$0x2] =	stream.indirect_vreg.gather [hbm4b:s1+s3], $0x80, v4, vm0, $0xb8;
	[tilespmem:$0x1F380] =	vst v63  }
0x14e: {  	s29 =	simm.s32 $0x10B80  }
0x14f: {  	[tilespmem:s29], [sflag:$0x2] =	stream.indirect_vreg.gather [hbm4b:s31+s3], $0x80, v4, vm0, $0xb8;
	[tilespmem:$0x1F380] =	vst v63  }
0x150: {  	s23 =	simm.s32 $0x11380  }
0x151: {  	[tilespmem:s23], [sflag:$0x2] =	stream.indirect_vreg.gather [hbm4b:s2+s3], $0x80, v4, vm0, $0xb8;
	[tilespmem:$0x1F380] =	vst v63  }
0x152: {  	s29 =	simm.s32 $0x11B80  }
0x153: {  	[tilespmem:s29], [sflag:$0x2] =	stream.indirect_vreg.gather [hbm4b:s0+s3], $0x80, v4, vm0, $0xb8;
	[tilespmem:$0x1F380] =	vst v63  }
0x154: {  	v4 =	vld.msk [tilespmem:$0xC0], $0xff;
	_ =	sdelay $0x4  }
0x155: {  	v5 =	vshll.u32 v4, $0x3  }
0x156: {  	v4 =	vand.u32 $0x7, v4;
	v5 =	vand.u32 $0xFFFFFFC0, v5  }
0x157: {  	v4 =	vor.u32 v4, v5  }
0x158: {  	v4 =	vperm.xlane v4, v1;
	_ =	sdelay $0x1  }
0x159: {  	v4 =	vadd.s32 v2, v4;
	_ =	sdelay $0x3  }
0x15a: {  	s23 =	simm.s32 $0x12380  }
0x15b: {  	[tilespmem:s23], [sflag:$0x2] =	stream.indirect_vreg.gather [hbm4b:s1+s3], $0x80, v4, vm0, $0xb8;
	[tilespmem:$0x1F380] =	vst v63  }
0x15c: {  	s29 =	simm.s32 $0x12B80  }
0x15d: {  	[tilespmem:s29], [sflag:$0x2] =	stream.indirect_vreg.gather [hbm4b:s31+s3], $0x80, v4, vm0, $0xb8;
	[tilespmem:$0x1F380] =	vst v63  }
0x15e: {  	s23 =	simm.s32 $0x13380  }
0x15f: {  	[tilespmem:s23], [sflag:$0x2] =	stream.indirect_vreg.gather [hbm4b:s2+s3], $0x80, v4, vm0, $0xb8;
	[tilespmem:$0x1F380] =	vst v63  }
0x160: {  	s29 =	simm.s32 $0x13B80  }
0x161: {  	[tilespmem:s29], [sflag:$0x2] =	stream.indirect_vreg.gather [hbm4b:s0+s3], $0x80, v4, vm0, $0xb8;
	[tilespmem:$0x1F380] =	vst v63  }
0x162: {  	_ =	swait.ge [sflag:s28], $0xA000  }
0x163: {  	[sflag:s28] =	ssyncset.done $0x0  }
0x164: {  	s23 =	rddreg [dreg:$0x1c];
	[sflag:s28] =	ssyncadd.s32 $0xFFFF6000  }
0x165: {  	[hbm4b:s23+s3] =	stream.linear.scatter [tilespmem:s21], [sflag:$0x6], $0xA000, $0x38;
	[tilespmem:$0x1F380] =	vst v63  }
0x166: {  	_ =	swait.ge [sflag:s4], $0xA000  }
0x167: {  	[sflag:s4] =	ssyncset.done $0x0  }
0x168: {  	[sflag:s4] =	ssyncadd.s32 $0xFFFF6000  }
0x169: {  	v4 =	vld [tilespmem:$0xC8];
	_ =	sdelay $0x4  }
0x16a: {  	v5 =	vshll.u32 v4, $0x3  }
0x16b: {  	v4 =	vand.u32 $0x7, v4;
	v5 =	vand.u32 $0xFFFFFFC0, v5  }
0x16c: {  	v4 =	vor.u32 v4, v5  }
0x16d: {  	v5 =	vperm.xlane v4, v1;
	_ =	sdelay $0x1  }
0x16e: {  	v5 =	vadd.s32 v2, v5;
	_ =	sdelay $0x4  }
0x16f: {  	[tilespmem:s21], [sflag:$0x3] =	stream.indirect_vreg.gather [hbm4b:s1+s3], $0x80, v5, vm0, $0xb8;
	[tilespmem:$0x1F380] =	vst v63  }
0x170: {  	s29 =	simm.s32 $0x14B80;
	v4 =	vperm.xlane v4, v3  }
0x171: {  	[tilespmem:s29], [sflag:$0x3] =	stream.indirect_vreg.gather [hbm4b:s31+s3], $0x80, v5, vm0, $0xb8;
	[tilespmem:$0x1F380] =	vst v63  }
0x172: {  	s23 =	simm.s32 $0x15380;
	v4 =	vadd.s32 v2, v4  }
0x173: {  	[tilespmem:s23], [sflag:$0x3] =	stream.indirect_vreg.gather [hbm4b:s2+s3], $0x80, v5, vm0, $0xb8;
	[tilespmem:$0x1F380] =	vst v63  }
0x174: {  	s29 =	simm.s32 $0x15B80  }
0x175: {  	[tilespmem:s29], [sflag:$0x3] =	stream.indirect_vreg.gather [hbm4b:s0+s3], $0x80, v5, vm0, $0xb8;
	[tilespmem:$0x1F380] =	vst v63  }
0x176: {  	s7 =	simm.s32 $0x16380  }
0x177: {  	[tilespmem:s7], [sflag:$0x3] =	stream.indirect_vreg.gather [hbm4b:s1+s3], $0x80, v4, vm0, $0xb8;
	[tilespmem:$0x1F380] =	vst v63  }
0x178: {  	s7 =	simm.s32 $0x16B80  }
0x179: {  	[tilespmem:s7], [sflag:$0x3] =	stream.indirect_vreg.gather [hbm4b:s31+s3], $0x80, v4, vm0, $0xb8;
	[tilespmem:$0x1F380] =	vst v63  }
0x17a: {  	s7 =	simm.s32 $0x17380  }
0x17b: {  	[tilespmem:s7], [sflag:$0x3] =	stream.indirect_vreg.gather [hbm4b:s2+s3], $0x80, v4, vm0, $0xb8;
	[tilespmem:$0x1F380] =	vst v63  }
0x17c: {  	s7 =	simm.s32 $0x17B80  }
0x17d: {  	[tilespmem:s7], [sflag:$0x3] =	stream.indirect_vreg.gather [hbm4b:s0+s3], $0x80, v4, vm0, $0xb8;
	[tilespmem:$0x1F380] =	vst v63  }
0x17e: {  	v4 =	vld [tilespmem:$0xD8];
	_ =	sdelay $0x4  }
0x17f: {  	v5 =	vshll.u32 v4, $0x3  }
0x180: {  	v4 =	vand.u32 $0x7, v4;
	v5 =	vand.u32 $0xFFFFFFC0, v5  }
0x181: {  	v4 =	vor.u32 v4, v5  }
0x182: {  	v5 =	vperm.xlane v4, v1;
	_ =	sdelay $0x1  }
0x183: {  	v5 =	vadd.s32 v2, v5;
	_ =	sdelay $0x3  }
0x184: {  	s7 =	simm.s32 $0x18380  }
0x185: {  	[tilespmem:s7], [sflag:$0x3] =	stream.indirect_vreg.gather [hbm4b:s1+s3], $0x80, v5, vm0, $0xb8;
	[tilespmem:$0x1F380] =	vst v63  }
0x186: {  	v4 =	vperm.xlane v4, v3;
	s7 =	simm.s32 $0x18B80  }
0x187: {  	[tilespmem:s7], [sflag:$0x3] =	stream.indirect_vreg.gather [hbm4b:s31+s3], $0x80, v5, vm0, $0xb8;
	[tilespmem:$0x1F380] =	vst v63  }
0x188: {  	v4 =	vadd.s32 v2, v4;
	s7 =	simm.s32 $0x19380  }
0x189: {  	[tilespmem:s7], [sflag:$0x3] =	stream.indirect_vreg.gather [hbm4b:s2+s3], $0x80, v5, vm0, $0xb8;
	[tilespmem:$0x1F380] =	vst v63  }
0x18a: {  	s7 =	simm.s32 $0x19B80  }
0x18b: {  	[tilespmem:s7], [sflag:$0x3] =	stream.indirect_vreg.gather [hbm4b:s0+s3], $0x80, v5, vm0, $0xb8;
	[tilespmem:$0x1F380] =	vst v63  }
0x18c: {  	s7 =	simm.s32 $0x1A380  }
0x18d: {  	[tilespmem:s7], [sflag:$0x3] =	stream.indirect_vreg.gather [hbm4b:s1+s3], $0x80, v4, vm0, $0xb8;
	[tilespmem:$0x1F380] =	vst v63  }
0x18e: {  	s7 =	simm.s32 $0x1AB80  }
0x18f: {  	[tilespmem:s7], [sflag:$0x3] =	stream.indirect_vreg.gather [hbm4b:s31+s3], $0x80, v4, vm0, $0xb8;
	[tilespmem:$0x1F380] =	vst v63  }
0x190: {  	s7 =	simm.s32 $0x1B380  }
0x191: {  	[tilespmem:s7], [sflag:$0x3] =	stream.indirect_vreg.gather [hbm4b:s2+s3], $0x80, v4, vm0, $0xb8;
	[tilespmem:$0x1F380] =	vst v63  }
0x192: {  	s7 =	simm.s32 $0x1BB80  }
0x193: {  	[tilespmem:s7], [sflag:$0x3] =	stream.indirect_vreg.gather [hbm4b:s0+s3], $0x80, v4, vm0, $0xb8;
	[tilespmem:$0x1F380] =	vst v63  }
0x194: {  	v4 =	vld.msk [tilespmem:$0xE8], $0xff;
	_ =	sdelay $0x4  }
0x195: {  	v5 =	vshll.u32 v4, $0x3  }
0x196: {  	v4 =	vand.u32 $0x7, v4;
	v5 =	vand.u32 $0xFFFFFFC0, v5  }
0x197: {  	v4 =	vor.u32 v4, v5  }
0x198: {  	v4 =	vperm.xlane v4, v1;
	_ =	sdelay $0x1  }
0x199: {  	v4 =	vadd.s32 v2, v4;
	_ =	sdelay $0x3  }
0x19a: {  	s7 =	simm.s32 $0x1C380  }
0x19b: {  	[tilespmem:s7], [sflag:$0x3] =	stream.indirect_vreg.gather [hbm4b:s1+s3], $0x80, v4, vm0, $0xb8;
	[tilespmem:$0x1F380] =	vst v63  }
0x19c: {  	s7 =	simm.s32 $0x1CB80  }
0x19d: {  	[tilespmem:s7], [sflag:$0x3] =	stream.indirect_vreg.gather [hbm4b:s31+s3], $0x80, v4, vm0, $0xb8;
	[tilespmem:$0x1F380] =	vst v63  }
0x19e: {  	s7 =	simm.s32 $0x1D380  }
0x19f: {  	[tilespmem:s7], [sflag:$0x3] =	stream.indirect_vreg.gather [hbm4b:s2+s3], $0x80, v4, vm0, $0xb8;
	[tilespmem:$0x1F380] =	vst v63  }
0x1a0: {  	s7 =	simm.s32 $0x1DB80  }
0x1a1: {  	[tilespmem:s7], [sflag:$0x3] =	stream.indirect_vreg.gather [hbm4b:s0+s3], $0x80, v4, vm0, $0xb8;
	[tilespmem:$0x1F380] =	vst v63  }
0x1a2: {  	_ =	swait.ge [sflag:s30], $0xA000  }
0x1a3: {  	[sflag:s30] =	ssyncset.done $0x0  }
0x1a4: {  	s7 =	rddreg [dreg:$0x12];
	[sflag:s30] =	ssyncadd.s32 $0xFFFF6000  }
0x1a5: {  	[hbm4b:s7+s3] =	stream.linear.scatter [tilespmem:s22], [sflag:$0x4], $0xA000, $0x38;
	[tilespmem:$0x1F380] =	vst v63  }
0x1a6: {  	_ =	swait.ge [sflag:s24], $0xA000  }
0x1a7: {  	[sflag:s24] =	ssyncset.done $0x0  }
0x1a8: {  	[sflag:s24] =	ssyncadd.s32 $0xFFFF6000  }
0x1a9: {  	v4 =	vld [tilespmem:$0xF0];
	_ =	sdelay $0x4  }
0x1aa: {  	v5 =	vshll.u32 v4, $0x3  }
0x1ab: {  	v4 =	vand.u32 $0x7, v4;
	v5 =	vand.u32 $0xFFFFFFC0, v5  }
0x1ac: {  	v4 =	vor.u32 v4, v5  }
0x1ad: {  	v5 =	vperm.xlane v4, v1;
	_ =	sdelay $0x1  }
0x1ae: {  	v5 =	vadd.s32 v2, v5;
	_ =	sdelay $0x4  }
0x1af: {  	[tilespmem:s22], [sflag:$0x1] =	stream.indirect_vreg.gather [hbm4b:s1+s3], $0x80, v5, vm0, $0xb8;
	[tilespmem:$0x1F380] =	vst v63  }
0x1b0: {  	s7 =	simm.s32 $0xB80;
	v4 =	vperm.xlane v4, v3  }
0x1b1: {  	[tilespmem:s7], [sflag:$0x1] =	stream.indirect_vreg.gather [hbm4b:s31+s3], $0x80, v5, vm0, $0xb8;
	[tilespmem:$0x1F380] =	vst v63  }
0x1b2: {  	v4 =	vadd.s32 v2, v4  }
0x1b3: {  	[tilespmem:s6], [sflag:$0x1] =	stream.indirect_vreg.gather [hbm4b:s2+s3], $0x80, v5, vm0, $0xb8;
	[tilespmem:$0x1F380] =	vst v63  }
0x1b4: {  	_ = 	snop  }
0x1b5: {  	[tilespmem:s8], [sflag:$0x1] =	stream.indirect_vreg.gather [hbm4b:s0+s3], $0x80, v5, vm0, $0xb8;
	[tilespmem:$0x1F380] =	vst v63  }
0x1b6: {  	_ = 	snop  }
0x1b7: {  	[tilespmem:s9], [sflag:$0x1] =	stream.indirect_vreg.gather [hbm4b:s1+s3], $0x80, v4, vm0, $0xb8;
	[tilespmem:$0x1F380] =	vst v63  }
0x1b8: {  	_ = 	snop  }
0x1b9: {  	[tilespmem:s10], [sflag:$0x1] =	stream.indirect_vreg.gather [hbm4b:s31+s3], $0x80, v4, vm0, $0xb8;
	[tilespmem:$0x1F380] =	vst v63  }
0x1ba: {  	_ = 	snop  }
0x1bb: {  	[tilespmem:s11], [sflag:$0x1] =	stream.indirect_vreg.gather [hbm4b:s2+s3], $0x80, v4, vm0, $0xb8;
	[tilespmem:$0x1F380] =	vst v63  }
0x1bc: {  	s8 =	simm.s32 $0x3B80  }
0x1bd: {  	[tilespmem:s8], [sflag:$0x1] =	stream.indirect_vreg.gather [hbm4b:s0+s3], $0x80, v4, vm0, $0xb8;
	[tilespmem:$0x1F380] =	vst v63  }
0x1be: {  	v4 =	vld [tilespmem:$0x100];
	_ =	sdelay $0x4  }
0x1bf: {  	v5 =	vshll.u32 v4, $0x3  }
0x1c0: {  	v4 =	vand.u32 $0x7, v4;
	v5 =	vand.u32 $0xFFFFFFC0, v5  }
0x1c1: {  	v4 =	vor.u32 v4, v5  }
0x1c2: {  	v5 =	vperm.xlane v4, v1;
	_ =	sdelay $0x1  }
0x1c3: {  	v5 =	vadd.s32 v2, v5;
	_ =	sdelay $0x3  }
0x1c4: {  	s9 =	simm.s32 $0x4380  }
0x1c5: {  	[tilespmem:s9], [sflag:$0x1] =	stream.indirect_vreg.gather [hbm4b:s1+s3], $0x80, v5, vm0, $0xb8;
	[tilespmem:$0x1F380] =	vst v63  }
0x1c6: {  	s11 =	simm.s32 $0x4B80;
	v4 =	vperm.xlane v4, v3  }
0x1c7: {  	[tilespmem:s11], [sflag:$0x1] =	stream.indirect_vreg.gather [hbm4b:s31+s3], $0x80, v5, vm0, $0xb8;
	[tilespmem:$0x1F380] =	vst v63  }
0x1c8: {  	v4 =	vadd.s32 v2, v4  }
0x1c9: {  	[tilespmem:s12], [sflag:$0x1] =	stream.indirect_vreg.gather [hbm4b:s2+s3], $0x80, v5, vm0, $0xb8;
	[tilespmem:$0x1F380] =	vst v63  }
0x1ca: {  	_ = 	snop  }
0x1cb: {  	[tilespmem:s13], [sflag:$0x1] =	stream.indirect_vreg.gather [hbm4b:s0+s3], $0x80, v5, vm0, $0xb8;
	[tilespmem:$0x1F380] =	vst v63  }
0x1cc: {  	_ = 	snop  }
0x1cd: {  	[tilespmem:s14], [sflag:$0x1] =	stream.indirect_vreg.gather [hbm4b:s1+s3], $0x80, v4, vm0, $0xb8;
	[tilespmem:$0x1F380] =	vst v63  }
0x1ce: {  	_ = 	snop  }
0x1cf: {  	[tilespmem:s15], [sflag:$0x1] =	stream.indirect_vreg.gather [hbm4b:s31+s3], $0x80, v4, vm0, $0xb8;
	[tilespmem:$0x1F380] =	vst v63  }
0x1d0: {  	_ = 	snop  }
0x1d1: {  	[tilespmem:s16], [sflag:$0x1] =	stream.indirect_vreg.gather [hbm4b:s2+s3], $0x80, v4, vm0, $0xb8;
	[tilespmem:$0x1F380] =	vst v63  }
0x1d2: {  	s16 =	simm.s32 $0x7B80  }
0x1d3: {  	[tilespmem:s16], [sflag:$0x1] =	stream.indirect_vreg.gather [hbm4b:s0+s3], $0x80, v4, vm0, $0xb8;
	[tilespmem:$0x1F380] =	vst v63  }
0x1d4: {  	v4 =	vld.msk [tilespmem:$0x110], $0xff;
	_ =	sdelay $0x4  }
0x1d5: {  	v5 =	vshll.u32 v4, $0x3  }
0x1d6: {  	v4 =	vand.u32 $0x7, v4;
	v5 =	vand.u32 $0xFFFFFFC0, v5  }
0x1d7: {  	v4 =	vor.u32 v4, v5  }
0x1d8: {  	v4 =	vperm.xlane v4, v1;
	_ =	sdelay $0x1  }
0x1d9: {  	v4 =	vadd.s32 v2, v4;
	_ =	sdelay $0x4  }
0x1da: {  	[tilespmem:s17], [sflag:$0x1] =	stream.indirect_vreg.gather [hbm4b:s1+s3], $0x80, v4, vm0, $0xb8;
	[tilespmem:$0x1F380] =	vst v63  }
0x1db: {  	_ = 	snop  }
0x1dc: {  	[tilespmem:s18], [sflag:$0x1] =	stream.indirect_vreg.gather [hbm4b:s31+s3], $0x80, v4, vm0, $0xb8;
	[tilespmem:$0x1F380] =	vst v63  }
0x1dd: {  	_ = 	snop  }
0x1de: {  	[tilespmem:s19], [sflag:$0x1] =	stream.indirect_vreg.gather [hbm4b:s2+s3], $0x80, v4, vm0, $0xb8;
	[tilespmem:$0x1F380] =	vst v63  }
0x1df: {  	s19 =	simm.s32 $0x9B80  }
0x1e0: {  	[tilespmem:s19], [sflag:$0x1] =	stream.indirect_vreg.gather [hbm4b:s0+s3], $0x80, v4, vm0, $0xb8;
	[tilespmem:$0x1F380] =	vst v63  }
0x1e1: {  	_ =	swait.ge [sflag:s25], $0xA000  }
0x1e2: {  	[sflag:s25] =	ssyncset.done $0x0  }
0x1e3: {  	s16 =	rddreg [dreg:$0x13];
	[sflag:s25] =	ssyncadd.s32 $0xFFFF6000  }
0x1e4: {  	[hbm4b:s16+s3] =	stream.linear.scatter [tilespmem:s20], [sflag:$0x5], $0xA000, $0x38;
	[tilespmem:$0x1F380] =	vst v63  }
0x1e5: {  	_ =	swait.ge [sflag:s26], $0xA000  }
0x1e6: {  	[sflag:s26] =	ssyncset.done $0x0  }
0x1e7: {  	[sflag:s26] =	ssyncadd.s32 $0xFFFF6000  }
0x1e8: {  	v4 =	vld [tilespmem:$0x118];
	_ =	sdelay $0x4  }
0x1e9: {  	v5 =	vshll.u32 v4, $0x3  }
0x1ea: {  	v4 =	vand.u32 $0x7, v4;
	v5 =	vand.u32 $0xFFFFFFC0, v5  }
0x1eb: {  	v4 =	vor.u32 v4, v5  }
0x1ec: {  	v5 =	vperm.xlane v4, v1;
	_ =	sdelay $0x1  }
0x1ed: {  	v5 =	vadd.s32 v2, v5;
	_ =	sdelay $0x4  }
0x1ee: {  	[tilespmem:s20], [sflag:$0x2] =	stream.indirect_vreg.gather [hbm4b:s1+s3], $0x80, v5, vm0, $0xb8;
	[tilespmem:$0x1F380] =	vst v63  }
0x1ef: {  	s17 =	simm.s32 $0xAB80;
	v4 =	vperm.xlane v4, v3  }
0x1f0: {  	[tilespmem:s17], [sflag:$0x2] =	stream.indirect_vreg.gather [hbm4b:s31+s3], $0x80, v5, vm0, $0xb8;
	[tilespmem:$0x1F380] =	vst v63  }
0x1f1: {  	s18 =	simm.s32 $0xB380;
	v4 =	vadd.s32 v2, v4  }
0x1f2: {  	[tilespmem:s18], [sflag:$0x2] =	stream.indirect_vreg.gather [hbm4b:s2+s3], $0x80, v5, vm0, $0xb8;
	[tilespmem:$0x1F380] =	vst v63  }
0x1f3: {  	s19 =	simm.s32 $0xBB80  }
0x1f4: {  	[tilespmem:s19], [sflag:$0x2] =	stream.indirect_vreg.gather [hbm4b:s0+s3], $0x80, v5, vm0, $0xb8;
	[tilespmem:$0x1F380] =	vst v63  }
0x1f5: {  	s16 =	simm.s32 $0xC380  }
0x1f6: {  	[tilespmem:s16], [sflag:$0x2] =	stream.indirect_vreg.gather [hbm4b:s1+s3], $0x80, v4, vm0, $0xb8;
	[tilespmem:$0x1F380] =	vst v63  }
0x1f7: {  	s17 =	simm.s32 $0xCB80  }
0x1f8: {  	[tilespmem:s17], [sflag:$0x2] =	stream.indirect_vreg.gather [hbm4b:s31+s3], $0x80, v4, vm0, $0xb8;
	[tilespmem:$0x1F380] =	vst v63  }
0x1f9: {  	s18 =	simm.s32 $0xD380  }
0x1fa: {  	[tilespmem:s18], [sflag:$0x2] =	stream.indirect_vreg.gather [hbm4b:s2+s3], $0x80, v4, vm0, $0xb8;
	[tilespmem:$0x1F380] =	vst v63  }
0x1fb: {  	s19 =	simm.s32 $0xDB80  }
0x1fc: {  	[tilespmem:s19], [sflag:$0x2] =	stream.indirect_vreg.gather [hbm4b:s0+s3], $0x80, v4, vm0, $0xb8;
	[tilespmem:$0x1F380] =	vst v63  }
0x1fd: {  	v4 =	vld [tilespmem:$0x128];
	_ =	sdelay $0x4  }
0x1fe: {  	v5 =	vshll.u32 v4, $0x3  }
0x1ff: {  	v4 =	vand.u32 $0x7, v4;
	v5 =	vand.u32 $0xFFFFFFC0, v5  }
0x200: {  	v4 =	vor.u32 v4, v5  }
0x201: {  	v5 =	vperm.xlane v4, v1;
	_ =	sdelay $0x1  }
0x202: {  	v5 =	vadd.s32 v2, v5;
	_ =	sdelay $0x3  }
0x203: {  	s16 =	simm.s32 $0xE380  }
0x204: {  	[tilespmem:s16], [sflag:$0x2] =	stream.indirect_vreg.gather [hbm4b:s1+s3], $0x80, v5, vm0, $0xb8;
	[tilespmem:$0x1F380] =	vst v63  }
0x205: {  	s17 =	simm.s32 $0xEB80;
	v4 =	vperm.xlane v4, v3  }
0x206: {  	[tilespmem:s17], [sflag:$0x2] =	stream.indirect_vreg.gather [hbm4b:s31+s3], $0x80, v5, vm0, $0xb8;
	[tilespmem:$0x1F380] =	vst v63  }
0x207: {  	s18 =	simm.s32 $0xF380;
	v4 =	vadd.s32 v2, v4  }
0x208: {  	[tilespmem:s18], [sflag:$0x2] =	stream.indirect_vreg.gather [hbm4b:s2+s3], $0x80, v5, vm0, $0xb8;
	[tilespmem:$0x1F380] =	vst v63  }
0x209: {  	s19 =	simm.s32 $0xFB80  }
0x20a: {  	[tilespmem:s19], [sflag:$0x2] =	stream.indirect_vreg.gather [hbm4b:s0+s3], $0x80, v5, vm0, $0xb8;
	[tilespmem:$0x1F380] =	vst v63  }
0x20b: {  	s16 =	simm.s32 $0x10380  }
0x20c: {  	[tilespmem:s16], [sflag:$0x2] =	stream.indirect_vreg.gather [hbm4b:s1+s3], $0x80, v4, vm0, $0xb8;
	[tilespmem:$0x1F380] =	vst v63  }
0x20d: {  	s17 =	simm.s32 $0x10B80  }
0x20e: {  	[tilespmem:s17], [sflag:$0x2] =	stream.indirect_vreg.gather [hbm4b:s31+s3], $0x80, v4, vm0, $0xb8;
	[tilespmem:$0x1F380] =	vst v63  }
0x20f: {  	s18 =	simm.s32 $0x11380  }
0x210: {  	[tilespmem:s18], [sflag:$0x2] =	stream.indirect_vreg.gather [hbm4b:s2+s3], $0x80, v4, vm0, $0xb8;
	[tilespmem:$0x1F380] =	vst v63  }
0x211: {  	s19 =	simm.s32 $0x11B80  }
0x212: {  	[tilespmem:s19], [sflag:$0x2] =	stream.indirect_vreg.gather [hbm4b:s0+s3], $0x80, v4, vm0, $0xb8;
	[tilespmem:$0x1F380] =	vst v63  }
0x213: {  	v4 =	vld.msk [tilespmem:$0x138], $0xff;
	_ =	sdelay $0x4  }
0x214: {  	v5 =	vshll.u32 v4, $0x3  }
0x215: {  	v4 =	vand.u32 $0x7, v4;
	v5 =	vand.u32 $0xFFFFFFC0, v5  }
0x216: {  	v4 =	vor.u32 v4, v5  }
0x217: {  	v4 =	vperm.xlane v4, v1;
	_ =	sdelay $0x1  }
0x218: {  	v4 =	vadd.s32 v2, v4;
	_ =	sdelay $0x3  }
0x219: {  	s16 =	simm.s32 $0x12380  }
0x21a: {  	[tilespmem:s16], [sflag:$0x2] =	stream.indirect_vreg.gather [hbm4b:s1+s3], $0x80, v4, vm0, $0xb8;
	[tilespmem:$0x1F380] =	vst v63  }
0x21b: {  	s17 =	simm.s32 $0x12B80  }
0x21c: {  	[tilespmem:s17], [sflag:$0x2] =	stream.indirect_vreg.gather [hbm4b:s31+s3], $0x80, v4, vm0, $0xb8;
	[tilespmem:$0x1F380] =	vst v63  }
0x21d: {  	s18 =	simm.s32 $0x13380  }
0x21e: {  	[tilespmem:s18], [sflag:$0x2] =	stream.indirect_vreg.gather [hbm4b:s2+s3], $0x80, v4, vm0, $0xb8;
	[tilespmem:$0x1F380] =	vst v63  }
0x21f: {  	s19 =	simm.s32 $0x13B80  }
0x220: {  	[tilespmem:s19], [sflag:$0x2] =	stream.indirect_vreg.gather [hbm4b:s0+s3], $0x80, v4, vm0, $0xb8;
	[tilespmem:$0x1F380] =	vst v63  }
0x221: {  	_ =	swait.ge [sflag:s28], $0xA000  }
0x222: {  	[sflag:s28] =	ssyncset.done $0x0  }
0x223: {  	s16 =	rddreg [dreg:$0x14];
	[sflag:s28] =	ssyncadd.s32 $0xFFFF6000  }
0x224: {  	[hbm4b:s16+s3] =	stream.linear.scatter [tilespmem:s21], [sflag:$0x6], $0xA000, $0x38;
	[tilespmem:$0x1F380] =	vst v63  }
0x225: {  	_ =	swait.ge [sflag:s4], $0xA000  }
0x226: {  	[sflag:s4] =	ssyncset.done $0x0  }
0x227: {  	[sflag:s4] =	ssyncadd.s32 $0xFFFF6000  }
0x228: {  	v4 =	vld [tilespmem:$0x140];
	_ =	sdelay $0x4  }
0x229: {  	v5 =	vshll.u32 v4, $0x3  }
0x22a: {  	v4 =	vand.u32 $0x7, v4;
	v5 =	vand.u32 $0xFFFFFFC0, v5  }
0x22b: {  	v4 =	vor.u32 v4, v5  }
0x22c: {  	v5 =	vperm.xlane v4, v1;
	_ =	sdelay $0x1  }
0x22d: {  	v5 =	vadd.s32 v2, v5;
	_ =	sdelay $0x4  }
0x22e: {  	[tilespmem:s21], [sflag:$0x3] =	stream.indirect_vreg.gather [hbm4b:s1+s3], $0x80, v5, vm0, $0xb8;
	[tilespmem:$0x1F380] =	vst v63  }
0x22f: {  	s17 =	simm.s32 $0x14B80;
	v4 =	vperm.xlane v4, v3  }
0x230: {  	[tilespmem:s17], [sflag:$0x3] =	stream.indirect_vreg.gather [hbm4b:s31+s3], $0x80, v5, vm0, $0xb8;
	[tilespmem:$0x1F380] =	vst v63  }
0x231: {  	s23 =	simm.s32 $0x15380;
	v4 =	vadd.s32 v2, v4  }
0x232: {  	[tilespmem:s23], [sflag:$0x3] =	stream.indirect_vreg.gather [hbm4b:s2+s3], $0x80, v5, vm0, $0xb8;
	[tilespmem:$0x1F380] =	vst v63  }
0x233: {  	s29 =	simm.s32 $0x15B80  }
0x234: {  	[tilespmem:s29], [sflag:$0x3] =	stream.indirect_vreg.gather [hbm4b:s0+s3], $0x80, v5, vm0, $0xb8;
	[tilespmem:$0x1F380] =	vst v63  }
0x235: {  	s18 =	simm.s32 $0x16380  }
0x236: {  	[tilespmem:s18], [sflag:$0x3] =	stream.indirect_vreg.gather [hbm4b:s1+s3], $0x80, v4, vm0, $0xb8;
	[tilespmem:$0x1F380] =	vst v63  }
0x237: {  	s19 =	simm.s32 $0x16B80  }
0x238: {  	[tilespmem:s19], [sflag:$0x3] =	stream.indirect_vreg.gather [hbm4b:s31+s3], $0x80, v4, vm0, $0xb8;
	[tilespmem:$0x1F380] =	vst v63  }
0x239: {  	s23 =	simm.s32 $0x17380  }
0x23a: {  	[tilespmem:s23], [sflag:$0x3] =	stream.indirect_vreg.gather [hbm4b:s2+s3], $0x80, v4, vm0, $0xb8;
	[tilespmem:$0x1F380] =	vst v63  }
0x23b: {  	s29 =	simm.s32 $0x17B80  }
0x23c: {  	[tilespmem:s29], [sflag:$0x3] =	stream.indirect_vreg.gather [hbm4b:s0+s3], $0x80, v4, vm0, $0xb8;
	[tilespmem:$0x1F380] =	vst v63  }
0x23d: {  	v4 =	vld [tilespmem:$0x150];
	_ =	sdelay $0x4  }
0x23e: {  	v5 =	vshll.u32 v4, $0x3  }
0x23f: {  	v4 =	vand.u32 $0x7, v4;
	v5 =	vand.u32 $0xFFFFFFC0, v5  }
0x240: {  	v4 =	vor.u32 v4, v5  }
0x241: {  	v5 =	vperm.xlane v4, v1;
	_ =	sdelay $0x1  }
0x242: {  	v5 =	vadd.s32 v2, v5;
	_ =	sdelay $0x3  }
0x243: {  	s29 =	simm.s32 $0x18380  }
0x244: {  	[tilespmem:s29], [sflag:$0x3] =	stream.indirect_vreg.gather [hbm4b:s1+s3], $0x80, v5, vm0, $0xb8;
	[tilespmem:$0x1F380] =	vst v63  }
0x245: {  	v4 =	vperm.xlane v4, v3;
	s29 =	simm.s32 $0x18B80  }
0x246: {  	[tilespmem:s29], [sflag:$0x3] =	stream.indirect_vreg.gather [hbm4b:s31+s3], $0x80, v5, vm0, $0xb8;
	[tilespmem:$0x1F380] =	vst v63  }
0x247: {  	v4 =	vadd.s32 v2, v4;
	s29 =	simm.s32 $0x19380  }
0x248: {  	[tilespmem:s29], [sflag:$0x3] =	stream.indirect_vreg.gather [hbm4b:s2+s3], $0x80, v5, vm0, $0xb8;
	[tilespmem:$0x1F380] =	vst v63  }
0x249: {  	s7 =	simm.s32 $0x19B80  }
0x24a: {  	[tilespmem:s7], [sflag:$0x3] =	stream.indirect_vreg.gather [hbm4b:s0+s3], $0x80, v5, vm0, $0xb8;
	[tilespmem:$0x1F380] =	vst v63  }
0x24b: {  	s7 =	simm.s32 $0x1A380  }
0x24c: {  	[tilespmem:s7], [sflag:$0x3] =	stream.indirect_vreg.gather [hbm4b:s1+s3], $0x80, v4, vm0, $0xb8;
	[tilespmem:$0x1F380] =	vst v63  }
0x24d: {  	s7 =	simm.s32 $0x1AB80  }
0x24e: {  	[tilespmem:s7], [sflag:$0x3] =	stream.indirect_vreg.gather [hbm4b:s31+s3], $0x80, v4, vm0, $0xb8;
	[tilespmem:$0x1F380] =	vst v63  }
0x24f: {  	s7 =	simm.s32 $0x1B380  }
0x250: {  	[tilespmem:s7], [sflag:$0x3] =	stream.indirect_vreg.gather [hbm4b:s2+s3], $0x80, v4, vm0, $0xb8;
	[tilespmem:$0x1F380] =	vst v63  }
0x251: {  	s7 =	simm.s32 $0x1BB80  }
0x252: {  	[tilespmem:s7], [sflag:$0x3] =	stream.indirect_vreg.gather [hbm4b:s0+s3], $0x80, v4, vm0, $0xb8;
	[tilespmem:$0x1F380] =	vst v63  }
0x253: {  	v4 =	vld.msk [tilespmem:$0x160], $0xff;
	_ =	sdelay $0x4  }
0x254: {  	v5 =	vshll.u32 v4, $0x3  }
0x255: {  	v4 =	vand.u32 $0x7, v4;
	v5 =	vand.u32 $0xFFFFFFC0, v5  }
0x256: {  	v4 =	vor.u32 v4, v5  }
0x257: {  	v4 =	vperm.xlane v4, v1;
	_ =	sdelay $0x1  }
0x258: {  	v4 =	vadd.s32 v2, v4;
	_ =	sdelay $0x3  }
0x259: {  	s7 =	simm.s32 $0x1C380  }
0x25a: {  	[tilespmem:s7], [sflag:$0x3] =	stream.indirect_vreg.gather [hbm4b:s1+s3], $0x80, v4, vm0, $0xb8;
	[tilespmem:$0x1F380] =	vst v63  }
0x25b: {  	s7 =	simm.s32 $0x1CB80  }
0x25c: {  	[tilespmem:s7], [sflag:$0x3] =	stream.indirect_vreg.gather [hbm4b:s31+s3], $0x80, v4, vm0, $0xb8;
	[tilespmem:$0x1F380] =	vst v63  }
0x25d: {  	s7 =	simm.s32 $0x1D380  }
0x25e: {  	[tilespmem:s7], [sflag:$0x3] =	stream.indirect_vreg.gather [hbm4b:s2+s3], $0x80, v4, vm0, $0xb8;
	[tilespmem:$0x1F380] =	vst v63  }
0x25f: {  	s7 =	simm.s32 $0x1DB80  }
0x260: {  	[tilespmem:s7], [sflag:$0x3] =	stream.indirect_vreg.gather [hbm4b:s0+s3], $0x80, v4, vm0, $0xb8;
	[tilespmem:$0x1F380] =	vst v63  }
0x261: {  	_ =	swait.ge [sflag:s30], $0xA000  }
0x262: {  	[sflag:s30] =	ssyncset.done $0x0  }
0x263: {  	s7 =	rddreg [dreg:$0x15];
	[sflag:s30] =	ssyncadd.s32 $0xFFFF6000  }
0x264: {  	[hbm4b:s7+s3] =	stream.linear.scatter [tilespmem:s22], [sflag:$0x4], $0xA000, $0x38;
	[tilespmem:$0x1F380] =	vst v63  }
0x265: {  	_ =	swait.ge [sflag:s24], $0xA000  }
0x266: {  	[sflag:s24] =	ssyncset.done $0x0  }
0x267: {  	[sflag:s24] =	ssyncadd.s32 $0xFFFF6000  }
0x268: {  	v4 =	vld [tilespmem:$0x168];
	_ =	sdelay $0x4  }
0x269: {  	v5 =	vshll.u32 v4, $0x3  }
0x26a: {  	v4 =	vand.u32 $0x7, v4;
	v5 =	vand.u32 $0xFFFFFFC0, v5  }
0x26b: {  	v4 =	vor.u32 v4, v5  }
0x26c: {  	v5 =	vperm.xlane v4, v1;
	_ =	sdelay $0x1  }
0x26d: {  	v5 =	vadd.s32 v2, v5;
	_ =	sdelay $0x4  }
0x26e: {  	[tilespmem:s22], [sflag:$0x1] =	stream.indirect_vreg.gather [hbm4b:s1+s3], $0x80, v5, vm0, $0xb8;
	[tilespmem:$0x1F380] =	vst v63  }
0x26f: {  	s7 =	simm.s32 $0xB80;
	v4 =	vperm.xlane v4, v3  }
0x270: {  	[tilespmem:s7], [sflag:$0x1] =	stream.indirect_vreg.gather [hbm4b:s31+s3], $0x80, v5, vm0, $0xb8;
	[tilespmem:$0x1F380] =	vst v63  }
0x271: {  	v4 =	vadd.s32 v2, v4;
	s7 =	simm.s32 $0x1380  }
0x272: {  	[tilespmem:s7], [sflag:$0x1] =	stream.indirect_vreg.gather [hbm4b:s2+s3], $0x80, v5, vm0, $0xb8;
	[tilespmem:$0x1F380] =	vst v63  }
0x273: {  	s7 =	simm.s32 $0x1B80  }
0x274: {  	[tilespmem:s7], [sflag:$0x1] =	stream.indirect_vreg.gather [hbm4b:s0+s3], $0x80, v5, vm0, $0xb8;
	[tilespmem:$0x1F380] =	vst v63  }
0x275: {  	s7 =	simm.s32 $0x2380  }
0x276: {  	[tilespmem:s7], [sflag:$0x1] =	stream.indirect_vreg.gather [hbm4b:s1+s3], $0x80, v4, vm0, $0xb8;
	[tilespmem:$0x1F380] =	vst v63  }
0x277: {  	s10 =	simm.s32 $0x2B80  }
0x278: {  	[tilespmem:s10], [sflag:$0x1] =	stream.indirect_vreg.gather [hbm4b:s31+s3], $0x80, v4, vm0, $0xb8;
	[tilespmem:$0x1F380] =	vst v63  }
0x279: {  	s7 =	simm.s32 $0x3380  }
0x27a: {  	[tilespmem:s7], [sflag:$0x1] =	stream.indirect_vreg.gather [hbm4b:s2+s3], $0x80, v4, vm0, $0xb8;
	[tilespmem:$0x1F380] =	vst v63  }
0x27b: {  	s7 =	simm.s32 $0x3B80  }
0x27c: {  	[tilespmem:s7], [sflag:$0x1] =	stream.indirect_vreg.gather [hbm4b:s0+s3], $0x80, v4, vm0, $0xb8;
	[tilespmem:$0x1F380] =	vst v63  }
0x27d: {  	v4 =	vld [tilespmem:$0x178];
	_ =	sdelay $0x4  }
0x27e: {  	v5 =	vshll.u32 v4, $0x3  }
0x27f: {  	v4 =	vand.u32 $0x7, v4;
	v5 =	vand.u32 $0xFFFFFFC0, v5  }
0x280: {  	v4 =	vor.u32 v4, v5  }
0x281: {  	v5 =	vperm.xlane v4, v1;
	_ =	sdelay $0x1  }
0x282: {  	v5 =	vadd.s32 v2, v5;
	_ =	sdelay $0x3  }
0x283: {  	s7 =	simm.s32 $0x4380  }
0x284: {  	[tilespmem:s7], [sflag:$0x1] =	stream.indirect_vreg.gather [hbm4b:s1+s3], $0x80, v5, vm0, $0xb8;
	[tilespmem:$0x1F380] =	vst v63  }
0x285: {  	v4 =	vperm.xlane v4, v3;
	s7 =	simm.s32 $0x4B80  }
0x286: {  	[tilespmem:s7], [sflag:$0x1] =	stream.indirect_vreg.gather [hbm4b:s31+s3], $0x80, v5, vm0, $0xb8;
	[tilespmem:$0x1F380] =	vst v63  }
0x287: {  	s6 =	simm.s32 $0x5380;
	v4 =	vadd.s32 v2, v4  }
0x288: {  	[tilespmem:s6], [sflag:$0x1] =	stream.indirect_vreg.gather [hbm4b:s2+s3], $0x80, v5, vm0, $0xb8;
	[tilespmem:$0x1F380] =	vst v63  }
0x289: {  	s13 =	simm.s32 $0x5B80  }
0x28a: {  	[tilespmem:s13], [sflag:$0x1] =	stream.indirect_vreg.gather [hbm4b:s0+s3], $0x80, v5, vm0, $0xb8;
	[tilespmem:$0x1F380] =	vst v63  }
0x28b: {  	s14 =	simm.s32 $0x6380  }
0x28c: {  	[tilespmem:s14], [sflag:$0x1] =	stream.indirect_vreg.gather [hbm4b:s1+s3], $0x80, v4, vm0, $0xb8;
	[tilespmem:$0x1F380] =	vst v63  }
0x28d: {  	s8 =	simm.s32 $0x6B80  }
0x28e: {  	[tilespmem:s8], [sflag:$0x1] =	stream.indirect_vreg.gather [hbm4b:s31+s3], $0x80, v4, vm0, $0xb8;
	[tilespmem:$0x1F380] =	vst v63  }
0x28f: {  	s9 =	simm.s32 $0x7380  }
0x290: {  	[tilespmem:s9], [sflag:$0x1] =	stream.indirect_vreg.gather [hbm4b:s2+s3], $0x80, v4, vm0, $0xb8;
	[tilespmem:$0x1F380] =	vst v63  }
0x291: {  	s8 =	simm.s32 $0x7B80  }
0x292: {  	[tilespmem:s8], [sflag:$0x1] =	stream.indirect_vreg.gather [hbm4b:s0+s3], $0x80, v4, vm0, $0xb8;
	[tilespmem:$0x1F380] =	vst v63  }
0x293: {  	v4 =	vld.msk [tilespmem:$0x188], $0xff;
	_ =	sdelay $0x4  }
0x294: {  	v5 =	vshll.u32 v4, $0x3  }
0x295: {  	v4 =	vand.u32 $0x7, v4;
	v5 =	vand.u32 $0xFFFFFFC0, v5  }
0x296: {  	v4 =	vor.u32 v4, v5  }
0x297: {  	v4 =	vperm.xlane v4, v1;
	_ =	sdelay $0x1  }
0x298: {  	v4 =	vadd.s32 v2, v4;
	_ =	sdelay $0x3  }
0x299: {  	s11 =	simm.s32 $0x8380  }
0x29a: {  	[tilespmem:s11], [sflag:$0x1] =	stream.indirect_vreg.gather [hbm4b:s1+s3], $0x80, v4, vm0, $0xb8;
	[tilespmem:$0x1F380] =	vst v63  }
0x29b: {  	s12 =	simm.s32 $0x8B80  }
0x29c: {  	[tilespmem:s12], [sflag:$0x1] =	stream.indirect_vreg.gather [hbm4b:s31+s3], $0x80, v4, vm0, $0xb8;
	[tilespmem:$0x1F380] =	vst v63  }
0x29d: {  	s15 =	simm.s32 $0x9380  }
0x29e: {  	[tilespmem:s15], [sflag:$0x1] =	stream.indirect_vreg.gather [hbm4b:s2+s3], $0x80, v4, vm0, $0xb8;
	[tilespmem:$0x1F380] =	vst v63  }
0x29f: {  	s15 =	simm.s32 $0x9B80  }
0x2a0: {  	[tilespmem:s15], [sflag:$0x1] =	stream.indirect_vreg.gather [hbm4b:s0+s3], $0x80, v4, vm0, $0xb8;
	[tilespmem:$0x1F380] =	vst v63  }
0x2a1: {  	_ =	swait.ge [sflag:s25], $0xA000  }
0x2a2: {  	[sflag:s25] =	ssyncset.done $0x0  }
0x2a3: {  	s15 =	rddreg [dreg:$0x16];
	[sflag:s25] =	ssyncadd.s32 $0xFFFF6000  }
0x2a4: {  	[hbm4b:s15+s3] =	stream.linear.scatter [tilespmem:s20], [sflag:$0x5], $0xA000, $0x38;
	[tilespmem:$0x1F380] =	vst v63  }
0x2a5: {  	_ =	swait.ge [sflag:s26], $0xA000  }
0x2a6: {  	[sflag:s26] =	ssyncset.done $0x0  }
0x2a7: {  	[sflag:s26] =	ssyncadd.s32 $0xFFFF6000  }
0x2a8: {  	v4 =	vld [tilespmem:$0x190];
	_ =	sdelay $0x4  }
0x2a9: {  	v5 =	vshll.u32 v4, $0x3  }
0x2aa: {  	v4 =	vand.u32 $0x7, v4;
	v5 =	vand.u32 $0xFFFFFFC0, v5  }
0x2ab: {  	v4 =	vor.u32 v4, v5  }
0x2ac: {  	v5 =	vperm.xlane v4, v1;
	_ =	sdelay $0x1  }
0x2ad: {  	v5 =	vadd.s32 v2, v5;
	_ =	sdelay $0x4  }
0x2ae: {  	[tilespmem:s20], [sflag:$0x2] =	stream.indirect_vreg.gather [hbm4b:s1+s3], $0x80, v5, vm0, $0xb8;
	[tilespmem:$0x1F380] =	vst v63  }
0x2af: {  	s15 =	simm.s32 $0xAB80;
	v4 =	vperm.xlane v4, v3  }
0x2b0: {  	[tilespmem:s15], [sflag:$0x2] =	stream.indirect_vreg.gather [hbm4b:s31+s3], $0x80, v5, vm0, $0xb8;
	[tilespmem:$0x1F380] =	vst v63  }
0x2b1: {  	v4 =	vadd.s32 v2, v4;
	s15 =	simm.s32 $0xB380  }
0x2b2: {  	[tilespmem:s15], [sflag:$0x2] =	stream.indirect_vreg.gather [hbm4b:s2+s3], $0x80, v5, vm0, $0xb8;
	[tilespmem:$0x1F380] =	vst v63  }
0x2b3: {  	s15 =	simm.s32 $0xBB80  }
0x2b4: {  	[tilespmem:s15], [sflag:$0x2] =	stream.indirect_vreg.gather [hbm4b:s0+s3], $0x80, v5, vm0, $0xb8;
	[tilespmem:$0x1F380] =	vst v63  }
0x2b5: {  	s15 =	simm.s32 $0xC380  }
0x2b6: {  	[tilespmem:s15], [sflag:$0x2] =	stream.indirect_vreg.gather [hbm4b:s1+s3], $0x80, v4, vm0, $0xb8;
	[tilespmem:$0x1F380] =	vst v63  }
0x2b7: {  	s15 =	simm.s32 $0xCB80  }
0x2b8: {  	[tilespmem:s15], [sflag:$0x2] =	stream.indirect_vreg.gather [hbm4b:s31+s3], $0x80, v4, vm0, $0xb8;
	[tilespmem:$0x1F380] =	vst v63  }
0x2b9: {  	s15 =	simm.s32 $0xD380  }
0x2ba: {  	[tilespmem:s15], [sflag:$0x2] =	stream.indirect_vreg.gather [hbm4b:s2+s3], $0x80, v4, vm0, $0xb8;
	[tilespmem:$0x1F380] =	vst v63  }
0x2bb: {  	s15 =	simm.s32 $0xDB80  }
0x2bc: {  	[tilespmem:s15], [sflag:$0x2] =	stream.indirect_vreg.gather [hbm4b:s0+s3], $0x80, v4, vm0, $0xb8;
	[tilespmem:$0x1F380] =	vst v63  }
0x2bd: {  	v4 =	vld [tilespmem:$0x1A0];
	_ =	sdelay $0x4  }
0x2be: {  	v5 =	vshll.u32 v4, $0x3  }
0x2bf: {  	v4 =	vand.u32 $0x7, v4;
	v5 =	vand.u32 $0xFFFFFFC0, v5  }
0x2c0: {  	v4 =	vor.u32 v4, v5  }
0x2c1: {  	v5 =	vperm.xlane v4, v1;
	_ =	sdelay $0x1  }
0x2c2: {  	v5 =	vadd.s32 v2, v5;
	_ =	sdelay $0x3  }
0x2c3: {  	s15 =	simm.s32 $0xE380  }
0x2c4: {  	[tilespmem:s15], [sflag:$0x2] =	stream.indirect_vreg.gather [hbm4b:s1+s3], $0x80, v5, vm0, $0xb8;
	[tilespmem:$0x1F380] =	vst v63  }
0x2c5: {  	v4 =	vperm.xlane v4, v3;
	s15 =	simm.s32 $0xEB80  }
0x2c6: {  	[tilespmem:s15], [sflag:$0x2] =	stream.indirect_vreg.gather [hbm4b:s31+s3], $0x80, v5, vm0, $0xb8;
	[tilespmem:$0x1F380] =	vst v63  }
0x2c7: {  	v4 =	vadd.s32 v2, v4;
	s15 =	simm.s32 $0xF380  }
0x2c8: {  	[tilespmem:s15], [sflag:$0x2] =	stream.indirect_vreg.gather [hbm4b:s2+s3], $0x80, v5, vm0, $0xb8;
	[tilespmem:$0x1F380] =	vst v63  }
0x2c9: {  	s15 =	simm.s32 $0xFB80  }
0x2ca: {  	[tilespmem:s15], [sflag:$0x2] =	stream.indirect_vreg.gather [hbm4b:s0+s3], $0x80, v5, vm0, $0xb8;
	[tilespmem:$0x1F380] =	vst v63  }
0x2cb: {  	s15 =	simm.s32 $0x10380  }
0x2cc: {  	[tilespmem:s15], [sflag:$0x2] =	stream.indirect_vreg.gather [hbm4b:s1+s3], $0x80, v4, vm0, $0xb8;
	[tilespmem:$0x1F380] =	vst v63  }
0x2cd: {  	s15 =	simm.s32 $0x10B80  }
0x2ce: {  	[tilespmem:s15], [sflag:$0x2] =	stream.indirect_vreg.gather [hbm4b:s31+s3], $0x80, v4, vm0, $0xb8;
	[tilespmem:$0x1F380] =	vst v63  }
0x2cf: {  	s15 =	simm.s32 $0x11380  }
0x2d0: {  	[tilespmem:s15], [sflag:$0x2] =	stream.indirect_vreg.gather [hbm4b:s2+s3], $0x80, v4, vm0, $0xb8;
	[tilespmem:$0x1F380] =	vst v63  }
0x2d1: {  	s15 =	simm.s32 $0x11B80  }
0x2d2: {  	[tilespmem:s15], [sflag:$0x2] =	stream.indirect_vreg.gather [hbm4b:s0+s3], $0x80, v4, vm0, $0xb8;
	[tilespmem:$0x1F380] =	vst v63  }
0x2d3: {  	v4 =	vld.msk [tilespmem:$0x1B0], $0xff;
	_ =	sdelay $0x4  }
0x2d4: {  	v5 =	vshll.u32 v4, $0x3  }
0x2d5: {  	v4 =	vand.u32 $0x7, v4;
	v5 =	vand.u32 $0xFFFFFFC0, v5  }
0x2d6: {  	v4 =	vor.u32 v4, v5  }
0x2d7: {  	v4 =	vperm.xlane v4, v1;
	_ =	sdelay $0x1  }
0x2d8: {  	v4 =	vadd.s32 v2, v4;
	_ =	sdelay $0x3  }
0x2d9: {  	s15 =	simm.s32 $0x12380  }
0x2da: {  	[tilespmem:s15], [sflag:$0x2] =	stream.indirect_vreg.gather [hbm4b:s1+s3], $0x80, v4, vm0, $0xb8;
	[tilespmem:$0x1F380] =	vst v63  }
0x2db: {  	s15 =	simm.s32 $0x12B80  }
0x2dc: {  	[tilespmem:s15], [sflag:$0x2] =	stream.indirect_vreg.gather [hbm4b:s31+s3], $0x80, v4, vm0, $0xb8;
	[tilespmem:$0x1F380] =	vst v63  }
0x2dd: {  	s15 =	simm.s32 $0x13380  }
0x2de: {  	[tilespmem:s15], [sflag:$0x2] =	stream.indirect_vreg.gather [hbm4b:s2+s3], $0x80, v4, vm0, $0xb8;
	[tilespmem:$0x1F380] =	vst v63  }
0x2df: {  	s15 =	simm.s32 $0x13B80  }
0x2e0: {  	[tilespmem:s15], [sflag:$0x2] =	stream.indirect_vreg.gather [hbm4b:s0+s3], $0x80, v4, vm0, $0xb8;
	[tilespmem:$0x1F380] =	vst v63  }
0x2e1: {  	_ =	swait.ge [sflag:s28], $0xA000  }
0x2e2: {  	[sflag:s28] =	ssyncset.done $0x0  }
0x2e3: {  	s15 =	rddreg [dreg:$0x17];
	[sflag:s28] =	ssyncadd.s32 $0xFFFF6000  }
0x2e4: {  	[hbm4b:s15+s3] =	stream.linear.scatter [tilespmem:s21], [sflag:$0x6], $0xA000, $0x38;
	[tilespmem:$0x1F380] =	vst v63  }
0x2e5: {  	_ =	swait.ge [sflag:s4], $0xA000  }
0x2e6: {  	[sflag:s4] =	ssyncset.done $0x0  }
0x2e7: {  	[sflag:s4] =	ssyncadd.s32 $0xFFFF6000  }
0x2e8: {  	v4 =	vld [tilespmem:$0x1B8];
	_ =	sdelay $0x4  }
0x2e9: {  	v5 =	vshll.u32 v4, $0x3  }
0x2ea: {  	v4 =	vand.u32 $0x7, v4;
	v5 =	vand.u32 $0xFFFFFFC0, v5  }
0x2eb: {  	v4 =	vor.u32 v4, v5  }
0x2ec: {  	v5 =	vperm.xlane v4, v1;
	_ =	sdelay $0x1  }
0x2ed: {  	v5 =	vadd.s32 v2, v5;
	_ =	sdelay $0x4  }
0x2ee: {  	[tilespmem:s21], [sflag:$0x3] =	stream.indirect_vreg.gather [hbm4b:s1+s3], $0x80, v5, vm0, $0xb8;
	[tilespmem:$0x1F380] =	vst v63  }
0x2ef: {  	s15 =	simm.s32 $0x14B80;
	v4 =	vperm.xlane v4, v3  }
0x2f0: {  	[tilespmem:s15], [sflag:$0x3] =	stream.indirect_vreg.gather [hbm4b:s31+s3], $0x80, v5, vm0, $0xb8;
	[tilespmem:$0x1F380] =	vst v63  }
0x2f1: {  	s16 =	simm.s32 $0x15380;
	v4 =	vadd.s32 v2, v4  }
0x2f2: {  	[tilespmem:s16], [sflag:$0x3] =	stream.indirect_vreg.gather [hbm4b:s2+s3], $0x80, v5, vm0, $0xb8;
	[tilespmem:$0x1F380] =	vst v63  }
0x2f3: {  	s17 =	simm.s32 $0x15B80  }
0x2f4: {  	[tilespmem:s17], [sflag:$0x3] =	stream.indirect_vreg.gather [hbm4b:s0+s3], $0x80, v5, vm0, $0xb8;
	[tilespmem:$0x1F380] =	vst v63  }
0x2f5: {  	s18 =	simm.s32 $0x16380  }
0x2f6: {  	[tilespmem:s18], [sflag:$0x3] =	stream.indirect_vreg.gather [hbm4b:s1+s3], $0x80, v4, vm0, $0xb8;
	[tilespmem:$0x1F380] =	vst v63  }
0x2f7: {  	s19 =	simm.s32 $0x16B80  }
0x2f8: {  	[tilespmem:s19], [sflag:$0x3] =	stream.indirect_vreg.gather [hbm4b:s31+s3], $0x80, v4, vm0, $0xb8;
	[tilespmem:$0x1F380] =	vst v63  }
0x2f9: {  	s23 =	simm.s32 $0x17380  }
0x2fa: {  	[tilespmem:s23], [sflag:$0x3] =	stream.indirect_vreg.gather [hbm4b:s2+s3], $0x80, v4, vm0, $0xb8;
	[tilespmem:$0x1F380] =	vst v63  }
0x2fb: {  	s23 =	simm.s32 $0x17B80  }
0x2fc: {  	[tilespmem:s23], [sflag:$0x3] =	stream.indirect_vreg.gather [hbm4b:s0+s3], $0x80, v4, vm0, $0xb8;
	[tilespmem:$0x1F380] =	vst v63  }
0x2fd: {  	v4 =	vld [tilespmem:$0x1C8];
	_ =	sdelay $0x4  }
0x2fe: {  	v5 =	vshll.u32 v4, $0x3  }
0x2ff: {  	v4 =	vand.u32 $0x7, v4;
	v5 =	vand.u32 $0xFFFFFFC0, v5  }
0x300: {  	v4 =	vor.u32 v4, v5  }
0x301: {  	v5 =	vperm.xlane v4, v1;
	_ =	sdelay $0x1  }
0x302: {  	v5 =	vadd.s32 v2, v5;
	_ =	sdelay $0x3  }
0x303: {  	s23 =	simm.s32 $0x18380  }
0x304: {  	[tilespmem:s23], [sflag:$0x3] =	stream.indirect_vreg.gather [hbm4b:s1+s3], $0x80, v5, vm0, $0xb8;
	[tilespmem:$0x1F380] =	vst v63  }
0x305: {  	v4 =	vperm.xlane v4, v3;
	s23 =	simm.s32 $0x18B80  }
0x306: {  	[tilespmem:s23], [sflag:$0x3] =	stream.indirect_vreg.gather [hbm4b:s31+s3], $0x80, v5, vm0, $0xb8;
	[tilespmem:$0x1F380] =	vst v63  }
0x307: {  	s29 =	simm.s32 $0x19380;
	v4 =	vadd.s32 v2, v4  }
0x308: {  	[tilespmem:s29], [sflag:$0x3] =	stream.indirect_vreg.gather [hbm4b:s2+s3], $0x80, v5, vm0, $0xb8;
	[tilespmem:$0x1F380] =	vst v63  }
0x309: {  	s29 =	simm.s32 $0x19B80  }
0x30a: {  	[tilespmem:s29], [sflag:$0x3] =	stream.indirect_vreg.gather [hbm4b:s0+s3], $0x80, v5, vm0, $0xb8;
	[tilespmem:$0x1F380] =	vst v63  }
0x30b: {  	s7 =	simm.s32 $0x1A380  }
0x30c: {  	[tilespmem:s7], [sflag:$0x3] =	stream.indirect_vreg.gather [hbm4b:s1+s3], $0x80, v4, vm0, $0xb8;
	[tilespmem:$0x1F380] =	vst v63  }
0x30d: {  	s7 =	simm.s32 $0x1AB80  }
0x30e: {  	[tilespmem:s7], [sflag:$0x3] =	stream.indirect_vreg.gather [hbm4b:s31+s3], $0x80, v4, vm0, $0xb8;
	[tilespmem:$0x1F380] =	vst v63  }
0x30f: {  	s7 =	simm.s32 $0x1B380  }
0x310: {  	[tilespmem:s7], [sflag:$0x3] =	stream.indirect_vreg.gather [hbm4b:s2+s3], $0x80, v4, vm0, $0xb8;
	[tilespmem:$0x1F380] =	vst v63  }
0x311: {  	s7 =	simm.s32 $0x1BB80  }
0x312: {  	[tilespmem:s7], [sflag:$0x3] =	stream.indirect_vreg.gather [hbm4b:s0+s3], $0x80, v4, vm0, $0xb8;
	[tilespmem:$0x1F380] =	vst v63  }
0x313: {  	v4 =	vld.msk [tilespmem:$0x1D8], $0xff;
	_ =	sdelay $0x4  }
0x314: {  	v5 =	vshll.u32 v4, $0x3  }
0x315: {  	v4 =	vand.u32 $0x7, v4;
	v5 =	vand.u32 $0xFFFFFFC0, v5  }
0x316: {  	v4 =	vor.u32 v4, v5  }
0x317: {  	v4 =	vperm.xlane v4, v1;
	_ =	sdelay $0x1  }
0x318: {  	v4 =	vadd.s32 v2, v4;
	_ =	sdelay $0x3  }
0x319: {  	s7 =	simm.s32 $0x1C380  }
0x31a: {  	[tilespmem:s7], [sflag:$0x3] =	stream.indirect_vreg.gather [hbm4b:s1+s3], $0x80, v4, vm0, $0xb8;
	[tilespmem:$0x1F380] =	vst v63  }
0x31b: {  	s7 =	simm.s32 $0x1CB80  }
0x31c: {  	[tilespmem:s7], [sflag:$0x3] =	stream.indirect_vreg.gather [hbm4b:s31+s3], $0x80, v4, vm0, $0xb8;
	[tilespmem:$0x1F380] =	vst v63  }
0x31d: {  	s7 =	simm.s32 $0x1D380  }
0x31e: {  	[tilespmem:s7], [sflag:$0x3] =	stream.indirect_vreg.gather [hbm4b:s2+s3], $0x80, v4, vm0, $0xb8;
	[tilespmem:$0x1F380] =	vst v63  }
0x31f: {  	s7 =	simm.s32 $0x1DB80  }
0x320: {  	[tilespmem:s7], [sflag:$0x3] =	stream.indirect_vreg.gather [hbm4b:s0+s3], $0x80, v4, vm0, $0xb8;
	[tilespmem:$0x1F380] =	vst v63  }
0x321: {  	_ =	swait.ge [sflag:s30], $0xA000  }
0x322: {  	[sflag:s30] =	ssyncset.done $0x0  }
0x323: {  	s7 =	rddreg [dreg:$0x18];
	[sflag:s30] =	ssyncadd.s32 $0xFFFF6000  }
0x324: {  	[hbm4b:s7+s3] =	stream.linear.scatter [tilespmem:s22], [sflag:$0x4], $0xA000, $0x38;
	[tilespmem:$0x1F380] =	vst v63  }
0x325: {  	_ =	swait.ge [sflag:s24], $0xA000  }
0x326: {  	[sflag:s24] =	ssyncset.done $0x0  }
0x327: {  	[sflag:s24] =	ssyncadd.s32 $0xFFFF6000  }
0x328: {  	v4 =	vld [tilespmem:$0x1E0];
	_ =	sdelay $0x4  }
0x329: {  	v5 =	vshll.u32 v4, $0x3  }
0x32a: {  	v4 =	vand.u32 $0x7, v4;
	v5 =	vand.u32 $0xFFFFFFC0, v5  }
0x32b: {  	v4 =	vor.u32 v4, v5  }
0x32c: {  	v5 =	vperm.xlane v4, v1;
	_ =	sdelay $0x1  }
0x32d: {  	v5 =	vadd.s32 v2, v5;
	_ =	sdelay $0x4  }
0x32e: {  	[tilespmem:s22], [sflag:$0x1] =	stream.indirect_vreg.gather [hbm4b:s1+s3], $0x80, v5, vm0, $0xb8;
	[tilespmem:$0x1F380] =	vst v63  }
0x32f: {  	s7 =	simm.s32 $0xB80;
	v4 =	vperm.xlane v4, v3  }
0x330: {  	[tilespmem:s7], [sflag:$0x1] =	stream.indirect_vreg.gather [hbm4b:s31+s3], $0x80, v5, vm0, $0xb8;
	[tilespmem:$0x1F380] =	vst v63  }
0x331: {  	v4 =	vadd.s32 v2, v4;
	s7 =	simm.s32 $0x1380  }
0x332: {  	[tilespmem:s7], [sflag:$0x1] =	stream.indirect_vreg.gather [hbm4b:s2+s3], $0x80, v5, vm0, $0xb8;
	[tilespmem:$0x1F380] =	vst v63  }
0x333: {  	s7 =	simm.s32 $0x1B80  }
0x334: {  	[tilespmem:s7], [sflag:$0x1] =	stream.indirect_vreg.gather [hbm4b:s0+s3], $0x80, v5, vm0, $0xb8;
	[tilespmem:$0x1F380] =	vst v63  }
0x335: {  	s7 =	simm.s32 $0x2380  }
0x336: {  	[tilespmem:s7], [sflag:$0x1] =	stream.indirect_vreg.gather [hbm4b:s1+s3], $0x80, v4, vm0, $0xb8;
	[tilespmem:$0x1F380] =	vst v63  }
0x337: {  	s10 =	simm.s32 $0x2B80  }
0x338: {  	[tilespmem:s10], [sflag:$0x1] =	stream.indirect_vreg.gather [hbm4b:s31+s3], $0x80, v4, vm0, $0xb8;
	[tilespmem:$0x1F380] =	vst v63  }
0x339: {  	s7 =	simm.s32 $0x3380  }
0x33a: {  	[tilespmem:s7], [sflag:$0x1] =	stream.indirect_vreg.gather [hbm4b:s2+s3], $0x80, v4, vm0, $0xb8;
	[tilespmem:$0x1F380] =	vst v63  }
0x33b: {  	s7 =	simm.s32 $0x3B80  }
0x33c: {  	[tilespmem:s7], [sflag:$0x1] =	stream.indirect_vreg.gather [hbm4b:s0+s3], $0x80, v4, vm0, $0xb8;
	[tilespmem:$0x1F380] =	vst v63  }
0x33d: {  	v4 =	vld [tilespmem:$0x1F0];
	_ =	sdelay $0x4  }
0x33e: {  	v5 =	vshll.u32 v4, $0x3  }
0x33f: {  	v4 =	vand.u32 $0x7, v4;
	v5 =	vand.u32 $0xFFFFFFC0, v5  }
0x340: {  	v4 =	vor.u32 v4, v5  }
0x341: {  	v5 =	vperm.xlane v4, v1;
	_ =	sdelay $0x1  }
0x342: {  	v5 =	vadd.s32 v2, v5;
	_ =	sdelay $0x3  }
0x343: {  	s7 =	simm.s32 $0x4380  }
0x344: {  	[tilespmem:s7], [sflag:$0x1] =	stream.indirect_vreg.gather [hbm4b:s1+s3], $0x80, v5, vm0, $0xb8;
	[tilespmem:$0x1F380] =	vst v63  }
0x345: {  	v4 =	vperm.xlane v4, v3;
	s7 =	simm.s32 $0x4B80  }
0x346: {  	[tilespmem:s7], [sflag:$0x1] =	stream.indirect_vreg.gather [hbm4b:s31+s3], $0x80, v5, vm0, $0xb8;
	[tilespmem:$0x1F380] =	vst v63  }
0x347: {  	s6 =	simm.s32 $0x5380;
	v4 =	vadd.s32 v2, v4  }
0x348: {  	[tilespmem:s6], [sflag:$0x1] =	stream.indirect_vreg.gather [hbm4b:s2+s3], $0x80, v5, vm0, $0xb8;
	[tilespmem:$0x1F380] =	vst v63  }
0x349: {  	s13 =	simm.s32 $0x5B80  }
0x34a: {  	[tilespmem:s13], [sflag:$0x1] =	stream.indirect_vreg.gather [hbm4b:s0+s3], $0x80, v5, vm0, $0xb8;
	[tilespmem:$0x1F380] =	vst v63  }
0x34b: {  	s14 =	simm.s32 $0x6380  }
0x34c: {  	[tilespmem:s14], [sflag:$0x1] =	stream.indirect_vreg.gather [hbm4b:s1+s3], $0x80, v4, vm0, $0xb8;
	[tilespmem:$0x1F380] =	vst v63  }
0x34d: {  	s14 =	simm.s32 $0x6B80  }
0x34e: {  	[tilespmem:s14], [sflag:$0x1] =	stream.indirect_vreg.gather [hbm4b:s31+s3], $0x80, v4, vm0, $0xb8;
	[tilespmem:$0x1F380] =	vst v63  }
0x34f: {  	s9 =	simm.s32 $0x7380  }
0x350: {  	[tilespmem:s9], [sflag:$0x1] =	stream.indirect_vreg.gather [hbm4b:s2+s3], $0x80, v4, vm0, $0xb8;
	[tilespmem:$0x1F380] =	vst v63  }
0x351: {  	s7 =	simm.s32 $0x7B80  }
0x352: {  	[tilespmem:s7], [sflag:$0x1] =	stream.indirect_vreg.gather [hbm4b:s0+s3], $0x80, v4, vm0, $0xb8;
	[tilespmem:$0x1F380] =	vst v63  }
0x353: {  	v4 =	vld.msk [tilespmem:$0x200], $0xff;
	_ =	sdelay $0x4  }
0x354: {  	v5 =	vshll.u32 v4, $0x3  }
0x355: {  	v4 =	vand.u32 $0x7, v4;
	v5 =	vand.u32 $0xFFFFFFC0, v5  }
0x356: {  	v4 =	vor.u32 v4, v5  }
0x357: {  	v4 =	vperm.xlane v4, v1;
	_ =	sdelay $0x1  }
0x358: {  	v4 =	vadd.s32 v2, v4;
	_ =	sdelay $0x3  }
0x359: {  	s11 =	simm.s32 $0x8380  }
0x35a: {  	[tilespmem:s11], [sflag:$0x1] =	stream.indirect_vreg.gather [hbm4b:s1+s3], $0x80, v4, vm0, $0xb8;
	[tilespmem:$0x1F380] =	vst v63  }
0x35b: {  	s12 =	simm.s32 $0x8B80  }
0x35c: {  	[tilespmem:s12], [sflag:$0x1] =	stream.indirect_vreg.gather [hbm4b:s31+s3], $0x80, v4, vm0, $0xb8;
	[tilespmem:$0x1F380] =	vst v63  }
0x35d: {  	s8 =	simm.s32 $0x9380  }
0x35e: {  	[tilespmem:s8], [sflag:$0x1] =	stream.indirect_vreg.gather [hbm4b:s2+s3], $0x80, v4, vm0, $0xb8;
	[tilespmem:$0x1F380] =	vst v63  }
0x35f: {  	s8 =	simm.s32 $0x9B80  }
0x360: {  	[tilespmem:s8], [sflag:$0x1] =	stream.indirect_vreg.gather [hbm4b:s0+s3], $0x80, v4, vm0, $0xb8;
	[tilespmem:$0x1F380] =	vst v63  }
0x361: {  	_ =	swait.ge [sflag:s25], $0xA000  }
0x362: {  	[sflag:s25] =	ssyncset.done $0x0  }
0x363: {  	s9 =	rddreg [dreg:$0x19];
	[sflag:s25] =	ssyncadd.s32 $0xFFFF6000  }
0x364: {  	[hbm4b:s9+s3] =	stream.linear.scatter [tilespmem:s20], [sflag:$0x5], $0xA000, $0x38;
	[tilespmem:$0x1F380] =	vst v63  }
0x365: {  	_ =	swait.ge [sflag:s26], $0xA000  }
0x366: {  	[sflag:s26] =	ssyncset.done $0x0  }
0x367: {  	[sflag:s26] =	ssyncadd.s32 $0xFFFF6000  }
0x368: {  	v4 =	vld [tilespmem:$0x208];
	_ =	sdelay $0x4  }
0x369: {  	v5 =	vshll.u32 v4, $0x3  }
0x36a: {  	v4 =	vand.u32 $0x7, v4;
	v5 =	vand.u32 $0xFFFFFFC0, v5  }
0x36b: {  	v4 =	vor.u32 v4, v5  }
0x36c: {  	v5 =	vperm.xlane v4, v1;
	_ =	sdelay $0x1  }
0x36d: {  	v5 =	vadd.s32 v2, v5;
	_ =	sdelay $0x4  }
0x36e: {  	[tilespmem:s20], [sflag:$0x2] =	stream.indirect_vreg.gather [hbm4b:s1+s3], $0x80, v5, vm0, $0xb8;
	[tilespmem:$0x1F380] =	vst v63  }
0x36f: {  	s11 =	simm.s32 $0xAB80;
	v4 =	vperm.xlane v4, v3  }
0x370: {  	[tilespmem:s11], [sflag:$0x2] =	stream.indirect_vreg.gather [hbm4b:s31+s3], $0x80, v5, vm0, $0xb8;
	[tilespmem:$0x1F380] =	vst v63  }
0x371: {  	s12 =	simm.s32 $0xB380;
	v4 =	vadd.s32 v2, v4  }
0x372: {  	[tilespmem:s12], [sflag:$0x2] =	stream.indirect_vreg.gather [hbm4b:s2+s3], $0x80, v5, vm0, $0xb8;
	[tilespmem:$0x1F380] =	vst v63  }
0x373: {  	s14 =	simm.s32 $0xBB80  }
0x374: {  	[tilespmem:s14], [sflag:$0x2] =	stream.indirect_vreg.gather [hbm4b:s0+s3], $0x80, v5, vm0, $0xb8;
	[tilespmem:$0x1F380] =	vst v63  }
0x375: {  	s7 =	simm.s32 $0xC380  }
0x376: {  	[tilespmem:s7], [sflag:$0x2] =	stream.indirect_vreg.gather [hbm4b:s1+s3], $0x80, v4, vm0, $0xb8;
	[tilespmem:$0x1F380] =	vst v63  }
0x377: {  	s8 =	simm.s32 $0xCB80  }
0x378: {  	[tilespmem:s8], [sflag:$0x2] =	stream.indirect_vreg.gather [hbm4b:s31+s3], $0x80, v4, vm0, $0xb8;
	[tilespmem:$0x1F380] =	vst v63  }
0x379: {  	s9 =	simm.s32 $0xD380  }
0x37a: {  	[tilespmem:s9], [sflag:$0x2] =	stream.indirect_vreg.gather [hbm4b:s2+s3], $0x80, v4, vm0, $0xb8;
	[tilespmem:$0x1F380] =	vst v63  }
0x37b: {  	s11 =	simm.s32 $0xDB80  }
0x37c: {  	[tilespmem:s11], [sflag:$0x2] =	stream.indirect_vreg.gather [hbm4b:s0+s3], $0x80, v4, vm0, $0xb8;
	[tilespmem:$0x1F380] =	vst v63  }
0x37d: {  	v4 =	vld [tilespmem:$0x218];
	_ =	sdelay $0x4  }
0x37e: {  	v5 =	vshll.u32 v4, $0x3  }
0x37f: {  	v4 =	vand.u32 $0x7, v4;
	v5 =	vand.u32 $0xFFFFFFC0, v5  }
0x380: {  	v4 =	vor.u32 v4, v5  }
0x381: {  	v5 =	vperm.xlane v4, v1;
	_ =	sdelay $0x1  }
0x382: {  	v5 =	vadd.s32 v2, v5;
	_ =	sdelay $0x3  }
0x383: {  	s12 =	simm.s32 $0xE380  }
0x384: {  	[tilespmem:s12], [sflag:$0x2] =	stream.indirect_vreg.gather [hbm4b:s1+s3], $0x80, v5, vm0, $0xb8;
	[tilespmem:$0x1F380] =	vst v63  }
0x385: {  	s14 =	simm.s32 $0xEB80;
	v4 =	vperm.xlane v4, v3  }
0x386: {  	[tilespmem:s14], [sflag:$0x2] =	stream.indirect_vreg.gather [hbm4b:s31+s3], $0x80, v5, vm0, $0xb8;
	[tilespmem:$0x1F380] =	vst v63  }
0x387: {  	s7 =	simm.s32 $0xF380;
	v4 =	vadd.s32 v2, v4  }
0x388: {  	[tilespmem:s7], [sflag:$0x2] =	stream.indirect_vreg.gather [hbm4b:s2+s3], $0x80, v5, vm0, $0xb8;
	[tilespmem:$0x1F380] =	vst v63  }
0x389: {  	s8 =	simm.s32 $0xFB80  }
0x38a: {  	[tilespmem:s8], [sflag:$0x2] =	stream.indirect_vreg.gather [hbm4b:s0+s3], $0x80, v5, vm0, $0xb8;
	[tilespmem:$0x1F380] =	vst v63  }
0x38b: {  	s9 =	simm.s32 $0x10380  }
0x38c: {  	[tilespmem:s9], [sflag:$0x2] =	stream.indirect_vreg.gather [hbm4b:s1+s3], $0x80, v4, vm0, $0xb8;
	[tilespmem:$0x1F380] =	vst v63  }
0x38d: {  	s11 =	simm.s32 $0x10B80  }
0x38e: {  	[tilespmem:s11], [sflag:$0x2] =	stream.indirect_vreg.gather [hbm4b:s31+s3], $0x80, v4, vm0, $0xb8;
	[tilespmem:$0x1F380] =	vst v63  }
0x38f: {  	s12 =	simm.s32 $0x11380  }
0x390: {  	[tilespmem:s12], [sflag:$0x2] =	stream.indirect_vreg.gather [hbm4b:s2+s3], $0x80, v4, vm0, $0xb8;
	[tilespmem:$0x1F380] =	vst v63  }
0x391: {  	s14 =	simm.s32 $0x11B80  }
0x392: {  	[tilespmem:s14], [sflag:$0x2] =	stream.indirect_vreg.gather [hbm4b:s0+s3], $0x80, v4, vm0, $0xb8;
	[tilespmem:$0x1F380] =	vst v63  }
0x393: {  	v4 =	vld.msk [tilespmem:$0x228], $0xff;
	_ =	sdelay $0x4  }
0x394: {  	v5 =	vshll.u32 v4, $0x3  }
0x395: {  	v4 =	vand.u32 $0x7, v4;
	v5 =	vand.u32 $0xFFFFFFC0, v5  }
0x396: {  	v4 =	vor.u32 v4, v5  }
0x397: {  	v4 =	vperm.xlane v4, v1;
	_ =	sdelay $0x1  }
0x398: {  	v4 =	vadd.s32 v2, v4;
	_ =	sdelay $0x3  }
0x399: {  	s7 =	simm.s32 $0x12380  }
0x39a: {  	[tilespmem:s7], [sflag:$0x2] =	stream.indirect_vreg.gather [hbm4b:s1+s3], $0x80, v4, vm0, $0xb8;
	[tilespmem:$0x1F380] =	vst v63  }
0x39b: {  	s8 =	simm.s32 $0x12B80  }
0x39c: {  	[tilespmem:s8], [sflag:$0x2] =	stream.indirect_vreg.gather [hbm4b:s31+s3], $0x80, v4, vm0, $0xb8;
	[tilespmem:$0x1F380] =	vst v63  }
0x39d: {  	s9 =	simm.s32 $0x13380  }
0x39e: {  	[tilespmem:s9], [sflag:$0x2] =	stream.indirect_vreg.gather [hbm4b:s2+s3], $0x80, v4, vm0, $0xb8;
	[tilespmem:$0x1F380] =	vst v63  }
0x39f: {  	s11 =	simm.s32 $0x13B80  }
0x3a0: {  	[tilespmem:s11], [sflag:$0x2] =	stream.indirect_vreg.gather [hbm4b:s0+s3], $0x80, v4, vm0, $0xb8;
	[tilespmem:$0x1F380] =	vst v63  }
0x3a1: {  	_ =	swait.ge [sflag:s28], $0xA000  }
0x3a2: {  	[sflag:s28] =	ssyncset.done $0x0  }
0x3a3: {  	s12 =	rddreg [dreg:$0x1a];
	[sflag:s28] =	ssyncadd.s32 $0xFFFF6000  }
0x3a4: {  	[hbm4b:s12+s3] =	stream.linear.scatter [tilespmem:s21], [sflag:$0x6], $0xA000, $0x38;
	[tilespmem:$0x1F380] =	vst v63  }
0x3a5: {  	_ =	swait.ge [sflag:s4], $0xA000  }
0x3a6: {  	[sflag:s4] =	ssyncset.done $0x0  }
0x3a7: {  	[sflag:s4] =	ssyncadd.s32 $0xFFFF6000  }
0x3a8: {  	v4 =	vld [tilespmem:$0x230];
	_ =	sdelay $0x4  }
0x3a9: {  	v5 =	vshll.u32 v4, $0x3  }
0x3aa: {  	v4 =	vand.u32 $0x7, v4;
	v5 =	vand.u32 $0xFFFFFFC0, v5  }
0x3ab: {  	v4 =	vor.u32 v4, v5  }
0x3ac: {  	v5 =	vperm.xlane v4, v1;
	_ =	sdelay $0x1  }
0x3ad: {  	v5 =	vadd.s32 v2, v5;
	_ =	sdelay $0x4  }
0x3ae: {  	[tilespmem:s21], [sflag:$0x3] =	stream.indirect_vreg.gather [hbm4b:s1+s3], $0x80, v5, vm0, $0xb8;
	[tilespmem:$0x1F380] =	vst v63  }
0x3af: {  	s14 =	simm.s32 $0x14B80;
	v4 =	vperm.xlane v4, v3  }
0x3b0: {  	[tilespmem:s14], [sflag:$0x3] =	stream.indirect_vreg.gather [hbm4b:s31+s3], $0x80, v5, vm0, $0xb8;
	[tilespmem:$0x1F380] =	vst v63  }
0x3b1: {  	s15 =	simm.s32 $0x15380;
	v4 =	vadd.s32 v2, v4  }
0x3b2: {  	[tilespmem:s15], [sflag:$0x3] =	stream.indirect_vreg.gather [hbm4b:s2+s3], $0x80, v5, vm0, $0xb8;
	[tilespmem:$0x1F380] =	vst v63  }
0x3b3: {  	s16 =	simm.s32 $0x15B80  }
0x3b4: {  	[tilespmem:s16], [sflag:$0x3] =	stream.indirect_vreg.gather [hbm4b:s0+s3], $0x80, v5, vm0, $0xb8;
	[tilespmem:$0x1F380] =	vst v63  }
0x3b5: {  	s17 =	simm.s32 $0x16380  }
0x3b6: {  	[tilespmem:s17], [sflag:$0x3] =	stream.indirect_vreg.gather [hbm4b:s1+s3], $0x80, v4, vm0, $0xb8;
	[tilespmem:$0x1F380] =	vst v63  }
0x3b7: {  	s18 =	simm.s32 $0x16B80  }
0x3b8: {  	[tilespmem:s18], [sflag:$0x3] =	stream.indirect_vreg.gather [hbm4b:s31+s3], $0x80, v4, vm0, $0xb8;
	[tilespmem:$0x1F380] =	vst v63  }
0x3b9: {  	s19 =	simm.s32 $0x17380  }
0x3ba: {  	[tilespmem:s19], [sflag:$0x3] =	stream.indirect_vreg.gather [hbm4b:s2+s3], $0x80, v4, vm0, $0xb8;
	[tilespmem:$0x1F380] =	vst v63  }
0x3bb: {  	s17 =	simm.s32 $0x17B80  }
0x3bc: {  	[tilespmem:s17], [sflag:$0x3] =	stream.indirect_vreg.gather [hbm4b:s0+s3], $0x80, v4, vm0, $0xb8;
	[tilespmem:$0x1F380] =	vst v63  }
0x3bd: {  	v4 =	vld [tilespmem:$0x240];
	_ =	sdelay $0x4  }
0x3be: {  	v5 =	vshll.u32 v4, $0x3  }
0x3bf: {  	v4 =	vand.u32 $0x7, v4;
	v5 =	vand.u32 $0xFFFFFFC0, v5  }
0x3c0: {  	v4 =	vor.u32 v4, v5  }
0x3c1: {  	v5 =	vperm.xlane v4, v1;
	_ =	sdelay $0x1  }
0x3c2: {  	v5 =	vadd.s32 v2, v5;
	_ =	sdelay $0x3  }
0x3c3: {  	s18 =	simm.s32 $0x18380  }
0x3c4: {  	[tilespmem:s18], [sflag:$0x3] =	stream.indirect_vreg.gather [hbm4b:s1+s3], $0x80, v5, vm0, $0xb8;
	[tilespmem:$0x1F380] =	vst v63  }
0x3c5: {  	s19 =	simm.s32 $0x18B80;
	v4 =	vperm.xlane v4, v3  }
0x3c6: {  	[tilespmem:s19], [sflag:$0x3] =	stream.indirect_vreg.gather [hbm4b:s31+s3], $0x80, v5, vm0, $0xb8;
	[tilespmem:$0x1F380] =	vst v63  }
0x3c7: {  	s23 =	simm.s32 $0x19380;
	v4 =	vadd.s32 v2, v4  }
0x3c8: {  	[tilespmem:s23], [sflag:$0x3] =	stream.indirect_vreg.gather [hbm4b:s2+s3], $0x80, v5, vm0, $0xb8;
	[tilespmem:$0x1F380] =	vst v63  }
0x3c9: {  	s29 =	simm.s32 $0x19B80  }
0x3ca: {  	[tilespmem:s29], [sflag:$0x3] =	stream.indirect_vreg.gather [hbm4b:s0+s3], $0x80, v5, vm0, $0xb8;
	[tilespmem:$0x1F380] =	vst v63  }
0x3cb: {  	s29 =	simm.s32 $0x1A380  }
0x3cc: {  	[tilespmem:s29], [sflag:$0x3] =	stream.indirect_vreg.gather [hbm4b:s1+s3], $0x80, v4, vm0, $0xb8;
	[tilespmem:$0x1F380] =	vst v63  }
0x3cd: {  	s7 =	simm.s32 $0x1AB80  }
0x3ce: {  	[tilespmem:s7], [sflag:$0x3] =	stream.indirect_vreg.gather [hbm4b:s31+s3], $0x80, v4, vm0, $0xb8;
	[tilespmem:$0x1F380] =	vst v63  }
0x3cf: {  	s8 =	simm.s32 $0x1B380  }
0x3d0: {  	[tilespmem:s8], [sflag:$0x3] =	stream.indirect_vreg.gather [hbm4b:s2+s3], $0x80, v4, vm0, $0xb8;
	[tilespmem:$0x1F380] =	vst v63  }
0x3d1: {  	s9 =	simm.s32 $0x1BB80  }
0x3d2: {  	[tilespmem:s9], [sflag:$0x3] =	stream.indirect_vreg.gather [hbm4b:s0+s3], $0x80, v4, vm0, $0xb8;
	[tilespmem:$0x1F380] =	vst v63  }
0x3d3: {  	v4 =	vld.msk [tilespmem:$0x250], $0xff;
	_ =	sdelay $0x4  }
0x3d4: {  	v5 =	vshll.u32 v4, $0x3  }
0x3d5: {  	v4 =	vand.u32 $0x7, v4;
	v5 =	vand.u32 $0xFFFFFFC0, v5  }
0x3d6: {  	v4 =	vor.u32 v4, v5  }
0x3d7: {  	v4 =	vperm.xlane v4, v1;
	_ =	sdelay $0x1  }
0x3d8: {  	v4 =	vadd.s32 v2, v4;
	_ =	sdelay $0x3  }
0x3d9: {  	s11 =	simm.s32 $0x1C380  }
0x3da: {  	[tilespmem:s11], [sflag:$0x3] =	stream.indirect_vreg.gather [hbm4b:s1+s3], $0x80, v4, vm0, $0xb8;
	[tilespmem:$0x1F380] =	vst v63  }
0x3db: {  	s12 =	simm.s32 $0x1CB80  }
0x3dc: {  	[tilespmem:s12], [sflag:$0x3] =	stream.indirect_vreg.gather [hbm4b:s31+s3], $0x80, v4, vm0, $0xb8;
	[tilespmem:$0x1F380] =	vst v63  }
0x3dd: {  	s14 =	simm.s32 $0x1D380  }
0x3de: {  	[tilespmem:s14], [sflag:$0x3] =	stream.indirect_vreg.gather [hbm4b:s2+s3], $0x80, v4, vm0, $0xb8;
	[tilespmem:$0x1F380] =	vst v63  }
0x3df: {  	s15 =	simm.s32 $0x1DB80  }
0x3e0: {  	[tilespmem:s15], [sflag:$0x3] =	stream.indirect_vreg.gather [hbm4b:s0+s3], $0x80, v4, vm0, $0xb8;
	[tilespmem:$0x1F380] =	vst v63  }
0x3e1: {  	_ =	swait.ge [sflag:s30], $0xA000  }
0x3e2: {  	[sflag:s30] =	ssyncset.done $0x0  }
0x3e3: {  	s16 =	rddreg [dreg:$0x1b];
	[sflag:s30] =	ssyncadd.s32 $0xFFFF6000  }
0x3e4: {  	[hbm4b:s16+s3] =	stream.linear.scatter [tilespmem:s22], [sflag:$0x4], $0xA000, $0x38;
	[tilespmem:$0x1F380] =	vst v63  }
0x3e5: {  	_ =	swait.ge [sflag:s24], $0xA000  }
0x3e6: {  	[sflag:s24] =	ssyncset.done $0x0  }
0x3e7: {  	[sflag:s24] =	ssyncadd.s32 $0xFFFF6000  }
0x3e8: {  	v4 =	vld [tilespmem:$0x258];
	_ =	sdelay $0x4  }
0x3e9: {  	v5 =	vshll.u32 v4, $0x3  }
0x3ea: {  	v4 =	vand.u32 $0x7, v4;
	v5 =	vand.u32 $0xFFFFFFC0, v5  }
0x3eb: {  	v4 =	vor.u32 v4, v5  }
0x3ec: {  	v5 =	vperm.xlane v4, v1;
	_ =	sdelay $0x1  }
0x3ed: {  	v5 =	vadd.s32 v2, v5;
	_ =	sdelay $0x4  }
0x3ee: {  	[tilespmem:s22], [sflag:$0x1] =	stream.indirect_vreg.gather [hbm4b:s1+s3], $0x80, v5, vm0, $0xb8;
	[tilespmem:$0x1F380] =	vst v63  }
0x3ef: {  	s17 =	simm.s32 $0xB80;
	v4 =	vperm.xlane v4, v3  }
0x3f0: {  	[tilespmem:s17], [sflag:$0x1] =	stream.indirect_vreg.gather [hbm4b:s31+s3], $0x80, v5, vm0, $0xb8;
	[tilespmem:$0x1F380] =	vst v63  }
0x3f1: {  	s18 =	simm.s32 $0x1380;
	v4 =	vadd.s32 v2, v4  }
0x3f2: {  	[tilespmem:s18], [sflag:$0x1] =	stream.indirect_vreg.gather [hbm4b:s2+s3], $0x80, v5, vm0, $0xb8;
	[tilespmem:$0x1F380] =	vst v63  }
0x3f3: {  	s19 =	simm.s32 $0x1B80  }
0x3f4: {  	[tilespmem:s19], [sflag:$0x1] =	stream.indirect_vreg.gather [hbm4b:s0+s3], $0x80, v5, vm0, $0xb8;
	[tilespmem:$0x1F380] =	vst v63  }
0x3f5: {  	s23 =	simm.s32 $0x2380  }
0x3f6: {  	[tilespmem:s23], [sflag:$0x1] =	stream.indirect_vreg.gather [hbm4b:s1+s3], $0x80, v4, vm0, $0xb8;
	[tilespmem:$0x1F380] =	vst v63  }
0x3f7: {  	s10 =	simm.s32 $0x2B80  }
0x3f8: {  	[tilespmem:s10], [sflag:$0x1] =	stream.indirect_vreg.gather [hbm4b:s31+s3], $0x80, v4, vm0, $0xb8;
	[tilespmem:$0x1F380] =	vst v63  }
0x3f9: {  	s29 =	simm.s32 $0x3380  }
0x3fa: {  	[tilespmem:s29], [sflag:$0x1] =	stream.indirect_vreg.gather [hbm4b:s2+s3], $0x80, v4, vm0, $0xb8;
	[tilespmem:$0x1F380] =	vst v63  }
0x3fb: {  	s9 =	simm.s32 $0x3B80  }
0x3fc: {  	[tilespmem:s9], [sflag:$0x1] =	stream.indirect_vreg.gather [hbm4b:s0+s3], $0x80, v4, vm0, $0xb8;
	[tilespmem:$0x1F380] =	vst v63  }
0x3fd: {  	v4 =	vld [tilespmem:$0x268];
	_ =	sdelay $0x4  }
0x3fe: {  	v5 =	vshll.u32 v4, $0x3  }
0x3ff: {  	v4 =	vand.u32 $0x7, v4;
	v5 =	vand.u32 $0xFFFFFFC0, v5  }
0x400: {  	v4 =	vor.u32 v4, v5  }
0x401: {  	v5 =	vperm.xlane v4, v1;
	_ =	sdelay $0x1  }
0x402: {  	v5 =	vadd.s32 v2, v5;
	_ =	sdelay $0x3  }
0x403: {  	s10 =	simm.s32 $0x4380  }
0x404: {  	[tilespmem:s10], [sflag:$0x1] =	stream.indirect_vreg.gather [hbm4b:s1+s3], $0x80, v5, vm0, $0xb8;
	[tilespmem:$0x1F380] =	vst v63  }
0x405: {  	s15 =	simm.s32 $0x4B80;
	v4 =	vperm.xlane v4, v3  }
0x406: {  	[tilespmem:s15], [sflag:$0x1] =	stream.indirect_vreg.gather [hbm4b:s31+s3], $0x80, v5, vm0, $0xb8;
	[tilespmem:$0x1F380] =	vst v63  }
0x407: {  	s16 =	simm.s32 $0x5380;
	v4 =	vadd.s32 v2, v4  }
0x408: {  	[tilespmem:s16], [sflag:$0x1] =	stream.indirect_vreg.gather [hbm4b:s2+s3], $0x80, v5, vm0, $0xb8;
	[tilespmem:$0x1F380] =	vst v63  }
0x409: {  	s17 =	simm.s32 $0x5B80  }
0x40a: {  	[tilespmem:s17], [sflag:$0x1] =	stream.indirect_vreg.gather [hbm4b:s0+s3], $0x80, v5, vm0, $0xb8;
	[tilespmem:$0x1F380] =	vst v63  }
0x40b: {  	s13 =	simm.s32 $0x6380  }
0x40c: {  	[tilespmem:s13], [sflag:$0x1] =	stream.indirect_vreg.gather [hbm4b:s1+s3], $0x80, v4, vm0, $0xb8;
	[tilespmem:$0x1F380] =	vst v63  }
0x40d: {  	s18 =	simm.s32 $0x6B80  }
0x40e: {  	[tilespmem:s18], [sflag:$0x1] =	stream.indirect_vreg.gather [hbm4b:s31+s3], $0x80, v4, vm0, $0xb8;
	[tilespmem:$0x1F380] =	vst v63  }
0x40f: {  	s19 =	simm.s32 $0x7380  }
0x410: {  	[tilespmem:s19], [sflag:$0x1] =	stream.indirect_vreg.gather [hbm4b:s2+s3], $0x80, v4, vm0, $0xb8;
	[tilespmem:$0x1F380] =	vst v63  }
0x411: {  	s23 =	simm.s32 $0x7B80  }
0x412: {  	[tilespmem:s23], [sflag:$0x1] =	stream.indirect_vreg.gather [hbm4b:s0+s3], $0x80, v4, vm0, $0xb8;
	[tilespmem:$0x1F380] =	vst v63  }
0x413: {  	v4 =	vld.msk [tilespmem:$0x278], $0xff;
	_ =	sdelay $0x4  }
0x414: {  	v5 =	vshll.u32 v4, $0x3  }
0x415: {  	v4 =	vand.u32 $0x7, v4;
	v5 =	vand.u32 $0xFFFFFFC0, v5  }
0x416: {  	v4 =	vor.u32 v4, v5  }
0x417: {  	v4 =	vperm.xlane v4, v1;
	_ =	sdelay $0x1  }
0x418: {  	v4 =	vadd.s32 v2, v4;
	_ =	sdelay $0x3  }
0x419: {  	s29 =	simm.s32 $0x8380  }
0x41a: {  	[tilespmem:s29], [sflag:$0x1] =	stream.indirect_vreg.gather [hbm4b:s1+s3], $0x80, v4, vm0, $0xb8;
	[tilespmem:$0x1F380] =	vst v63  }
0x41b: {  	s13 =	simm.s32 $0x8B80  }
0x41c: {  	[tilespmem:s13], [sflag:$0x1] =	stream.indirect_vreg.gather [hbm4b:s31+s3], $0x80, v4, vm0, $0xb8;
	[tilespmem:$0x1F380] =	vst v63  }
0x41d: {  	s19 =	simm.s32 $0x9380  }
0x41e: {  	[tilespmem:s19], [sflag:$0x1] =	stream.indirect_vreg.gather [hbm4b:s2+s3], $0x80, v4, vm0, $0xb8;
	[tilespmem:$0x1F380] =	vst v63  }
0x41f: {  	s23 =	simm.s32 $0x9B80  }
0x420: {  	[tilespmem:s23], [sflag:$0x1] =	stream.indirect_vreg.gather [hbm4b:s0+s3], $0x80, v4, vm0, $0xb8;
	[tilespmem:$0x1F380] =	vst v63  }
0x421: {  	_ =	swait.ge [sflag:s25], $0xA000  }
0x422: {  	[sflag:s25] =	ssyncset.done $0x0  }
0x423: {  	s29 =	rddreg [dreg:$0x1d];
	[sflag:s25] =	ssyncadd.s32 $0xFFFF6000  }
0x424: {  	[hbm4b:s29+s3] =	stream.linear.scatter [tilespmem:s20], [sflag:$0x5], $0xA000, $0x38;
	[tilespmem:$0x1F380] =	vst v63  }
0x425: {  	_ =	swait.ge [sflag:s26], $0xA000  }
0x426: {  	[sflag:s26] =	ssyncset.done $0x0  }
0x427: {  	[sflag:s26] =	ssyncadd.s32 $0xFFFF6000  }
0x428: {  	v4 =	vld [tilespmem:$0x280];
	_ =	sdelay $0x4  }
0x429: {  	v5 =	vshll.u32 v4, $0x3  }
0x42a: {  	v4 =	vand.u32 $0x7, v4;
	v5 =	vand.u32 $0xFFFFFFC0, v5  }
0x42b: {  	v4 =	vor.u32 v4, v5  }
0x42c: {  	v5 =	vperm.xlane v4, v1;
	_ =	sdelay $0x1  }
0x42d: {  	v5 =	vadd.s32 v2, v5;
	_ =	sdelay $0x4  }
0x42e: {  	[tilespmem:s20], [sflag:$0x2] =	stream.indirect_vreg.gather [hbm4b:s1+s3], $0x80, v5, vm0, $0xb8;
	[tilespmem:$0x1F380] =	vst v63  }
0x42f: {  	s19 =	simm.s32 $0xAB80;
	v4 =	vperm.xlane v4, v3  }
0x430: {  	[tilespmem:s19], [sflag:$0x2] =	stream.indirect_vreg.gather [hbm4b:s31+s3], $0x80, v5, vm0, $0xb8;
	[tilespmem:$0x1F380] =	vst v63  }
0x431: {  	s23 =	simm.s32 $0xB380;
	v4 =	vadd.s32 v2, v4  }
0x432: {  	[tilespmem:s23], [sflag:$0x2] =	stream.indirect_vreg.gather [hbm4b:s2+s3], $0x80, v5, vm0, $0xb8;
	[tilespmem:$0x1F380] =	vst v63  }
0x433: {  	s29 =	simm.s32 $0xBB80  }
0x434: {  	[tilespmem:s29], [sflag:$0x2] =	stream.indirect_vreg.gather [hbm4b:s0+s3], $0x80, v5, vm0, $0xb8;
	[tilespmem:$0x1F380] =	vst v63  }
0x435: {  	s19 =	simm.s32 $0xC380  }
0x436: {  	[tilespmem:s19], [sflag:$0x2] =	stream.indirect_vreg.gather [hbm4b:s1+s3], $0x80, v4, vm0, $0xb8;
	[tilespmem:$0x1F380] =	vst v63  }
0x437: {  	s23 =	simm.s32 $0xCB80  }
0x438: {  	[tilespmem:s23], [sflag:$0x2] =	stream.indirect_vreg.gather [hbm4b:s31+s3], $0x80, v4, vm0, $0xb8;
	[tilespmem:$0x1F380] =	vst v63  }
0x439: {  	s29 =	simm.s32 $0xD380  }
0x43a: {  	[tilespmem:s29], [sflag:$0x2] =	stream.indirect_vreg.gather [hbm4b:s2+s3], $0x80, v4, vm0, $0xb8;
	[tilespmem:$0x1F380] =	vst v63  }
0x43b: {  	s19 =	simm.s32 $0xDB80  }
0x43c: {  	[tilespmem:s19], [sflag:$0x2] =	stream.indirect_vreg.gather [hbm4b:s0+s3], $0x80, v4, vm0, $0xb8;
	[tilespmem:$0x1F380] =	vst v63  }
0x43d: {  	v4 =	vld [tilespmem:$0x290];
	_ =	sdelay $0x4  }
0x43e: {  	v5 =	vshll.u32 v4, $0x3  }
0x43f: {  	v4 =	vand.u32 $0x7, v4;
	v5 =	vand.u32 $0xFFFFFFC0, v5  }
0x440: {  	v4 =	vor.u32 v4, v5  }
0x441: {  	v5 =	vperm.xlane v4, v1;
	_ =	sdelay $0x1  }
0x442: {  	v5 =	vadd.s32 v2, v5;
	_ =	sdelay $0x3  }
0x443: {  	s23 =	simm.s32 $0xE380  }
0x444: {  	[tilespmem:s23], [sflag:$0x2] =	stream.indirect_vreg.gather [hbm4b:s1+s3], $0x80, v5, vm0, $0xb8;
	[tilespmem:$0x1F380] =	vst v63  }
0x445: {  	s29 =	simm.s32 $0xEB80;
	v4 =	vperm.xlane v4, v3  }
0x446: {  	[tilespmem:s29], [sflag:$0x2] =	stream.indirect_vreg.gather [hbm4b:s31+s3], $0x80, v5, vm0, $0xb8;
	[tilespmem:$0x1F380] =	vst v63  }
0x447: {  	s19 =	simm.s32 $0xF380;
	v4 =	vadd.s32 v2, v4  }
0x448: {  	[tilespmem:s19], [sflag:$0x2] =	stream.indirect_vreg.gather [hbm4b:s2+s3], $0x80, v5, vm0, $0xb8;
	[tilespmem:$0x1F380] =	vst v63  }
0x449: {  	s23 =	simm.s32 $0xFB80  }
0x44a: {  	[tilespmem:s23], [sflag:$0x2] =	stream.indirect_vreg.gather [hbm4b:s0+s3], $0x80, v5, vm0, $0xb8;
	[tilespmem:$0x1F380] =	vst v63  }
0x44b: {  	s29 =	simm.s32 $0x10380  }
0x44c: {  	[tilespmem:s29], [sflag:$0x2] =	stream.indirect_vreg.gather [hbm4b:s1+s3], $0x80, v4, vm0, $0xb8;
	[tilespmem:$0x1F380] =	vst v63  }
0x44d: {  	s19 =	simm.s32 $0x10B80  }
0x44e: {  	[tilespmem:s19], [sflag:$0x2] =	stream.indirect_vreg.gather [hbm4b:s31+s3], $0x80, v4, vm0, $0xb8;
	[tilespmem:$0x1F380] =	vst v63  }
0x44f: {  	s23 =	simm.s32 $0x11380  }
0x450: {  	[tilespmem:s23], [sflag:$0x2] =	stream.indirect_vreg.gather [hbm4b:s2+s3], $0x80, v4, vm0, $0xb8;
	[tilespmem:$0x1F380] =	vst v63  }
0x451: {  	s29 =	simm.s32 $0x11B80  }
0x452: {  	[tilespmem:s29], [sflag:$0x2] =	stream.indirect_vreg.gather [hbm4b:s0+s3], $0x80, v4, vm0, $0xb8;
	[tilespmem:$0x1F380] =	vst v63  }
0x453: {  	v4 =	vld.msk [tilespmem:$0x2A0], $0xff;
	_ =	sdelay $0x4  }
0x454: {  	v5 =	vshll.u32 v4, $0x3  }
0x455: {  	v4 =	vand.u32 $0x7, v4;
	v5 =	vand.u32 $0xFFFFFFC0, v5  }
0x456: {  	v4 =	vor.u32 v4, v5  }
0x457: {  	v4 =	vperm.xlane v4, v1;
	_ =	sdelay $0x1  }
0x458: {  	v4 =	vadd.s32 v2, v4;
	_ =	sdelay $0x3  }
0x459: {  	s19 =	simm.s32 $0x12380  }
0x45a: {  	[tilespmem:s19], [sflag:$0x2] =	stream.indirect_vreg.gather [hbm4b:s1+s3], $0x80, v4, vm0, $0xb8;
	[tilespmem:$0x1F380] =	vst v63  }
0x45b: {  	s23 =	simm.s32 $0x12B80  }
0x45c: {  	[tilespmem:s23], [sflag:$0x2] =	stream.indirect_vreg.gather [hbm4b:s31+s3], $0x80, v4, vm0, $0xb8;
	[tilespmem:$0x1F380] =	vst v63  }
0x45d: {  	s29 =	simm.s32 $0x13380  }
0x45e: {  	[tilespmem:s29], [sflag:$0x2] =	stream.indirect_vreg.gather [hbm4b:s2+s3], $0x80, v4, vm0, $0xb8;
	[tilespmem:$0x1F380] =	vst v63  }
0x45f: {  	s19 =	simm.s32 $0x13B80  }
0x460: {  	[tilespmem:s19], [sflag:$0x2] =	stream.indirect_vreg.gather [hbm4b:s0+s3], $0x80, v4, vm0, $0xb8;
	[tilespmem:$0x1F380] =	vst v63  }
0x461: {  	_ =	swait.ge [sflag:s28], $0xA000  }
0x462: {  	[sflag:s28] =	ssyncset.done $0x0  }
0x463: {  	s23 =	rddreg [dreg:$0x1e];
	[sflag:s28] =	ssyncadd.s32 $0xFFFF6000  }
0x464: {  	[hbm4b:s23+s3] =	stream.linear.scatter [tilespmem:s21], [sflag:$0x6], $0xA000, $0x38;
	[tilespmem:$0x1F380] =	vst v63  }
0x465: {  	_ =	swait.ge [sflag:s4], $0xA000  }
0x466: {  	[sflag:s4] =	ssyncset.done $0x0  }
0x467: {  	[sflag:s4] =	ssyncadd.s32 $0xFFFF6000  }
0x468: {  	v4 =	vld [tilespmem:$0x2A8];
	_ =	sdelay $0x4  }
0x469: {  	v5 =	vshll.u32 v4, $0x3  }
0x46a: {  	v4 =	vand.u32 $0x7, v4;
	v5 =	vand.u32 $0xFFFFFFC0, v5  }
0x46b: {  	v4 =	vor.u32 v4, v5  }
0x46c: {  	v5 =	vperm.xlane v4, v1;
	_ =	sdelay $0x1  }
0x46d: {  	v5 =	vadd.s32 v2, v5;
	_ =	sdelay $0x4  }
0x46e: {  	[tilespmem:s21], [sflag:$0x3] =	stream.indirect_vreg.gather [hbm4b:s1+s3], $0x80, v5, vm0, $0xb8;
	[tilespmem:$0x1F380] =	vst v63  }
0x46f: {  	s29 =	simm.s32 $0x14B80;
	v4 =	vperm.xlane v4, v3  }
0x470: {  	[tilespmem:s29], [sflag:$0x3] =	stream.indirect_vreg.gather [hbm4b:s31+s3], $0x80, v5, vm0, $0xb8;
	[tilespmem:$0x1F380] =	vst v63  }
0x471: {  	s19 =	simm.s32 $0x15380;
	v4 =	vadd.s32 v2, v4  }
0x472: {  	[tilespmem:s19], [sflag:$0x3] =	stream.indirect_vreg.gather [hbm4b:s2+s3], $0x80, v5, vm0, $0xb8;
	[tilespmem:$0x1F380] =	vst v63  }
0x473: {  	s23 =	simm.s32 $0x15B80  }
0x474: {  	[tilespmem:s23], [sflag:$0x3] =	stream.indirect_vreg.gather [hbm4b:s0+s3], $0x80, v5, vm0, $0xb8;
	[tilespmem:$0x1F380] =	vst v63  }
0x475: {  	s29 =	simm.s32 $0x16380  }
0x476: {  	[tilespmem:s29], [sflag:$0x3] =	stream.indirect_vreg.gather [hbm4b:s1+s3], $0x80, v4, vm0, $0xb8;
	[tilespmem:$0x1F380] =	vst v63  }
0x477: {  	s7 =	simm.s32 $0x16B80  }
0x478: {  	[tilespmem:s7], [sflag:$0x3] =	stream.indirect_vreg.gather [hbm4b:s31+s3], $0x80, v4, vm0, $0xb8;
	[tilespmem:$0x1F380] =	vst v63  }
0x479: {  	s7 =	simm.s32 $0x17380  }
0x47a: {  	[tilespmem:s7], [sflag:$0x3] =	stream.indirect_vreg.gather [hbm4b:s2+s3], $0x80, v4, vm0, $0xb8;
	[tilespmem:$0x1F380] =	vst v63  }
0x47b: {  	s7 =	simm.s32 $0x17B80  }
0x47c: {  	[tilespmem:s7], [sflag:$0x3] =	stream.indirect_vreg.gather [hbm4b:s0+s3], $0x80, v4, vm0, $0xb8;
	[tilespmem:$0x1F380] =	vst v63  }
0x47d: {  	v4 =	vld [tilespmem:$0x2B8];
	_ =	sdelay $0x4  }
0x47e: {  	v5 =	vshll.u32 v4, $0x3  }
0x47f: {  	v4 =	vand.u32 $0x7, v4;
	v5 =	vand.u32 $0xFFFFFFC0, v5  }
0x480: {  	v4 =	vor.u32 v4, v5  }
0x481: {  	v5 =	vperm.xlane v4, v1;
	_ =	sdelay $0x1  }
0x482: {  	v5 =	vadd.s32 v2, v5;
	_ =	sdelay $0x3  }
0x483: {  	s7 =	simm.s32 $0x18380  }
0x484: {  	[tilespmem:s7], [sflag:$0x3] =	stream.indirect_vreg.gather [hbm4b:s1+s3], $0x80, v5, vm0, $0xb8;
	[tilespmem:$0x1F380] =	vst v63  }
0x485: {  	v4 =	vperm.xlane v4, v3;
	s7 =	simm.s32 $0x18B80  }
0x486: {  	[tilespmem:s7], [sflag:$0x3] =	stream.indirect_vreg.gather [hbm4b:s31+s3], $0x80, v5, vm0, $0xb8;
	[tilespmem:$0x1F380] =	vst v63  }
0x487: {  	v4 =	vadd.s32 v2, v4;
	s7 =	simm.s32 $0x19380  }
0x488: {  	[tilespmem:s7], [sflag:$0x3] =	stream.indirect_vreg.gather [hbm4b:s2+s3], $0x80, v5, vm0, $0xb8;
	[tilespmem:$0x1F380] =	vst v63  }
0x489: {  	s7 =	simm.s32 $0x19B80  }
0x48a: {  	[tilespmem:s7], [sflag:$0x3] =	stream.indirect_vreg.gather [hbm4b:s0+s3], $0x80, v5, vm0, $0xb8;
	[tilespmem:$0x1F380] =	vst v63  }
0x48b: {  	s7 =	simm.s32 $0x1A380  }
0x48c: {  	[tilespmem:s7], [sflag:$0x3] =	stream.indirect_vreg.gather [hbm4b:s1+s3], $0x80, v4, vm0, $0xb8;
	[tilespmem:$0x1F380] =	vst v63  }
0x48d: {  	s7 =	simm.s32 $0x1AB80  }
0x48e: {  	[tilespmem:s7], [sflag:$0x3] =	stream.indirect_vreg.gather [hbm4b:s31+s3], $0x80, v4, vm0, $0xb8;
	[tilespmem:$0x1F380] =	vst v63  }
0x48f: {  	s7 =	simm.s32 $0x1B380  }
0x490: {  	[tilespmem:s7], [sflag:$0x3] =	stream.indirect_vreg.gather [hbm4b:s2+s3], $0x80, v4, vm0, $0xb8;
	[tilespmem:$0x1F380] =	vst v63  }
0x491: {  	s7 =	simm.s32 $0x1BB80  }
0x492: {  	[tilespmem:s7], [sflag:$0x3] =	stream.indirect_vreg.gather [hbm4b:s0+s3], $0x80, v4, vm0, $0xb8;
	[tilespmem:$0x1F380] =	vst v63  }
0x493: {  	v4 =	vld.msk [tilespmem:$0x2C8], $0xff;
	_ =	sdelay $0x4  }
0x494: {  	v5 =	vshll.u32 v4, $0x3  }
0x495: {  	v4 =	vand.u32 $0x7, v4;
	v5 =	vand.u32 $0xFFFFFFC0, v5  }
0x496: {  	v4 =	vor.u32 v4, v5  }
0x497: {  	v4 =	vperm.xlane v4, v1;
	_ =	sdelay $0x1  }
0x498: {  	v4 =	vadd.s32 v2, v4;
	_ =	sdelay $0x3  }
0x499: {  	s7 =	simm.s32 $0x1C380  }
0x49a: {  	[tilespmem:s7], [sflag:$0x3] =	stream.indirect_vreg.gather [hbm4b:s1+s3], $0x80, v4, vm0, $0xb8;
	[tilespmem:$0x1F380] =	vst v63  }
0x49b: {  	s7 =	simm.s32 $0x1CB80  }
0x49c: {  	[tilespmem:s7], [sflag:$0x3] =	stream.indirect_vreg.gather [hbm4b:s31+s3], $0x80, v4, vm0, $0xb8;
	[tilespmem:$0x1F380] =	vst v63  }
0x49d: {  	s7 =	simm.s32 $0x1D380  }
0x49e: {  	[tilespmem:s7], [sflag:$0x3] =	stream.indirect_vreg.gather [hbm4b:s2+s3], $0x80, v4, vm0, $0xb8;
	[tilespmem:$0x1F380] =	vst v63  }
0x49f: {  	s7 =	simm.s32 $0x1DB80  }
0x4a0: {  	[tilespmem:s7], [sflag:$0x3] =	stream.indirect_vreg.gather [hbm4b:s0+s3], $0x80, v4, vm0, $0xb8;
	[tilespmem:$0x1F380] =	vst v63  }
0x4a1: {  	_ =	swait.ge [sflag:s30], $0xA000  }
0x4a2: {  	[sflag:s30] =	ssyncset.done $0x0  }
0x4a3: {  	s7 =	rddreg [dreg:$0x5];
	[sflag:s30] =	ssyncadd.s32 $0xFFFF6000  }
0x4a4: {  	[hbm4b:s7+s3] =	stream.linear.scatter [tilespmem:s22], [sflag:$0x4], $0xA000, $0x38;
	[tilespmem:$0x1F380] =	vst v63  }
0x4a5: {  	_ =	swait.ge [sflag:s24], $0xA000  }
0x4a6: {  	[sflag:s24] =	ssyncset.done $0x0  }
0x4a7: {  	[sflag:s24] =	ssyncadd.s32 $0xFFFF6000  }
0x4a8: {  	v4 =	vld [tilespmem:$0x2D0];
	_ =	sdelay $0x4  }
0x4a9: {  	v5 =	vshll.u32 v4, $0x3  }
0x4aa: {  	v4 =	vand.u32 $0x7, v4;
	v5 =	vand.u32 $0xFFFFFFC0, v5  }
0x4ab: {  	v4 =	vor.u32 v4, v5  }
0x4ac: {  	v5 =	vperm.xlane v4, v1;
	_ =	sdelay $0x1  }
0x4ad: {  	v5 =	vadd.s32 v2, v5;
	_ =	sdelay $0x4  }
0x4ae: {  	[tilespmem:s22], [sflag:$0x1] =	stream.indirect_vreg.gather [hbm4b:s1+s3], $0x80, v5, vm0, $0xb8;
	[tilespmem:$0x1F380] =	vst v63  }
0x4af: {  	s7 =	simm.s32 $0xB80;
	v4 =	vperm.xlane v4, v3  }
0x4b0: {  	[tilespmem:s7], [sflag:$0x1] =	stream.indirect_vreg.gather [hbm4b:s31+s3], $0x80, v5, vm0, $0xb8;
	[tilespmem:$0x1F380] =	vst v63  }
0x4b1: {  	s8 =	simm.s32 $0x1380;
	v4 =	vadd.s32 v2, v4  }
0x4b2: {  	[tilespmem:s8], [sflag:$0x1] =	stream.indirect_vreg.gather [hbm4b:s2+s3], $0x80, v5, vm0, $0xb8;
	[tilespmem:$0x1F380] =	vst v63  }
0x4b3: {  	s11 =	simm.s32 $0x1B80  }
0x4b4: {  	[tilespmem:s11], [sflag:$0x1] =	stream.indirect_vreg.gather [hbm4b:s0+s3], $0x80, v5, vm0, $0xb8;
	[tilespmem:$0x1F380] =	vst v63  }
0x4b5: {  	s12 =	simm.s32 $0x2380  }
0x4b6: {  	[tilespmem:s12], [sflag:$0x1] =	stream.indirect_vreg.gather [hbm4b:s1+s3], $0x80, v4, vm0, $0xb8;
	[tilespmem:$0x1F380] =	vst v63  }
0x4b7: {  	s6 =	simm.s32 $0x2B80  }
0x4b8: {  	[tilespmem:s6], [sflag:$0x1] =	stream.indirect_vreg.gather [hbm4b:s31+s3], $0x80, v4, vm0, $0xb8;
	[tilespmem:$0x1F380] =	vst v63  }
0x4b9: {  	s14 =	simm.s32 $0x3380  }
0x4ba: {  	[tilespmem:s14], [sflag:$0x1] =	stream.indirect_vreg.gather [hbm4b:s2+s3], $0x80, v4, vm0, $0xb8;
	[tilespmem:$0x1F380] =	vst v63  }
0x4bb: {  	s7 =	simm.s32 $0x3B80  }
0x4bc: {  	[tilespmem:s7], [sflag:$0x1] =	stream.indirect_vreg.gather [hbm4b:s0+s3], $0x80, v4, vm0, $0xb8;
	[tilespmem:$0x1F380] =	vst v63  }
0x4bd: {  	v4 =	vld [tilespmem:$0x2E0];
	_ =	sdelay $0x4  }
0x4be: {  	v5 =	vshll.u32 v4, $0x3  }
0x4bf: {  	v4 =	vand.u32 $0x7, v4;
	v5 =	vand.u32 $0xFFFFFFC0, v5  }
0x4c0: {  	v4 =	vor.u32 v4, v5  }
0x4c1: {  	v5 =	vperm.xlane v4, v1;
	_ =	sdelay $0x1  }
0x4c2: {  	v5 =	vadd.s32 v2, v5;
	_ =	sdelay $0x3  }
0x4c3: {  	s8 =	simm.s32 $0x4380  }
0x4c4: {  	[tilespmem:s8], [sflag:$0x1] =	stream.indirect_vreg.gather [hbm4b:s1+s3], $0x80, v5, vm0, $0xb8;
	[tilespmem:$0x1F380] =	vst v63  }
0x4c5: {  	s11 =	simm.s32 $0x4B80;
	v4 =	vperm.xlane v4, v3  }
0x4c6: {  	[tilespmem:s11], [sflag:$0x1] =	stream.indirect_vreg.gather [hbm4b:s31+s3], $0x80, v5, vm0, $0xb8;
	[tilespmem:$0x1F380] =	vst v63  }
0x4c7: {  	s10 =	simm.s32 $0x5380;
	v4 =	vadd.s32 v2, v4  }
0x4c8: {  	[tilespmem:s10], [sflag:$0x1] =	stream.indirect_vreg.gather [hbm4b:s2+s3], $0x80, v5, vm0, $0xb8;
	[tilespmem:$0x1F380] =	vst v63  }
0x4c9: {  	s15 =	simm.s32 $0x5B80  }
0x4ca: {  	[tilespmem:s15], [sflag:$0x1] =	stream.indirect_vreg.gather [hbm4b:s0+s3], $0x80, v5, vm0, $0xb8;
	[tilespmem:$0x1F380] =	vst v63  }
0x4cb: {  	s9 =	simm.s32 $0x6380  }
0x4cc: {  	[tilespmem:s9], [sflag:$0x1] =	stream.indirect_vreg.gather [hbm4b:s1+s3], $0x80, v4, vm0, $0xb8;
	[tilespmem:$0x1F380] =	vst v63  }
0x4cd: {  	s16 =	simm.s32 $0x6B80  }
0x4ce: {  	[tilespmem:s16], [sflag:$0x1] =	stream.indirect_vreg.gather [hbm4b:s31+s3], $0x80, v4, vm0, $0xb8;
	[tilespmem:$0x1F380] =	vst v63  }
0x4cf: {  	s17 =	simm.s32 $0x7380  }
0x4d0: {  	[tilespmem:s17], [sflag:$0x1] =	stream.indirect_vreg.gather [hbm4b:s2+s3], $0x80, v4, vm0, $0xb8;
	[tilespmem:$0x1F380] =	vst v63  }
0x4d1: {  	s12 =	simm.s32 $0x7B80  }
0x4d2: {  	[tilespmem:s12], [sflag:$0x1] =	stream.indirect_vreg.gather [hbm4b:s0+s3], $0x80, v4, vm0, $0xb8;
	[tilespmem:$0x1F380] =	vst v63  }
0x4d3: {  	v4 =	vld.msk [tilespmem:$0x2F0], $0xff;
	_ =	sdelay $0x4  }
0x4d4: {  	v5 =	vshll.u32 v4, $0x3  }
0x4d5: {  	v4 =	vand.u32 $0x7, v4;
	v5 =	vand.u32 $0xFFFFFFC0, v5  }
0x4d6: {  	v4 =	vor.u32 v4, v5  }
0x4d7: {  	v4 =	vperm.xlane v4, v1;
	_ =	sdelay $0x1  }
0x4d8: {  	v4 =	vadd.s32 v2, v4;
	_ =	sdelay $0x3  }
0x4d9: {  	s18 =	simm.s32 $0x8380  }
0x4da: {  	[tilespmem:s18], [sflag:$0x1] =	stream.indirect_vreg.gather [hbm4b:s1+s3], $0x80, v4, vm0, $0xb8;
	[tilespmem:$0x1F380] =	vst v63  }
0x4db: {  	s14 =	simm.s32 $0x8B80  }
0x4dc: {  	[tilespmem:s14], [sflag:$0x1] =	stream.indirect_vreg.gather [hbm4b:s31+s3], $0x80, v4, vm0, $0xb8;
	[tilespmem:$0x1F380] =	vst v63  }
0x4dd: {  	s13 =	simm.s32 $0x9380  }
0x4de: {  	[tilespmem:s13], [sflag:$0x1] =	stream.indirect_vreg.gather [hbm4b:s2+s3], $0x80, v4, vm0, $0xb8;
	[tilespmem:$0x1F380] =	vst v63  }
0x4df: {  	s15 =	simm.s32 $0x9B80  }
0x4e0: {  	[tilespmem:s15], [sflag:$0x1] =	stream.indirect_vreg.gather [hbm4b:s0+s3], $0x80, v4, vm0, $0xb8;
	[tilespmem:$0x1F380] =	vst v63  }
0x4e1: {  	_ =	swait.ge [sflag:s25], $0xA000  }
0x4e2: {  	[sflag:s25] =	ssyncset.done $0x0  }
0x4e3: {  	s16 =	rddreg [dreg:$0x7];
	[sflag:s25] =	ssyncadd.s32 $0xFFFF6000  }
0x4e4: {  	[hbm4b:s16+s3] =	stream.linear.scatter [tilespmem:s20], [sflag:$0x5], $0xA000, $0x38;
	[tilespmem:$0x1F380] =	vst v63  }
0x4e5: {  	_ =	swait.ge [sflag:s26], $0xA000  }
0x4e6: {  	[sflag:s26] =	ssyncset.done $0x0  }
0x4e7: {  	[sflag:s26] =	ssyncadd.s32 $0xFFFF6000  }
0x4e8: {  	v4 =	vld [tilespmem:$0x2F8];
	_ =	sdelay $0x4  }
0x4e9: {  	v5 =	vshll.u32 v4, $0x3  }
0x4ea: {  	v4 =	vand.u32 $0x7, v4;
	v5 =	vand.u32 $0xFFFFFFC0, v5  }
0x4eb: {  	v4 =	vor.u32 v4, v5  }
0x4ec: {  	v5 =	vperm.xlane v4, v1;
	_ =	sdelay $0x1  }
0x4ed: {  	v5 =	vadd.s32 v2, v5;
	_ =	sdelay $0x4  }
0x4ee: {  	[tilespmem:s20], [sflag:$0x2] =	stream.indirect_vreg.gather [hbm4b:s1+s3], $0x80, v5, vm0, $0xb8;
	[tilespmem:$0x1F380] =	vst v63  }
0x4ef: {  	s17 =	simm.s32 $0xAB80;
	v4 =	vperm.xlane v4, v3  }
0x4f0: {  	[tilespmem:s17], [sflag:$0x2] =	stream.indirect_vreg.gather [hbm4b:s31+s3], $0x80, v5, vm0, $0xb8;
	[tilespmem:$0x1F380] =	vst v63  }
0x4f1: {  	s18 =	simm.s32 $0xB380;
	v4 =	vadd.s32 v2, v4  }
0x4f2: {  	[tilespmem:s18], [sflag:$0x2] =	stream.indirect_vreg.gather [hbm4b:s2+s3], $0x80, v5, vm0, $0xb8;
	[tilespmem:$0x1F380] =	vst v63  }
0x4f3: {  	s7 =	simm.s32 $0xBB80  }
0x4f4: {  	[tilespmem:s7], [sflag:$0x2] =	stream.indirect_vreg.gather [hbm4b:s0+s3], $0x80, v5, vm0, $0xb8;
	[tilespmem:$0x1F380] =	vst v63  }
0x4f5: {  	s8 =	simm.s32 $0xC380  }
0x4f6: {  	[tilespmem:s8], [sflag:$0x2] =	stream.indirect_vreg.gather [hbm4b:s1+s3], $0x80, v4, vm0, $0xb8;
	[tilespmem:$0x1F380] =	vst v63  }
0x4f7: {  	s11 =	simm.s32 $0xCB80  }
0x4f8: {  	[tilespmem:s11], [sflag:$0x2] =	stream.indirect_vreg.gather [hbm4b:s31+s3], $0x80, v4, vm0, $0xb8;
	[tilespmem:$0x1F380] =	vst v63  }
0x4f9: {  	s12 =	simm.s32 $0xD380  }
0x4fa: {  	[tilespmem:s12], [sflag:$0x2] =	stream.indirect_vreg.gather [hbm4b:s2+s3], $0x80, v4, vm0, $0xb8;
	[tilespmem:$0x1F380] =	vst v63  }
0x4fb: {  	s13 =	simm.s32 $0xDB80  }
0x4fc: {  	[tilespmem:s13], [sflag:$0x2] =	stream.indirect_vreg.gather [hbm4b:s0+s3], $0x80, v4, vm0, $0xb8;
	[tilespmem:$0x1F380] =	vst v63  }
0x4fd: {  	v4 =	vld [tilespmem:$0x308];
	_ =	sdelay $0x4  }
0x4fe: {  	v5 =	vshll.u32 v4, $0x3  }
0x4ff: {  	v4 =	vand.u32 $0x7, v4;
	v5 =	vand.u32 $0xFFFFFFC0, v5  }
0x500: {  	v4 =	vor.u32 v4, v5  }
0x501: {  	v5 =	vperm.xlane v4, v1;
	_ =	sdelay $0x1  }
0x502: {  	v5 =	vadd.s32 v2, v5;
	_ =	sdelay $0x3  }
0x503: {  	s14 =	simm.s32 $0xE380  }
0x504: {  	[tilespmem:s14], [sflag:$0x2] =	stream.indirect_vreg.gather [hbm4b:s1+s3], $0x80, v5, vm0, $0xb8;
	[tilespmem:$0x1F380] =	vst v63  }
0x505: {  	s15 =	simm.s32 $0xEB80;
	v4 =	vperm.xlane v4, v3  }
0x506: {  	[tilespmem:s15], [sflag:$0x2] =	stream.indirect_vreg.gather [hbm4b:s31+s3], $0x80, v5, vm0, $0xb8;
	[tilespmem:$0x1F380] =	vst v63  }
0x507: {  	s16 =	simm.s32 $0xF380;
	v4 =	vadd.s32 v2, v4  }
0x508: {  	[tilespmem:s16], [sflag:$0x2] =	stream.indirect_vreg.gather [hbm4b:s2+s3], $0x80, v5, vm0, $0xb8;
	[tilespmem:$0x1F380] =	vst v63  }
0x509: {  	s17 =	simm.s32 $0xFB80  }
0x50a: {  	[tilespmem:s17], [sflag:$0x2] =	stream.indirect_vreg.gather [hbm4b:s0+s3], $0x80, v5, vm0, $0xb8;
	[tilespmem:$0x1F380] =	vst v63  }
0x50b: {  	s18 =	simm.s32 $0x10380  }
0x50c: {  	[tilespmem:s18], [sflag:$0x2] =	stream.indirect_vreg.gather [hbm4b:s1+s3], $0x80, v4, vm0, $0xb8;
	[tilespmem:$0x1F380] =	vst v63  }
0x50d: {  	s7 =	simm.s32 $0x10B80  }
0x50e: {  	[tilespmem:s7], [sflag:$0x2] =	stream.indirect_vreg.gather [hbm4b:s31+s3], $0x80, v4, vm0, $0xb8;
	[tilespmem:$0x1F380] =	vst v63  }
0x50f: {  	s8 =	simm.s32 $0x11380  }
0x510: {  	[tilespmem:s8], [sflag:$0x2] =	stream.indirect_vreg.gather [hbm4b:s2+s3], $0x80, v4, vm0, $0xb8;
	[tilespmem:$0x1F380] =	vst v63  }
0x511: {  	s11 =	simm.s32 $0x11B80  }
0x512: {  	[tilespmem:s11], [sflag:$0x2] =	stream.indirect_vreg.gather [hbm4b:s0+s3], $0x80, v4, vm0, $0xb8;
	[tilespmem:$0x1F380] =	vst v63  }
0x513: {  	v4 =	vld.msk [tilespmem:$0x318], $0xff;
	_ =	sdelay $0x4  }
0x514: {  	v5 =	vshll.u32 v4, $0x3  }
0x515: {  	v4 =	vand.u32 $0x7, v4;
	v5 =	vand.u32 $0xFFFFFFC0, v5  }
0x516: {  	v4 =	vor.u32 v4, v5  }
0x517: {  	v4 =	vperm.xlane v4, v1;
	_ =	sdelay $0x1  }
0x518: {  	v4 =	vadd.s32 v2, v4;
	_ =	sdelay $0x3  }
0x519: {  	s12 =	simm.s32 $0x12380  }
0x51a: {  	[tilespmem:s12], [sflag:$0x2] =	stream.indirect_vreg.gather [hbm4b:s1+s3], $0x80, v4, vm0, $0xb8;
	[tilespmem:$0x1F380] =	vst v63  }
0x51b: {  	s13 =	simm.s32 $0x12B80  }
0x51c: {  	[tilespmem:s13], [sflag:$0x2] =	stream.indirect_vreg.gather [hbm4b:s31+s3], $0x80, v4, vm0, $0xb8;
	[tilespmem:$0x1F380] =	vst v63  }
0x51d: {  	s14 =	simm.s32 $0x13380  }
0x51e: {  	[tilespmem:s14], [sflag:$0x2] =	stream.indirect_vreg.gather [hbm4b:s2+s3], $0x80, v4, vm0, $0xb8;
	[tilespmem:$0x1F380] =	vst v63  }
0x51f: {  	s15 =	simm.s32 $0x13B80  }
0x520: {  	[tilespmem:s15], [sflag:$0x2] =	stream.indirect_vreg.gather [hbm4b:s0+s3], $0x80, v4, vm0, $0xb8;
	[tilespmem:$0x1F380] =	vst v63  }
0x521: {  	_ =	swait.ge [sflag:s28], $0xA000  }
0x522: {  	[sflag:s28] =	ssyncset.done $0x0  }
0x523: {  	s16 =	rddreg [dreg:$0x8];
	[sflag:s28] =	ssyncadd.s32 $0xFFFF6000  }
0x524: {  	[hbm4b:s16+s3] =	stream.linear.scatter [tilespmem:s21], [sflag:$0x6], $0xA000, $0x38;
	[tilespmem:$0x1F380] =	vst v63  }
0x525: {  	_ =	swait.ge [sflag:s4], $0xA000  }
0x526: {  	[sflag:s4] =	ssyncset.done $0x0  }
0x527: {  	[sflag:s4] =	ssyncadd.s32 $0xFFFF6000  }
0x528: {  	v4 =	vld [tilespmem:$0x320];
	_ =	sdelay $0x4  }
0x529: {  	v5 =	vshll.u32 v4, $0x3  }
0x52a: {  	v4 =	vand.u32 $0x7, v4;
	v5 =	vand.u32 $0xFFFFFFC0, v5  }
0x52b: {  	v4 =	vor.u32 v4, v5  }
0x52c: {  	v5 =	vperm.xlane v4, v1;
	_ =	sdelay $0x1  }
0x52d: {  	v5 =	vadd.s32 v2, v5;
	_ =	sdelay $0x4  }
0x52e: {  	[tilespmem:s21], [sflag:$0x3] =	stream.indirect_vreg.gather [hbm4b:s1+s3], $0x80, v5, vm0, $0xb8;
	[tilespmem:$0x1F380] =	vst v63  }
0x52f: {  	s17 =	simm.s32 $0x14B80;
	v4 =	vperm.xlane v4, v3  }
0x530: {  	[tilespmem:s17], [sflag:$0x3] =	stream.indirect_vreg.gather [hbm4b:s31+s3], $0x80, v5, vm0, $0xb8;
	[tilespmem:$0x1F380] =	vst v63  }
0x531: {  	s19 =	simm.s32 $0x15380;
	v4 =	vadd.s32 v2, v4  }
0x532: {  	[tilespmem:s19], [sflag:$0x3] =	stream.indirect_vreg.gather [hbm4b:s2+s3], $0x80, v5, vm0, $0xb8;
	[tilespmem:$0x1F380] =	vst v63  }
0x533: {  	s23 =	simm.s32 $0x15B80  }
0x534: {  	[tilespmem:s23], [sflag:$0x3] =	stream.indirect_vreg.gather [hbm4b:s0+s3], $0x80, v5, vm0, $0xb8;
	[tilespmem:$0x1F380] =	vst v63  }
0x535: {  	s29 =	simm.s32 $0x16380  }
0x536: {  	[tilespmem:s29], [sflag:$0x3] =	stream.indirect_vreg.gather [hbm4b:s1+s3], $0x80, v4, vm0, $0xb8;
	[tilespmem:$0x1F380] =	vst v63  }
0x537: {  	s18 =	simm.s32 $0x16B80  }
0x538: {  	[tilespmem:s18], [sflag:$0x3] =	stream.indirect_vreg.gather [hbm4b:s31+s3], $0x80, v4, vm0, $0xb8;
	[tilespmem:$0x1F380] =	vst v63  }
0x539: {  	s19 =	simm.s32 $0x17380  }
0x53a: {  	[tilespmem:s19], [sflag:$0x3] =	stream.indirect_vreg.gather [hbm4b:s2+s3], $0x80, v4, vm0, $0xb8;
	[tilespmem:$0x1F380] =	vst v63  }
0x53b: {  	s23 =	simm.s32 $0x17B80  }
0x53c: {  	[tilespmem:s23], [sflag:$0x3] =	stream.indirect_vreg.gather [hbm4b:s0+s3], $0x80, v4, vm0, $0xb8;
	[tilespmem:$0x1F380] =	vst v63  }
0x53d: {  	v4 =	vld [tilespmem:$0x330];
	_ =	sdelay $0x4  }
0x53e: {  	v5 =	vshll.u32 v4, $0x3  }
0x53f: {  	v4 =	vand.u32 $0x7, v4;
	v5 =	vand.u32 $0xFFFFFFC0, v5  }
0x540: {  	v4 =	vor.u32 v4, v5  }
0x541: {  	v5 =	vperm.xlane v4, v1;
	_ =	sdelay $0x1  }
0x542: {  	v5 =	vadd.s32 v2, v5;
	_ =	sdelay $0x3  }
0x543: {  	s29 =	simm.s32 $0x18380  }
0x544: {  	[tilespmem:s29], [sflag:$0x3] =	stream.indirect_vreg.gather [hbm4b:s1+s3], $0x80, v5, vm0, $0xb8;
	[tilespmem:$0x1F380] =	vst v63  }
0x545: {  	s7 =	simm.s32 $0x18B80;
	v4 =	vperm.xlane v4, v3  }
0x546: {  	[tilespmem:s7], [sflag:$0x3] =	stream.indirect_vreg.gather [hbm4b:s31+s3], $0x80, v5, vm0, $0xb8;
	[tilespmem:$0x1F380] =	vst v63  }
0x547: {  	s8 =	simm.s32 $0x19380;
	v4 =	vadd.s32 v2, v4  }
0x548: {  	[tilespmem:s8], [sflag:$0x3] =	stream.indirect_vreg.gather [hbm4b:s2+s3], $0x80, v5, vm0, $0xb8;
	[tilespmem:$0x1F380] =	vst v63  }
0x549: {  	s12 =	simm.s32 $0x19B80  }
0x54a: {  	[tilespmem:s12], [sflag:$0x3] =	stream.indirect_vreg.gather [hbm4b:s0+s3], $0x80, v5, vm0, $0xb8;
	[tilespmem:$0x1F380] =	vst v63  }
0x54b: {  	s13 =	simm.s32 $0x1A380  }
0x54c: {  	[tilespmem:s13], [sflag:$0x3] =	stream.indirect_vreg.gather [hbm4b:s1+s3], $0x80, v4, vm0, $0xb8;
	[tilespmem:$0x1F380] =	vst v63  }
0x54d: {  	s14 =	simm.s32 $0x1AB80  }
0x54e: {  	[tilespmem:s14], [sflag:$0x3] =	stream.indirect_vreg.gather [hbm4b:s31+s3], $0x80, v4, vm0, $0xb8;
	[tilespmem:$0x1F380] =	vst v63  }
0x54f: {  	s15 =	simm.s32 $0x1B380  }
0x550: {  	[tilespmem:s15], [sflag:$0x3] =	stream.indirect_vreg.gather [hbm4b:s2+s3], $0x80, v4, vm0, $0xb8;
	[tilespmem:$0x1F380] =	vst v63  }
0x551: {  	s16 =	simm.s32 $0x1BB80  }
0x552: {  	[tilespmem:s16], [sflag:$0x3] =	stream.indirect_vreg.gather [hbm4b:s0+s3], $0x80, v4, vm0, $0xb8;
	[tilespmem:$0x1F380] =	vst v63  }
0x553: {  	v4 =	vld.msk [tilespmem:$0x340], $0xff;
	_ =	sdelay $0x4  }
0x554: {  	v5 =	vshll.u32 v4, $0x3  }
0x555: {  	v4 =	vand.u32 $0x7, v4;
	v5 =	vand.u32 $0xFFFFFFC0, v5  }
0x556: {  	v4 =	vor.u32 v4, v5  }
0x557: {  	v4 =	vperm.xlane v4, v1;
	_ =	sdelay $0x1  }
0x558: {  	v4 =	vadd.s32 v2, v4;
	_ =	sdelay $0x3  }
0x559: {  	s17 =	simm.s32 $0x1C380  }
0x55a: {  	[tilespmem:s17], [sflag:$0x3] =	stream.indirect_vreg.gather [hbm4b:s1+s3], $0x80, v4, vm0, $0xb8;
	[tilespmem:$0x1F380] =	vst v63  }
0x55b: {  	s18 =	simm.s32 $0x1CB80  }
0x55c: {  	[tilespmem:s18], [sflag:$0x3] =	stream.indirect_vreg.gather [hbm4b:s31+s3], $0x80, v4, vm0, $0xb8;
	[tilespmem:$0x1F380] =	vst v63  }
0x55d: {  	s19 =	simm.s32 $0x1D380  }
0x55e: {  	[tilespmem:s19], [sflag:$0x3] =	stream.indirect_vreg.gather [hbm4b:s2+s3], $0x80, v4, vm0, $0xb8;
	[tilespmem:$0x1F380] =	vst v63  }
0x55f: {  	s23 =	simm.s32 $0x1DB80  }
0x560: {  	[tilespmem:s23], [sflag:$0x3] =	stream.indirect_vreg.gather [hbm4b:s0+s3], $0x80, v4, vm0, $0xb8;
	[tilespmem:$0x1F380] =	vst v63  }
.Ltmp2:
0x561: {  	_ = 	snop;
	(pc) =	sbr.rel @p0 .LBB2_3-.Ltmp2, $4  }
0x562: {  	s10 =	simm.s32 $0x9380;
	_ =	swait.ge [sflag:s30], $0xA000  }
0x563: {  	s9 =	simm.s32 $0xA380;
	s11 =	simm.s32 $0x14380;
	[sflag:s30] =	ssyncset.done $0x0  }
0x564: {  	s8 =	simm.s32 $0x380;
	s29 =	rddreg [dreg:$0x9];
	[sflag:s30] =	ssyncadd.s32 $0xFFFF6000  }
0x565: {  	[hbm4b:s29+s3] =	stream.linear.scatter [tilespmem:s22], [sflag:$0x4], $0xA000, $0x38;
	[tilespmem:$0x1F380] =	vst v63  }
0x566: {  	_ =	swait.ge [sflag:s24], $0xA000  }
0x567: {  	[sflag:s24] =	ssyncset.done $0x0  }
0x568: {  	[sflag:s24] =	ssyncadd.s32 $0xFFFF6000  }
0x569: {  	v4 =	vld [tilespmem:$0x348];
	_ =	sdelay $0x4  }
0x56a: {  	v5 =	vshll.u32 v4, $0x3  }
0x56b: {  	v4 =	vand.u32 $0x7, v4;
	v5 =	vand.u32 $0xFFFFFFC0, v5  }
0x56c: {  	v4 =	vor.u32 v4, v5  }
0x56d: {  	v5 =	vperm.xlane v4, v1;
	_ =	sdelay $0x1  }
0x56e: {  	v5 =	vadd.s32 v2, v5;
	_ =	sdelay $0x4  }
0x56f: {  	[tilespmem:s8], [sflag:$0x1] =	stream.indirect_vreg.gather [hbm4b:s1+s3], $0x80, v5, vm0, $0xb8;
	[tilespmem:$0x1F380] =	vst v63  }
0x570: {  	s7 =	simm.s32 $0xB80;
	v4 =	vperm.xlane v4, v3  }
0x571: {  	[tilespmem:s7], [sflag:$0x1] =	stream.indirect_vreg.gather [hbm4b:s31+s3], $0x80, v5, vm0, $0xb8;
	[tilespmem:$0x1F380] =	vst v63  }
0x572: {  	s17 =	simm.s32 $0x1380;
	v4 =	vadd.s32 v2, v4  }
0x573: {  	[tilespmem:s17], [sflag:$0x1] =	stream.indirect_vreg.gather [hbm4b:s2+s3], $0x80, v5, vm0, $0xb8;
	[tilespmem:$0x1F380] =	vst v63  }
0x574: {  	s6 =	simm.s32 $0x1B80  }
0x575: {  	[tilespmem:s6], [sflag:$0x1] =	stream.indirect_vreg.gather [hbm4b:s0+s3], $0x80, v5, vm0, $0xb8;
	[tilespmem:$0x1F380] =	vst v63  }
0x576: {  	s18 =	simm.s32 $0x2380  }
0x577: {  	[tilespmem:s18], [sflag:$0x1] =	stream.indirect_vreg.gather [hbm4b:s1+s3], $0x80, v4, vm0, $0xb8;
	[tilespmem:$0x1F380] =	vst v63  }
0x578: {  	s19 =	simm.s32 $0x2B80  }
0x579: {  	[tilespmem:s19], [sflag:$0x1] =	stream.indirect_vreg.gather [hbm4b:s31+s3], $0x80, v4, vm0, $0xb8;
	[tilespmem:$0x1F380] =	vst v63  }
0x57a: {  	s23 =	simm.s32 $0x3380  }
0x57b: {  	[tilespmem:s23], [sflag:$0x1] =	stream.indirect_vreg.gather [hbm4b:s2+s3], $0x80, v4, vm0, $0xb8;
	[tilespmem:$0x1F380] =	vst v63  }
0x57c: {  	s29 =	simm.s32 $0x3B80  }
0x57d: {  	[tilespmem:s29], [sflag:$0x1] =	stream.indirect_vreg.gather [hbm4b:s0+s3], $0x80, v4, vm0, $0xb8;
	[tilespmem:$0x1F380] =	vst v63  }
0x57e: {  	v4 =	vld [tilespmem:$0x358];
	_ =	sdelay $0x4  }
0x57f: {  	v5 =	vshll.u32 v4, $0x3  }
0x580: {  	v4 =	vand.u32 $0x7, v4;
	v5 =	vand.u32 $0xFFFFFFC0, v5  }
0x581: {  	v4 =	vor.u32 v4, v5  }
0x582: {  	v5 =	vperm.xlane v4, v1;
	_ =	sdelay $0x1  }
0x583: {  	v5 =	vadd.s32 v2, v5;
	_ =	sdelay $0x3  }
0x584: {  	s7 =	simm.s32 $0x4380  }
0x585: {  	[tilespmem:s7], [sflag:$0x1] =	stream.indirect_vreg.gather [hbm4b:s1+s3], $0x80, v5, vm0, $0xb8;
	[tilespmem:$0x1F380] =	vst v63  }
0x586: {  	s12 =	simm.s32 $0x4B80;
	v4 =	vperm.xlane v4, v3  }
0x587: {  	[tilespmem:s12], [sflag:$0x1] =	stream.indirect_vreg.gather [hbm4b:s31+s3], $0x80, v5, vm0, $0xb8;
	[tilespmem:$0x1F380] =	vst v63  }
0x588: {  	s13 =	simm.s32 $0x5380;
	v4 =	vadd.s32 v2, v4  }
0x589: {  	[tilespmem:s13], [sflag:$0x1] =	stream.indirect_vreg.gather [hbm4b:s2+s3], $0x80, v5, vm0, $0xb8;
	[tilespmem:$0x1F380] =	vst v63  }
0x58a: {  	s14 =	simm.s32 $0x5B80  }
0x58b: {  	[tilespmem:s14], [sflag:$0x1] =	stream.indirect_vreg.gather [hbm4b:s0+s3], $0x80, v5, vm0, $0xb8;
	[tilespmem:$0x1F380] =	vst v63  }
0x58c: {  	s15 =	simm.s32 $0x6380  }
0x58d: {  	[tilespmem:s15], [sflag:$0x1] =	stream.indirect_vreg.gather [hbm4b:s1+s3], $0x80, v4, vm0, $0xb8;
	[tilespmem:$0x1F380] =	vst v63  }
0x58e: {  	s16 =	simm.s32 $0x6B80  }
0x58f: {  	[tilespmem:s16], [sflag:$0x1] =	stream.indirect_vreg.gather [hbm4b:s31+s3], $0x80, v4, vm0, $0xb8;
	[tilespmem:$0x1F380] =	vst v63  }
0x590: {  	s17 =	simm.s32 $0x7380  }
0x591: {  	[tilespmem:s17], [sflag:$0x1] =	stream.indirect_vreg.gather [hbm4b:s2+s3], $0x80, v4, vm0, $0xb8;
	[tilespmem:$0x1F380] =	vst v63  }
0x592: {  	s18 =	simm.s32 $0x7B80  }
0x593: {  	[tilespmem:s18], [sflag:$0x1] =	stream.indirect_vreg.gather [hbm4b:s0+s3], $0x80, v4, vm0, $0xb8;
	[tilespmem:$0x1F380] =	vst v63  }
0x594: {  	v4 =	vld.msk [tilespmem:$0x368], $0xff;
	_ =	sdelay $0x4  }
0x595: {  	v5 =	vshll.u32 v4, $0x3  }
0x596: {  	v4 =	vand.u32 $0x7, v4;
	v5 =	vand.u32 $0xFFFFFFC0, v5  }
0x597: {  	v4 =	vor.u32 v4, v5  }
0x598: {  	v4 =	vperm.xlane v4, v1;
	_ =	sdelay $0x1  }
0x599: {  	v4 =	vadd.s32 v2, v4;
	_ =	sdelay $0x3  }
0x59a: {  	s19 =	simm.s32 $0x8380  }
0x59b: {  	[tilespmem:s19], [sflag:$0x1] =	stream.indirect_vreg.gather [hbm4b:s1+s3], $0x80, v4, vm0, $0xb8;
	[tilespmem:$0x1F380] =	vst v63  }
0x59c: {  	s23 =	simm.s32 $0x8B80  }
0x59d: {  	[tilespmem:s23], [sflag:$0x1] =	stream.indirect_vreg.gather [hbm4b:s31+s3], $0x80, v4, vm0, $0xb8;
	[tilespmem:$0x1F380] =	vst v63  }
0x59e: {  	_ = 	snop  }
0x59f: {  	[tilespmem:s10], [sflag:$0x1] =	stream.indirect_vreg.gather [hbm4b:s2+s3], $0x80, v4, vm0, $0xb8;
	[tilespmem:$0x1F380] =	vst v63  }
0x5a0: {  	s29 =	simm.s32 $0x9B80  }
0x5a1: {  	[tilespmem:s29], [sflag:$0x1] =	stream.indirect_vreg.gather [hbm4b:s0+s3], $0x80, v4, vm0, $0xb8;
	[tilespmem:$0x1F380] =	vst v63  }
.LBB2_3:
0x5a2: {  	_ =	swait.ge [sflag:s25], $0xA000  }
0x5a3: {  	[sflag:s25] =	ssyncset.done $0x0  }
0x5a4: {  	s7 =	rddreg [dreg:$0xb];
	[sflag:s25] =	ssyncadd.s32 $0xFFFF6000  }
0x5a5: {  	[hbm4b:s7+s3] =	stream.linear.scatter [tilespmem:s9], [sflag:$0x5], $0xA000, $0x38;
	[tilespmem:$0x1F380] =	vst v63  }
.Ltmp3:
0x5a6: {  	_ = 	snop;
	(pc) =	sbr.rel @!p1 .LBB2_4-.Ltmp3, $4  }
0x5a7: {  	_ =	swait.ge [sflag:s28], $0xA000  }
0x5a8: {  	[sflag:s28] =	ssyncset.done $0x0  }
0x5a9: {  	s29 =	rddreg [dreg:$0xc];
	[sflag:s28] =	ssyncadd.s32 $0xFFFF6000  }
0x5aa: {  	[hbm4b:s29+s3] =	stream.linear.scatter [tilespmem:s11], [sflag:$0x6], $0xA000, $0x38;
	[tilespmem:$0x1F380] =	vst v63  }
0x5ab: {  	_ =	swait.ge [sflag:s30], $0xA000  }
0x5ac: {  	[sflag:s30] =	ssyncset.done $0x0  }
0x5ad: {  	s7 =	rddreg [dreg:$0xd];
	[sflag:s30] =	ssyncadd.s32 $0xFFFF6000  }
0x5ae: {  	[hbm4b:s7+s3] =	stream.linear.scatter [tilespmem:s8], [sflag:$0x4], $0xA000, $0x38;
	[tilespmem:$0x1F380] =	vst v63  }
0x5af: {  	_ =	swait.ge [sflag:s26], $0xA000  }
0x5b0: {  	[sflag:s26] =	ssyncset.done $0x0  }
0x5b1: {  	[sflag:s26] =	ssyncadd.s32 $0xFFFF6000  }
0x5b2: {  	_ =	swait.ge [sflag:s4], $0xA000  }
.Ltmp4:
0x5b3: {  	[sflag:s4] =	ssyncset.done $0x0;
	(pc) =	sbr.rel @p2 .LBB2_9-.Ltmp4, $4  }
0x5b4: {  	[sflag:s4] =	ssyncadd.s32 $0xFFFF6000  }
0x5b5: {  	_ =	swait.ge [sflag:s24], $0xA000  }
0x5b6: {  	[sflag:s24] =	ssyncset.done $0x0  }
0x5b7: {  	s6 =	rddreg [dreg:$0x1f];
	[sflag:s24] =	ssyncadd.s32 $0xFFFF6000  }
0x5b8: {  	s7 =	simm.s32 $0x0  }
0x5b9: {  	s8 =	simm.s32 $0x1E380;
	s9 =	rddreg [dreg:$0x6];
	s29 =	simm.s32 $0x7  }
0x5ba: {  	[tilespmem:s8], [sflag:$0x7] =	stream.linear.gather [hbm4b:s9+s7], $0x800, $0x38;
	[tilespmem:$0x1F380] =	vst v63  }
0x5bb: {  	_ =	swait.ge [sflag:s29], $0x800  }
0x5bc: {  	[sflag:s29] =	ssyncset.done $0x0  }
0x5bd: {  	[sflag:s29] =	ssyncadd.s32 $0xFFFFF800  }
0x5be: {  	s9 =	simm.s32 $0x10;
	v4 =	vld [tilespmem:s8+$0x0]  }
.LBB2_7:
0x5bf: {  	p3 =	sne.s32 s9, $0x7F0;
	_ =	sdelay $0x3  }
.Ltmp5:
0x5c0: {  	(pc) =	sbr.rel @p3 .LBB2_7-.Ltmp5, $4  }
0x5c1: {  	_ = 	snop  }
0x5c2: {  	v5 =	vor.u32 s7, v0;
	s7 =	smov.u32 s9  }
0x5c3: {  	s8 =	sadd.s32 $0x10, s8;
	[tilespmem:v4+s5+$0x0] =	vst.idx.msk $0xffff, v5  }
0x5c4: {  	s9 =	sadd.s32 $0x10, s9;
	v4 =	vld [tilespmem:s8+$0x0]  }
0x5c5: {  	_ =	sdelay $0x6  }
0x5c6: {  	v5 =	vor.u32 s7, v0  }
.Ltmp6:
0x5c7: {  	s23 =	rddreg [dreg:$0xe];
	s29 =	simm.s32 $0x7;
	[tilespmem:v4+s5+$0x0] =	vst.idx.msk $0xffff, v5;
	(pc) =	sbr.rel .LBB2_9-.Ltmp6, $4  }
0x5c8: {  	[hbm4b:s23+s3] =	stream.linear.scatter [tilespmem:s5], [sflag:$0x7], $0x800, $0x38;
	[tilespmem:$0x1F380] =	vst v63  }
0x5c9: {  	_ =	swait.ge [sflag:s29], $0x800  }
0x5ca: {  	[sflag:s29] =	ssyncset.done $0x0  }
0x5cb: {  	s6 =	rddreg [dreg:$0x1f];
	[sflag:s29] =	ssyncadd.s32 $0xFFFFF800  }
.LBB2_10:
0x5cc: {  	_ =	sfence.sel $0x180000  }
0x5cd: {  	[bflag:$0x0] =	sbarrier.arrive $0xFFFF  }
0x5ce: {  	_ =	strace $0x90000047  }
0x5cf: {  	s0 =	stileid.u32;
	[bflag:$0x2] =	sbarrier.arrive $0xFFFF  }
0x5d0: {  	p0 =	sne.s32 s0, $0x0;
	s0 =	rddreg [dreg:$0x4]  }
0x5d1: {  	s0 =	sadd.s32 @!p0 $0x100000, s0  }
0x5d2: {  	[sflag:s0] =	ssyncadd.tile.s32 @!p0 $0x1;
	_ =	shalt  }
.Lfunc_end2:
_tile_overlayer_lowered:
.L_overlay_start_2:
0x5d3: {  	(tag) =	ssettag $0x2  }
0x5d4: {  	s0 =	rddreg [dreg:$0x0];
	s2 =	stileid.u32  }
0x5d5: {  	s1 =	rddreg [dreg:$0x1];
	p0 =	sne.s32 s2, $0x0  }
0x5d6: {  	s3 =	rddreg [dreg:$0x2];
	[bflag:$0x3] =	sbarrier.arrive $0xFFFF;
	s2 =	simm.s32 @!p0 $0x1C07  }
0x5d7: {  	[timem:s3], [sflag:s2] =	dma.local @!p0 [hbm:s0], s1  }
0x5d8: {  	s0 =	simm.s32 @!p0 $0x7  }
0x5d9: {  	_ =	swait.ge @!p0 [sflag:s0], s1  }
0x5da: {  	s1 =	ssub.s32 @!p0 $0x0, s1;
	[sflag:s0] =	ssyncset.done @!p0 $0x0  }
0x5db: {  	[sflag:s0] =	ssyncadd.s32 @!p0 s1  }
0x5dc: {  	[bflag:$0x3] =	sbarrier.arrive $0xFFFF  }
0x5dd: {  	_ =	shalt  }

</sc_bundles>
